<compile_context>
chip_gen: v7x
topology: tpu7x:2x2x1
jax: 0.10.2.dev20260603
libtpu: 0.0.44.dev20260713+nightly
codegen_flags: <defaults>
</compile_context>

<pallas_src>
import functools

import jax
import jax.numpy as jnp
from jax import lax
from jax.experimental import pallas as pl
from jax.experimental.pallas import tpu as pltpu
from jax.experimental.pallas import tpu_sc as plsc

_NC = 2
_NS = 16
_NW = _NC * _NS
_L = 16
_D = 64
_CHUNK = 128
_NBUF = 4


def _rsqrt16(x):
    i = plsc.bitcast(x, jnp.int32)
    y = plsc.bitcast(jnp.int32(0x5F3759DF) - (i >> 1), jnp.float32)
    for _ in range(2):
        y = y * (1.5 - 0.5 * x * y * y)
    return y


@functools.lru_cache(maxsize=None)
def _make_kernel(n_chunks, blocks_per_field, fields):
    assert n_chunks % _NBUF == 0 and n_chunks >= 2 * _NBUF
    mesh = plsc.VectorSubcoreMesh(core_axis_name="c", subcore_axis_name="s")
    ngrp = _CHUNK // _L

    @functools.partial(
        pl.kernel,
        mesh=mesh,
        compiler_params=pltpu.CompilerParams(
            needs_layout_passes=False, use_tc_tiling_on_sc=False
        ),
        out_type=jax.ShapeDtypeStruct(
            (fields, _D // 8, blocks_per_field, 8, _CHUNK), jnp.float32
        ),
        scratch_types=[
            pltpu.VMEM((n_chunks, _CHUNK), jnp.int32),
            *([pltpu.VMEM((_CHUNK, _D), jnp.float32)] * _NBUF),
            *([pltpu.VMEM((_D // 8, 8, _CHUNK), jnp.float32)] * _NBUF),
            *([pltpu.SemaphoreType.DMA] * (2 * _NBUF)),
        ],
    )
    def k(idx_hbm, tab_hbm, out_hbm, idx_v, *bufs_sems):
        bufs = bufs_sems[:_NBUF]
        tbufs = bufs_sems[_NBUF : 2 * _NBUF]
        gsems = bufs_sems[2 * _NBUF : 3 * _NBUF]
        osems = bufs_sems[3 * _NBUF :]
        cid = lax.axis_index("c")
        sid = lax.axis_index("s")
        wid = sid * _NC + cid
        pltpu.sync_copy(idx_hbm.at[wid], idx_v)
        lane = lax.iota(jnp.int32, _L)
        rowv = [lane + cg * _L for cg in range(ngrp)]
        perms = [lane ^ sh for sh in (8, 4, 2, 1)]

        def start_gather(g, j):
            pltpu.async_copy(tab_hbm.at[idx_v.at[g]], bufs[j], gsems[j])

        def wait_gather(j):
            pltpu.make_async_copy(tab_hbm.at[idx_v.at[0]], bufs[j], gsems[j]).wait()

        def start_out(h, j):
            beta = wid * n_chunks + h
            f = beta // blocks_per_field
            bt = beta % blocks_per_field
            pltpu.async_copy(tbufs[j], out_hbm.at[f, :, bt, :, :], osems[j])

        def wait_out(j):
            pltpu.make_async_copy(tbufs[j], out_hbm.at[0, :, 0, :, :], osems[j]).wait()

        def compute(j):
            buf = bufs[j]
            tbuf = tbufs[j]

            def p1(d, accs):
                colv = (jnp.full((_L,), d, jnp.int32) + lane) & (_D - 1)
                new = []
                for cg in range(ngrp):
                    v = plsc.load_gather(buf, [rowv[cg], colv])
                    new.append(accs[cg] + v * v)
                return tuple(new)

            accs = plsc.parallel_loop(
                0,
                _D,
                unroll=4,
                carry=tuple(jnp.zeros((_L,), jnp.float32) for _ in range(ngrp)),
            )(p1)
            scales = [jnp.where(a > 1.0, _rsqrt16(a), 1.0) for a in accs]

            def p2(d):
                colv = (jnp.full((_L,), d, jnp.int32) + lane) & (_D - 1)
                dtv = colv >> 3
                drv = colv & 7
                for cg in range(ngrp):
                    v = plsc.load_gather(buf, [rowv[cg], colv]) * scales[cg]
                    plsc.store_scatter(tbuf, [dtv, drv, rowv[cg]], v)

            plsc.parallel_loop(0, _D, unroll=4)(p2)

        for j in range(_NBUF - 1):
            start_gather(j, j)

        def outer(t, carry):
            for u in range(_NBUF):
                h = t * _NBUF + u
                j = u
                jj = (j + _NBUF - 1) % _NBUF
                wait_gather(j)
                compute(j)

                @pl.when(h >= 1)
                def _drain():
                    wait_out(jj)

                start_out(h, j)

                @pl.when(h + _NBUF - 1 < n_chunks)
                def _prefetch():
                    start_gather(h + _NBUF - 1, jj)

            return carry

        lax.fori_loop(0, n_chunks // _NBUF, outer, 0)
        wait_out((n_chunks - 1) % _NBUF)

    return k


def kernel(indices, node_emb):
    bsz, fields = indices.shape
    n_rows = bsz * fields
    assert n_rows % (_NW * _CHUNK) == 0, n_rows
    assert bsz % _CHUNK == 0
    n_chunks = n_rows // (_NW * _CHUNK)
    bpf = bsz // _CHUNK
    idx3 = indices.T.reshape(_NW, n_chunks, _CHUNK)
    out5 = _make_kernel(n_chunks, bpf, fields)(idx3, node_emb)
    return out5.transpose(2, 4, 0, 1, 3).reshape(bsz, fields, _D)

# --- scband reference (transcript-rebuilt; emitter-appended) ---
"""Pipeline reference for scband-net-1271310320250 (READ-ONLY COPY).

The authoritative reference and input builder live on the scoring server;
editing this copy changes nothing except your own understanding.
"""

import jax, jax.numpy as jnp
import numpy as np

NUM_NODES = 1000000
EMB_DIM = 64
BATCH = 16384
FIELDS = 26


def setup_inputs(seed: int = 0) -> dict:
    key = jax.random.key(seed)
    k1, k2 = jax.random.split(key)
    indices = jax.random.randint(k1, (BATCH, FIELDS), 0, NUM_NODES, dtype=jnp.int32)
    node_emb = jax.random.normal(k2, (NUM_NODES, EMB_DIM), dtype=jnp.float32)
    return {"indices": indices, "node_emb": node_emb}


def reference(indices, node_emb):
    # torch.nn.Embedding(num_nodes, emb_dim, max_norm=1, norm_type=2.0)
    # gather rows, then renorm rows whose L2 norm exceeds max_norm=1
    gathered = jnp.take(node_emb, indices, axis=0)  # [B, F, D]
    norms = jnp.linalg.norm(gathered, axis=-1, keepdims=True)
    scale = jnp.where(norms > 1.0, 1.0 / (norms + 1e-7), 1.0)
    return gathered * scale

if __name__ == "__main__":
    import jax
    _d = setup_inputs()
    print(jax.jit(kernel)(*tuple(_d.values())))

</pallas_src>

<mosaic_0001>
#map = affine_map<(d0, d1) -> (0, 0, 0)>
#map1 = affine_map<(d0, d1) -> (0, 0)>
#map2 = affine_map<(d0, d1) -> (0, 0, 0, 0, 0)>
module attributes {stable_mosaic.version = 14 : i64} {
  func.func @k(%arg0: i32, %arg1: i32, %arg2: memref<32x104x128xi32, #tpu.memory_space<hbm>>, %arg3: memref<1000000x64xf32, #tpu.memory_space<hbm>>, %arg4: memref<26x8x128x8x128xf32, #tpu.memory_space<hbm>>, %arg5: memref<104x128xi32, #tpu.memory_space<vmem>>, %arg6: memref<128x64xf32, #tpu.memory_space<vmem>>, %arg7: memref<128x64xf32, #tpu.memory_space<vmem>>, %arg8: memref<128x64xf32, #tpu.memory_space<vmem>>, %arg9: memref<128x64xf32, #tpu.memory_space<vmem>>, %arg10: memref<8x8x128xf32, #tpu.memory_space<vmem>>, %arg11: memref<8x8x128xf32, #tpu.memory_space<vmem>>, %arg12: memref<8x8x128xf32, #tpu.memory_space<vmem>>, %arg13: memref<8x8x128xf32, #tpu.memory_space<vmem>>, %arg14: memref<!tpu.dma_semaphore, #tpu.memory_space<semaphore_mem>>, %arg15: memref<!tpu.dma_semaphore, #tpu.memory_space<semaphore_mem>>, %arg16: memref<!tpu.dma_semaphore, #tpu.memory_space<semaphore_mem>>, %arg17: memref<!tpu.dma_semaphore, #tpu.memory_space<semaphore_mem>>, %arg18: memref<!tpu.dma_semaphore, #tpu.memory_space<semaphore_mem>>, %arg19: memref<!tpu.dma_semaphore, #tpu.memory_space<semaphore_mem>>, %arg20: memref<!tpu.dma_semaphore, #tpu.memory_space<semaphore_mem>>, %arg21: memref<!tpu.dma_semaphore, #tpu.memory_space<semaphore_mem>>) attributes {dimension_semantics = [#tpu.dimension_semantics<core_parallel>, #tpu.dimension_semantics<subcore_parallel>], iteration_bounds = array<i64: 2, 16>, scalar_prefetch = 0 : i64, scratch_operands = 17 : i64, tpu.core_type = #tpu.core_type<sc_vector_subcore>, window_params = [{transform_indices = #map}, {transform_indices = #map1}, {transform_indices = #map2}]} {
    %mul3A = arith.constant 2 : i32
    %mul3A_0 = arith.muli %arg1, %mul3A : i32
    %add3A = arith.addi %mul3A_0, %arg0 : i32
    "tpu.region"() ({
      %run_scoped3A = tpu.sem_alloc : memref<!tpu.dma_semaphore, #tpu.memory_space<semaphore_mem>>
      %dma_start3A_72 = arith.constant 0 : i32
      %dma_start3A_73 = arith.constant 0 : i32
      %dma_start3A_74 = tpu.memref_slice %arg2[%add3A, %dma_start3A_72, %dma_start3A_73] : memref<32x104x128xi32, #tpu.memory_space<hbm>> -> memref<1x104x128xi32, #tpu.memory_space<hbm>>
      %dma_start3A_75 = tpu.memref_squeeze %dma_start3A_74 : memref<1x104x128xi32, #tpu.memory_space<hbm>> -> memref<104x128xi32, #tpu.memory_space<hbm>>
      %dma_start3A_76 = arith.constant 0 : i32
      %dma_start3A_77 = arith.constant 0 : i32
      %dma_start3A_78 = tpu.memref_slice %arg2[%add3A, %dma_start3A_76, %dma_start3A_77] : memref<32x104x128xi32, #tpu.memory_space<hbm>> -> memref<1x104x128xi32, #tpu.memory_space<hbm>>
      %dma_start3A_79 = tpu.memref_squeeze %dma_start3A_78 : memref<1x104x128xi32, #tpu.memory_space<hbm>> -> memref<104x128xi32, #tpu.memory_space<hbm>>
      tpu.enqueue_dma source(%dma_start3A_79 : memref<104x128xi32, #tpu.memory_space<hbm>>) target(%arg5 : memref<104x128xi32, #tpu.memory_space<vmem>>) target_semaphore(%run_scoped3A : memref<!tpu.dma_semaphore, #tpu.memory_space<semaphore_mem>>)
      %dma_wait3A_80 = arith.constant 0 : i32
      %dma_wait3A_81 = arith.constant 0 : i32
      %dma_wait3A_82 = tpu.memref_slice %arg2[%add3A, %dma_wait3A_80, %dma_wait3A_81] : memref<32x104x128xi32, #tpu.memory_space<hbm>> -> memref<1x104x128xi32, #tpu.memory_space<hbm>>
      %dma_wait3A_83 = tpu.memref_squeeze %dma_wait3A_82 : memref<1x104x128xi32, #tpu.memory_space<hbm>> -> memref<104x128xi32, #tpu.memory_space<hbm>>
      %dma_wait3A_84 = arith.constant 0 : i32
      %dma_wait3A_85 = arith.constant 0 : i32
      %dma_wait3A_86 = tpu.memref_slice %arg2[%add3A, %dma_wait3A_84, %dma_wait3A_85] : memref<32x104x128xi32, #tpu.memory_space<hbm>> -> memref<1x104x128xi32, #tpu.memory_space<hbm>>
      %dma_wait3A_87 = tpu.memref_squeeze %dma_wait3A_86 : memref<1x104x128xi32, #tpu.memory_space<hbm>> -> memref<104x128xi32, #tpu.memory_space<hbm>>
      tpu.wait_dma2 semaphore(%run_scoped3A : memref<!tpu.dma_semaphore, #tpu.memory_space<semaphore_mem>>) src(%dma_wait3A_87 : memref<104x128xi32, #tpu.memory_space<hbm>>) dst(%arg5 : memref<104x128xi32, #tpu.memory_space<vmem>>)
      tpu.yield
    }) : () -> ()
    %iota3A = tpu.iota {dimensions = array<i32: 0>} : vector<16xi32>
    %add3A_1 = arith.constant 0 : i32
    %add3A_2 = vector.broadcast %add3A_1 : i32 to vector<16xi32>
    %add3A_3 = arith.addi %iota3A, %add3A_2 : vector<16xi32>
    %add3A_4 = arith.constant 16 : i32
    %add3A_5 = vector.broadcast %add3A_4 : i32 to vector<16xi32>
    %add3A_6 = arith.addi %iota3A, %add3A_5 : vector<16xi32>
    %add3A_7 = arith.constant 32 : i32
    %add3A_8 = vector.broadcast %add3A_7 : i32 to vector<16xi32>
    %add3A_9 = arith.addi %iota3A, %add3A_8 : vector<16xi32>
    %add3A_10 = arith.constant 48 : i32
    %add3A_11 = vector.broadcast %add3A_10 : i32 to vector<16xi32>
    %add3A_12 = arith.addi %iota3A, %add3A_11 : vector<16xi32>
    %add3A_13 = arith.constant 64 : i32
    %add3A_14 = vector.broadcast %add3A_13 : i32 to vector<16xi32>
    %add3A_15 = arith.addi %iota3A, %add3A_14 : vector<16xi32>
    %add3A_16 = arith.constant 80 : i32
    %add3A_17 = vector.broadcast %add3A_16 : i32 to vector<16xi32>
    %add3A_18 = arith.addi %iota3A, %add3A_17 : vector<16xi32>
    %add3A_19 = arith.constant 96 : i32
    %add3A_20 = vector.broadcast %add3A_19 : i32 to vector<16xi32>
    %add3A_21 = arith.addi %iota3A, %add3A_20 : vector<16xi32>
    %add3A_22 = arith.constant 112 : i32
    %add3A_23 = vector.broadcast %add3A_22 : i32 to vector<16xi32>
    %add3A_24 = arith.addi %iota3A, %add3A_23 : vector<16xi32>
    %xor3A = arith.constant 8 : i32
    %xor3A_25 = vector.broadcast %xor3A : i32 to vector<16xi32>
    %xor3A_26 = arith.xori %iota3A, %xor3A_25 : vector<16xi32>
    %xor3A_27 = arith.constant 4 : i32
    %xor3A_28 = vector.broadcast %xor3A_27 : i32 to vector<16xi32>
    %xor3A_29 = arith.xori %iota3A, %xor3A_28 : vector<16xi32>
    %xor3A_30 = arith.constant 2 : i32
    %xor3A_31 = vector.broadcast %xor3A_30 : i32 to vector<16xi32>
    %xor3A_32 = arith.xori %iota3A, %xor3A_31 : vector<16xi32>
    %xor3A_33 = arith.constant 1 : i32
    %xor3A_34 = vector.broadcast %xor3A_33 : i32 to vector<16xi32>
    %xor3A_35 = arith.xori %iota3A, %xor3A_34 : vector<16xi32>
    %dma_start3A = arith.constant 0 : i32
    %dma_start3A_36 = arith.constant 0 : i32
    %dma_start3A_37 = tpu.memref_slice %arg5[%dma_start3A, %dma_start3A_36] : memref<104x128xi32, #tpu.memory_space<vmem>> -> memref<1x128xi32, #tpu.memory_space<vmem>>
    %dma_start3A_38 = tpu.memref_squeeze %dma_start3A_37 : memref<1x128xi32, #tpu.memory_space<vmem>> -> memref<128xi32, #tpu.memory_space<vmem>>
    %dma_start3A_39 = arith.constant 0 : i32
    %dma_start3A_40 = arith.constant 0 : i32
    %dma_start3A_41 = tpu.memref_slice %arg3[%dma_start3A_39, %dma_start3A_40] : memref<1000000x64xf32, #tpu.memory_space<hbm>> -> memref<1000000x64xf32, #tpu.memory_space<hbm>>
    tpu.enqueue_indirect_dma source(%dma_start3A_41 : memref<1000000x64xf32, #tpu.memory_space<hbm>>) target(%arg6 : memref<128x64xf32, #tpu.memory_space<vmem>>) offsets(%dma_start3A_38 : memref<128xi32, #tpu.memory_space<vmem>>) semaphore(%arg14 : memref<!tpu.dma_semaphore, #tpu.memory_space<semaphore_mem>>)
    %dma_start3A_42 = arith.constant 1 : i32
    %dma_start3A_43 = arith.constant 0 : i32
    %dma_start3A_44 = tpu.memref_slice %arg5[%dma_start3A_42, %dma_start3A_43] : memref<104x128xi32, #tpu.memory_space<vmem>> -> memref<1x128xi32, #tpu.memory_space<vmem>>
    %dma_start3A_45 = tpu.memref_squeeze %dma_start3A_44 : memref<1x128xi32, #tpu.memory_space<vmem>> -> memref<128xi32, #tpu.memory_space<vmem>>
    %dma_start3A_46 = arith.constant 0 : i32
    %dma_start3A_47 = arith.constant 0 : i32
    %dma_start3A_48 = tpu.memref_slice %arg3[%dma_start3A_46, %dma_start3A_47] : memref<1000000x64xf32, #tpu.memory_space<hbm>> -> memref<1000000x64xf32, #tpu.memory_space<hbm>>
    tpu.enqueue_indirect_dma source(%dma_start3A_48 : memref<1000000x64xf32, #tpu.memory_space<hbm>>) target(%arg7 : memref<128x64xf32, #tpu.memory_space<vmem>>) offsets(%dma_start3A_45 : memref<128xi32, #tpu.memory_space<vmem>>) semaphore(%arg15 : memref<!tpu.dma_semaphore, #tpu.memory_space<semaphore_mem>>)
    %dma_start3A_49 = arith.constant 2 : i32
    %dma_start3A_50 = arith.constant 0 : i32
    %dma_start3A_51 = tpu.memref_slice %arg5[%dma_start3A_49, %dma_start3A_50] : memref<104x128xi32, #tpu.memory_space<vmem>> -> memref<1x128xi32, #tpu.memory_space<vmem>>
    %dma_start3A_52 = tpu.memref_squeeze %dma_start3A_51 : memref<1x128xi32, #tpu.memory_space<vmem>> -> memref<128xi32, #tpu.memory_space<vmem>>
    %dma_start3A_53 = arith.constant 0 : i32
    %dma_start3A_54 = arith.constant 0 : i32
    %dma_start3A_55 = tpu.memref_slice %arg3[%dma_start3A_53, %dma_start3A_54] : memref<1000000x64xf32, #tpu.memory_space<hbm>> -> memref<1000000x64xf32, #tpu.memory_space<hbm>>
    tpu.enqueue_indirect_dma source(%dma_start3A_55 : memref<1000000x64xf32, #tpu.memory_space<hbm>>) target(%arg8 : memref<128x64xf32, #tpu.memory_space<vmem>>) offsets(%dma_start3A_52 : memref<128xi32, #tpu.memory_space<vmem>>) semaphore(%arg16 : memref<!tpu.dma_semaphore, #tpu.memory_space<semaphore_mem>>)
    %scan3A = arith.constant 0 : i32
    %scan3A_56 = arith.constant 0 : i32
    %scan3A_57 = arith.constant 26 : i32
    %scan3A_58 = arith.addi %scan3A_56, %scan3A_57 : i32
    %scan3A_59 = arith.constant 1 : i32
    scf.for %scan3A_72 = %scan3A_56 to %scan3A_58 step %scan3A_59  : i32 {
      %mul3A_73 = arith.constant 4 : i32
      %mul3A_74 = arith.muli %scan3A_72, %mul3A_73 : i32
      %add3A_75 = arith.constant 0 : i32
      %add3A_76 = arith.addi %mul3A_74, %add3A_75 : i32
      %dma_wait3A_77 = arith.constant 0 : i32
      %dma_wait3A_78 = arith.constant 0 : i32
      %dma_wait3A_79 = tpu.memref_slice %arg5[%dma_wait3A_77, %dma_wait3A_78] : memref<104x128xi32, #tpu.memory_space<vmem>> -> memref<1x128xi32, #tpu.memory_space<vmem>>
      %dma_wait3A_80 = tpu.memref_squeeze %dma_wait3A_79 : memref<1x128xi32, #tpu.memory_space<vmem>> -> memref<128xi32, #tpu.memory_space<vmem>>
      %dma_wait3A_81 = arith.constant 0 : i32
      %dma_wait3A_82 = arith.constant 0 : i32
      %dma_wait3A_83 = tpu.memref_slice %arg3[%dma_wait3A_81, %dma_wait3A_82] : memref<1000000x64xf32, #tpu.memory_space<hbm>> -> memref<1000000x64xf32, #tpu.memory_space<hbm>>
      tpu.wait_indirect_dma semaphore(%arg14 : memref<!tpu.dma_semaphore, #tpu.memory_space<semaphore_mem>>) src(%dma_wait3A_83 : memref<1000000x64xf32, #tpu.memory_space<hbm>>) dst(%arg6 : memref<128x64xf32, #tpu.memory_space<vmem>>)
      %broadcast_in_dim3A = arith.constant 0.000000e+00 : f32
      %broadcast_in_dim3A_84 = vector.broadcast %broadcast_in_dim3A : f32 to vector<16xf32>
      %broadcast_in_dim3A_85 = arith.constant 0.000000e+00 : f32
      %broadcast_in_dim3A_86 = vector.broadcast %broadcast_in_dim3A_85 : f32 to vector<16xf32>
      %broadcast_in_dim3A_87 = arith.constant 0.000000e+00 : f32
      %broadcast_in_dim3A_88 = vector.broadcast %broadcast_in_dim3A_87 : f32 to vector<16xf32>
      %broadcast_in_dim3A_89 = arith.constant 0.000000e+00 : f32
      %broadcast_in_dim3A_90 = vector.broadcast %broadcast_in_dim3A_89 : f32 to vector<16xf32>
      %broadcast_in_dim3A_91 = arith.constant 0.000000e+00 : f32
      %broadcast_in_dim3A_92 = vector.broadcast %broadcast_in_dim3A_91 : f32 to vector<16xf32>
      %broadcast_in_dim3A_93 = arith.constant 0.000000e+00 : f32
      %broadcast_in_dim3A_94 = vector.broadcast %broadcast_in_dim3A_93 : f32 to vector<16xf32>
      %broadcast_in_dim3A_95 = arith.constant 0.000000e+00 : f32
      %broadcast_in_dim3A_96 = vector.broadcast %broadcast_in_dim3A_95 : f32 to vector<16xf32>
      %broadcast_in_dim3A_97 = arith.constant 0.000000e+00 : f32
      %broadcast_in_dim3A_98 = vector.broadcast %broadcast_in_dim3A_97 : f32 to vector<16xf32>
      %parallel_loop3A = arith.constant 0 : i32
      %parallel_loop3A_99 = arith.constant 64 : i32
      %parallel_loop3A_100 = arith.constant 1 : i32
      %parallel_loop3A_101:8 = scf.for %parallel_loop3A_1483 = %parallel_loop3A to %parallel_loop3A_99 step %parallel_loop3A_100 iter_args(%parallel_loop3A_1484 = %broadcast_in_dim3A_84, %parallel_loop3A_1485 = %broadcast_in_dim3A_86, %parallel_loop3A_1486 = %broadcast_in_dim3A_88, %parallel_loop3A_1487 = %broadcast_in_dim3A_90, %parallel_loop3A_1488 = %broadcast_in_dim3A_92, %parallel_loop3A_1489 = %broadcast_in_dim3A_94, %parallel_loop3A_1490 = %broadcast_in_dim3A_96, %parallel_loop3A_1491 = %broadcast_in_dim3A_98) -> (vector<16xf32>, vector<16xf32>, vector<16xf32>, vector<16xf32>, vector<16xf32>, vector<16xf32>, vector<16xf32>, vector<16xf32>)  : i32 {
        %parallel_loop3A_1492 = vector.broadcast %parallel_loop3A_1483 : i32 to vector<16xi32>
        %parallel_loop3A_1493 = arith.addi %parallel_loop3A_1492, %iota3A : vector<16xi32>
        %parallel_loop3A_1494 = arith.constant 63 : i32
        %parallel_loop3A_1495 = vector.broadcast %parallel_loop3A_1494 : i32 to vector<16xi32>
        %parallel_loop3A_1496 = arith.andi %parallel_loop3A_1493, %parallel_loop3A_1495 : vector<16xi32>
        %parallel_loop3A_1497 = tpu.vector_load_idx %arg6[%add3A_3, %parallel_loop3A_1496] : memref<128x64xf32, #tpu.memory_space<vmem>>[vector<16xi32>, vector<16xi32>], vector<16xf32>,
        %parallel_loop3A_1498 = arith.mulf %parallel_loop3A_1497, %parallel_loop3A_1497 : vector<16xf32>
        %parallel_loop3A_1499 = arith.addf %parallel_loop3A_1484, %parallel_loop3A_1498 : vector<16xf32>
        %parallel_loop3A_1500 = tpu.vector_load_idx %arg6[%add3A_6, %parallel_loop3A_1496] : memref<128x64xf32, #tpu.memory_space<vmem>>[vector<16xi32>, vector<16xi32>], vector<16xf32>,
        %parallel_loop3A_1501 = arith.mulf %parallel_loop3A_1500, %parallel_loop3A_1500 : vector<16xf32>
        %parallel_loop3A_1502 = arith.addf %parallel_loop3A_1485, %parallel_loop3A_1501 : vector<16xf32>
        %parallel_loop3A_1503 = tpu.vector_load_idx %arg6[%add3A_9, %parallel_loop3A_1496] : memref<128x64xf32, #tpu.memory_space<vmem>>[vector<16xi32>, vector<16xi32>], vector<16xf32>,
        %parallel_loop3A_1504 = arith.mulf %parallel_loop3A_1503, %parallel_loop3A_1503 : vector<16xf32>
        %parallel_loop3A_1505 = arith.addf %parallel_loop3A_1486, %parallel_loop3A_1504 : vector<16xf32>
        %parallel_loop3A_1506 = tpu.vector_load_idx %arg6[%add3A_12, %parallel_loop3A_1496] : memref<128x64xf32, #tpu.memory_space<vmem>>[vector<16xi32>, vector<16xi32>], vector<16xf32>,
        %parallel_loop3A_1507 = arith.mulf %parallel_loop3A_1506, %parallel_loop3A_1506 : vector<16xf32>
        %parallel_loop3A_1508 = arith.addf %parallel_loop3A_1487, %parallel_loop3A_1507 : vector<16xf32>
        %parallel_loop3A_1509 = tpu.vector_load_idx %arg6[%add3A_15, %parallel_loop3A_1496] : memref<128x64xf32, #tpu.memory_space<vmem>>[vector<16xi32>, vector<16xi32>], vector<16xf32>,
        %parallel_loop3A_1510 = arith.mulf %parallel_loop3A_1509, %parallel_loop3A_1509 : vector<16xf32>
        %parallel_loop3A_1511 = arith.addf %parallel_loop3A_1488, %parallel_loop3A_1510 : vector<16xf32>
        %parallel_loop3A_1512 = tpu.vector_load_idx %arg6[%add3A_18, %parallel_loop3A_1496] : memref<128x64xf32, #tpu.memory_space<vmem>>[vector<16xi32>, vector<16xi32>], vector<16xf32>,
        %parallel_loop3A_1513 = arith.mulf %parallel_loop3A_1512, %parallel_loop3A_1512 : vector<16xf32>
        %parallel_loop3A_1514 = arith.addf %parallel_loop3A_1489, %parallel_loop3A_1513 : vector<16xf32>
        %parallel_loop3A_1515 = tpu.vector_load_idx %arg6[%add3A_21, %parallel_loop3A_1496] : memref<128x64xf32, #tpu.memory_space<vmem>>[vector<16xi32>, vector<16xi32>], vector<16xf32>,
        %parallel_loop3A_1516 = arith.mulf %parallel_loop3A_1515, %parallel_loop3A_1515 : vector<16xf32>
        %parallel_loop3A_1517 = arith.addf %parallel_loop3A_1490, %parallel_loop3A_1516 : vector<16xf32>
        %parallel_loop3A_1518 = tpu.vector_load_idx %arg6[%add3A_24, %parallel_loop3A_1496] : memref<128x64xf32, #tpu.memory_space<vmem>>[vector<16xi32>, vector<16xi32>], vector<16xf32>,
        %parallel_loop3A_1519 = arith.mulf %parallel_loop3A_1518, %parallel_loop3A_1518 : vector<16xf32>
        %parallel_loop3A_1520 = arith.addf %parallel_loop3A_1491, %parallel_loop3A_1519 : vector<16xf32>
        scf.yield %parallel_loop3A_1499, %parallel_loop3A_1502, %parallel_loop3A_1505, %parallel_loop3A_1508, %parallel_loop3A_1511, %parallel_loop3A_1514, %parallel_loop3A_1517, %parallel_loop3A_1520 : vector<16xf32>, vector<16xf32>, vector<16xf32>, vector<16xf32>, vector<16xf32>, vector<16xf32>, vector<16xf32>, vector<16xf32>
      } {sc.loop_unroll_factor = 4 : i64, sc.parallel_access}
      %gt3A = arith.constant 1.000000e+00 : f32
      %gt3A_102 = vector.broadcast %gt3A : f32 to vector<16xf32>
      %gt3A_103 = arith.cmpf ogt, %parallel_loop3A_101#0, %gt3A_102 : vector<16xf32>
      %bitcast3A = vector.bitcast %parallel_loop3A_101#0 : vector<16xf32> to vector<16xi32>
      %shift_right_arithmetic3A = arith.constant 1 : i32
      %shift_right_arithmetic3A_104 = vector.broadcast %shift_right_arithmetic3A : i32 to vector<16xi32>
      %shift_right_arithmetic3A_105 = arith.shrsi %bitcast3A, %shift_right_arithmetic3A_104 : vector<16xi32>
      %sub3A = arith.constant 1597463007 : i32
      %sub3A_106 = vector.broadcast %sub3A : i32 to vector<16xi32>
      %sub3A_107 = arith.subi %sub3A_106, %shift_right_arithmetic3A_105 : vector<16xi32>
      %bitcast3A_108 = vector.bitcast %sub3A_107 : vector<16xi32> to vector<16xf32>
      %mul3A_109 = arith.constant 5.000000e-01 : f32
      %mul3A_110 = vector.broadcast %mul3A_109 : f32 to vector<16xf32>
      %mul3A_111 = arith.mulf %mul3A_110, %parallel_loop3A_101#0 : vector<16xf32>
      %mul3A_112 = arith.mulf %mul3A_111, %bitcast3A_108 : vector<16xf32>
      %mul3A_113 = arith.mulf %mul3A_112, %bitcast3A_108 : vector<16xf32>
      %sub3A_114 = arith.constant 1.500000e+00 : f32
      %sub3A_115 = vector.broadcast %sub3A_114 : f32 to vector<16xf32>
      %sub3A_116 = arith.subf %sub3A_115, %mul3A_113 : vector<16xf32>
      %mul3A_117 = arith.mulf %bitcast3A_108, %sub3A_116 : vector<16xf32>
      %mul3A_118 = arith.constant 5.000000e-01 : f32
      %mul3A_119 = vector.broadcast %mul3A_118 : f32 to vector<16xf32>
      %mul3A_120 = arith.mulf %mul3A_119, %parallel_loop3A_101#0 : vector<16xf32>
      %mul3A_121 = arith.mulf %mul3A_120, %mul3A_117 : vector<16xf32>
      %mul3A_122 = arith.mulf %mul3A_121, %mul3A_117 : vector<16xf32>
      %sub3A_123 = arith.constant 1.500000e+00 : f32
      %sub3A_124 = vector.broadcast %sub3A_123 : f32 to vector<16xf32>
      %sub3A_125 = arith.subf %sub3A_124, %mul3A_122 : vector<16xf32>
      %mul3A_126 = arith.mulf %mul3A_117, %sub3A_125 : vector<16xf32>
      %jit3A = arith.constant 1.000000e+00 : f32
      %broadcast_in_dim3A_127 = vector.broadcast %jit3A : f32 to vector<16xf32>
      %select_n3A = arith.select %gt3A_103, %mul3A_126, %broadcast_in_dim3A_127 : vector<16xi1>, vector<16xf32>
      %gt3A_128 = arith.constant 1.000000e+00 : f32
      %gt3A_129 = vector.broadcast %gt3A_128 : f32 to vector<16xf32>
      %gt3A_130 = arith.cmpf ogt, %parallel_loop3A_101#1, %gt3A_129 : vector<16xf32>
      %bitcast3A_131 = vector.bitcast %parallel_loop3A_101#1 : vector<16xf32> to vector<16xi32>
      %shift_right_arithmetic3A_132 = arith.constant 1 : i32
      %shift_right_arithmetic3A_133 = vector.broadcast %shift_right_arithmetic3A_132 : i32 to vector<16xi32>
      %shift_right_arithmetic3A_134 = arith.shrsi %bitcast3A_131, %shift_right_arithmetic3A_133 : vector<16xi32>
      %sub3A_135 = arith.constant 1597463007 : i32
      %sub3A_136 = vector.broadcast %sub3A_135 : i32 to vector<16xi32>
      %sub3A_137 = arith.subi %sub3A_136, %shift_right_arithmetic3A_134 : vector<16xi32>
      %bitcast3A_138 = vector.bitcast %sub3A_137 : vector<16xi32> to vector<16xf32>
      %mul3A_139 = arith.constant 5.000000e-01 : f32
      %mul3A_140 = vector.broadcast %mul3A_139 : f32 to vector<16xf32>
      %mul3A_141 = arith.mulf %mul3A_140, %parallel_loop3A_101#1 : vector<16xf32>
      %mul3A_142 = arith.mulf %mul3A_141, %bitcast3A_138 : vector<16xf32>
      %mul3A_143 = arith.mulf %mul3A_142, %bitcast3A_138 : vector<16xf32>
      %sub3A_144 = arith.constant 1.500000e+00 : f32
      %sub3A_145 = vector.broadcast %sub3A_144 : f32 to vector<16xf32>
      %sub3A_146 = arith.subf %sub3A_145, %mul3A_143 : vector<16xf32>
      %mul3A_147 = arith.mulf %bitcast3A_138, %sub3A_146 : vector<16xf32>
      %mul3A_148 = arith.constant 5.000000e-01 : f32
      %mul3A_149 = vector.broadcast %mul3A_148 : f32 to vector<16xf32>
      %mul3A_150 = arith.mulf %mul3A_149, %parallel_loop3A_101#1 : vector<16xf32>
      %mul3A_151 = arith.mulf %mul3A_150, %mul3A_147 : vector<16xf32>
      %mul3A_152 = arith.mulf %mul3A_151, %mul3A_147 : vector<16xf32>
      %sub3A_153 = arith.constant 1.500000e+00 : f32
      %sub3A_154 = vector.broadcast %sub3A_153 : f32 to vector<16xf32>
      %sub3A_155 = arith.subf %sub3A_154, %mul3A_152 : vector<16xf32>
      %mul3A_156 = arith.mulf %mul3A_147, %sub3A_155 : vector<16xf32>
      %jit3A_157 = arith.constant 1.000000e+00 : f32
      %broadcast_in_dim3A_158 = vector.broadcast %jit3A_157 : f32 to vector<16xf32>
      %select_n3A_159 = arith.select %gt3A_130, %mul3A_156, %broadcast_in_dim3A_158 : vector<16xi1>, vector<16xf32>
      %gt3A_160 = arith.constant 1.000000e+00 : f32
      %gt3A_161 = vector.broadcast %gt3A_160 : f32 to vector<16xf32>
      %gt3A_162 = arith.cmpf ogt, %parallel_loop3A_101#2, %gt3A_161 : vector<16xf32>
      %bitcast3A_163 = vector.bitcast %parallel_loop3A_101#2 : vector<16xf32> to vector<16xi32>
      %shift_right_arithmetic3A_164 = arith.constant 1 : i32
      %shift_right_arithmetic3A_165 = vector.broadcast %shift_right_arithmetic3A_164 : i32 to vector<16xi32>
      %shift_right_arithmetic3A_166 = arith.shrsi %bitcast3A_163, %shift_right_arithmetic3A_165 : vector<16xi32>
      %sub3A_167 = arith.constant 1597463007 : i32
      %sub3A_168 = vector.broadcast %sub3A_167 : i32 to vector<16xi32>
      %sub3A_169 = arith.subi %sub3A_168, %shift_right_arithmetic3A_166 : vector<16xi32>
      %bitcast3A_170 = vector.bitcast %sub3A_169 : vector<16xi32> to vector<16xf32>
      %mul3A_171 = arith.constant 5.000000e-01 : f32
      %mul3A_172 = vector.broadcast %mul3A_171 : f32 to vector<16xf32>
      %mul3A_173 = arith.mulf %mul3A_172, %parallel_loop3A_101#2 : vector<16xf32>
      %mul3A_174 = arith.mulf %mul3A_173, %bitcast3A_170 : vector<16xf32>
      %mul3A_175 = arith.mulf %mul3A_174, %bitcast3A_170 : vector<16xf32>
      %sub3A_176 = arith.constant 1.500000e+00 : f32
      %sub3A_177 = vector.broadcast %sub3A_176 : f32 to vector<16xf32>
      %sub3A_178 = arith.subf %sub3A_177, %mul3A_175 : vector<16xf32>
      %mul3A_179 = arith.mulf %bitcast3A_170, %sub3A_178 : vector<16xf32>
      %mul3A_180 = arith.constant 5.000000e-01 : f32
      %mul3A_181 = vector.broadcast %mul3A_180 : f32 to vector<16xf32>
      %mul3A_182 = arith.mulf %mul3A_181, %parallel_loop3A_101#2 : vector<16xf32>
      %mul3A_183 = arith.mulf %mul3A_182, %mul3A_179 : vector<16xf32>
      %mul3A_184 = arith.mulf %mul3A_183, %mul3A_179 : vector<16xf32>
      %sub3A_185 = arith.constant 1.500000e+00 : f32
      %sub3A_186 = vector.broadcast %sub3A_185 : f32 to vector<16xf32>
      %sub3A_187 = arith.subf %sub3A_186, %mul3A_184 : vector<16xf32>
      %mul3A_188 = arith.mulf %mul3A_179, %sub3A_187 : vector<16xf32>
      %jit3A_189 = arith.constant 1.000000e+00 : f32
      %broadcast_in_dim3A_190 = vector.broadcast %jit3A_189 : f32 to vector<16xf32>
      %select_n3A_191 = arith.select %gt3A_162, %mul3A_188, %broadcast_in_dim3A_190 : vector<16xi1>, vector<16xf32>
      %gt3A_192 = arith.constant 1.000000e+00 : f32
      %gt3A_193 = vector.broadcast %gt3A_192 : f32 to vector<16xf32>
      %gt3A_194 = arith.cmpf ogt, %parallel_loop3A_101#3, %gt3A_193 : vector<16xf32>
      %bitcast3A_195 = vector.bitcast %parallel_loop3A_101#3 : vector<16xf32> to vector<16xi32>
      %shift_right_arithmetic3A_196 = arith.constant 1 : i32
      %shift_right_arithmetic3A_197 = vector.broadcast %shift_right_arithmetic3A_196 : i32 to vector<16xi32>
      %shift_right_arithmetic3A_198 = arith.shrsi %bitcast3A_195, %shift_right_arithmetic3A_197 : vector<16xi32>
      %sub3A_199 = arith.constant 1597463007 : i32
      %sub3A_200 = vector.broadcast %sub3A_199 : i32 to vector<16xi32>
      %sub3A_201 = arith.subi %sub3A_200, %shift_right_arithmetic3A_198 : vector<16xi32>
      %bitcast3A_202 = vector.bitcast %sub3A_201 : vector<16xi32> to vector<16xf32>
      %mul3A_203 = arith.constant 5.000000e-01 : f32
      %mul3A_204 = vector.broadcast %mul3A_203 : f32 to vector<16xf32>
      %mul3A_205 = arith.mulf %mul3A_204, %parallel_loop3A_101#3 : vector<16xf32>
      %mul3A_206 = arith.mulf %mul3A_205, %bitcast3A_202 : vector<16xf32>
      %mul3A_207 = arith.mulf %mul3A_206, %bitcast3A_202 : vector<16xf32>
      %sub3A_208 = arith.constant 1.500000e+00 : f32
      %sub3A_209 = vector.broadcast %sub3A_208 : f32 to vector<16xf32>
      %sub3A_210 = arith.subf %sub3A_209, %mul3A_207 : vector<16xf32>
      %mul3A_211 = arith.mulf %bitcast3A_202, %sub3A_210 : vector<16xf32>
      %mul3A_212 = arith.constant 5.000000e-01 : f32
      %mul3A_213 = vector.broadcast %mul3A_212 : f32 to vector<16xf32>
      %mul3A_214 = arith.mulf %mul3A_213, %parallel_loop3A_101#3 : vector<16xf32>
      %mul3A_215 = arith.mulf %mul3A_214, %mul3A_211 : vector<16xf32>
      %mul3A_216 = arith.mulf %mul3A_215, %mul3A_211 : vector<16xf32>
      %sub3A_217 = arith.constant 1.500000e+00 : f32
      %sub3A_218 = vector.broadcast %sub3A_217 : f32 to vector<16xf32>
      %sub3A_219 = arith.subf %sub3A_218, %mul3A_216 : vector<16xf32>
      %mul3A_220 = arith.mulf %mul3A_211, %sub3A_219 : vector<16xf32>
      %jit3A_221 = arith.constant 1.000000e+00 : f32
      %broadcast_in_dim3A_222 = vector.broadcast %jit3A_221 : f32 to vector<16xf32>
      %select_n3A_223 = arith.select %gt3A_194, %mul3A_220, %broadcast_in_dim3A_222 : vector<16xi1>, vector<16xf32>
      %gt3A_224 = arith.constant 1.000000e+00 : f32
      %gt3A_225 = vector.broadcast %gt3A_224 : f32 to vector<16xf32>
      %gt3A_226 = arith.cmpf ogt, %parallel_loop3A_101#4, %gt3A_225 : vector<16xf32>
      %bitcast3A_227 = vector.bitcast %parallel_loop3A_101#4 : vector<16xf32> to vector<16xi32>
      %shift_right_arithmetic3A_228 = arith.constant 1 : i32
      %shift_right_arithmetic3A_229 = vector.broadcast %shift_right_arithmetic3A_228 : i32 to vector<16xi32>
      %shift_right_arithmetic3A_230 = arith.shrsi %bitcast3A_227, %shift_right_arithmetic3A_229 : vector<16xi32>
      %sub3A_231 = arith.constant 1597463007 : i32
      %sub3A_232 = vector.broadcast %sub3A_231 : i32 to vector<16xi32>
      %sub3A_233 = arith.subi %sub3A_232, %shift_right_arithmetic3A_230 : vector<16xi32>
      %bitcast3A_234 = vector.bitcast %sub3A_233 : vector<16xi32> to vector<16xf32>
      %mul3A_235 = arith.constant 5.000000e-01 : f32
      %mul3A_236 = vector.broadcast %mul3A_235 : f32 to vector<16xf32>
      %mul3A_237 = arith.mulf %mul3A_236, %parallel_loop3A_101#4 : vector<16xf32>
      %mul3A_238 = arith.mulf %mul3A_237, %bitcast3A_234 : vector<16xf32>
      %mul3A_239 = arith.mulf %mul3A_238, %bitcast3A_234 : vector<16xf32>
      %sub3A_240 = arith.constant 1.500000e+00 : f32
      %sub3A_241 = vector.broadcast %sub3A_240 : f32 to vector<16xf32>
      %sub3A_242 = arith.subf %sub3A_241, %mul3A_239 : vector<16xf32>
      %mul3A_243 = arith.mulf %bitcast3A_234, %sub3A_242 : vector<16xf32>
      %mul3A_244 = arith.constant 5.000000e-01 : f32
      %mul3A_245 = vector.broadcast %mul3A_244 : f32 to vector<16xf32>
      %mul3A_246 = arith.mulf %mul3A_245, %parallel_loop3A_101#4 : vector<16xf32>
      %mul3A_247 = arith.mulf %mul3A_246, %mul3A_243 : vector<16xf32>
      %mul3A_248 = arith.mulf %mul3A_247, %mul3A_243 : vector<16xf32>
      %sub3A_249 = arith.constant 1.500000e+00 : f32
      %sub3A_250 = vector.broadcast %sub3A_249 : f32 to vector<16xf32>
      %sub3A_251 = arith.subf %sub3A_250, %mul3A_248 : vector<16xf32>
      %mul3A_252 = arith.mulf %mul3A_243, %sub3A_251 : vector<16xf32>
      %jit3A_253 = arith.constant 1.000000e+00 : f32
      %broadcast_in_dim3A_254 = vector.broadcast %jit3A_253 : f32 to vector<16xf32>
      %select_n3A_255 = arith.select %gt3A_226, %mul3A_252, %broadcast_in_dim3A_254 : vector<16xi1>, vector<16xf32>
      %gt3A_256 = arith.constant 1.000000e+00 : f32
      %gt3A_257 = vector.broadcast %gt3A_256 : f32 to vector<16xf32>
      %gt3A_258 = arith.cmpf ogt, %parallel_loop3A_101#5, %gt3A_257 : vector<16xf32>
      %bitcast3A_259 = vector.bitcast %parallel_loop3A_101#5 : vector<16xf32> to vector<16xi32>
      %shift_right_arithmetic3A_260 = arith.constant 1 : i32
      %shift_right_arithmetic3A_261 = vector.broadcast %shift_right_arithmetic3A_260 : i32 to vector<16xi32>
      %shift_right_arithmetic3A_262 = arith.shrsi %bitcast3A_259, %shift_right_arithmetic3A_261 : vector<16xi32>
      %sub3A_263 = arith.constant 1597463007 : i32
      %sub3A_264 = vector.broadcast %sub3A_263 : i32 to vector<16xi32>
      %sub3A_265 = arith.subi %sub3A_264, %shift_right_arithmetic3A_262 : vector<16xi32>
      %bitcast3A_266 = vector.bitcast %sub3A_265 : vector<16xi32> to vector<16xf32>
      %mul3A_267 = arith.constant 5.000000e-01 : f32
      %mul3A_268 = vector.broadcast %mul3A_267 : f32 to vector<16xf32>
      %mul3A_269 = arith.mulf %mul3A_268, %parallel_loop3A_101#5 : vector<16xf32>
      %mul3A_270 = arith.mulf %mul3A_269, %bitcast3A_266 : vector<16xf32>
      %mul3A_271 = arith.mulf %mul3A_270, %bitcast3A_266 : vector<16xf32>
      %sub3A_272 = arith.constant 1.500000e+00 : f32
      %sub3A_273 = vector.broadcast %sub3A_272 : f32 to vector<16xf32>
      %sub3A_274 = arith.subf %sub3A_273, %mul3A_271 : vector<16xf32>
      %mul3A_275 = arith.mulf %bitcast3A_266, %sub3A_274 : vector<16xf32>
      %mul3A_276 = arith.constant 5.000000e-01 : f32
      %mul3A_277 = vector.broadcast %mul3A_276 : f32 to vector<16xf32>
      %mul3A_278 = arith.mulf %mul3A_277, %parallel_loop3A_101#5 : vector<16xf32>
      %mul3A_279 = arith.mulf %mul3A_278, %mul3A_275 : vector<16xf32>
      %mul3A_280 = arith.mulf %mul3A_279, %mul3A_275 : vector<16xf32>
      %sub3A_281 = arith.constant 1.500000e+00 : f32
      %sub3A_282 = vector.broadcast %sub3A_281 : f32 to vector<16xf32>
      %sub3A_283 = arith.subf %sub3A_282, %mul3A_280 : vector<16xf32>
      %mul3A_284 = arith.mulf %mul3A_275, %sub3A_283 : vector<16xf32>
      %jit3A_285 = arith.constant 1.000000e+00 : f32
      %broadcast_in_dim3A_286 = vector.broadcast %jit3A_285 : f32 to vector<16xf32>
      %select_n3A_287 = arith.select %gt3A_258, %mul3A_284, %broadcast_in_dim3A_286 : vector<16xi1>, vector<16xf32>
      %gt3A_288 = arith.constant 1.000000e+00 : f32
      %gt3A_289 = vector.broadcast %gt3A_288 : f32 to vector<16xf32>
      %gt3A_290 = arith.cmpf ogt, %parallel_loop3A_101#6, %gt3A_289 : vector<16xf32>
      %bitcast3A_291 = vector.bitcast %parallel_loop3A_101#6 : vector<16xf32> to vector<16xi32>
      %shift_right_arithmetic3A_292 = arith.constant 1 : i32
      %shift_right_arithmetic3A_293 = vector.broadcast %shift_right_arithmetic3A_292 : i32 to vector<16xi32>
      %shift_right_arithmetic3A_294 = arith.shrsi %bitcast3A_291, %shift_right_arithmetic3A_293 : vector<16xi32>
      %sub3A_295 = arith.constant 1597463007 : i32
      %sub3A_296 = vector.broadcast %sub3A_295 : i32 to vector<16xi32>
      %sub3A_297 = arith.subi %sub3A_296, %shift_right_arithmetic3A_294 : vector<16xi32>
      %bitcast3A_298 = vector.bitcast %sub3A_297 : vector<16xi32> to vector<16xf32>
      %mul3A_299 = arith.constant 5.000000e-01 : f32
      %mul3A_300 = vector.broadcast %mul3A_299 : f32 to vector<16xf32>
      %mul3A_301 = arith.mulf %mul3A_300, %parallel_loop3A_101#6 : vector<16xf32>
      %mul3A_302 = arith.mulf %mul3A_301, %bitcast3A_298 : vector<16xf32>
      %mul3A_303 = arith.mulf %mul3A_302, %bitcast3A_298 : vector<16xf32>
      %sub3A_304 = arith.constant 1.500000e+00 : f32
      %sub3A_305 = vector.broadcast %sub3A_304 : f32 to vector<16xf32>
      %sub3A_306 = arith.subf %sub3A_305, %mul3A_303 : vector<16xf32>
      %mul3A_307 = arith.mulf %bitcast3A_298, %sub3A_306 : vector<16xf32>
      %mul3A_308 = arith.constant 5.000000e-01 : f32
      %mul3A_309 = vector.broadcast %mul3A_308 : f32 to vector<16xf32>
      %mul3A_310 = arith.mulf %mul3A_309, %parallel_loop3A_101#6 : vector<16xf32>
      %mul3A_311 = arith.mulf %mul3A_310, %mul3A_307 : vector<16xf32>
      %mul3A_312 = arith.mulf %mul3A_311, %mul3A_307 : vector<16xf32>
      %sub3A_313 = arith.constant 1.500000e+00 : f32
      %sub3A_314 = vector.broadcast %sub3A_313 : f32 to vector<16xf32>
      %sub3A_315 = arith.subf %sub3A_314, %mul3A_312 : vector<16xf32>
      %mul3A_316 = arith.mulf %mul3A_307, %sub3A_315 : vector<16xf32>
      %jit3A_317 = arith.constant 1.000000e+00 : f32
      %broadcast_in_dim3A_318 = vector.broadcast %jit3A_317 : f32 to vector<16xf32>
      %select_n3A_319 = arith.select %gt3A_290, %mul3A_316, %broadcast_in_dim3A_318 : vector<16xi1>, vector<16xf32>
      %gt3A_320 = arith.constant 1.000000e+00 : f32
      %gt3A_321 = vector.broadcast %gt3A_320 : f32 to vector<16xf32>
      %gt3A_322 = arith.cmpf ogt, %parallel_loop3A_101#7, %gt3A_321 : vector<16xf32>
      %bitcast3A_323 = vector.bitcast %parallel_loop3A_101#7 : vector<16xf32> to vector<16xi32>
      %shift_right_arithmetic3A_324 = arith.constant 1 : i32
      %shift_right_arithmetic3A_325 = vector.broadcast %shift_right_arithmetic3A_324 : i32 to vector<16xi32>
      %shift_right_arithmetic3A_326 = arith.shrsi %bitcast3A_323, %shift_right_arithmetic3A_325 : vector<16xi32>
      %sub3A_327 = arith.constant 1597463007 : i32
      %sub3A_328 = vector.broadcast %sub3A_327 : i32 to vector<16xi32>
      %sub3A_329 = arith.subi %sub3A_328, %shift_right_arithmetic3A_326 : vector<16xi32>
      %bitcast3A_330 = vector.bitcast %sub3A_329 : vector<16xi32> to vector<16xf32>
      %mul3A_331 = arith.constant 5.000000e-01 : f32
      %mul3A_332 = vector.broadcast %mul3A_331 : f32 to vector<16xf32>
      %mul3A_333 = arith.mulf %mul3A_332, %parallel_loop3A_101#7 : vector<16xf32>
      %mul3A_334 = arith.mulf %mul3A_333, %bitcast3A_330 : vector<16xf32>
      %mul3A_335 = arith.mulf %mul3A_334, %bitcast3A_330 : vector<16xf32>
      %sub3A_336 = arith.constant 1.500000e+00 : f32
      %sub3A_337 = vector.broadcast %sub3A_336 : f32 to vector<16xf32>
      %sub3A_338 = arith.subf %sub3A_337, %mul3A_335 : vector<16xf32>
      %mul3A_339 = arith.mulf %bitcast3A_330, %sub3A_338 : vector<16xf32>
      %mul3A_340 = arith.constant 5.000000e-01 : f32
      %mul3A_341 = vector.broadcast %mul3A_340 : f32 to vector<16xf32>
      %mul3A_342 = arith.mulf %mul3A_341, %parallel_loop3A_101#7 : vector<16xf32>
      %mul3A_343 = arith.mulf %mul3A_342, %mul3A_339 : vector<16xf32>
      %mul3A_344 = arith.mulf %mul3A_343, %mul3A_339 : vector<16xf32>
      %sub3A_345 = arith.constant 1.500000e+00 : f32
      %sub3A_346 = vector.broadcast %sub3A_345 : f32 to vector<16xf32>
      %sub3A_347 = arith.subf %sub3A_346, %mul3A_344 : vector<16xf32>
      %mul3A_348 = arith.mulf %mul3A_339, %sub3A_347 : vector<16xf32>
      %jit3A_349 = arith.constant 1.000000e+00 : f32
      %broadcast_in_dim3A_350 = vector.broadcast %jit3A_349 : f32 to vector<16xf32>
      %select_n3A_351 = arith.select %gt3A_322, %mul3A_348, %broadcast_in_dim3A_350 : vector<16xi1>, vector<16xf32>
      %parallel_loop3A_352 = arith.constant 0 : i32
      %parallel_loop3A_353 = arith.constant 64 : i32
      %parallel_loop3A_354 = arith.constant 1 : i32
      scf.for %parallel_loop3A_1483 = %parallel_loop3A_352 to %parallel_loop3A_353 step %parallel_loop3A_354  : i32 {
        %parallel_loop3A_1484 = vector.broadcast %parallel_loop3A_1483 : i32 to vector<16xi32>
        %parallel_loop3A_1485 = arith.addi %parallel_loop3A_1484, %iota3A : vector<16xi32>
        %parallel_loop3A_1486 = arith.constant 63 : i32
        %parallel_loop3A_1487 = vector.broadcast %parallel_loop3A_1486 : i32 to vector<16xi32>
        %parallel_loop3A_1488 = arith.andi %parallel_loop3A_1485, %parallel_loop3A_1487 : vector<16xi32>
        %parallel_loop3A_1489 = arith.constant 3 : i32
        %parallel_loop3A_1490 = vector.broadcast %parallel_loop3A_1489 : i32 to vector<16xi32>
        %parallel_loop3A_1491 = arith.shrsi %parallel_loop3A_1488, %parallel_loop3A_1490 : vector<16xi32>
        %parallel_loop3A_1492 = arith.constant 7 : i32
        %parallel_loop3A_1493 = vector.broadcast %parallel_loop3A_1492 : i32 to vector<16xi32>
        %parallel_loop3A_1494 = arith.andi %parallel_loop3A_1488, %parallel_loop3A_1493 : vector<16xi32>
        %parallel_loop3A_1495 = tpu.vector_load_idx %arg6[%add3A_3, %parallel_loop3A_1488] : memref<128x64xf32, #tpu.memory_space<vmem>>[vector<16xi32>, vector<16xi32>], vector<16xf32>,
        %parallel_loop3A_1496 = arith.mulf %parallel_loop3A_1495, %select_n3A : vector<16xf32>
        tpu.vector_store_idx %arg10[%parallel_loop3A_1491, %parallel_loop3A_1494, %add3A_3], %parallel_loop3A_1496 : memref<8x8x128xf32, #tpu.memory_space<vmem>>[vector<16xi32>, vector<16xi32>, vector<16xi32>], vector<16xf32>,
        %parallel_loop3A_1497 = tpu.vector_load_idx %arg6[%add3A_6, %parallel_loop3A_1488] : memref<128x64xf32, #tpu.memory_space<vmem>>[vector<16xi32>, vector<16xi32>], vector<16xf32>,
        %parallel_loop3A_1498 = arith.mulf %parallel_loop3A_1497, %select_n3A_159 : vector<16xf32>
        tpu.vector_store_idx %arg10[%parallel_loop3A_1491, %parallel_loop3A_1494, %add3A_6], %parallel_loop3A_1498 : memref<8x8x128xf32, #tpu.memory_space<vmem>>[vector<16xi32>, vector<16xi32>, vector<16xi32>], vector<16xf32>,
        %parallel_loop3A_1499 = tpu.vector_load_idx %arg6[%add3A_9, %parallel_loop3A_1488] : memref<128x64xf32, #tpu.memory_space<vmem>>[vector<16xi32>, vector<16xi32>], vector<16xf32>,
        %parallel_loop3A_1500 = arith.mulf %parallel_loop3A_1499, %select_n3A_191 : vector<16xf32>
        tpu.vector_store_idx %arg10[%parallel_loop3A_1491, %parallel_loop3A_1494, %add3A_9], %parallel_loop3A_1500 : memref<8x8x128xf32, #tpu.memory_space<vmem>>[vector<16xi32>, vector<16xi32>, vector<16xi32>], vector<16xf32>,
        %parallel_loop3A_1501 = tpu.vector_load_idx %arg6[%add3A_12, %parallel_loop3A_1488] : memref<128x64xf32, #tpu.memory_space<vmem>>[vector<16xi32>, vector<16xi32>], vector<16xf32>,
        %parallel_loop3A_1502 = arith.mulf %parallel_loop3A_1501, %select_n3A_223 : vector<16xf32>
        tpu.vector_store_idx %arg10[%parallel_loop3A_1491, %parallel_loop3A_1494, %add3A_12], %parallel_loop3A_1502 : memref<8x8x128xf32, #tpu.memory_space<vmem>>[vector<16xi32>, vector<16xi32>, vector<16xi32>], vector<16xf32>,
        %parallel_loop3A_1503 = tpu.vector_load_idx %arg6[%add3A_15, %parallel_loop3A_1488] : memref<128x64xf32, #tpu.memory_space<vmem>>[vector<16xi32>, vector<16xi32>], vector<16xf32>,
        %parallel_loop3A_1504 = arith.mulf %parallel_loop3A_1503, %select_n3A_255 : vector<16xf32>
        tpu.vector_store_idx %arg10[%parallel_loop3A_1491, %parallel_loop3A_1494, %add3A_15], %parallel_loop3A_1504 : memref<8x8x128xf32, #tpu.memory_space<vmem>>[vector<16xi32>, vector<16xi32>, vector<16xi32>], vector<16xf32>,
        %parallel_loop3A_1505 = tpu.vector_load_idx %arg6[%add3A_18, %parallel_loop3A_1488] : memref<128x64xf32, #tpu.memory_space<vmem>>[vector<16xi32>, vector<16xi32>], vector<16xf32>,
        %parallel_loop3A_1506 = arith.mulf %parallel_loop3A_1505, %select_n3A_287 : vector<16xf32>
        tpu.vector_store_idx %arg10[%parallel_loop3A_1491, %parallel_loop3A_1494, %add3A_18], %parallel_loop3A_1506 : memref<8x8x128xf32, #tpu.memory_space<vmem>>[vector<16xi32>, vector<16xi32>, vector<16xi32>], vector<16xf32>,
        %parallel_loop3A_1507 = tpu.vector_load_idx %arg6[%add3A_21, %parallel_loop3A_1488] : memref<128x64xf32, #tpu.memory_space<vmem>>[vector<16xi32>, vector<16xi32>], vector<16xf32>,
        %parallel_loop3A_1508 = arith.mulf %parallel_loop3A_1507, %select_n3A_319 : vector<16xf32>
        tpu.vector_store_idx %arg10[%parallel_loop3A_1491, %parallel_loop3A_1494, %add3A_21], %parallel_loop3A_1508 : memref<8x8x128xf32, #tpu.memory_space<vmem>>[vector<16xi32>, vector<16xi32>, vector<16xi32>], vector<16xf32>,
        %parallel_loop3A_1509 = tpu.vector_load_idx %arg6[%add3A_24, %parallel_loop3A_1488] : memref<128x64xf32, #tpu.memory_space<vmem>>[vector<16xi32>, vector<16xi32>], vector<16xf32>,
        %parallel_loop3A_1510 = arith.mulf %parallel_loop3A_1509, %select_n3A_351 : vector<16xf32>
        tpu.vector_store_idx %arg10[%parallel_loop3A_1491, %parallel_loop3A_1494, %add3A_24], %parallel_loop3A_1510 : memref<8x8x128xf32, #tpu.memory_space<vmem>>[vector<16xi32>, vector<16xi32>, vector<16xi32>], vector<16xf32>,
      } {sc.loop_unroll_factor = 4 : i64, sc.parallel_access}
      %ge3A = arith.constant 1 : i32
      %ge3A_355 = arith.cmpi sge, %add3A_76, %ge3A : i32
      %convert_element_type3A = arith.extui %ge3A_355 : i1 to i32
      %cond3A = arith.constant 0 : i32
      %cond3A_356 = arith.cmpi ne, %convert_element_type3A, %cond3A : i32
      scf.if %cond3A_356 {
        %dma_wait3A_1483 = arith.constant 0 : i32
        %dma_wait3A_1484 = arith.constant 0 : i32
        %dma_wait3A_1485 = arith.constant 0 : i32
        %dma_wait3A_1486 = arith.constant 0 : i32
        %dma_wait3A_1487 = arith.constant 0 : i32
        %dma_wait3A_1488 = tpu.memref_slice %arg4[%dma_wait3A_1483, %dma_wait3A_1485, %dma_wait3A_1484, %dma_wait3A_1486, %dma_wait3A_1487] : memref<26x8x128x8x128xf32, #tpu.memory_space<hbm>> -> memref<1x8x1x8x128xf32, #tpu.memory_space<hbm>>
        %dma_wait3A_1489 = tpu.memref_squeeze %dma_wait3A_1488 : memref<1x8x1x8x128xf32, #tpu.memory_space<hbm>> -> memref<8x8x128xf32, #tpu.memory_space<hbm>>
        %dma_wait3A_1490 = arith.constant 0 : i32
        %dma_wait3A_1491 = arith.constant 0 : i32
        %dma_wait3A_1492 = arith.constant 0 : i32
        %dma_wait3A_1493 = tpu.memref_slice %arg4[%dma_wait3A_1483, %dma_wait3A_1490, %dma_wait3A_1484, %dma_wait3A_1491, %dma_wait3A_1492] : memref<26x8x128x8x128xf32, #tpu.memory_space<hbm>> -> memref<1x8x1x8x128xf32, #tpu.memory_space<hbm>>
        %dma_wait3A_1494 = tpu.memref_squeeze %dma_wait3A_1493 : memref<1x8x1x8x128xf32, #tpu.memory_space<hbm>> -> memref<8x8x128xf32, #tpu.memory_space<hbm>>
        tpu.wait_dma2 semaphore(%arg21 : memref<!tpu.dma_semaphore, #tpu.memory_space<semaphore_mem>>) src(%arg13 : memref<8x8x128xf32, #tpu.memory_space<vmem>>) dst(%dma_wait3A_1494 : memref<8x8x128xf32, #tpu.memory_space<hbm>>)
      } else {
      }
      %mul3A_357 = arith.constant 104 : i32
      %mul3A_358 = arith.muli %add3A, %mul3A_357 : i32
      %add3A_359 = arith.addi %mul3A_358, %add3A_76 : i32
      %jit3A_360 = arith.constant 128 : i32
      %div3A = arith.divsi %add3A_359, %jit3A_360 : i32
      %sign3A = arith.constant 0 : i32
      %sign3A_361 = arith.cmpi sgt, %add3A_359, %sign3A : i32
      %sign3A_362 = arith.extui %sign3A_361 : i1 to i32
      %sign3A_363 = arith.constant 0 : i32
      %sign3A_364 = arith.cmpi slt, %add3A_359, %sign3A_363 : i32
      %sign3A_365 = arith.extui %sign3A_364 : i1 to i32
      %sign3A_366 = arith.subi %sign3A_362, %sign3A_365 : i32
      %sign3A_367 = arith.constant 0 : i32
      %sign3A_368 = arith.cmpi sgt, %jit3A_360, %sign3A_367 : i32
      %sign3A_369 = arith.extui %sign3A_368 : i1 to i32
      %sign3A_370 = arith.constant 0 : i32
      %sign3A_371 = arith.cmpi slt, %jit3A_360, %sign3A_370 : i32
      %sign3A_372 = arith.extui %sign3A_371 : i1 to i32
      %sign3A_373 = arith.subi %sign3A_369, %sign3A_372 : i32
      %ne3A = arith.cmpi ne, %sign3A_366, %sign3A_373 : i32
      %rem3A = arith.remsi %add3A_359, %jit3A_360 : i32
      %ne3A_374 = arith.constant 0 : i32
      %ne3A_375 = arith.cmpi ne, %rem3A, %ne3A_374 : i32
      %and3A = arith.andi %ne3A, %ne3A_375 : i1
      %sub3A_376 = arith.constant 1 : i32
      %sub3A_377 = arith.subi %div3A, %sub3A_376 : i32
      %select_n3A_378 = arith.select %and3A, %sub3A_377, %div3A : i32
      %jit3A_379 = arith.constant 128 : i32
      %eq3A = arith.constant 0 : i32
      %eq3A_380 = arith.cmpi eq, %jit3A_379, %eq3A : i32
      %jit3A_381 = arith.constant 1 : i32
      %select_n3A_382 = arith.select %eq3A_380, %jit3A_381, %jit3A_379 : i32
      %rem3A_383 = arith.remsi %add3A_359, %select_n3A_382 : i32
      %ne3A_384 = arith.constant 0 : i32
      %ne3A_385 = arith.cmpi ne, %rem3A_383, %ne3A_384 : i32
      %lt3A = arith.constant 0 : i32
      %lt3A_386 = arith.cmpi slt, %rem3A_383, %lt3A : i32
      %lt3A_387 = arith.constant 0 : i32
      %lt3A_388 = arith.cmpi slt, %select_n3A_382, %lt3A_387 : i32
      %ne3A_389 = arith.xori %lt3A_386, %lt3A_388 : i1
      %and3A_390 = arith.andi %ne3A_389, %ne3A_385 : i1
      %add3A_391 = arith.addi %rem3A_383, %select_n3A_382 : i32
      %select_n3A_392 = arith.select %and3A_390, %add3A_391, %rem3A_383 : i32
      %dma_start3A_393 = arith.constant 0 : i32
      %dma_start3A_394 = arith.constant 0 : i32
      %dma_start3A_395 = arith.constant 0 : i32
      %dma_start3A_396 = tpu.memref_slice %arg4[%select_n3A_378, %dma_start3A_393, %select_n3A_392, %dma_start3A_394, %dma_start3A_395] : memref<26x8x128x8x128xf32, #tpu.memory_space<hbm>> -> memref<1x8x1x8x128xf32, #tpu.memory_space<hbm>>
      %dma_start3A_397 = tpu.memref_squeeze %dma_start3A_396 : memref<1x8x1x8x128xf32, #tpu.memory_space<hbm>> -> memref<8x8x128xf32, #tpu.memory_space<hbm>>
      %dma_start3A_398 = arith.constant 0 : i32
      %dma_start3A_399 = arith.constant 0 : i32
      %dma_start3A_400 = arith.constant 0 : i32
      %dma_start3A_401 = tpu.memref_slice %arg4[%select_n3A_378, %dma_start3A_398, %select_n3A_392, %dma_start3A_399, %dma_start3A_400] : memref<26x8x128x8x128xf32, #tpu.memory_space<hbm>> -> memref<1x8x1x8x128xf32, #tpu.memory_space<hbm>>
      %dma_start3A_402 = tpu.memref_squeeze %dma_start3A_401 : memref<1x8x1x8x128xf32, #tpu.memory_space<hbm>> -> memref<8x8x128xf32, #tpu.memory_space<hbm>>
      tpu.enqueue_dma source(%arg10 : memref<8x8x128xf32, #tpu.memory_space<vmem>>) target(%dma_start3A_402 : memref<8x8x128xf32, #tpu.memory_space<hbm>>) target_semaphore(%arg18 : memref<!tpu.dma_semaphore, #tpu.memory_space<semaphore_mem>>)
      %add3A_403 = arith.constant 4 : i32
      %add3A_404 = arith.addi %add3A_76, %add3A_403 : i32
      %sub3A_405 = arith.constant 1 : i32
      %sub3A_406 = arith.subi %add3A_404, %sub3A_405 : i32
      %lt3A_407 = arith.constant 104 : i32
      %lt3A_408 = arith.cmpi slt, %sub3A_406, %lt3A_407 : i32
      %convert_element_type3A_409 = arith.extui %lt3A_408 : i1 to i32
      %cond3A_410 = arith.constant 0 : i32
      %cond3A_411 = arith.cmpi ne, %convert_element_type3A_409, %cond3A_410 : i32
      scf.if %cond3A_411 {
        %add3A_1483 = arith.constant 4 : i32
        %add3A_1484 = arith.addi %add3A_76, %add3A_1483 : i32
        %sub3A_1485 = arith.constant 1 : i32
        %sub3A_1486 = arith.subi %add3A_1484, %sub3A_1485 : i32
        %dma_start3A_1487 = arith.constant 0 : i32
        %dma_start3A_1488 = tpu.memref_slice %arg5[%sub3A_1486, %dma_start3A_1487] : memref<104x128xi32, #tpu.memory_space<vmem>> -> memref<1x128xi32, #tpu.memory_space<vmem>>
        %dma_start3A_1489 = tpu.memref_squeeze %dma_start3A_1488 : memref<1x128xi32, #tpu.memory_space<vmem>> -> memref<128xi32, #tpu.memory_space<vmem>>
        %dma_start3A_1490 = arith.constant 0 : i32
        %dma_start3A_1491 = arith.constant 0 : i32
        %dma_start3A_1492 = tpu.memref_slice %arg3[%dma_start3A_1490, %dma_start3A_1491] : memref<1000000x64xf32, #tpu.memory_space<hbm>> -> memref<1000000x64xf32, #tpu.memory_space<hbm>>
        tpu.enqueue_indirect_dma source(%dma_start3A_1492 : memref<1000000x64xf32, #tpu.memory_space<hbm>>) target(%arg9 : memref<128x64xf32, #tpu.memory_space<vmem>>) offsets(%dma_start3A_1489 : memref<128xi32, #tpu.memory_space<vmem>>) semaphore(%arg17 : memref<!tpu.dma_semaphore, #tpu.memory_space<semaphore_mem>>)
      } else {
      }
      %mul3A_412 = arith.constant 4 : i32
      %mul3A_413 = arith.muli %scan3A_72, %mul3A_412 : i32
      %add3A_414 = arith.constant 1 : i32
      %add3A_415 = arith.addi %mul3A_413, %add3A_414 : i32
      %dma_wait3A_416 = arith.constant 0 : i32
      %dma_wait3A_417 = arith.constant 0 : i32
      %dma_wait3A_418 = tpu.memref_slice %arg5[%dma_wait3A_416, %dma_wait3A_417] : memref<104x128xi32, #tpu.memory_space<vmem>> -> memref<1x128xi32, #tpu.memory_space<vmem>>
      %dma_wait3A_419 = tpu.memref_squeeze %dma_wait3A_418 : memref<1x128xi32, #tpu.memory_space<vmem>> -> memref<128xi32, #tpu.memory_space<vmem>>
      %dma_wait3A_420 = arith.constant 0 : i32
      %dma_wait3A_421 = arith.constant 0 : i32
      %dma_wait3A_422 = tpu.memref_slice %arg3[%dma_wait3A_420, %dma_wait3A_421] : memref<1000000x64xf32, #tpu.memory_space<hbm>> -> memref<1000000x64xf32, #tpu.memory_space<hbm>>
      tpu.wait_indirect_dma semaphore(%arg15 : memref<!tpu.dma_semaphore, #tpu.memory_space<semaphore_mem>>) src(%dma_wait3A_422 : memref<1000000x64xf32, #tpu.memory_space<hbm>>) dst(%arg7 : memref<128x64xf32, #tpu.memory_space<vmem>>)
      %broadcast_in_dim3A_423 = arith.constant 0.000000e+00 : f32
      %broadcast_in_dim3A_424 = vector.broadcast %broadcast_in_dim3A_423 : f32 to vector<16xf32>
      %broadcast_in_dim3A_425 = arith.constant 0.000000e+00 : f32
      %broadcast_in_dim3A_426 = vector.broadcast %broadcast_in_dim3A_425 : f32 to vector<16xf32>
      %broadcast_in_dim3A_427 = arith.constant 0.000000e+00 : f32
      %broadcast_in_dim3A_428 = vector.broadcast %broadcast_in_dim3A_427 : f32 to vector<16xf32>
      %broadcast_in_dim3A_429 = arith.constant 0.000000e+00 : f32
      %broadcast_in_dim3A_430 = vector.broadcast %broadcast_in_dim3A_429 : f32 to vector<16xf32>
      %broadcast_in_dim3A_431 = arith.constant 0.000000e+00 : f32
      %broadcast_in_dim3A_432 = vector.broadcast %broadcast_in_dim3A_431 : f32 to vector<16xf32>
      %broadcast_in_dim3A_433 = arith.constant 0.000000e+00 : f32
      %broadcast_in_dim3A_434 = vector.broadcast %broadcast_in_dim3A_433 : f32 to vector<16xf32>
      %broadcast_in_dim3A_435 = arith.constant 0.000000e+00 : f32
      %broadcast_in_dim3A_436 = vector.broadcast %broadcast_in_dim3A_435 : f32 to vector<16xf32>
      %broadcast_in_dim3A_437 = arith.constant 0.000000e+00 : f32
      %broadcast_in_dim3A_438 = vector.broadcast %broadcast_in_dim3A_437 : f32 to vector<16xf32>
      %parallel_loop3A_439 = arith.constant 0 : i32
      %parallel_loop3A_440 = arith.constant 64 : i32
      %parallel_loop3A_441 = arith.constant 1 : i32
      %parallel_loop3A_442:8 = scf.for %parallel_loop3A_1483 = %parallel_loop3A_439 to %parallel_loop3A_440 step %parallel_loop3A_441 iter_args(%parallel_loop3A_1484 = %broadcast_in_dim3A_424, %parallel_loop3A_1485 = %broadcast_in_dim3A_426, %parallel_loop3A_1486 = %broadcast_in_dim3A_428, %parallel_loop3A_1487 = %broadcast_in_dim3A_430, %parallel_loop3A_1488 = %broadcast_in_dim3A_432, %parallel_loop3A_1489 = %broadcast_in_dim3A_434, %parallel_loop3A_1490 = %broadcast_in_dim3A_436, %parallel_loop3A_1491 = %broadcast_in_dim3A_438) -> (vector<16xf32>, vector<16xf32>, vector<16xf32>, vector<16xf32>, vector<16xf32>, vector<16xf32>, vector<16xf32>, vector<16xf32>)  : i32 {
        %parallel_loop3A_1492 = vector.broadcast %parallel_loop3A_1483 : i32 to vector<16xi32>
        %parallel_loop3A_1493 = arith.addi %parallel_loop3A_1492, %iota3A : vector<16xi32>
        %parallel_loop3A_1494 = arith.constant 63 : i32
        %parallel_loop3A_1495 = vector.broadcast %parallel_loop3A_1494 : i32 to vector<16xi32>
        %parallel_loop3A_1496 = arith.andi %parallel_loop3A_1493, %parallel_loop3A_1495 : vector<16xi32>
        %parallel_loop3A_1497 = tpu.vector_load_idx %arg7[%add3A_3, %parallel_loop3A_1496] : memref<128x64xf32, #tpu.memory_space<vmem>>[vector<16xi32>, vector<16xi32>], vector<16xf32>,
        %parallel_loop3A_1498 = arith.mulf %parallel_loop3A_1497, %parallel_loop3A_1497 : vector<16xf32>
        %parallel_loop3A_1499 = arith.addf %parallel_loop3A_1484, %parallel_loop3A_1498 : vector<16xf32>
        %parallel_loop3A_1500 = tpu.vector_load_idx %arg7[%add3A_6, %parallel_loop3A_1496] : memref<128x64xf32, #tpu.memory_space<vmem>>[vector<16xi32>, vector<16xi32>], vector<16xf32>,
        %parallel_loop3A_1501 = arith.mulf %parallel_loop3A_1500, %parallel_loop3A_1500 : vector<16xf32>
        %parallel_loop3A_1502 = arith.addf %parallel_loop3A_1485, %parallel_loop3A_1501 : vector<16xf32>
        %parallel_loop3A_1503 = tpu.vector_load_idx %arg7[%add3A_9, %parallel_loop3A_1496] : memref<128x64xf32, #tpu.memory_space<vmem>>[vector<16xi32>, vector<16xi32>], vector<16xf32>,
        %parallel_loop3A_1504 = arith.mulf %parallel_loop3A_1503, %parallel_loop3A_1503 : vector<16xf32>
        %parallel_loop3A_1505 = arith.addf %parallel_loop3A_1486, %parallel_loop3A_1504 : vector<16xf32>
        %parallel_loop3A_1506 = tpu.vector_load_idx %arg7[%add3A_12, %parallel_loop3A_1496] : memref<128x64xf32, #tpu.memory_space<vmem>>[vector<16xi32>, vector<16xi32>], vector<16xf32>,
        %parallel_loop3A_1507 = arith.mulf %parallel_loop3A_1506, %parallel_loop3A_1506 : vector<16xf32>
        %parallel_loop3A_1508 = arith.addf %parallel_loop3A_1487, %parallel_loop3A_1507 : vector<16xf32>
        %parallel_loop3A_1509 = tpu.vector_load_idx %arg7[%add3A_15, %parallel_loop3A_1496] : memref<128x64xf32, #tpu.memory_space<vmem>>[vector<16xi32>, vector<16xi32>], vector<16xf32>,
        %parallel_loop3A_1510 = arith.mulf %parallel_loop3A_1509, %parallel_loop3A_1509 : vector<16xf32>
        %parallel_loop3A_1511 = arith.addf %parallel_loop3A_1488, %parallel_loop3A_1510 : vector<16xf32>
        %parallel_loop3A_1512 = tpu.vector_load_idx %arg7[%add3A_18, %parallel_loop3A_1496] : memref<128x64xf32, #tpu.memory_space<vmem>>[vector<16xi32>, vector<16xi32>], vector<16xf32>,
        %parallel_loop3A_1513 = arith.mulf %parallel_loop3A_1512, %parallel_loop3A_1512 : vector<16xf32>
        %parallel_loop3A_1514 = arith.addf %parallel_loop3A_1489, %parallel_loop3A_1513 : vector<16xf32>
        %parallel_loop3A_1515 = tpu.vector_load_idx %arg7[%add3A_21, %parallel_loop3A_1496] : memref<128x64xf32, #tpu.memory_space<vmem>>[vector<16xi32>, vector<16xi32>], vector<16xf32>,
        %parallel_loop3A_1516 = arith.mulf %parallel_loop3A_1515, %parallel_loop3A_1515 : vector<16xf32>
        %parallel_loop3A_1517 = arith.addf %parallel_loop3A_1490, %parallel_loop3A_1516 : vector<16xf32>
        %parallel_loop3A_1518 = tpu.vector_load_idx %arg7[%add3A_24, %parallel_loop3A_1496] : memref<128x64xf32, #tpu.memory_space<vmem>>[vector<16xi32>, vector<16xi32>], vector<16xf32>,
        %parallel_loop3A_1519 = arith.mulf %parallel_loop3A_1518, %parallel_loop3A_1518 : vector<16xf32>
        %parallel_loop3A_1520 = arith.addf %parallel_loop3A_1491, %parallel_loop3A_1519 : vector<16xf32>
        scf.yield %parallel_loop3A_1499, %parallel_loop3A_1502, %parallel_loop3A_1505, %parallel_loop3A_1508, %parallel_loop3A_1511, %parallel_loop3A_1514, %parallel_loop3A_1517, %parallel_loop3A_1520 : vector<16xf32>, vector<16xf32>, vector<16xf32>, vector<16xf32>, vector<16xf32>, vector<16xf32>, vector<16xf32>, vector<16xf32>
      } {sc.loop_unroll_factor = 4 : i64, sc.parallel_access}
      %gt3A_443 = arith.constant 1.000000e+00 : f32
      %gt3A_444 = vector.broadcast %gt3A_443 : f32 to vector<16xf32>
      %gt3A_445 = arith.cmpf ogt, %parallel_loop3A_442#0, %gt3A_444 : vector<16xf32>
      %bitcast3A_446 = vector.bitcast %parallel_loop3A_442#0 : vector<16xf32> to vector<16xi32>
      %shift_right_arithmetic3A_447 = arith.constant 1 : i32
      %shift_right_arithmetic3A_448 = vector.broadcast %shift_right_arithmetic3A_447 : i32 to vector<16xi32>
      %shift_right_arithmetic3A_449 = arith.shrsi %bitcast3A_446, %shift_right_arithmetic3A_448 : vector<16xi32>
      %sub3A_450 = arith.constant 1597463007 : i32
      %sub3A_451 = vector.broadcast %sub3A_450 : i32 to vector<16xi32>
      %sub3A_452 = arith.subi %sub3A_451, %shift_right_arithmetic3A_449 : vector<16xi32>
      %bitcast3A_453 = vector.bitcast %sub3A_452 : vector<16xi32> to vector<16xf32>
      %mul3A_454 = arith.constant 5.000000e-01 : f32
      %mul3A_455 = vector.broadcast %mul3A_454 : f32 to vector<16xf32>
      %mul3A_456 = arith.mulf %mul3A_455, %parallel_loop3A_442#0 : vector<16xf32>
      %mul3A_457 = arith.mulf %mul3A_456, %bitcast3A_453 : vector<16xf32>
      %mul3A_458 = arith.mulf %mul3A_457, %bitcast3A_453 : vector<16xf32>
      %sub3A_459 = arith.constant 1.500000e+00 : f32
      %sub3A_460 = vector.broadcast %sub3A_459 : f32 to vector<16xf32>
      %sub3A_461 = arith.subf %sub3A_460, %mul3A_458 : vector<16xf32>
      %mul3A_462 = arith.mulf %bitcast3A_453, %sub3A_461 : vector<16xf32>
      %mul3A_463 = arith.constant 5.000000e-01 : f32
      %mul3A_464 = vector.broadcast %mul3A_463 : f32 to vector<16xf32>
      %mul3A_465 = arith.mulf %mul3A_464, %parallel_loop3A_442#0 : vector<16xf32>
      %mul3A_466 = arith.mulf %mul3A_465, %mul3A_462 : vector<16xf32>
      %mul3A_467 = arith.mulf %mul3A_466, %mul3A_462 : vector<16xf32>
      %sub3A_468 = arith.constant 1.500000e+00 : f32
      %sub3A_469 = vector.broadcast %sub3A_468 : f32 to vector<16xf32>
      %sub3A_470 = arith.subf %sub3A_469, %mul3A_467 : vector<16xf32>
      %mul3A_471 = arith.mulf %mul3A_462, %sub3A_470 : vector<16xf32>
      %jit3A_472 = arith.constant 1.000000e+00 : f32
      %broadcast_in_dim3A_473 = vector.broadcast %jit3A_472 : f32 to vector<16xf32>
      %select_n3A_474 = arith.select %gt3A_445, %mul3A_471, %broadcast_in_dim3A_473 : vector<16xi1>, vector<16xf32>
      %gt3A_475 = arith.constant 1.000000e+00 : f32
      %gt3A_476 = vector.broadcast %gt3A_475 : f32 to vector<16xf32>
      %gt3A_477 = arith.cmpf ogt, %parallel_loop3A_442#1, %gt3A_476 : vector<16xf32>
      %bitcast3A_478 = vector.bitcast %parallel_loop3A_442#1 : vector<16xf32> to vector<16xi32>
      %shift_right_arithmetic3A_479 = arith.constant 1 : i32
      %shift_right_arithmetic3A_480 = vector.broadcast %shift_right_arithmetic3A_479 : i32 to vector<16xi32>
      %shift_right_arithmetic3A_481 = arith.shrsi %bitcast3A_478, %shift_right_arithmetic3A_480 : vector<16xi32>
      %sub3A_482 = arith.constant 1597463007 : i32
      %sub3A_483 = vector.broadcast %sub3A_482 : i32 to vector<16xi32>
      %sub3A_484 = arith.subi %sub3A_483, %shift_right_arithmetic3A_481 : vector<16xi32>
      %bitcast3A_485 = vector.bitcast %sub3A_484 : vector<16xi32> to vector<16xf32>
      %mul3A_486 = arith.constant 5.000000e-01 : f32
      %mul3A_487 = vector.broadcast %mul3A_486 : f32 to vector<16xf32>
      %mul3A_488 = arith.mulf %mul3A_487, %parallel_loop3A_442#1 : vector<16xf32>
      %mul3A_489 = arith.mulf %mul3A_488, %bitcast3A_485 : vector<16xf32>
      %mul3A_490 = arith.mulf %mul3A_489, %bitcast3A_485 : vector<16xf32>
      %sub3A_491 = arith.constant 1.500000e+00 : f32
      %sub3A_492 = vector.broadcast %sub3A_491 : f32 to vector<16xf32>
      %sub3A_493 = arith.subf %sub3A_492, %mul3A_490 : vector<16xf32>
      %mul3A_494 = arith.mulf %bitcast3A_485, %sub3A_493 : vector<16xf32>
      %mul3A_495 = arith.constant 5.000000e-01 : f32
      %mul3A_496 = vector.broadcast %mul3A_495 : f32 to vector<16xf32>
      %mul3A_497 = arith.mulf %mul3A_496, %parallel_loop3A_442#1 : vector<16xf32>
      %mul3A_498 = arith.mulf %mul3A_497, %mul3A_494 : vector<16xf32>
      %mul3A_499 = arith.mulf %mul3A_498, %mul3A_494 : vector<16xf32>
      %sub3A_500 = arith.constant 1.500000e+00 : f32
      %sub3A_501 = vector.broadcast %sub3A_500 : f32 to vector<16xf32>
      %sub3A_502 = arith.subf %sub3A_501, %mul3A_499 : vector<16xf32>
      %mul3A_503 = arith.mulf %mul3A_494, %sub3A_502 : vector<16xf32>
      %jit3A_504 = arith.constant 1.000000e+00 : f32
      %broadcast_in_dim3A_505 = vector.broadcast %jit3A_504 : f32 to vector<16xf32>
      %select_n3A_506 = arith.select %gt3A_477, %mul3A_503, %broadcast_in_dim3A_505 : vector<16xi1>, vector<16xf32>
      %gt3A_507 = arith.constant 1.000000e+00 : f32
      %gt3A_508 = vector.broadcast %gt3A_507 : f32 to vector<16xf32>
      %gt3A_509 = arith.cmpf ogt, %parallel_loop3A_442#2, %gt3A_508 : vector<16xf32>
      %bitcast3A_510 = vector.bitcast %parallel_loop3A_442#2 : vector<16xf32> to vector<16xi32>
      %shift_right_arithmetic3A_511 = arith.constant 1 : i32
      %shift_right_arithmetic3A_512 = vector.broadcast %shift_right_arithmetic3A_511 : i32 to vector<16xi32>
      %shift_right_arithmetic3A_513 = arith.shrsi %bitcast3A_510, %shift_right_arithmetic3A_512 : vector<16xi32>
      %sub3A_514 = arith.constant 1597463007 : i32
      %sub3A_515 = vector.broadcast %sub3A_514 : i32 to vector<16xi32>
      %sub3A_516 = arith.subi %sub3A_515, %shift_right_arithmetic3A_513 : vector<16xi32>
      %bitcast3A_517 = vector.bitcast %sub3A_516 : vector<16xi32> to vector<16xf32>
      %mul3A_518 = arith.constant 5.000000e-01 : f32
      %mul3A_519 = vector.broadcast %mul3A_518 : f32 to vector<16xf32>
      %mul3A_520 = arith.mulf %mul3A_519, %parallel_loop3A_442#2 : vector<16xf32>
      %mul3A_521 = arith.mulf %mul3A_520, %bitcast3A_517 : vector<16xf32>
      %mul3A_522 = arith.mulf %mul3A_521, %bitcast3A_517 : vector<16xf32>
      %sub3A_523 = arith.constant 1.500000e+00 : f32
      %sub3A_524 = vector.broadcast %sub3A_523 : f32 to vector<16xf32>
      %sub3A_525 = arith.subf %sub3A_524, %mul3A_522 : vector<16xf32>
      %mul3A_526 = arith.mulf %bitcast3A_517, %sub3A_525 : vector<16xf32>
      %mul3A_527 = arith.constant 5.000000e-01 : f32
      %mul3A_528 = vector.broadcast %mul3A_527 : f32 to vector<16xf32>
      %mul3A_529 = arith.mulf %mul3A_528, %parallel_loop3A_442#2 : vector<16xf32>
      %mul3A_530 = arith.mulf %mul3A_529, %mul3A_526 : vector<16xf32>
      %mul3A_531 = arith.mulf %mul3A_530, %mul3A_526 : vector<16xf32>
      %sub3A_532 = arith.constant 1.500000e+00 : f32
      %sub3A_533 = vector.broadcast %sub3A_532 : f32 to vector<16xf32>
      %sub3A_534 = arith.subf %sub3A_533, %mul3A_531 : vector<16xf32>
      %mul3A_535 = arith.mulf %mul3A_526, %sub3A_534 : vector<16xf32>
      %jit3A_536 = arith.constant 1.000000e+00 : f32
      %broadcast_in_dim3A_537 = vector.broadcast %jit3A_536 : f32 to vector<16xf32>
      %select_n3A_538 = arith.select %gt3A_509, %mul3A_535, %broadcast_in_dim3A_537 : vector<16xi1>, vector<16xf32>
      %gt3A_539 = arith.constant 1.000000e+00 : f32
      %gt3A_540 = vector.broadcast %gt3A_539 : f32 to vector<16xf32>
      %gt3A_541 = arith.cmpf ogt, %parallel_loop3A_442#3, %gt3A_540 : vector<16xf32>
      %bitcast3A_542 = vector.bitcast %parallel_loop3A_442#3 : vector<16xf32> to vector<16xi32>
      %shift_right_arithmetic3A_543 = arith.constant 1 : i32
      %shift_right_arithmetic3A_544 = vector.broadcast %shift_right_arithmetic3A_543 : i32 to vector<16xi32>
      %shift_right_arithmetic3A_545 = arith.shrsi %bitcast3A_542, %shift_right_arithmetic3A_544 : vector<16xi32>
      %sub3A_546 = arith.constant 1597463007 : i32
      %sub3A_547 = vector.broadcast %sub3A_546 : i32 to vector<16xi32>
      %sub3A_548 = arith.subi %sub3A_547, %shift_right_arithmetic3A_545 : vector<16xi32>
      %bitcast3A_549 = vector.bitcast %sub3A_548 : vector<16xi32> to vector<16xf32>
      %mul3A_550 = arith.constant 5.000000e-01 : f32
      %mul3A_551 = vector.broadcast %mul3A_550 : f32 to vector<16xf32>
      %mul3A_552 = arith.mulf %mul3A_551, %parallel_loop3A_442#3 : vector<16xf32>
      %mul3A_553 = arith.mulf %mul3A_552, %bitcast3A_549 : vector<16xf32>
      %mul3A_554 = arith.mulf %mul3A_553, %bitcast3A_549 : vector<16xf32>
      %sub3A_555 = arith.constant 1.500000e+00 : f32
      %sub3A_556 = vector.broadcast %sub3A_555 : f32 to vector<16xf32>
      %sub3A_557 = arith.subf %sub3A_556, %mul3A_554 : vector<16xf32>
      %mul3A_558 = arith.mulf %bitcast3A_549, %sub3A_557 : vector<16xf32>
      %mul3A_559 = arith.constant 5.000000e-01 : f32
      %mul3A_560 = vector.broadcast %mul3A_559 : f32 to vector<16xf32>
      %mul3A_561 = arith.mulf %mul3A_560, %parallel_loop3A_442#3 : vector<16xf32>
      %mul3A_562 = arith.mulf %mul3A_561, %mul3A_558 : vector<16xf32>
      %mul3A_563 = arith.mulf %mul3A_562, %mul3A_558 : vector<16xf32>
      %sub3A_564 = arith.constant 1.500000e+00 : f32
      %sub3A_565 = vector.broadcast %sub3A_564 : f32 to vector<16xf32>
      %sub3A_566 = arith.subf %sub3A_565, %mul3A_563 : vector<16xf32>
      %mul3A_567 = arith.mulf %mul3A_558, %sub3A_566 : vector<16xf32>
      %jit3A_568 = arith.constant 1.000000e+00 : f32
      %broadcast_in_dim3A_569 = vector.broadcast %jit3A_568 : f32 to vector<16xf32>
      %select_n3A_570 = arith.select %gt3A_541, %mul3A_567, %broadcast_in_dim3A_569 : vector<16xi1>, vector<16xf32>
      %gt3A_571 = arith.constant 1.000000e+00 : f32
      %gt3A_572 = vector.broadcast %gt3A_571 : f32 to vector<16xf32>
      %gt3A_573 = arith.cmpf ogt, %parallel_loop3A_442#4, %gt3A_572 : vector<16xf32>
      %bitcast3A_574 = vector.bitcast %parallel_loop3A_442#4 : vector<16xf32> to vector<16xi32>
      %shift_right_arithmetic3A_575 = arith.constant 1 : i32
      %shift_right_arithmetic3A_576 = vector.broadcast %shift_right_arithmetic3A_575 : i32 to vector<16xi32>
      %shift_right_arithmetic3A_577 = arith.shrsi %bitcast3A_574, %shift_right_arithmetic3A_576 : vector<16xi32>
      %sub3A_578 = arith.constant 1597463007 : i32
      %sub3A_579 = vector.broadcast %sub3A_578 : i32 to vector<16xi32>
      %sub3A_580 = arith.subi %sub3A_579, %shift_right_arithmetic3A_577 : vector<16xi32>
      %bitcast3A_581 = vector.bitcast %sub3A_580 : vector<16xi32> to vector<16xf32>
      %mul3A_582 = arith.constant 5.000000e-01 : f32
      %mul3A_583 = vector.broadcast %mul3A_582 : f32 to vector<16xf32>
      %mul3A_584 = arith.mulf %mul3A_583, %parallel_loop3A_442#4 : vector<16xf32>
      %mul3A_585 = arith.mulf %mul3A_584, %bitcast3A_581 : vector<16xf32>
      %mul3A_586 = arith.mulf %mul3A_585, %bitcast3A_581 : vector<16xf32>
      %sub3A_587 = arith.constant 1.500000e+00 : f32
      %sub3A_588 = vector.broadcast %sub3A_587 : f32 to vector<16xf32>
      %sub3A_589 = arith.subf %sub3A_588, %mul3A_586 : vector<16xf32>
      %mul3A_590 = arith.mulf %bitcast3A_581, %sub3A_589 : vector<16xf32>
      %mul3A_591 = arith.constant 5.000000e-01 : f32
      %mul3A_592 = vector.broadcast %mul3A_591 : f32 to vector<16xf32>
      %mul3A_593 = arith.mulf %mul3A_592, %parallel_loop3A_442#4 : vector<16xf32>
      %mul3A_594 = arith.mulf %mul3A_593, %mul3A_590 : vector<16xf32>
      %mul3A_595 = arith.mulf %mul3A_594, %mul3A_590 : vector<16xf32>
      %sub3A_596 = arith.constant 1.500000e+00 : f32
      %sub3A_597 = vector.broadcast %sub3A_596 : f32 to vector<16xf32>
      %sub3A_598 = arith.subf %sub3A_597, %mul3A_595 : vector<16xf32>
      %mul3A_599 = arith.mulf %mul3A_590, %sub3A_598 : vector<16xf32>
      %jit3A_600 = arith.constant 1.000000e+00 : f32
      %broadcast_in_dim3A_601 = vector.broadcast %jit3A_600 : f32 to vector<16xf32>
      %select_n3A_602 = arith.select %gt3A_573, %mul3A_599, %broadcast_in_dim3A_601 : vector<16xi1>, vector<16xf32>
      %gt3A_603 = arith.constant 1.000000e+00 : f32
      %gt3A_604 = vector.broadcast %gt3A_603 : f32 to vector<16xf32>
      %gt3A_605 = arith.cmpf ogt, %parallel_loop3A_442#5, %gt3A_604 : vector<16xf32>
      %bitcast3A_606 = vector.bitcast %parallel_loop3A_442#5 : vector<16xf32> to vector<16xi32>
      %shift_right_arithmetic3A_607 = arith.constant 1 : i32
      %shift_right_arithmetic3A_608 = vector.broadcast %shift_right_arithmetic3A_607 : i32 to vector<16xi32>
      %shift_right_arithmetic3A_609 = arith.shrsi %bitcast3A_606, %shift_right_arithmetic3A_608 : vector<16xi32>
      %sub3A_610 = arith.constant 1597463007 : i32
      %sub3A_611 = vector.broadcast %sub3A_610 : i32 to vector<16xi32>
      %sub3A_612 = arith.subi %sub3A_611, %shift_right_arithmetic3A_609 : vector<16xi32>
      %bitcast3A_613 = vector.bitcast %sub3A_612 : vector<16xi32> to vector<16xf32>
      %mul3A_614 = arith.constant 5.000000e-01 : f32
      %mul3A_615 = vector.broadcast %mul3A_614 : f32 to vector<16xf32>
      %mul3A_616 = arith.mulf %mul3A_615, %parallel_loop3A_442#5 : vector<16xf32>
      %mul3A_617 = arith.mulf %mul3A_616, %bitcast3A_613 : vector<16xf32>
      %mul3A_618 = arith.mulf %mul3A_617, %bitcast3A_613 : vector<16xf32>
      %sub3A_619 = arith.constant 1.500000e+00 : f32
      %sub3A_620 = vector.broadcast %sub3A_619 : f32 to vector<16xf32>
      %sub3A_621 = arith.subf %sub3A_620, %mul3A_618 : vector<16xf32>
      %mul3A_622 = arith.mulf %bitcast3A_613, %sub3A_621 : vector<16xf32>
      %mul3A_623 = arith.constant 5.000000e-01 : f32
      %mul3A_624 = vector.broadcast %mul3A_623 : f32 to vector<16xf32>
      %mul3A_625 = arith.mulf %mul3A_624, %parallel_loop3A_442#5 : vector<16xf32>
      %mul3A_626 = arith.mulf %mul3A_625, %mul3A_622 : vector<16xf32>
      %mul3A_627 = arith.mulf %mul3A_626, %mul3A_622 : vector<16xf32>
      %sub3A_628 = arith.constant 1.500000e+00 : f32
      %sub3A_629 = vector.broadcast %sub3A_628 : f32 to vector<16xf32>
      %sub3A_630 = arith.subf %sub3A_629, %mul3A_627 : vector<16xf32>
      %mul3A_631 = arith.mulf %mul3A_622, %sub3A_630 : vector<16xf32>
      %jit3A_632 = arith.constant 1.000000e+00 : f32
      %broadcast_in_dim3A_633 = vector.broadcast %jit3A_632 : f32 to vector<16xf32>
      %select_n3A_634 = arith.select %gt3A_605, %mul3A_631, %broadcast_in_dim3A_633 : vector<16xi1>, vector<16xf32>
      %gt3A_635 = arith.constant 1.000000e+00 : f32
      %gt3A_636 = vector.broadcast %gt3A_635 : f32 to vector<16xf32>
      %gt3A_637 = arith.cmpf ogt, %parallel_loop3A_442#6, %gt3A_636 : vector<16xf32>
      %bitcast3A_638 = vector.bitcast %parallel_loop3A_442#6 : vector<16xf32> to vector<16xi32>
      %shift_right_arithmetic3A_639 = arith.constant 1 : i32
      %shift_right_arithmetic3A_640 = vector.broadcast %shift_right_arithmetic3A_639 : i32 to vector<16xi32>
      %shift_right_arithmetic3A_641 = arith.shrsi %bitcast3A_638, %shift_right_arithmetic3A_640 : vector<16xi32>
      %sub3A_642 = arith.constant 1597463007 : i32
      %sub3A_643 = vector.broadcast %sub3A_642 : i32 to vector<16xi32>
      %sub3A_644 = arith.subi %sub3A_643, %shift_right_arithmetic3A_641 : vector<16xi32>
      %bitcast3A_645 = vector.bitcast %sub3A_644 : vector<16xi32> to vector<16xf32>
      %mul3A_646 = arith.constant 5.000000e-01 : f32
      %mul3A_647 = vector.broadcast %mul3A_646 : f32 to vector<16xf32>
      %mul3A_648 = arith.mulf %mul3A_647, %parallel_loop3A_442#6 : vector<16xf32>
      %mul3A_649 = arith.mulf %mul3A_648, %bitcast3A_645 : vector<16xf32>
      %mul3A_650 = arith.mulf %mul3A_649, %bitcast3A_645 : vector<16xf32>
      %sub3A_651 = arith.constant 1.500000e+00 : f32
      %sub3A_652 = vector.broadcast %sub3A_651 : f32 to vector<16xf32>
      %sub3A_653 = arith.subf %sub3A_652, %mul3A_650 : vector<16xf32>
      %mul3A_654 = arith.mulf %bitcast3A_645, %sub3A_653 : vector<16xf32>
      %mul3A_655 = arith.constant 5.000000e-01 : f32
      %mul3A_656 = vector.broadcast %mul3A_655 : f32 to vector<16xf32>
      %mul3A_657 = arith.mulf %mul3A_656, %parallel_loop3A_442#6 : vector<16xf32>
      %mul3A_658 = arith.mulf %mul3A_657, %mul3A_654 : vector<16xf32>
      %mul3A_659 = arith.mulf %mul3A_658, %mul3A_654 : vector<16xf32>
      %sub3A_660 = arith.constant 1.500000e+00 : f32
      %sub3A_661 = vector.broadcast %sub3A_660 : f32 to vector<16xf32>
      %sub3A_662 = arith.subf %sub3A_661, %mul3A_659 : vector<16xf32>
      %mul3A_663 = arith.mulf %mul3A_654, %sub3A_662 : vector<16xf32>
      %jit3A_664 = arith.constant 1.000000e+00 : f32
      %broadcast_in_dim3A_665 = vector.broadcast %jit3A_664 : f32 to vector<16xf32>
      %select_n3A_666 = arith.select %gt3A_637, %mul3A_663, %broadcast_in_dim3A_665 : vector<16xi1>, vector<16xf32>
      %gt3A_667 = arith.constant 1.000000e+00 : f32
      %gt3A_668 = vector.broadcast %gt3A_667 : f32 to vector<16xf32>
      %gt3A_669 = arith.cmpf ogt, %parallel_loop3A_442#7, %gt3A_668 : vector<16xf32>
      %bitcast3A_670 = vector.bitcast %parallel_loop3A_442#7 : vector<16xf32> to vector<16xi32>
      %shift_right_arithmetic3A_671 = arith.constant 1 : i32
      %shift_right_arithmetic3A_672 = vector.broadcast %shift_right_arithmetic3A_671 : i32 to vector<16xi32>
      %shift_right_arithmetic3A_673 = arith.shrsi %bitcast3A_670, %shift_right_arithmetic3A_672 : vector<16xi32>
      %sub3A_674 = arith.constant 1597463007 : i32
      %sub3A_675 = vector.broadcast %sub3A_674 : i32 to vector<16xi32>
      %sub3A_676 = arith.subi %sub3A_675, %shift_right_arithmetic3A_673 : vector<16xi32>
      %bitcast3A_677 = vector.bitcast %sub3A_676 : vector<16xi32> to vector<16xf32>
      %mul3A_678 = arith.constant 5.000000e-01 : f32
      %mul3A_679 = vector.broadcast %mul3A_678 : f32 to vector<16xf32>
      %mul3A_680 = arith.mulf %mul3A_679, %parallel_loop3A_442#7 : vector<16xf32>
      %mul3A_681 = arith.mulf %mul3A_680, %bitcast3A_677 : vector<16xf32>
      %mul3A_682 = arith.mulf %mul3A_681, %bitcast3A_677 : vector<16xf32>
      %sub3A_683 = arith.constant 1.500000e+00 : f32
      %sub3A_684 = vector.broadcast %sub3A_683 : f32 to vector<16xf32>
      %sub3A_685 = arith.subf %sub3A_684, %mul3A_682 : vector<16xf32>
      %mul3A_686 = arith.mulf %bitcast3A_677, %sub3A_685 : vector<16xf32>
      %mul3A_687 = arith.constant 5.000000e-01 : f32
      %mul3A_688 = vector.broadcast %mul3A_687 : f32 to vector<16xf32>
      %mul3A_689 = arith.mulf %mul3A_688, %parallel_loop3A_442#7 : vector<16xf32>
      %mul3A_690 = arith.mulf %mul3A_689, %mul3A_686 : vector<16xf32>
      %mul3A_691 = arith.mulf %mul3A_690, %mul3A_686 : vector<16xf32>
      %sub3A_692 = arith.constant 1.500000e+00 : f32
      %sub3A_693 = vector.broadcast %sub3A_692 : f32 to vector<16xf32>
      %sub3A_694 = arith.subf %sub3A_693, %mul3A_691 : vector<16xf32>
      %mul3A_695 = arith.mulf %mul3A_686, %sub3A_694 : vector<16xf32>
      %jit3A_696 = arith.constant 1.000000e+00 : f32
      %broadcast_in_dim3A_697 = vector.broadcast %jit3A_696 : f32 to vector<16xf32>
      %select_n3A_698 = arith.select %gt3A_669, %mul3A_695, %broadcast_in_dim3A_697 : vector<16xi1>, vector<16xf32>
      %parallel_loop3A_699 = arith.constant 0 : i32
      %parallel_loop3A_700 = arith.constant 64 : i32
      %parallel_loop3A_701 = arith.constant 1 : i32
      scf.for %parallel_loop3A_1483 = %parallel_loop3A_699 to %parallel_loop3A_700 step %parallel_loop3A_701  : i32 {
        %parallel_loop3A_1484 = vector.broadcast %parallel_loop3A_1483 : i32 to vector<16xi32>
        %parallel_loop3A_1485 = arith.addi %parallel_loop3A_1484, %iota3A : vector<16xi32>
        %parallel_loop3A_1486 = arith.constant 63 : i32
        %parallel_loop3A_1487 = vector.broadcast %parallel_loop3A_1486 : i32 to vector<16xi32>
        %parallel_loop3A_1488 = arith.andi %parallel_loop3A_1485, %parallel_loop3A_1487 : vector<16xi32>
        %parallel_loop3A_1489 = arith.constant 3 : i32
        %parallel_loop3A_1490 = vector.broadcast %parallel_loop3A_1489 : i32 to vector<16xi32>
        %parallel_loop3A_1491 = arith.shrsi %parallel_loop3A_1488, %parallel_loop3A_1490 : vector<16xi32>
        %parallel_loop3A_1492 = arith.constant 7 : i32
        %parallel_loop3A_1493 = vector.broadcast %parallel_loop3A_1492 : i32 to vector<16xi32>
        %parallel_loop3A_1494 = arith.andi %parallel_loop3A_1488, %parallel_loop3A_1493 : vector<16xi32>
        %parallel_loop3A_1495 = tpu.vector_load_idx %arg7[%add3A_3, %parallel_loop3A_1488] : memref<128x64xf32, #tpu.memory_space<vmem>>[vector<16xi32>, vector<16xi32>], vector<16xf32>,
        %parallel_loop3A_1496 = arith.mulf %parallel_loop3A_1495, %select_n3A_474 : vector<16xf32>
        tpu.vector_store_idx %arg11[%parallel_loop3A_1491, %parallel_loop3A_1494, %add3A_3], %parallel_loop3A_1496 : memref<8x8x128xf32, #tpu.memory_space<vmem>>[vector<16xi32>, vector<16xi32>, vector<16xi32>], vector<16xf32>,
        %parallel_loop3A_1497 = tpu.vector_load_idx %arg7[%add3A_6, %parallel_loop3A_1488] : memref<128x64xf32, #tpu.memory_space<vmem>>[vector<16xi32>, vector<16xi32>], vector<16xf32>,
        %parallel_loop3A_1498 = arith.mulf %parallel_loop3A_1497, %select_n3A_506 : vector<16xf32>
        tpu.vector_store_idx %arg11[%parallel_loop3A_1491, %parallel_loop3A_1494, %add3A_6], %parallel_loop3A_1498 : memref<8x8x128xf32, #tpu.memory_space<vmem>>[vector<16xi32>, vector<16xi32>, vector<16xi32>], vector<16xf32>,
        %parallel_loop3A_1499 = tpu.vector_load_idx %arg7[%add3A_9, %parallel_loop3A_1488] : memref<128x64xf32, #tpu.memory_space<vmem>>[vector<16xi32>, vector<16xi32>], vector<16xf32>,
        %parallel_loop3A_1500 = arith.mulf %parallel_loop3A_1499, %select_n3A_538 : vector<16xf32>
        tpu.vector_store_idx %arg11[%parallel_loop3A_1491, %parallel_loop3A_1494, %add3A_9], %parallel_loop3A_1500 : memref<8x8x128xf32, #tpu.memory_space<vmem>>[vector<16xi32>, vector<16xi32>, vector<16xi32>], vector<16xf32>,
        %parallel_loop3A_1501 = tpu.vector_load_idx %arg7[%add3A_12, %parallel_loop3A_1488] : memref<128x64xf32, #tpu.memory_space<vmem>>[vector<16xi32>, vector<16xi32>], vector<16xf32>,
        %parallel_loop3A_1502 = arith.mulf %parallel_loop3A_1501, %select_n3A_570 : vector<16xf32>
        tpu.vector_store_idx %arg11[%parallel_loop3A_1491, %parallel_loop3A_1494, %add3A_12], %parallel_loop3A_1502 : memref<8x8x128xf32, #tpu.memory_space<vmem>>[vector<16xi32>, vector<16xi32>, vector<16xi32>], vector<16xf32>,
        %parallel_loop3A_1503 = tpu.vector_load_idx %arg7[%add3A_15, %parallel_loop3A_1488] : memref<128x64xf32, #tpu.memory_space<vmem>>[vector<16xi32>, vector<16xi32>], vector<16xf32>,
        %parallel_loop3A_1504 = arith.mulf %parallel_loop3A_1503, %select_n3A_602 : vector<16xf32>
        tpu.vector_store_idx %arg11[%parallel_loop3A_1491, %parallel_loop3A_1494, %add3A_15], %parallel_loop3A_1504 : memref<8x8x128xf32, #tpu.memory_space<vmem>>[vector<16xi32>, vector<16xi32>, vector<16xi32>], vector<16xf32>,
        %parallel_loop3A_1505 = tpu.vector_load_idx %arg7[%add3A_18, %parallel_loop3A_1488] : memref<128x64xf32, #tpu.memory_space<vmem>>[vector<16xi32>, vector<16xi32>], vector<16xf32>,
        %parallel_loop3A_1506 = arith.mulf %parallel_loop3A_1505, %select_n3A_634 : vector<16xf32>
        tpu.vector_store_idx %arg11[%parallel_loop3A_1491, %parallel_loop3A_1494, %add3A_18], %parallel_loop3A_1506 : memref<8x8x128xf32, #tpu.memory_space<vmem>>[vector<16xi32>, vector<16xi32>, vector<16xi32>], vector<16xf32>,
        %parallel_loop3A_1507 = tpu.vector_load_idx %arg7[%add3A_21, %parallel_loop3A_1488] : memref<128x64xf32, #tpu.memory_space<vmem>>[vector<16xi32>, vector<16xi32>], vector<16xf32>,
        %parallel_loop3A_1508 = arith.mulf %parallel_loop3A_1507, %select_n3A_666 : vector<16xf32>
        tpu.vector_store_idx %arg11[%parallel_loop3A_1491, %parallel_loop3A_1494, %add3A_21], %parallel_loop3A_1508 : memref<8x8x128xf32, #tpu.memory_space<vmem>>[vector<16xi32>, vector<16xi32>, vector<16xi32>], vector<16xf32>,
        %parallel_loop3A_1509 = tpu.vector_load_idx %arg7[%add3A_24, %parallel_loop3A_1488] : memref<128x64xf32, #tpu.memory_space<vmem>>[vector<16xi32>, vector<16xi32>], vector<16xf32>,
        %parallel_loop3A_1510 = arith.mulf %parallel_loop3A_1509, %select_n3A_698 : vector<16xf32>
        tpu.vector_store_idx %arg11[%parallel_loop3A_1491, %parallel_loop3A_1494, %add3A_24], %parallel_loop3A_1510 : memref<8x8x128xf32, #tpu.memory_space<vmem>>[vector<16xi32>, vector<16xi32>, vector<16xi32>], vector<16xf32>,
      } {sc.loop_unroll_factor = 4 : i64, sc.parallel_access}
      %ge3A_702 = arith.constant 1 : i32
      %ge3A_703 = arith.cmpi sge, %add3A_415, %ge3A_702 : i32
      %convert_element_type3A_704 = arith.extui %ge3A_703 : i1 to i32
      %cond3A_705 = arith.constant 0 : i32
      %cond3A_706 = arith.cmpi ne, %convert_element_type3A_704, %cond3A_705 : i32
      scf.if %cond3A_706 {
        %dma_wait3A_1483 = arith.constant 0 : i32
        %dma_wait3A_1484 = arith.constant 0 : i32
        %dma_wait3A_1485 = arith.constant 0 : i32
        %dma_wait3A_1486 = arith.constant 0 : i32
        %dma_wait3A_1487 = arith.constant 0 : i32
        %dma_wait3A_1488 = tpu.memref_slice %arg4[%dma_wait3A_1483, %dma_wait3A_1485, %dma_wait3A_1484, %dma_wait3A_1486, %dma_wait3A_1487] : memref<26x8x128x8x128xf32, #tpu.memory_space<hbm>> -> memref<1x8x1x8x128xf32, #tpu.memory_space<hbm>>
        %dma_wait3A_1489 = tpu.memref_squeeze %dma_wait3A_1488 : memref<1x8x1x8x128xf32, #tpu.memory_space<hbm>> -> memref<8x8x128xf32, #tpu.memory_space<hbm>>
        %dma_wait3A_1490 = arith.constant 0 : i32
        %dma_wait3A_1491 = arith.constant 0 : i32
        %dma_wait3A_1492 = arith.constant 0 : i32
        %dma_wait3A_1493 = tpu.memref_slice %arg4[%dma_wait3A_1483, %dma_wait3A_1490, %dma_wait3A_1484, %dma_wait3A_1491, %dma_wait3A_1492] : memref<26x8x128x8x128xf32, #tpu.memory_space<hbm>> -> memref<1x8x1x8x128xf32, #tpu.memory_space<hbm>>
        %dma_wait3A_1494 = tpu.memref_squeeze %dma_wait3A_1493 : memref<1x8x1x8x128xf32, #tpu.memory_space<hbm>> -> memref<8x8x128xf32, #tpu.memory_space<hbm>>
        tpu.wait_dma2 semaphore(%arg18 : memref<!tpu.dma_semaphore, #tpu.memory_space<semaphore_mem>>) src(%arg10 : memref<8x8x128xf32, #tpu.memory_space<vmem>>) dst(%dma_wait3A_1494 : memref<8x8x128xf32, #tpu.memory_space<hbm>>)
      } else {
      }
      %mul3A_707 = arith.constant 104 : i32
      %mul3A_708 = arith.muli %add3A, %mul3A_707 : i32
      %add3A_709 = arith.addi %mul3A_708, %add3A_415 : i32
      %jit3A_710 = arith.constant 128 : i32
      %div3A_711 = arith.divsi %add3A_709, %jit3A_710 : i32
      %sign3A_712 = arith.constant 0 : i32
      %sign3A_713 = arith.cmpi sgt, %add3A_709, %sign3A_712 : i32
      %sign3A_714 = arith.extui %sign3A_713 : i1 to i32
      %sign3A_715 = arith.constant 0 : i32
      %sign3A_716 = arith.cmpi slt, %add3A_709, %sign3A_715 : i32
      %sign3A_717 = arith.extui %sign3A_716 : i1 to i32
      %sign3A_718 = arith.subi %sign3A_714, %sign3A_717 : i32
      %sign3A_719 = arith.constant 0 : i32
      %sign3A_720 = arith.cmpi sgt, %jit3A_710, %sign3A_719 : i32
      %sign3A_721 = arith.extui %sign3A_720 : i1 to i32
      %sign3A_722 = arith.constant 0 : i32
      %sign3A_723 = arith.cmpi slt, %jit3A_710, %sign3A_722 : i32
      %sign3A_724 = arith.extui %sign3A_723 : i1 to i32
      %sign3A_725 = arith.subi %sign3A_721, %sign3A_724 : i32
      %ne3A_726 = arith.cmpi ne, %sign3A_718, %sign3A_725 : i32
      %rem3A_727 = arith.remsi %add3A_709, %jit3A_710 : i32
      %ne3A_728 = arith.constant 0 : i32
      %ne3A_729 = arith.cmpi ne, %rem3A_727, %ne3A_728 : i32
      %and3A_730 = arith.andi %ne3A_726, %ne3A_729 : i1
      %sub3A_731 = arith.constant 1 : i32
      %sub3A_732 = arith.subi %div3A_711, %sub3A_731 : i32
      %select_n3A_733 = arith.select %and3A_730, %sub3A_732, %div3A_711 : i32
      %jit3A_734 = arith.constant 128 : i32
      %eq3A_735 = arith.constant 0 : i32
      %eq3A_736 = arith.cmpi eq, %jit3A_734, %eq3A_735 : i32
      %jit3A_737 = arith.constant 1 : i32
      %select_n3A_738 = arith.select %eq3A_736, %jit3A_737, %jit3A_734 : i32
      %rem3A_739 = arith.remsi %add3A_709, %select_n3A_738 : i32
      %ne3A_740 = arith.constant 0 : i32
      %ne3A_741 = arith.cmpi ne, %rem3A_739, %ne3A_740 : i32
      %lt3A_742 = arith.constant 0 : i32
      %lt3A_743 = arith.cmpi slt, %rem3A_739, %lt3A_742 : i32
      %lt3A_744 = arith.constant 0 : i32
      %lt3A_745 = arith.cmpi slt, %select_n3A_738, %lt3A_744 : i32
      %ne3A_746 = arith.xori %lt3A_743, %lt3A_745 : i1
      %and3A_747 = arith.andi %ne3A_746, %ne3A_741 : i1
      %add3A_748 = arith.addi %rem3A_739, %select_n3A_738 : i32
      %select_n3A_749 = arith.select %and3A_747, %add3A_748, %rem3A_739 : i32
      %dma_start3A_750 = arith.constant 0 : i32
      %dma_start3A_751 = arith.constant 0 : i32
      %dma_start3A_752 = arith.constant 0 : i32
      %dma_start3A_753 = tpu.memref_slice %arg4[%select_n3A_733, %dma_start3A_750, %select_n3A_749, %dma_start3A_751, %dma_start3A_752] : memref<26x8x128x8x128xf32, #tpu.memory_space<hbm>> -> memref<1x8x1x8x128xf32, #tpu.memory_space<hbm>>
      %dma_start3A_754 = tpu.memref_squeeze %dma_start3A_753 : memref<1x8x1x8x128xf32, #tpu.memory_space<hbm>> -> memref<8x8x128xf32, #tpu.memory_space<hbm>>
      %dma_start3A_755 = arith.constant 0 : i32
      %dma_start3A_756 = arith.constant 0 : i32
      %dma_start3A_757 = arith.constant 0 : i32
      %dma_start3A_758 = tpu.memref_slice %arg4[%select_n3A_733, %dma_start3A_755, %select_n3A_749, %dma_start3A_756, %dma_start3A_757] : memref<26x8x128x8x128xf32, #tpu.memory_space<hbm>> -> memref<1x8x1x8x128xf32, #tpu.memory_space<hbm>>
      %dma_start3A_759 = tpu.memref_squeeze %dma_start3A_758 : memref<1x8x1x8x128xf32, #tpu.memory_space<hbm>> -> memref<8x8x128xf32, #tpu.memory_space<hbm>>
      tpu.enqueue_dma source(%arg11 : memref<8x8x128xf32, #tpu.memory_space<vmem>>) target(%dma_start3A_759 : memref<8x8x128xf32, #tpu.memory_space<hbm>>) target_semaphore(%arg19 : memref<!tpu.dma_semaphore, #tpu.memory_space<semaphore_mem>>)
      %add3A_760 = arith.constant 4 : i32
      %add3A_761 = arith.addi %add3A_415, %add3A_760 : i32
      %sub3A_762 = arith.constant 1 : i32
      %sub3A_763 = arith.subi %add3A_761, %sub3A_762 : i32
      %lt3A_764 = arith.constant 104 : i32
      %lt3A_765 = arith.cmpi slt, %sub3A_763, %lt3A_764 : i32
      %convert_element_type3A_766 = arith.extui %lt3A_765 : i1 to i32
      %cond3A_767 = arith.constant 0 : i32
      %cond3A_768 = arith.cmpi ne, %convert_element_type3A_766, %cond3A_767 : i32
      scf.if %cond3A_768 {
        %add3A_1483 = arith.constant 4 : i32
        %add3A_1484 = arith.addi %add3A_415, %add3A_1483 : i32
        %sub3A_1485 = arith.constant 1 : i32
        %sub3A_1486 = arith.subi %add3A_1484, %sub3A_1485 : i32
        %dma_start3A_1487 = arith.constant 0 : i32
        %dma_start3A_1488 = tpu.memref_slice %arg5[%sub3A_1486, %dma_start3A_1487] : memref<104x128xi32, #tpu.memory_space<vmem>> -> memref<1x128xi32, #tpu.memory_space<vmem>>
        %dma_start3A_1489 = tpu.memref_squeeze %dma_start3A_1488 : memref<1x128xi32, #tpu.memory_space<vmem>> -> memref<128xi32, #tpu.memory_space<vmem>>
        %dma_start3A_1490 = arith.constant 0 : i32
        %dma_start3A_1491 = arith.constant 0 : i32
        %dma_start3A_1492 = tpu.memref_slice %arg3[%dma_start3A_1490, %dma_start3A_1491] : memref<1000000x64xf32, #tpu.memory_space<hbm>> -> memref<1000000x64xf32, #tpu.memory_space<hbm>>
        tpu.enqueue_indirect_dma source(%dma_start3A_1492 : memref<1000000x64xf32, #tpu.memory_space<hbm>>) target(%arg6 : memref<128x64xf32, #tpu.memory_space<vmem>>) offsets(%dma_start3A_1489 : memref<128xi32, #tpu.memory_space<vmem>>) semaphore(%arg14 : memref<!tpu.dma_semaphore, #tpu.memory_space<semaphore_mem>>)
      } else {
      }
      %mul3A_769 = arith.constant 4 : i32
      %mul3A_770 = arith.muli %scan3A_72, %mul3A_769 : i32
      %add3A_771 = arith.constant 2 : i32
      %add3A_772 = arith.addi %mul3A_770, %add3A_771 : i32
      %dma_wait3A_773 = arith.constant 0 : i32
      %dma_wait3A_774 = arith.constant 0 : i32
      %dma_wait3A_775 = tpu.memref_slice %arg5[%dma_wait3A_773, %dma_wait3A_774] : memref<104x128xi32, #tpu.memory_space<vmem>> -> memref<1x128xi32, #tpu.memory_space<vmem>>
      %dma_wait3A_776 = tpu.memref_squeeze %dma_wait3A_775 : memref<1x128xi32, #tpu.memory_space<vmem>> -> memref<128xi32, #tpu.memory_space<vmem>>
      %dma_wait3A_777 = arith.constant 0 : i32
      %dma_wait3A_778 = arith.constant 0 : i32
      %dma_wait3A_779 = tpu.memref_slice %arg3[%dma_wait3A_777, %dma_wait3A_778] : memref<1000000x64xf32, #tpu.memory_space<hbm>> -> memref<1000000x64xf32, #tpu.memory_space<hbm>>
      tpu.wait_indirect_dma semaphore(%arg16 : memref<!tpu.dma_semaphore, #tpu.memory_space<semaphore_mem>>) src(%dma_wait3A_779 : memref<1000000x64xf32, #tpu.memory_space<hbm>>) dst(%arg8 : memref<128x64xf32, #tpu.memory_space<vmem>>)
      %broadcast_in_dim3A_780 = arith.constant 0.000000e+00 : f32
      %broadcast_in_dim3A_781 = vector.broadcast %broadcast_in_dim3A_780 : f32 to vector<16xf32>
      %broadcast_in_dim3A_782 = arith.constant 0.000000e+00 : f32
      %broadcast_in_dim3A_783 = vector.broadcast %broadcast_in_dim3A_782 : f32 to vector<16xf32>
      %broadcast_in_dim3A_784 = arith.constant 0.000000e+00 : f32
      %broadcast_in_dim3A_785 = vector.broadcast %broadcast_in_dim3A_784 : f32 to vector<16xf32>
      %broadcast_in_dim3A_786 = arith.constant 0.000000e+00 : f32
      %broadcast_in_dim3A_787 = vector.broadcast %broadcast_in_dim3A_786 : f32 to vector<16xf32>
      %broadcast_in_dim3A_788 = arith.constant 0.000000e+00 : f32
      %broadcast_in_dim3A_789 = vector.broadcast %broadcast_in_dim3A_788 : f32 to vector<16xf32>
      %broadcast_in_dim3A_790 = arith.constant 0.000000e+00 : f32
      %broadcast_in_dim3A_791 = vector.broadcast %broadcast_in_dim3A_790 : f32 to vector<16xf32>
      %broadcast_in_dim3A_792 = arith.constant 0.000000e+00 : f32
      %broadcast_in_dim3A_793 = vector.broadcast %broadcast_in_dim3A_792 : f32 to vector<16xf32>
      %broadcast_in_dim3A_794 = arith.constant 0.000000e+00 : f32
      %broadcast_in_dim3A_795 = vector.broadcast %broadcast_in_dim3A_794 : f32 to vector<16xf32>
      %parallel_loop3A_796 = arith.constant 0 : i32
      %parallel_loop3A_797 = arith.constant 64 : i32
      %parallel_loop3A_798 = arith.constant 1 : i32
      %parallel_loop3A_799:8 = scf.for %parallel_loop3A_1483 = %parallel_loop3A_796 to %parallel_loop3A_797 step %parallel_loop3A_798 iter_args(%parallel_loop3A_1484 = %broadcast_in_dim3A_781, %parallel_loop3A_1485 = %broadcast_in_dim3A_783, %parallel_loop3A_1486 = %broadcast_in_dim3A_785, %parallel_loop3A_1487 = %broadcast_in_dim3A_787, %parallel_loop3A_1488 = %broadcast_in_dim3A_789, %parallel_loop3A_1489 = %broadcast_in_dim3A_791, %parallel_loop3A_1490 = %broadcast_in_dim3A_793, %parallel_loop3A_1491 = %broadcast_in_dim3A_795) -> (vector<16xf32>, vector<16xf32>, vector<16xf32>, vector<16xf32>, vector<16xf32>, vector<16xf32>, vector<16xf32>, vector<16xf32>)  : i32 {
        %parallel_loop3A_1492 = vector.broadcast %parallel_loop3A_1483 : i32 to vector<16xi32>
        %parallel_loop3A_1493 = arith.addi %parallel_loop3A_1492, %iota3A : vector<16xi32>
        %parallel_loop3A_1494 = arith.constant 63 : i32
        %parallel_loop3A_1495 = vector.broadcast %parallel_loop3A_1494 : i32 to vector<16xi32>
        %parallel_loop3A_1496 = arith.andi %parallel_loop3A_1493, %parallel_loop3A_1495 : vector<16xi32>
        %parallel_loop3A_1497 = tpu.vector_load_idx %arg8[%add3A_3, %parallel_loop3A_1496] : memref<128x64xf32, #tpu.memory_space<vmem>>[vector<16xi32>, vector<16xi32>], vector<16xf32>,
        %parallel_loop3A_1498 = arith.mulf %parallel_loop3A_1497, %parallel_loop3A_1497 : vector<16xf32>
        %parallel_loop3A_1499 = arith.addf %parallel_loop3A_1484, %parallel_loop3A_1498 : vector<16xf32>
        %parallel_loop3A_1500 = tpu.vector_load_idx %arg8[%add3A_6, %parallel_loop3A_1496] : memref<128x64xf32, #tpu.memory_space<vmem>>[vector<16xi32>, vector<16xi32>], vector<16xf32>,
        %parallel_loop3A_1501 = arith.mulf %parallel_loop3A_1500, %parallel_loop3A_1500 : vector<16xf32>
        %parallel_loop3A_1502 = arith.addf %parallel_loop3A_1485, %parallel_loop3A_1501 : vector<16xf32>
        %parallel_loop3A_1503 = tpu.vector_load_idx %arg8[%add3A_9, %parallel_loop3A_1496] : memref<128x64xf32, #tpu.memory_space<vmem>>[vector<16xi32>, vector<16xi32>], vector<16xf32>,
        %parallel_loop3A_1504 = arith.mulf %parallel_loop3A_1503, %parallel_loop3A_1503 : vector<16xf32>
        %parallel_loop3A_1505 = arith.addf %parallel_loop3A_1486, %parallel_loop3A_1504 : vector<16xf32>
        %parallel_loop3A_1506 = tpu.vector_load_idx %arg8[%add3A_12, %parallel_loop3A_1496] : memref<128x64xf32, #tpu.memory_space<vmem>>[vector<16xi32>, vector<16xi32>], vector<16xf32>,
        %parallel_loop3A_1507 = arith.mulf %parallel_loop3A_1506, %parallel_loop3A_1506 : vector<16xf32>
        %parallel_loop3A_1508 = arith.addf %parallel_loop3A_1487, %parallel_loop3A_1507 : vector<16xf32>
        %parallel_loop3A_1509 = tpu.vector_load_idx %arg8[%add3A_15, %parallel_loop3A_1496] : memref<128x64xf32, #tpu.memory_space<vmem>>[vector<16xi32>, vector<16xi32>], vector<16xf32>,
        %parallel_loop3A_1510 = arith.mulf %parallel_loop3A_1509, %parallel_loop3A_1509 : vector<16xf32>
        %parallel_loop3A_1511 = arith.addf %parallel_loop3A_1488, %parallel_loop3A_1510 : vector<16xf32>
        %parallel_loop3A_1512 = tpu.vector_load_idx %arg8[%add3A_18, %parallel_loop3A_1496] : memref<128x64xf32, #tpu.memory_space<vmem>>[vector<16xi32>, vector<16xi32>], vector<16xf32>,
        %parallel_loop3A_1513 = arith.mulf %parallel_loop3A_1512, %parallel_loop3A_1512 : vector<16xf32>
        %parallel_loop3A_1514 = arith.addf %parallel_loop3A_1489, %parallel_loop3A_1513 : vector<16xf32>
        %parallel_loop3A_1515 = tpu.vector_load_idx %arg8[%add3A_21, %parallel_loop3A_1496] : memref<128x64xf32, #tpu.memory_space<vmem>>[vector<16xi32>, vector<16xi32>], vector<16xf32>,
        %parallel_loop3A_1516 = arith.mulf %parallel_loop3A_1515, %parallel_loop3A_1515 : vector<16xf32>
        %parallel_loop3A_1517 = arith.addf %parallel_loop3A_1490, %parallel_loop3A_1516 : vector<16xf32>
        %parallel_loop3A_1518 = tpu.vector_load_idx %arg8[%add3A_24, %parallel_loop3A_1496] : memref<128x64xf32, #tpu.memory_space<vmem>>[vector<16xi32>, vector<16xi32>], vector<16xf32>,
        %parallel_loop3A_1519 = arith.mulf %parallel_loop3A_1518, %parallel_loop3A_1518 : vector<16xf32>
        %parallel_loop3A_1520 = arith.addf %parallel_loop3A_1491, %parallel_loop3A_1519 : vector<16xf32>
        scf.yield %parallel_loop3A_1499, %parallel_loop3A_1502, %parallel_loop3A_1505, %parallel_loop3A_1508, %parallel_loop3A_1511, %parallel_loop3A_1514, %parallel_loop3A_1517, %parallel_loop3A_1520 : vector<16xf32>, vector<16xf32>, vector<16xf32>, vector<16xf32>, vector<16xf32>, vector<16xf32>, vector<16xf32>, vector<16xf32>
      } {sc.loop_unroll_factor = 4 : i64, sc.parallel_access}
      %gt3A_800 = arith.constant 1.000000e+00 : f32
      %gt3A_801 = vector.broadcast %gt3A_800 : f32 to vector<16xf32>
      %gt3A_802 = arith.cmpf ogt, %parallel_loop3A_799#0, %gt3A_801 : vector<16xf32>
      %bitcast3A_803 = vector.bitcast %parallel_loop3A_799#0 : vector<16xf32> to vector<16xi32>
      %shift_right_arithmetic3A_804 = arith.constant 1 : i32
      %shift_right_arithmetic3A_805 = vector.broadcast %shift_right_arithmetic3A_804 : i32 to vector<16xi32>
      %shift_right_arithmetic3A_806 = arith.shrsi %bitcast3A_803, %shift_right_arithmetic3A_805 : vector<16xi32>
      %sub3A_807 = arith.constant 1597463007 : i32
      %sub3A_808 = vector.broadcast %sub3A_807 : i32 to vector<16xi32>
      %sub3A_809 = arith.subi %sub3A_808, %shift_right_arithmetic3A_806 : vector<16xi32>
      %bitcast3A_810 = vector.bitcast %sub3A_809 : vector<16xi32> to vector<16xf32>
      %mul3A_811 = arith.constant 5.000000e-01 : f32
      %mul3A_812 = vector.broadcast %mul3A_811 : f32 to vector<16xf32>
      %mul3A_813 = arith.mulf %mul3A_812, %parallel_loop3A_799#0 : vector<16xf32>
      %mul3A_814 = arith.mulf %mul3A_813, %bitcast3A_810 : vector<16xf32>
      %mul3A_815 = arith.mulf %mul3A_814, %bitcast3A_810 : vector<16xf32>
      %sub3A_816 = arith.constant 1.500000e+00 : f32
      %sub3A_817 = vector.broadcast %sub3A_816 : f32 to vector<16xf32>
      %sub3A_818 = arith.subf %sub3A_817, %mul3A_815 : vector<16xf32>
      %mul3A_819 = arith.mulf %bitcast3A_810, %sub3A_818 : vector<16xf32>
      %mul3A_820 = arith.constant 5.000000e-01 : f32
      %mul3A_821 = vector.broadcast %mul3A_820 : f32 to vector<16xf32>
      %mul3A_822 = arith.mulf %mul3A_821, %parallel_loop3A_799#0 : vector<16xf32>
      %mul3A_823 = arith.mulf %mul3A_822, %mul3A_819 : vector<16xf32>
      %mul3A_824 = arith.mulf %mul3A_823, %mul3A_819 : vector<16xf32>
      %sub3A_825 = arith.constant 1.500000e+00 : f32
      %sub3A_826 = vector.broadcast %sub3A_825 : f32 to vector<16xf32>
      %sub3A_827 = arith.subf %sub3A_826, %mul3A_824 : vector<16xf32>
      %mul3A_828 = arith.mulf %mul3A_819, %sub3A_827 : vector<16xf32>
      %jit3A_829 = arith.constant 1.000000e+00 : f32
      %broadcast_in_dim3A_830 = vector.broadcast %jit3A_829 : f32 to vector<16xf32>
      %select_n3A_831 = arith.select %gt3A_802, %mul3A_828, %broadcast_in_dim3A_830 : vector<16xi1>, vector<16xf32>
      %gt3A_832 = arith.constant 1.000000e+00 : f32
      %gt3A_833 = vector.broadcast %gt3A_832 : f32 to vector<16xf32>
      %gt3A_834 = arith.cmpf ogt, %parallel_loop3A_799#1, %gt3A_833 : vector<16xf32>
      %bitcast3A_835 = vector.bitcast %parallel_loop3A_799#1 : vector<16xf32> to vector<16xi32>
      %shift_right_arithmetic3A_836 = arith.constant 1 : i32
      %shift_right_arithmetic3A_837 = vector.broadcast %shift_right_arithmetic3A_836 : i32 to vector<16xi32>
      %shift_right_arithmetic3A_838 = arith.shrsi %bitcast3A_835, %shift_right_arithmetic3A_837 : vector<16xi32>
      %sub3A_839 = arith.constant 1597463007 : i32
      %sub3A_840 = vector.broadcast %sub3A_839 : i32 to vector<16xi32>
      %sub3A_841 = arith.subi %sub3A_840, %shift_right_arithmetic3A_838 : vector<16xi32>
      %bitcast3A_842 = vector.bitcast %sub3A_841 : vector<16xi32> to vector<16xf32>
      %mul3A_843 = arith.constant 5.000000e-01 : f32
      %mul3A_844 = vector.broadcast %mul3A_843 : f32 to vector<16xf32>
      %mul3A_845 = arith.mulf %mul3A_844, %parallel_loop3A_799#1 : vector<16xf32>
      %mul3A_846 = arith.mulf %mul3A_845, %bitcast3A_842 : vector<16xf32>
      %mul3A_847 = arith.mulf %mul3A_846, %bitcast3A_842 : vector<16xf32>
      %sub3A_848 = arith.constant 1.500000e+00 : f32
      %sub3A_849 = vector.broadcast %sub3A_848 : f32 to vector<16xf32>
      %sub3A_850 = arith.subf %sub3A_849, %mul3A_847 : vector<16xf32>
      %mul3A_851 = arith.mulf %bitcast3A_842, %sub3A_850 : vector<16xf32>
      %mul3A_852 = arith.constant 5.000000e-01 : f32
      %mul3A_853 = vector.broadcast %mul3A_852 : f32 to vector<16xf32>
      %mul3A_854 = arith.mulf %mul3A_853, %parallel_loop3A_799#1 : vector<16xf32>
      %mul3A_855 = arith.mulf %mul3A_854, %mul3A_851 : vector<16xf32>
      %mul3A_856 = arith.mulf %mul3A_855, %mul3A_851 : vector<16xf32>
      %sub3A_857 = arith.constant 1.500000e+00 : f32
      %sub3A_858 = vector.broadcast %sub3A_857 : f32 to vector<16xf32>
      %sub3A_859 = arith.subf %sub3A_858, %mul3A_856 : vector<16xf32>
      %mul3A_860 = arith.mulf %mul3A_851, %sub3A_859 : vector<16xf32>
      %jit3A_861 = arith.constant 1.000000e+00 : f32
      %broadcast_in_dim3A_862 = vector.broadcast %jit3A_861 : f32 to vector<16xf32>
      %select_n3A_863 = arith.select %gt3A_834, %mul3A_860, %broadcast_in_dim3A_862 : vector<16xi1>, vector<16xf32>
      %gt3A_864 = arith.constant 1.000000e+00 : f32
      %gt3A_865 = vector.broadcast %gt3A_864 : f32 to vector<16xf32>
      %gt3A_866 = arith.cmpf ogt, %parallel_loop3A_799#2, %gt3A_865 : vector<16xf32>
      %bitcast3A_867 = vector.bitcast %parallel_loop3A_799#2 : vector<16xf32> to vector<16xi32>
      %shift_right_arithmetic3A_868 = arith.constant 1 : i32
      %shift_right_arithmetic3A_869 = vector.broadcast %shift_right_arithmetic3A_868 : i32 to vector<16xi32>
      %shift_right_arithmetic3A_870 = arith.shrsi %bitcast3A_867, %shift_right_arithmetic3A_869 : vector<16xi32>
      %sub3A_871 = arith.constant 1597463007 : i32
      %sub3A_872 = vector.broadcast %sub3A_871 : i32 to vector<16xi32>
      %sub3A_873 = arith.subi %sub3A_872, %shift_right_arithmetic3A_870 : vector<16xi32>
      %bitcast3A_874 = vector.bitcast %sub3A_873 : vector<16xi32> to vector<16xf32>
      %mul3A_875 = arith.constant 5.000000e-01 : f32
      %mul3A_876 = vector.broadcast %mul3A_875 : f32 to vector<16xf32>
      %mul3A_877 = arith.mulf %mul3A_876, %parallel_loop3A_799#2 : vector<16xf32>
      %mul3A_878 = arith.mulf %mul3A_877, %bitcast3A_874 : vector<16xf32>
      %mul3A_879 = arith.mulf %mul3A_878, %bitcast3A_874 : vector<16xf32>
      %sub3A_880 = arith.constant 1.500000e+00 : f32
      %sub3A_881 = vector.broadcast %sub3A_880 : f32 to vector<16xf32>
      %sub3A_882 = arith.subf %sub3A_881, %mul3A_879 : vector<16xf32>
      %mul3A_883 = arith.mulf %bitcast3A_874, %sub3A_882 : vector<16xf32>
      %mul3A_884 = arith.constant 5.000000e-01 : f32
      %mul3A_885 = vector.broadcast %mul3A_884 : f32 to vector<16xf32>
      %mul3A_886 = arith.mulf %mul3A_885, %parallel_loop3A_799#2 : vector<16xf32>
      %mul3A_887 = arith.mulf %mul3A_886, %mul3A_883 : vector<16xf32>
      %mul3A_888 = arith.mulf %mul3A_887, %mul3A_883 : vector<16xf32>
      %sub3A_889 = arith.constant 1.500000e+00 : f32
      %sub3A_890 = vector.broadcast %sub3A_889 : f32 to vector<16xf32>
      %sub3A_891 = arith.subf %sub3A_890, %mul3A_888 : vector<16xf32>
      %mul3A_892 = arith.mulf %mul3A_883, %sub3A_891 : vector<16xf32>
      %jit3A_893 = arith.constant 1.000000e+00 : f32
      %broadcast_in_dim3A_894 = vector.broadcast %jit3A_893 : f32 to vector<16xf32>
      %select_n3A_895 = arith.select %gt3A_866, %mul3A_892, %broadcast_in_dim3A_894 : vector<16xi1>, vector<16xf32>
      %gt3A_896 = arith.constant 1.000000e+00 : f32
      %gt3A_897 = vector.broadcast %gt3A_896 : f32 to vector<16xf32>
      %gt3A_898 = arith.cmpf ogt, %parallel_loop3A_799#3, %gt3A_897 : vector<16xf32>
      %bitcast3A_899 = vector.bitcast %parallel_loop3A_799#3 : vector<16xf32> to vector<16xi32>
      %shift_right_arithmetic3A_900 = arith.constant 1 : i32
      %shift_right_arithmetic3A_901 = vector.broadcast %shift_right_arithmetic3A_900 : i32 to vector<16xi32>
      %shift_right_arithmetic3A_902 = arith.shrsi %bitcast3A_899, %shift_right_arithmetic3A_901 : vector<16xi32>
      %sub3A_903 = arith.constant 1597463007 : i32
      %sub3A_904 = vector.broadcast %sub3A_903 : i32 to vector<16xi32>
      %sub3A_905 = arith.subi %sub3A_904, %shift_right_arithmetic3A_902 : vector<16xi32>
      %bitcast3A_906 = vector.bitcast %sub3A_905 : vector<16xi32> to vector<16xf32>
      %mul3A_907 = arith.constant 5.000000e-01 : f32
      %mul3A_908 = vector.broadcast %mul3A_907 : f32 to vector<16xf32>
      %mul3A_909 = arith.mulf %mul3A_908, %parallel_loop3A_799#3 : vector<16xf32>
      %mul3A_910 = arith.mulf %mul3A_909, %bitcast3A_906 : vector<16xf32>
      %mul3A_911 = arith.mulf %mul3A_910, %bitcast3A_906 : vector<16xf32>
      %sub3A_912 = arith.constant 1.500000e+00 : f32
      %sub3A_913 = vector.broadcast %sub3A_912 : f32 to vector<16xf32>
      %sub3A_914 = arith.subf %sub3A_913, %mul3A_911 : vector<16xf32>
      %mul3A_915 = arith.mulf %bitcast3A_906, %sub3A_914 : vector<16xf32>
      %mul3A_916 = arith.constant 5.000000e-01 : f32
      %mul3A_917 = vector.broadcast %mul3A_916 : f32 to vector<16xf32>
      %mul3A_918 = arith.mulf %mul3A_917, %parallel_loop3A_799#3 : vector<16xf32>
      %mul3A_919 = arith.mulf %mul3A_918, %mul3A_915 : vector<16xf32>
      %mul3A_920 = arith.mulf %mul3A_919, %mul3A_915 : vector<16xf32>
      %sub3A_921 = arith.constant 1.500000e+00 : f32
      %sub3A_922 = vector.broadcast %sub3A_921 : f32 to vector<16xf32>
      %sub3A_923 = arith.subf %sub3A_922, %mul3A_920 : vector<16xf32>
      %mul3A_924 = arith.mulf %mul3A_915, %sub3A_923 : vector<16xf32>
      %jit3A_925 = arith.constant 1.000000e+00 : f32
      %broadcast_in_dim3A_926 = vector.broadcast %jit3A_925 : f32 to vector<16xf32>
      %select_n3A_927 = arith.select %gt3A_898, %mul3A_924, %broadcast_in_dim3A_926 : vector<16xi1>, vector<16xf32>
      %gt3A_928 = arith.constant 1.000000e+00 : f32
      %gt3A_929 = vector.broadcast %gt3A_928 : f32 to vector<16xf32>
      %gt3A_930 = arith.cmpf ogt, %parallel_loop3A_799#4, %gt3A_929 : vector<16xf32>
      %bitcast3A_931 = vector.bitcast %parallel_loop3A_799#4 : vector<16xf32> to vector<16xi32>
      %shift_right_arithmetic3A_932 = arith.constant 1 : i32
      %shift_right_arithmetic3A_933 = vector.broadcast %shift_right_arithmetic3A_932 : i32 to vector<16xi32>
      %shift_right_arithmetic3A_934 = arith.shrsi %bitcast3A_931, %shift_right_arithmetic3A_933 : vector<16xi32>
      %sub3A_935 = arith.constant 1597463007 : i32
      %sub3A_936 = vector.broadcast %sub3A_935 : i32 to vector<16xi32>
      %sub3A_937 = arith.subi %sub3A_936, %shift_right_arithmetic3A_934 : vector<16xi32>
      %bitcast3A_938 = vector.bitcast %sub3A_937 : vector<16xi32> to vector<16xf32>
      %mul3A_939 = arith.constant 5.000000e-01 : f32
      %mul3A_940 = vector.broadcast %mul3A_939 : f32 to vector<16xf32>
      %mul3A_941 = arith.mulf %mul3A_940, %parallel_loop3A_799#4 : vector<16xf32>
      %mul3A_942 = arith.mulf %mul3A_941, %bitcast3A_938 : vector<16xf32>
      %mul3A_943 = arith.mulf %mul3A_942, %bitcast3A_938 : vector<16xf32>
      %sub3A_944 = arith.constant 1.500000e+00 : f32
      %sub3A_945 = vector.broadcast %sub3A_944 : f32 to vector<16xf32>
      %sub3A_946 = arith.subf %sub3A_945, %mul3A_943 : vector<16xf32>
      %mul3A_947 = arith.mulf %bitcast3A_938, %sub3A_946 : vector<16xf32>
      %mul3A_948 = arith.constant 5.000000e-01 : f32
      %mul3A_949 = vector.broadcast %mul3A_948 : f32 to vector<16xf32>
      %mul3A_950 = arith.mulf %mul3A_949, %parallel_loop3A_799#4 : vector<16xf32>
      %mul3A_951 = arith.mulf %mul3A_950, %mul3A_947 : vector<16xf32>
      %mul3A_952 = arith.mulf %mul3A_951, %mul3A_947 : vector<16xf32>
      %sub3A_953 = arith.constant 1.500000e+00 : f32
      %sub3A_954 = vector.broadcast %sub3A_953 : f32 to vector<16xf32>
      %sub3A_955 = arith.subf %sub3A_954, %mul3A_952 : vector<16xf32>
      %mul3A_956 = arith.mulf %mul3A_947, %sub3A_955 : vector<16xf32>
      %jit3A_957 = arith.constant 1.000000e+00 : f32
      %broadcast_in_dim3A_958 = vector.broadcast %jit3A_957 : f32 to vector<16xf32>
      %select_n3A_959 = arith.select %gt3A_930, %mul3A_956, %broadcast_in_dim3A_958 : vector<16xi1>, vector<16xf32>
      %gt3A_960 = arith.constant 1.000000e+00 : f32
      %gt3A_961 = vector.broadcast %gt3A_960 : f32 to vector<16xf32>
      %gt3A_962 = arith.cmpf ogt, %parallel_loop3A_799#5, %gt3A_961 : vector<16xf32>
      %bitcast3A_963 = vector.bitcast %parallel_loop3A_799#5 : vector<16xf32> to vector<16xi32>
      %shift_right_arithmetic3A_964 = arith.constant 1 : i32
      %shift_right_arithmetic3A_965 = vector.broadcast %shift_right_arithmetic3A_964 : i32 to vector<16xi32>
      %shift_right_arithmetic3A_966 = arith.shrsi %bitcast3A_963, %shift_right_arithmetic3A_965 : vector<16xi32>
      %sub3A_967 = arith.constant 1597463007 : i32
      %sub3A_968 = vector.broadcast %sub3A_967 : i32 to vector<16xi32>
      %sub3A_969 = arith.subi %sub3A_968, %shift_right_arithmetic3A_966 : vector<16xi32>
      %bitcast3A_970 = vector.bitcast %sub3A_969 : vector<16xi32> to vector<16xf32>
      %mul3A_971 = arith.constant 5.000000e-01 : f32
      %mul3A_972 = vector.broadcast %mul3A_971 : f32 to vector<16xf32>
      %mul3A_973 = arith.mulf %mul3A_972, %parallel_loop3A_799#5 : vector<16xf32>
      %mul3A_974 = arith.mulf %mul3A_973, %bitcast3A_970 : vector<16xf32>
      %mul3A_975 = arith.mulf %mul3A_974, %bitcast3A_970 : vector<16xf32>
      %sub3A_976 = arith.constant 1.500000e+00 : f32
      %sub3A_977 = vector.broadcast %sub3A_976 : f32 to vector<16xf32>
      %sub3A_978 = arith.subf %sub3A_977, %mul3A_975 : vector<16xf32>
      %mul3A_979 = arith.mulf %bitcast3A_970, %sub3A_978 : vector<16xf32>
      %mul3A_980 = arith.constant 5.000000e-01 : f32
      %mul3A_981 = vector.broadcast %mul3A_980 : f32 to vector<16xf32>
      %mul3A_982 = arith.mulf %mul3A_981, %parallel_loop3A_799#5 : vector<16xf32>
      %mul3A_983 = arith.mulf %mul3A_982, %mul3A_979 : vector<16xf32>
      %mul3A_984 = arith.mulf %mul3A_983, %mul3A_979 : vector<16xf32>
      %sub3A_985 = arith.constant 1.500000e+00 : f32
      %sub3A_986 = vector.broadcast %sub3A_985 : f32 to vector<16xf32>
      %sub3A_987 = arith.subf %sub3A_986, %mul3A_984 : vector<16xf32>
      %mul3A_988 = arith.mulf %mul3A_979, %sub3A_987 : vector<16xf32>
      %jit3A_989 = arith.constant 1.000000e+00 : f32
      %broadcast_in_dim3A_990 = vector.broadcast %jit3A_989 : f32 to vector<16xf32>
      %select_n3A_991 = arith.select %gt3A_962, %mul3A_988, %broadcast_in_dim3A_990 : vector<16xi1>, vector<16xf32>
      %gt3A_992 = arith.constant 1.000000e+00 : f32
      %gt3A_993 = vector.broadcast %gt3A_992 : f32 to vector<16xf32>
      %gt3A_994 = arith.cmpf ogt, %parallel_loop3A_799#6, %gt3A_993 : vector<16xf32>
      %bitcast3A_995 = vector.bitcast %parallel_loop3A_799#6 : vector<16xf32> to vector<16xi32>
      %shift_right_arithmetic3A_996 = arith.constant 1 : i32
      %shift_right_arithmetic3A_997 = vector.broadcast %shift_right_arithmetic3A_996 : i32 to vector<16xi32>
      %shift_right_arithmetic3A_998 = arith.shrsi %bitcast3A_995, %shift_right_arithmetic3A_997 : vector<16xi32>
      %sub3A_999 = arith.constant 1597463007 : i32
      %sub3A_1000 = vector.broadcast %sub3A_999 : i32 to vector<16xi32>
      %sub3A_1001 = arith.subi %sub3A_1000, %shift_right_arithmetic3A_998 : vector<16xi32>
      %bitcast3A_1002 = vector.bitcast %sub3A_1001 : vector<16xi32> to vector<16xf32>
      %mul3A_1003 = arith.constant 5.000000e-01 : f32
      %mul3A_1004 = vector.broadcast %mul3A_1003 : f32 to vector<16xf32>
      %mul3A_1005 = arith.mulf %mul3A_1004, %parallel_loop3A_799#6 : vector<16xf32>
      %mul3A_1006 = arith.mulf %mul3A_1005, %bitcast3A_1002 : vector<16xf32>
      %mul3A_1007 = arith.mulf %mul3A_1006, %bitcast3A_1002 : vector<16xf32>
      %sub3A_1008 = arith.constant 1.500000e+00 : f32
      %sub3A_1009 = vector.broadcast %sub3A_1008 : f32 to vector<16xf32>
      %sub3A_1010 = arith.subf %sub3A_1009, %mul3A_1007 : vector<16xf32>
      %mul3A_1011 = arith.mulf %bitcast3A_1002, %sub3A_1010 : vector<16xf32>
      %mul3A_1012 = arith.constant 5.000000e-01 : f32
      %mul3A_1013 = vector.broadcast %mul3A_1012 : f32 to vector<16xf32>
      %mul3A_1014 = arith.mulf %mul3A_1013, %parallel_loop3A_799#6 : vector<16xf32>
      %mul3A_1015 = arith.mulf %mul3A_1014, %mul3A_1011 : vector<16xf32>
      %mul3A_1016 = arith.mulf %mul3A_1015, %mul3A_1011 : vector<16xf32>
      %sub3A_1017 = arith.constant 1.500000e+00 : f32
      %sub3A_1018 = vector.broadcast %sub3A_1017 : f32 to vector<16xf32>
      %sub3A_1019 = arith.subf %sub3A_1018, %mul3A_1016 : vector<16xf32>
      %mul3A_1020 = arith.mulf %mul3A_1011, %sub3A_1019 : vector<16xf32>
      %jit3A_1021 = arith.constant 1.000000e+00 : f32
      %broadcast_in_dim3A_1022 = vector.broadcast %jit3A_1021 : f32 to vector<16xf32>
      %select_n3A_1023 = arith.select %gt3A_994, %mul3A_1020, %broadcast_in_dim3A_1022 : vector<16xi1>, vector<16xf32>
      %gt3A_1024 = arith.constant 1.000000e+00 : f32
      %gt3A_1025 = vector.broadcast %gt3A_1024 : f32 to vector<16xf32>
      %gt3A_1026 = arith.cmpf ogt, %parallel_loop3A_799#7, %gt3A_1025 : vector<16xf32>
      %bitcast3A_1027 = vector.bitcast %parallel_loop3A_799#7 : vector<16xf32> to vector<16xi32>
      %shift_right_arithmetic3A_1028 = arith.constant 1 : i32
      %shift_right_arithmetic3A_1029 = vector.broadcast %shift_right_arithmetic3A_1028 : i32 to vector<16xi32>
      %shift_right_arithmetic3A_1030 = arith.shrsi %bitcast3A_1027, %shift_right_arithmetic3A_1029 : vector<16xi32>
      %sub3A_1031 = arith.constant 1597463007 : i32
      %sub3A_1032 = vector.broadcast %sub3A_1031 : i32 to vector<16xi32>
      %sub3A_1033 = arith.subi %sub3A_1032, %shift_right_arithmetic3A_1030 : vector<16xi32>
      %bitcast3A_1034 = vector.bitcast %sub3A_1033 : vector<16xi32> to vector<16xf32>
      %mul3A_1035 = arith.constant 5.000000e-01 : f32
      %mul3A_1036 = vector.broadcast %mul3A_1035 : f32 to vector<16xf32>
      %mul3A_1037 = arith.mulf %mul3A_1036, %parallel_loop3A_799#7 : vector<16xf32>
      %mul3A_1038 = arith.mulf %mul3A_1037, %bitcast3A_1034 : vector<16xf32>
      %mul3A_1039 = arith.mulf %mul3A_1038, %bitcast3A_1034 : vector<16xf32>
      %sub3A_1040 = arith.constant 1.500000e+00 : f32
      %sub3A_1041 = vector.broadcast %sub3A_1040 : f32 to vector<16xf32>
      %sub3A_1042 = arith.subf %sub3A_1041, %mul3A_1039 : vector<16xf32>
      %mul3A_1043 = arith.mulf %bitcast3A_1034, %sub3A_1042 : vector<16xf32>
      %mul3A_1044 = arith.constant 5.000000e-01 : f32
      %mul3A_1045 = vector.broadcast %mul3A_1044 : f32 to vector<16xf32>
      %mul3A_1046 = arith.mulf %mul3A_1045, %parallel_loop3A_799#7 : vector<16xf32>
      %mul3A_1047 = arith.mulf %mul3A_1046, %mul3A_1043 : vector<16xf32>
      %mul3A_1048 = arith.mulf %mul3A_1047, %mul3A_1043 : vector<16xf32>
      %sub3A_1049 = arith.constant 1.500000e+00 : f32
      %sub3A_1050 = vector.broadcast %sub3A_1049 : f32 to vector<16xf32>
      %sub3A_1051 = arith.subf %sub3A_1050, %mul3A_1048 : vector<16xf32>
      %mul3A_1052 = arith.mulf %mul3A_1043, %sub3A_1051 : vector<16xf32>
      %jit3A_1053 = arith.constant 1.000000e+00 : f32
      %broadcast_in_dim3A_1054 = vector.broadcast %jit3A_1053 : f32 to vector<16xf32>
      %select_n3A_1055 = arith.select %gt3A_1026, %mul3A_1052, %broadcast_in_dim3A_1054 : vector<16xi1>, vector<16xf32>
      %parallel_loop3A_1056 = arith.constant 0 : i32
      %parallel_loop3A_1057 = arith.constant 64 : i32
      %parallel_loop3A_1058 = arith.constant 1 : i32
      scf.for %parallel_loop3A_1483 = %parallel_loop3A_1056 to %parallel_loop3A_1057 step %parallel_loop3A_1058  : i32 {
        %parallel_loop3A_1484 = vector.broadcast %parallel_loop3A_1483 : i32 to vector<16xi32>
        %parallel_loop3A_1485 = arith.addi %parallel_loop3A_1484, %iota3A : vector<16xi32>
        %parallel_loop3A_1486 = arith.constant 63 : i32
        %parallel_loop3A_1487 = vector.broadcast %parallel_loop3A_1486 : i32 to vector<16xi32>
        %parallel_loop3A_1488 = arith.andi %parallel_loop3A_1485, %parallel_loop3A_1487 : vector<16xi32>
        %parallel_loop3A_1489 = arith.constant 3 : i32
        %parallel_loop3A_1490 = vector.broadcast %parallel_loop3A_1489 : i32 to vector<16xi32>
        %parallel_loop3A_1491 = arith.shrsi %parallel_loop3A_1488, %parallel_loop3A_1490 : vector<16xi32>
        %parallel_loop3A_1492 = arith.constant 7 : i32
        %parallel_loop3A_1493 = vector.broadcast %parallel_loop3A_1492 : i32 to vector<16xi32>
        %parallel_loop3A_1494 = arith.andi %parallel_loop3A_1488, %parallel_loop3A_1493 : vector<16xi32>
        %parallel_loop3A_1495 = tpu.vector_load_idx %arg8[%add3A_3, %parallel_loop3A_1488] : memref<128x64xf32, #tpu.memory_space<vmem>>[vector<16xi32>, vector<16xi32>], vector<16xf32>,
        %parallel_loop3A_1496 = arith.mulf %parallel_loop3A_1495, %select_n3A_831 : vector<16xf32>
        tpu.vector_store_idx %arg12[%parallel_loop3A_1491, %parallel_loop3A_1494, %add3A_3], %parallel_loop3A_1496 : memref<8x8x128xf32, #tpu.memory_space<vmem>>[vector<16xi32>, vector<16xi32>, vector<16xi32>], vector<16xf32>,
        %parallel_loop3A_1497 = tpu.vector_load_idx %arg8[%add3A_6, %parallel_loop3A_1488] : memref<128x64xf32, #tpu.memory_space<vmem>>[vector<16xi32>, vector<16xi32>], vector<16xf32>,
        %parallel_loop3A_1498 = arith.mulf %parallel_loop3A_1497, %select_n3A_863 : vector<16xf32>
        tpu.vector_store_idx %arg12[%parallel_loop3A_1491, %parallel_loop3A_1494, %add3A_6], %parallel_loop3A_1498 : memref<8x8x128xf32, #tpu.memory_space<vmem>>[vector<16xi32>, vector<16xi32>, vector<16xi32>], vector<16xf32>,
        %parallel_loop3A_1499 = tpu.vector_load_idx %arg8[%add3A_9, %parallel_loop3A_1488] : memref<128x64xf32, #tpu.memory_space<vmem>>[vector<16xi32>, vector<16xi32>], vector<16xf32>,
        %parallel_loop3A_1500 = arith.mulf %parallel_loop3A_1499, %select_n3A_895 : vector<16xf32>
        tpu.vector_store_idx %arg12[%parallel_loop3A_1491, %parallel_loop3A_1494, %add3A_9], %parallel_loop3A_1500 : memref<8x8x128xf32, #tpu.memory_space<vmem>>[vector<16xi32>, vector<16xi32>, vector<16xi32>], vector<16xf32>,
        %parallel_loop3A_1501 = tpu.vector_load_idx %arg8[%add3A_12, %parallel_loop3A_1488] : memref<128x64xf32, #tpu.memory_space<vmem>>[vector<16xi32>, vector<16xi32>], vector<16xf32>,
        %parallel_loop3A_1502 = arith.mulf %parallel_loop3A_1501, %select_n3A_927 : vector<16xf32>
        tpu.vector_store_idx %arg12[%parallel_loop3A_1491, %parallel_loop3A_1494, %add3A_12], %parallel_loop3A_1502 : memref<8x8x128xf32, #tpu.memory_space<vmem>>[vector<16xi32>, vector<16xi32>, vector<16xi32>], vector<16xf32>,
        %parallel_loop3A_1503 = tpu.vector_load_idx %arg8[%add3A_15, %parallel_loop3A_1488] : memref<128x64xf32, #tpu.memory_space<vmem>>[vector<16xi32>, vector<16xi32>], vector<16xf32>,
        %parallel_loop3A_1504 = arith.mulf %parallel_loop3A_1503, %select_n3A_959 : vector<16xf32>
        tpu.vector_store_idx %arg12[%parallel_loop3A_1491, %parallel_loop3A_1494, %add3A_15], %parallel_loop3A_1504 : memref<8x8x128xf32, #tpu.memory_space<vmem>>[vector<16xi32>, vector<16xi32>, vector<16xi32>], vector<16xf32>,
        %parallel_loop3A_1505 = tpu.vector_load_idx %arg8[%add3A_18, %parallel_loop3A_1488] : memref<128x64xf32, #tpu.memory_space<vmem>>[vector<16xi32>, vector<16xi32>], vector<16xf32>,
        %parallel_loop3A_1506 = arith.mulf %parallel_loop3A_1505, %select_n3A_991 : vector<16xf32>
        tpu.vector_store_idx %arg12[%parallel_loop3A_1491, %parallel_loop3A_1494, %add3A_18], %parallel_loop3A_1506 : memref<8x8x128xf32, #tpu.memory_space<vmem>>[vector<16xi32>, vector<16xi32>, vector<16xi32>], vector<16xf32>,
        %parallel_loop3A_1507 = tpu.vector_load_idx %arg8[%add3A_21, %parallel_loop3A_1488] : memref<128x64xf32, #tpu.memory_space<vmem>>[vector<16xi32>, vector<16xi32>], vector<16xf32>,
        %parallel_loop3A_1508 = arith.mulf %parallel_loop3A_1507, %select_n3A_1023 : vector<16xf32>
        tpu.vector_store_idx %arg12[%parallel_loop3A_1491, %parallel_loop3A_1494, %add3A_21], %parallel_loop3A_1508 : memref<8x8x128xf32, #tpu.memory_space<vmem>>[vector<16xi32>, vector<16xi32>, vector<16xi32>], vector<16xf32>,
        %parallel_loop3A_1509 = tpu.vector_load_idx %arg8[%add3A_24, %parallel_loop3A_1488] : memref<128x64xf32, #tpu.memory_space<vmem>>[vector<16xi32>, vector<16xi32>], vector<16xf32>,
        %parallel_loop3A_1510 = arith.mulf %parallel_loop3A_1509, %select_n3A_1055 : vector<16xf32>
        tpu.vector_store_idx %arg12[%parallel_loop3A_1491, %parallel_loop3A_1494, %add3A_24], %parallel_loop3A_1510 : memref<8x8x128xf32, #tpu.memory_space<vmem>>[vector<16xi32>, vector<16xi32>, vector<16xi32>], vector<16xf32>,
      } {sc.loop_unroll_factor = 4 : i64, sc.parallel_access}
      %ge3A_1059 = arith.constant 1 : i32
      %ge3A_1060 = arith.cmpi sge, %add3A_772, %ge3A_1059 : i32
      %convert_element_type3A_1061 = arith.extui %ge3A_1060 : i1 to i32
      %cond3A_1062 = arith.constant 0 : i32
      %cond3A_1063 = arith.cmpi ne, %convert_element_type3A_1061, %cond3A_1062 : i32
      scf.if %cond3A_1063 {
        %dma_wait3A_1483 = arith.constant 0 : i32
        %dma_wait3A_1484 = arith.constant 0 : i32
        %dma_wait3A_1485 = arith.constant 0 : i32
        %dma_wait3A_1486 = arith.constant 0 : i32
        %dma_wait3A_1487 = arith.constant 0 : i32
        %dma_wait3A_1488 = tpu.memref_slice %arg4[%dma_wait3A_1483, %dma_wait3A_1485, %dma_wait3A_1484, %dma_wait3A_1486, %dma_wait3A_1487] : memref<26x8x128x8x128xf32, #tpu.memory_space<hbm>> -> memref<1x8x1x8x128xf32, #tpu.memory_space<hbm>>
        %dma_wait3A_1489 = tpu.memref_squeeze %dma_wait3A_1488 : memref<1x8x1x8x128xf32, #tpu.memory_space<hbm>> -> memref<8x8x128xf32, #tpu.memory_space<hbm>>
        %dma_wait3A_1490 = arith.constant 0 : i32
        %dma_wait3A_1491 = arith.constant 0 : i32
        %dma_wait3A_1492 = arith.constant 0 : i32
        %dma_wait3A_1493 = tpu.memref_slice %arg4[%dma_wait3A_1483, %dma_wait3A_1490, %dma_wait3A_1484, %dma_wait3A_1491, %dma_wait3A_1492] : memref<26x8x128x8x128xf32, #tpu.memory_space<hbm>> -> memref<1x8x1x8x128xf32, #tpu.memory_space<hbm>>
        %dma_wait3A_1494 = tpu.memref_squeeze %dma_wait3A_1493 : memref<1x8x1x8x128xf32, #tpu.memory_space<hbm>> -> memref<8x8x128xf32, #tpu.memory_space<hbm>>
        tpu.wait_dma2 semaphore(%arg19 : memref<!tpu.dma_semaphore, #tpu.memory_space<semaphore_mem>>) src(%arg11 : memref<8x8x128xf32, #tpu.memory_space<vmem>>) dst(%dma_wait3A_1494 : memref<8x8x128xf32, #tpu.memory_space<hbm>>)
      } else {
      }
      %mul3A_1064 = arith.constant 104 : i32
      %mul3A_1065 = arith.muli %add3A, %mul3A_1064 : i32
      %add3A_1066 = arith.addi %mul3A_1065, %add3A_772 : i32
      %jit3A_1067 = arith.constant 128 : i32
      %div3A_1068 = arith.divsi %add3A_1066, %jit3A_1067 : i32
      %sign3A_1069 = arith.constant 0 : i32
      %sign3A_1070 = arith.cmpi sgt, %add3A_1066, %sign3A_1069 : i32
      %sign3A_1071 = arith.extui %sign3A_1070 : i1 to i32
      %sign3A_1072 = arith.constant 0 : i32
      %sign3A_1073 = arith.cmpi slt, %add3A_1066, %sign3A_1072 : i32
      %sign3A_1074 = arith.extui %sign3A_1073 : i1 to i32
      %sign3A_1075 = arith.subi %sign3A_1071, %sign3A_1074 : i32
      %sign3A_1076 = arith.constant 0 : i32
      %sign3A_1077 = arith.cmpi sgt, %jit3A_1067, %sign3A_1076 : i32
      %sign3A_1078 = arith.extui %sign3A_1077 : i1 to i32
      %sign3A_1079 = arith.constant 0 : i32
      %sign3A_1080 = arith.cmpi slt, %jit3A_1067, %sign3A_1079 : i32
      %sign3A_1081 = arith.extui %sign3A_1080 : i1 to i32
      %sign3A_1082 = arith.subi %sign3A_1078, %sign3A_1081 : i32
      %ne3A_1083 = arith.cmpi ne, %sign3A_1075, %sign3A_1082 : i32
      %rem3A_1084 = arith.remsi %add3A_1066, %jit3A_1067 : i32
      %ne3A_1085 = arith.constant 0 : i32
      %ne3A_1086 = arith.cmpi ne, %rem3A_1084, %ne3A_1085 : i32
      %and3A_1087 = arith.andi %ne3A_1083, %ne3A_1086 : i1
      %sub3A_1088 = arith.constant 1 : i32
      %sub3A_1089 = arith.subi %div3A_1068, %sub3A_1088 : i32
      %select_n3A_1090 = arith.select %and3A_1087, %sub3A_1089, %div3A_1068 : i32
      %jit3A_1091 = arith.constant 128 : i32
      %eq3A_1092 = arith.constant 0 : i32
      %eq3A_1093 = arith.cmpi eq, %jit3A_1091, %eq3A_1092 : i32
      %jit3A_1094 = arith.constant 1 : i32
      %select_n3A_1095 = arith.select %eq3A_1093, %jit3A_1094, %jit3A_1091 : i32
      %rem3A_1096 = arith.remsi %add3A_1066, %select_n3A_1095 : i32
      %ne3A_1097 = arith.constant 0 : i32
      %ne3A_1098 = arith.cmpi ne, %rem3A_1096, %ne3A_1097 : i32
      %lt3A_1099 = arith.constant 0 : i32
      %lt3A_1100 = arith.cmpi slt, %rem3A_1096, %lt3A_1099 : i32
      %lt3A_1101 = arith.constant 0 : i32
      %lt3A_1102 = arith.cmpi slt, %select_n3A_1095, %lt3A_1101 : i32
      %ne3A_1103 = arith.xori %lt3A_1100, %lt3A_1102 : i1
      %and3A_1104 = arith.andi %ne3A_1103, %ne3A_1098 : i1
      %add3A_1105 = arith.addi %rem3A_1096, %select_n3A_1095 : i32
      %select_n3A_1106 = arith.select %and3A_1104, %add3A_1105, %rem3A_1096 : i32
      %dma_start3A_1107 = arith.constant 0 : i32
      %dma_start3A_1108 = arith.constant 0 : i32
      %dma_start3A_1109 = arith.constant 0 : i32
      %dma_start3A_1110 = tpu.memref_slice %arg4[%select_n3A_1090, %dma_start3A_1107, %select_n3A_1106, %dma_start3A_1108, %dma_start3A_1109] : memref<26x8x128x8x128xf32, #tpu.memory_space<hbm>> -> memref<1x8x1x8x128xf32, #tpu.memory_space<hbm>>
      %dma_start3A_1111 = tpu.memref_squeeze %dma_start3A_1110 : memref<1x8x1x8x128xf32, #tpu.memory_space<hbm>> -> memref<8x8x128xf32, #tpu.memory_space<hbm>>
      %dma_start3A_1112 = arith.constant 0 : i32
      %dma_start3A_1113 = arith.constant 0 : i32
      %dma_start3A_1114 = arith.constant 0 : i32
      %dma_start3A_1115 = tpu.memref_slice %arg4[%select_n3A_1090, %dma_start3A_1112, %select_n3A_1106, %dma_start3A_1113, %dma_start3A_1114] : memref<26x8x128x8x128xf32, #tpu.memory_space<hbm>> -> memref<1x8x1x8x128xf32, #tpu.memory_space<hbm>>
      %dma_start3A_1116 = tpu.memref_squeeze %dma_start3A_1115 : memref<1x8x1x8x128xf32, #tpu.memory_space<hbm>> -> memref<8x8x128xf32, #tpu.memory_space<hbm>>
      tpu.enqueue_dma source(%arg12 : memref<8x8x128xf32, #tpu.memory_space<vmem>>) target(%dma_start3A_1116 : memref<8x8x128xf32, #tpu.memory_space<hbm>>) target_semaphore(%arg20 : memref<!tpu.dma_semaphore, #tpu.memory_space<semaphore_mem>>)
      %add3A_1117 = arith.constant 4 : i32
      %add3A_1118 = arith.addi %add3A_772, %add3A_1117 : i32
      %sub3A_1119 = arith.constant 1 : i32
      %sub3A_1120 = arith.subi %add3A_1118, %sub3A_1119 : i32
      %lt3A_1121 = arith.constant 104 : i32
      %lt3A_1122 = arith.cmpi slt, %sub3A_1120, %lt3A_1121 : i32
      %convert_element_type3A_1123 = arith.extui %lt3A_1122 : i1 to i32
      %cond3A_1124 = arith.constant 0 : i32
      %cond3A_1125 = arith.cmpi ne, %convert_element_type3A_1123, %cond3A_1124 : i32
      scf.if %cond3A_1125 {
        %add3A_1483 = arith.constant 4 : i32
        %add3A_1484 = arith.addi %add3A_772, %add3A_1483 : i32
        %sub3A_1485 = arith.constant 1 : i32
        %sub3A_1486 = arith.subi %add3A_1484, %sub3A_1485 : i32
        %dma_start3A_1487 = arith.constant 0 : i32
        %dma_start3A_1488 = tpu.memref_slice %arg5[%sub3A_1486, %dma_start3A_1487] : memref<104x128xi32, #tpu.memory_space<vmem>> -> memref<1x128xi32, #tpu.memory_space<vmem>>
        %dma_start3A_1489 = tpu.memref_squeeze %dma_start3A_1488 : memref<1x128xi32, #tpu.memory_space<vmem>> -> memref<128xi32, #tpu.memory_space<vmem>>
        %dma_start3A_1490 = arith.constant 0 : i32
        %dma_start3A_1491 = arith.constant 0 : i32
        %dma_start3A_1492 = tpu.memref_slice %arg3[%dma_start3A_1490, %dma_start3A_1491] : memref<1000000x64xf32, #tpu.memory_space<hbm>> -> memref<1000000x64xf32, #tpu.memory_space<hbm>>
        tpu.enqueue_indirect_dma source(%dma_start3A_1492 : memref<1000000x64xf32, #tpu.memory_space<hbm>>) target(%arg7 : memref<128x64xf32, #tpu.memory_space<vmem>>) offsets(%dma_start3A_1489 : memref<128xi32, #tpu.memory_space<vmem>>) semaphore(%arg15 : memref<!tpu.dma_semaphore, #tpu.memory_space<semaphore_mem>>)
      } else {
      }
      %mul3A_1126 = arith.constant 4 : i32
      %mul3A_1127 = arith.muli %scan3A_72, %mul3A_1126 : i32
      %add3A_1128 = arith.constant 3 : i32
      %add3A_1129 = arith.addi %mul3A_1127, %add3A_1128 : i32
      %dma_wait3A_1130 = arith.constant 0 : i32
      %dma_wait3A_1131 = arith.constant 0 : i32
      %dma_wait3A_1132 = tpu.memref_slice %arg5[%dma_wait3A_1130, %dma_wait3A_1131] : memref<104x128xi32, #tpu.memory_space<vmem>> -> memref<1x128xi32, #tpu.memory_space<vmem>>
      %dma_wait3A_1133 = tpu.memref_squeeze %dma_wait3A_1132 : memref<1x128xi32, #tpu.memory_space<vmem>> -> memref<128xi32, #tpu.memory_space<vmem>>
      %dma_wait3A_1134 = arith.constant 0 : i32
      %dma_wait3A_1135 = arith.constant 0 : i32
      %dma_wait3A_1136 = tpu.memref_slice %arg3[%dma_wait3A_1134, %dma_wait3A_1135] : memref<1000000x64xf32, #tpu.memory_space<hbm>> -> memref<1000000x64xf32, #tpu.memory_space<hbm>>
      tpu.wait_indirect_dma semaphore(%arg17 : memref<!tpu.dma_semaphore, #tpu.memory_space<semaphore_mem>>) src(%dma_wait3A_1136 : memref<1000000x64xf32, #tpu.memory_space<hbm>>) dst(%arg9 : memref<128x64xf32, #tpu.memory_space<vmem>>)
      %broadcast_in_dim3A_1137 = arith.constant 0.000000e+00 : f32
      %broadcast_in_dim3A_1138 = vector.broadcast %broadcast_in_dim3A_1137 : f32 to vector<16xf32>
      %broadcast_in_dim3A_1139 = arith.constant 0.000000e+00 : f32
      %broadcast_in_dim3A_1140 = vector.broadcast %broadcast_in_dim3A_1139 : f32 to vector<16xf32>
      %broadcast_in_dim3A_1141 = arith.constant 0.000000e+00 : f32
      %broadcast_in_dim3A_1142 = vector.broadcast %broadcast_in_dim3A_1141 : f32 to vector<16xf32>
      %broadcast_in_dim3A_1143 = arith.constant 0.000000e+00 : f32
      %broadcast_in_dim3A_1144 = vector.broadcast %broadcast_in_dim3A_1143 : f32 to vector<16xf32>
      %broadcast_in_dim3A_1145 = arith.constant 0.000000e+00 : f32
      %broadcast_in_dim3A_1146 = vector.broadcast %broadcast_in_dim3A_1145 : f32 to vector<16xf32>
      %broadcast_in_dim3A_1147 = arith.constant 0.000000e+00 : f32
      %broadcast_in_dim3A_1148 = vector.broadcast %broadcast_in_dim3A_1147 : f32 to vector<16xf32>
      %broadcast_in_dim3A_1149 = arith.constant 0.000000e+00 : f32
      %broadcast_in_dim3A_1150 = vector.broadcast %broadcast_in_dim3A_1149 : f32 to vector<16xf32>
      %broadcast_in_dim3A_1151 = arith.constant 0.000000e+00 : f32
      %broadcast_in_dim3A_1152 = vector.broadcast %broadcast_in_dim3A_1151 : f32 to vector<16xf32>
      %parallel_loop3A_1153 = arith.constant 0 : i32
      %parallel_loop3A_1154 = arith.constant 64 : i32
      %parallel_loop3A_1155 = arith.constant 1 : i32
      %parallel_loop3A_1156:8 = scf.for %parallel_loop3A_1483 = %parallel_loop3A_1153 to %parallel_loop3A_1154 step %parallel_loop3A_1155 iter_args(%parallel_loop3A_1484 = %broadcast_in_dim3A_1138, %parallel_loop3A_1485 = %broadcast_in_dim3A_1140, %parallel_loop3A_1486 = %broadcast_in_dim3A_1142, %parallel_loop3A_1487 = %broadcast_in_dim3A_1144, %parallel_loop3A_1488 = %broadcast_in_dim3A_1146, %parallel_loop3A_1489 = %broadcast_in_dim3A_1148, %parallel_loop3A_1490 = %broadcast_in_dim3A_1150, %parallel_loop3A_1491 = %broadcast_in_dim3A_1152) -> (vector<16xf32>, vector<16xf32>, vector<16xf32>, vector<16xf32>, vector<16xf32>, vector<16xf32>, vector<16xf32>, vector<16xf32>)  : i32 {
        %parallel_loop3A_1492 = vector.broadcast %parallel_loop3A_1483 : i32 to vector<16xi32>
        %parallel_loop3A_1493 = arith.addi %parallel_loop3A_1492, %iota3A : vector<16xi32>
        %parallel_loop3A_1494 = arith.constant 63 : i32
        %parallel_loop3A_1495 = vector.broadcast %parallel_loop3A_1494 : i32 to vector<16xi32>
        %parallel_loop3A_1496 = arith.andi %parallel_loop3A_1493, %parallel_loop3A_1495 : vector<16xi32>
        %parallel_loop3A_1497 = tpu.vector_load_idx %arg9[%add3A_3, %parallel_loop3A_1496] : memref<128x64xf32, #tpu.memory_space<vmem>>[vector<16xi32>, vector<16xi32>], vector<16xf32>,
        %parallel_loop3A_1498 = arith.mulf %parallel_loop3A_1497, %parallel_loop3A_1497 : vector<16xf32>
        %parallel_loop3A_1499 = arith.addf %parallel_loop3A_1484, %parallel_loop3A_1498 : vector<16xf32>
        %parallel_loop3A_1500 = tpu.vector_load_idx %arg9[%add3A_6, %parallel_loop3A_1496] : memref<128x64xf32, #tpu.memory_space<vmem>>[vector<16xi32>, vector<16xi32>], vector<16xf32>,
        %parallel_loop3A_1501 = arith.mulf %parallel_loop3A_1500, %parallel_loop3A_1500 : vector<16xf32>
        %parallel_loop3A_1502 = arith.addf %parallel_loop3A_1485, %parallel_loop3A_1501 : vector<16xf32>
        %parallel_loop3A_1503 = tpu.vector_load_idx %arg9[%add3A_9, %parallel_loop3A_1496] : memref<128x64xf32, #tpu.memory_space<vmem>>[vector<16xi32>, vector<16xi32>], vector<16xf32>,
        %parallel_loop3A_1504 = arith.mulf %parallel_loop3A_1503, %parallel_loop3A_1503 : vector<16xf32>
        %parallel_loop3A_1505 = arith.addf %parallel_loop3A_1486, %parallel_loop3A_1504 : vector<16xf32>
        %parallel_loop3A_1506 = tpu.vector_load_idx %arg9[%add3A_12, %parallel_loop3A_1496] : memref<128x64xf32, #tpu.memory_space<vmem>>[vector<16xi32>, vector<16xi32>], vector<16xf32>,
        %parallel_loop3A_1507 = arith.mulf %parallel_loop3A_1506, %parallel_loop3A_1506 : vector<16xf32>
        %parallel_loop3A_1508 = arith.addf %parallel_loop3A_1487, %parallel_loop3A_1507 : vector<16xf32>
        %parallel_loop3A_1509 = tpu.vector_load_idx %arg9[%add3A_15, %parallel_loop3A_1496] : memref<128x64xf32, #tpu.memory_space<vmem>>[vector<16xi32>, vector<16xi32>], vector<16xf32>,
        %parallel_loop3A_1510 = arith.mulf %parallel_loop3A_1509, %parallel_loop3A_1509 : vector<16xf32>
        %parallel_loop3A_1511 = arith.addf %parallel_loop3A_1488, %parallel_loop3A_1510 : vector<16xf32>
        %parallel_loop3A_1512 = tpu.vector_load_idx %arg9[%add3A_18, %parallel_loop3A_1496] : memref<128x64xf32, #tpu.memory_space<vmem>>[vector<16xi32>, vector<16xi32>], vector<16xf32>,
        %parallel_loop3A_1513 = arith.mulf %parallel_loop3A_1512, %parallel_loop3A_1512 : vector<16xf32>
        %parallel_loop3A_1514 = arith.addf %parallel_loop3A_1489, %parallel_loop3A_1513 : vector<16xf32>
        %parallel_loop3A_1515 = tpu.vector_load_idx %arg9[%add3A_21, %parallel_loop3A_1496] : memref<128x64xf32, #tpu.memory_space<vmem>>[vector<16xi32>, vector<16xi32>], vector<16xf32>,
        %parallel_loop3A_1516 = arith.mulf %parallel_loop3A_1515, %parallel_loop3A_1515 : vector<16xf32>
        %parallel_loop3A_1517 = arith.addf %parallel_loop3A_1490, %parallel_loop3A_1516 : vector<16xf32>
        %parallel_loop3A_1518 = tpu.vector_load_idx %arg9[%add3A_24, %parallel_loop3A_1496] : memref<128x64xf32, #tpu.memory_space<vmem>>[vector<16xi32>, vector<16xi32>], vector<16xf32>,
        %parallel_loop3A_1519 = arith.mulf %parallel_loop3A_1518, %parallel_loop3A_1518 : vector<16xf32>
        %parallel_loop3A_1520 = arith.addf %parallel_loop3A_1491, %parallel_loop3A_1519 : vector<16xf32>
        scf.yield %parallel_loop3A_1499, %parallel_loop3A_1502, %parallel_loop3A_1505, %parallel_loop3A_1508, %parallel_loop3A_1511, %parallel_loop3A_1514, %parallel_loop3A_1517, %parallel_loop3A_1520 : vector<16xf32>, vector<16xf32>, vector<16xf32>, vector<16xf32>, vector<16xf32>, vector<16xf32>, vector<16xf32>, vector<16xf32>
      } {sc.loop_unroll_factor = 4 : i64, sc.parallel_access}
      %gt3A_1157 = arith.constant 1.000000e+00 : f32
      %gt3A_1158 = vector.broadcast %gt3A_1157 : f32 to vector<16xf32>
      %gt3A_1159 = arith.cmpf ogt, %parallel_loop3A_1156#0, %gt3A_1158 : vector<16xf32>
      %bitcast3A_1160 = vector.bitcast %parallel_loop3A_1156#0 : vector<16xf32> to vector<16xi32>
      %shift_right_arithmetic3A_1161 = arith.constant 1 : i32
      %shift_right_arithmetic3A_1162 = vector.broadcast %shift_right_arithmetic3A_1161 : i32 to vector<16xi32>
      %shift_right_arithmetic3A_1163 = arith.shrsi %bitcast3A_1160, %shift_right_arithmetic3A_1162 : vector<16xi32>
      %sub3A_1164 = arith.constant 1597463007 : i32
      %sub3A_1165 = vector.broadcast %sub3A_1164 : i32 to vector<16xi32>
      %sub3A_1166 = arith.subi %sub3A_1165, %shift_right_arithmetic3A_1163 : vector<16xi32>
      %bitcast3A_1167 = vector.bitcast %sub3A_1166 : vector<16xi32> to vector<16xf32>
      %mul3A_1168 = arith.constant 5.000000e-01 : f32
      %mul3A_1169 = vector.broadcast %mul3A_1168 : f32 to vector<16xf32>
      %mul3A_1170 = arith.mulf %mul3A_1169, %parallel_loop3A_1156#0 : vector<16xf32>
      %mul3A_1171 = arith.mulf %mul3A_1170, %bitcast3A_1167 : vector<16xf32>
      %mul3A_1172 = arith.mulf %mul3A_1171, %bitcast3A_1167 : vector<16xf32>
      %sub3A_1173 = arith.constant 1.500000e+00 : f32
      %sub3A_1174 = vector.broadcast %sub3A_1173 : f32 to vector<16xf32>
      %sub3A_1175 = arith.subf %sub3A_1174, %mul3A_1172 : vector<16xf32>
      %mul3A_1176 = arith.mulf %bitcast3A_1167, %sub3A_1175 : vector<16xf32>
      %mul3A_1177 = arith.constant 5.000000e-01 : f32
      %mul3A_1178 = vector.broadcast %mul3A_1177 : f32 to vector<16xf32>
      %mul3A_1179 = arith.mulf %mul3A_1178, %parallel_loop3A_1156#0 : vector<16xf32>
      %mul3A_1180 = arith.mulf %mul3A_1179, %mul3A_1176 : vector<16xf32>
      %mul3A_1181 = arith.mulf %mul3A_1180, %mul3A_1176 : vector<16xf32>
      %sub3A_1182 = arith.constant 1.500000e+00 : f32
      %sub3A_1183 = vector.broadcast %sub3A_1182 : f32 to vector<16xf32>
      %sub3A_1184 = arith.subf %sub3A_1183, %mul3A_1181 : vector<16xf32>
      %mul3A_1185 = arith.mulf %mul3A_1176, %sub3A_1184 : vector<16xf32>
      %jit3A_1186 = arith.constant 1.000000e+00 : f32
      %broadcast_in_dim3A_1187 = vector.broadcast %jit3A_1186 : f32 to vector<16xf32>
      %select_n3A_1188 = arith.select %gt3A_1159, %mul3A_1185, %broadcast_in_dim3A_1187 : vector<16xi1>, vector<16xf32>
      %gt3A_1189 = arith.constant 1.000000e+00 : f32
      %gt3A_1190 = vector.broadcast %gt3A_1189 : f32 to vector<16xf32>
      %gt3A_1191 = arith.cmpf ogt, %parallel_loop3A_1156#1, %gt3A_1190 : vector<16xf32>
      %bitcast3A_1192 = vector.bitcast %parallel_loop3A_1156#1 : vector<16xf32> to vector<16xi32>
      %shift_right_arithmetic3A_1193 = arith.constant 1 : i32
      %shift_right_arithmetic3A_1194 = vector.broadcast %shift_right_arithmetic3A_1193 : i32 to vector<16xi32>
      %shift_right_arithmetic3A_1195 = arith.shrsi %bitcast3A_1192, %shift_right_arithmetic3A_1194 : vector<16xi32>
      %sub3A_1196 = arith.constant 1597463007 : i32
      %sub3A_1197 = vector.broadcast %sub3A_1196 : i32 to vector<16xi32>
      %sub3A_1198 = arith.subi %sub3A_1197, %shift_right_arithmetic3A_1195 : vector<16xi32>
      %bitcast3A_1199 = vector.bitcast %sub3A_1198 : vector<16xi32> to vector<16xf32>
      %mul3A_1200 = arith.constant 5.000000e-01 : f32
      %mul3A_1201 = vector.broadcast %mul3A_1200 : f32 to vector<16xf32>
      %mul3A_1202 = arith.mulf %mul3A_1201, %parallel_loop3A_1156#1 : vector<16xf32>
      %mul3A_1203 = arith.mulf %mul3A_1202, %bitcast3A_1199 : vector<16xf32>
      %mul3A_1204 = arith.mulf %mul3A_1203, %bitcast3A_1199 : vector<16xf32>
      %sub3A_1205 = arith.constant 1.500000e+00 : f32
      %sub3A_1206 = vector.broadcast %sub3A_1205 : f32 to vector<16xf32>
      %sub3A_1207 = arith.subf %sub3A_1206, %mul3A_1204 : vector<16xf32>
      %mul3A_1208 = arith.mulf %bitcast3A_1199, %sub3A_1207 : vector<16xf32>
      %mul3A_1209 = arith.constant 5.000000e-01 : f32
      %mul3A_1210 = vector.broadcast %mul3A_1209 : f32 to vector<16xf32>
      %mul3A_1211 = arith.mulf %mul3A_1210, %parallel_loop3A_1156#1 : vector<16xf32>
      %mul3A_1212 = arith.mulf %mul3A_1211, %mul3A_1208 : vector<16xf32>
      %mul3A_1213 = arith.mulf %mul3A_1212, %mul3A_1208 : vector<16xf32>
      %sub3A_1214 = arith.constant 1.500000e+00 : f32
      %sub3A_1215 = vector.broadcast %sub3A_1214 : f32 to vector<16xf32>
      %sub3A_1216 = arith.subf %sub3A_1215, %mul3A_1213 : vector<16xf32>
      %mul3A_1217 = arith.mulf %mul3A_1208, %sub3A_1216 : vector<16xf32>
      %jit3A_1218 = arith.constant 1.000000e+00 : f32
      %broadcast_in_dim3A_1219 = vector.broadcast %jit3A_1218 : f32 to vector<16xf32>
      %select_n3A_1220 = arith.select %gt3A_1191, %mul3A_1217, %broadcast_in_dim3A_1219 : vector<16xi1>, vector<16xf32>
      %gt3A_1221 = arith.constant 1.000000e+00 : f32
      %gt3A_1222 = vector.broadcast %gt3A_1221 : f32 to vector<16xf32>
      %gt3A_1223 = arith.cmpf ogt, %parallel_loop3A_1156#2, %gt3A_1222 : vector<16xf32>
      %bitcast3A_1224 = vector.bitcast %parallel_loop3A_1156#2 : vector<16xf32> to vector<16xi32>
      %shift_right_arithmetic3A_1225 = arith.constant 1 : i32
      %shift_right_arithmetic3A_1226 = vector.broadcast %shift_right_arithmetic3A_1225 : i32 to vector<16xi32>
      %shift_right_arithmetic3A_1227 = arith.shrsi %bitcast3A_1224, %shift_right_arithmetic3A_1226 : vector<16xi32>
      %sub3A_1228 = arith.constant 1597463007 : i32
      %sub3A_1229 = vector.broadcast %sub3A_1228 : i32 to vector<16xi32>
      %sub3A_1230 = arith.subi %sub3A_1229, %shift_right_arithmetic3A_1227 : vector<16xi32>
      %bitcast3A_1231 = vector.bitcast %sub3A_1230 : vector<16xi32> to vector<16xf32>
      %mul3A_1232 = arith.constant 5.000000e-01 : f32
      %mul3A_1233 = vector.broadcast %mul3A_1232 : f32 to vector<16xf32>
      %mul3A_1234 = arith.mulf %mul3A_1233, %parallel_loop3A_1156#2 : vector<16xf32>
      %mul3A_1235 = arith.mulf %mul3A_1234, %bitcast3A_1231 : vector<16xf32>
      %mul3A_1236 = arith.mulf %mul3A_1235, %bitcast3A_1231 : vector<16xf32>
      %sub3A_1237 = arith.constant 1.500000e+00 : f32
      %sub3A_1238 = vector.broadcast %sub3A_1237 : f32 to vector<16xf32>
      %sub3A_1239 = arith.subf %sub3A_1238, %mul3A_1236 : vector<16xf32>
      %mul3A_1240 = arith.mulf %bitcast3A_1231, %sub3A_1239 : vector<16xf32>
      %mul3A_1241 = arith.constant 5.000000e-01 : f32
      %mul3A_1242 = vector.broadcast %mul3A_1241 : f32 to vector<16xf32>
      %mul3A_1243 = arith.mulf %mul3A_1242, %parallel_loop3A_1156#2 : vector<16xf32>
      %mul3A_1244 = arith.mulf %mul3A_1243, %mul3A_1240 : vector<16xf32>
      %mul3A_1245 = arith.mulf %mul3A_1244, %mul3A_1240 : vector<16xf32>
      %sub3A_1246 = arith.constant 1.500000e+00 : f32
      %sub3A_1247 = vector.broadcast %sub3A_1246 : f32 to vector<16xf32>
      %sub3A_1248 = arith.subf %sub3A_1247, %mul3A_1245 : vector<16xf32>
      %mul3A_1249 = arith.mulf %mul3A_1240, %sub3A_1248 : vector<16xf32>
      %jit3A_1250 = arith.constant 1.000000e+00 : f32
      %broadcast_in_dim3A_1251 = vector.broadcast %jit3A_1250 : f32 to vector<16xf32>
      %select_n3A_1252 = arith.select %gt3A_1223, %mul3A_1249, %broadcast_in_dim3A_1251 : vector<16xi1>, vector<16xf32>
      %gt3A_1253 = arith.constant 1.000000e+00 : f32
      %gt3A_1254 = vector.broadcast %gt3A_1253 : f32 to vector<16xf32>
      %gt3A_1255 = arith.cmpf ogt, %parallel_loop3A_1156#3, %gt3A_1254 : vector<16xf32>
      %bitcast3A_1256 = vector.bitcast %parallel_loop3A_1156#3 : vector<16xf32> to vector<16xi32>
      %shift_right_arithmetic3A_1257 = arith.constant 1 : i32
      %shift_right_arithmetic3A_1258 = vector.broadcast %shift_right_arithmetic3A_1257 : i32 to vector<16xi32>
      %shift_right_arithmetic3A_1259 = arith.shrsi %bitcast3A_1256, %shift_right_arithmetic3A_1258 : vector<16xi32>
      %sub3A_1260 = arith.constant 1597463007 : i32
      %sub3A_1261 = vector.broadcast %sub3A_1260 : i32 to vector<16xi32>
      %sub3A_1262 = arith.subi %sub3A_1261, %shift_right_arithmetic3A_1259 : vector<16xi32>
      %bitcast3A_1263 = vector.bitcast %sub3A_1262 : vector<16xi32> to vector<16xf32>
      %mul3A_1264 = arith.constant 5.000000e-01 : f32
      %mul3A_1265 = vector.broadcast %mul3A_1264 : f32 to vector<16xf32>
      %mul3A_1266 = arith.mulf %mul3A_1265, %parallel_loop3A_1156#3 : vector<16xf32>
      %mul3A_1267 = arith.mulf %mul3A_1266, %bitcast3A_1263 : vector<16xf32>
      %mul3A_1268 = arith.mulf %mul3A_1267, %bitcast3A_1263 : vector<16xf32>
      %sub3A_1269 = arith.constant 1.500000e+00 : f32
      %sub3A_1270 = vector.broadcast %sub3A_1269 : f32 to vector<16xf32>
      %sub3A_1271 = arith.subf %sub3A_1270, %mul3A_1268 : vector<16xf32>
      %mul3A_1272 = arith.mulf %bitcast3A_1263, %sub3A_1271 : vector<16xf32>
      %mul3A_1273 = arith.constant 5.000000e-01 : f32
      %mul3A_1274 = vector.broadcast %mul3A_1273 : f32 to vector<16xf32>
      %mul3A_1275 = arith.mulf %mul3A_1274, %parallel_loop3A_1156#3 : vector<16xf32>
      %mul3A_1276 = arith.mulf %mul3A_1275, %mul3A_1272 : vector<16xf32>
      %mul3A_1277 = arith.mulf %mul3A_1276, %mul3A_1272 : vector<16xf32>
      %sub3A_1278 = arith.constant 1.500000e+00 : f32
      %sub3A_1279 = vector.broadcast %sub3A_1278 : f32 to vector<16xf32>
      %sub3A_1280 = arith.subf %sub3A_1279, %mul3A_1277 : vector<16xf32>
      %mul3A_1281 = arith.mulf %mul3A_1272, %sub3A_1280 : vector<16xf32>
      %jit3A_1282 = arith.constant 1.000000e+00 : f32
      %broadcast_in_dim3A_1283 = vector.broadcast %jit3A_1282 : f32 to vector<16xf32>
      %select_n3A_1284 = arith.select %gt3A_1255, %mul3A_1281, %broadcast_in_dim3A_1283 : vector<16xi1>, vector<16xf32>
      %gt3A_1285 = arith.constant 1.000000e+00 : f32
      %gt3A_1286 = vector.broadcast %gt3A_1285 : f32 to vector<16xf32>
      %gt3A_1287 = arith.cmpf ogt, %parallel_loop3A_1156#4, %gt3A_1286 : vector<16xf32>
      %bitcast3A_1288 = vector.bitcast %parallel_loop3A_1156#4 : vector<16xf32> to vector<16xi32>
      %shift_right_arithmetic3A_1289 = arith.constant 1 : i32
      %shift_right_arithmetic3A_1290 = vector.broadcast %shift_right_arithmetic3A_1289 : i32 to vector<16xi32>
      %shift_right_arithmetic3A_1291 = arith.shrsi %bitcast3A_1288, %shift_right_arithmetic3A_1290 : vector<16xi32>
      %sub3A_1292 = arith.constant 1597463007 : i32
      %sub3A_1293 = vector.broadcast %sub3A_1292 : i32 to vector<16xi32>
      %sub3A_1294 = arith.subi %sub3A_1293, %shift_right_arithmetic3A_1291 : vector<16xi32>
      %bitcast3A_1295 = vector.bitcast %sub3A_1294 : vector<16xi32> to vector<16xf32>
      %mul3A_1296 = arith.constant 5.000000e-01 : f32
      %mul3A_1297 = vector.broadcast %mul3A_1296 : f32 to vector<16xf32>
      %mul3A_1298 = arith.mulf %mul3A_1297, %parallel_loop3A_1156#4 : vector<16xf32>
      %mul3A_1299 = arith.mulf %mul3A_1298, %bitcast3A_1295 : vector<16xf32>
      %mul3A_1300 = arith.mulf %mul3A_1299, %bitcast3A_1295 : vector<16xf32>
      %sub3A_1301 = arith.constant 1.500000e+00 : f32
      %sub3A_1302 = vector.broadcast %sub3A_1301 : f32 to vector<16xf32>
      %sub3A_1303 = arith.subf %sub3A_1302, %mul3A_1300 : vector<16xf32>
      %mul3A_1304 = arith.mulf %bitcast3A_1295, %sub3A_1303 : vector<16xf32>
      %mul3A_1305 = arith.constant 5.000000e-01 : f32
      %mul3A_1306 = vector.broadcast %mul3A_1305 : f32 to vector<16xf32>
      %mul3A_1307 = arith.mulf %mul3A_1306, %parallel_loop3A_1156#4 : vector<16xf32>
      %mul3A_1308 = arith.mulf %mul3A_1307, %mul3A_1304 : vector<16xf32>
      %mul3A_1309 = arith.mulf %mul3A_1308, %mul3A_1304 : vector<16xf32>
      %sub3A_1310 = arith.constant 1.500000e+00 : f32
      %sub3A_1311 = vector.broadcast %sub3A_1310 : f32 to vector<16xf32>
      %sub3A_1312 = arith.subf %sub3A_1311, %mul3A_1309 : vector<16xf32>
      %mul3A_1313 = arith.mulf %mul3A_1304, %sub3A_1312 : vector<16xf32>
      %jit3A_1314 = arith.constant 1.000000e+00 : f32
      %broadcast_in_dim3A_1315 = vector.broadcast %jit3A_1314 : f32 to vector<16xf32>
      %select_n3A_1316 = arith.select %gt3A_1287, %mul3A_1313, %broadcast_in_dim3A_1315 : vector<16xi1>, vector<16xf32>
      %gt3A_1317 = arith.constant 1.000000e+00 : f32
      %gt3A_1318 = vector.broadcast %gt3A_1317 : f32 to vector<16xf32>
      %gt3A_1319 = arith.cmpf ogt, %parallel_loop3A_1156#5, %gt3A_1318 : vector<16xf32>
      %bitcast3A_1320 = vector.bitcast %parallel_loop3A_1156#5 : vector<16xf32> to vector<16xi32>
      %shift_right_arithmetic3A_1321 = arith.constant 1 : i32
      %shift_right_arithmetic3A_1322 = vector.broadcast %shift_right_arithmetic3A_1321 : i32 to vector<16xi32>
      %shift_right_arithmetic3A_1323 = arith.shrsi %bitcast3A_1320, %shift_right_arithmetic3A_1322 : vector<16xi32>
      %sub3A_1324 = arith.constant 1597463007 : i32
      %sub3A_1325 = vector.broadcast %sub3A_1324 : i32 to vector<16xi32>
      %sub3A_1326 = arith.subi %sub3A_1325, %shift_right_arithmetic3A_1323 : vector<16xi32>
      %bitcast3A_1327 = vector.bitcast %sub3A_1326 : vector<16xi32> to vector<16xf32>
      %mul3A_1328 = arith.constant 5.000000e-01 : f32
      %mul3A_1329 = vector.broadcast %mul3A_1328 : f32 to vector<16xf32>
      %mul3A_1330 = arith.mulf %mul3A_1329, %parallel_loop3A_1156#5 : vector<16xf32>
      %mul3A_1331 = arith.mulf %mul3A_1330, %bitcast3A_1327 : vector<16xf32>
      %mul3A_1332 = arith.mulf %mul3A_1331, %bitcast3A_1327 : vector<16xf32>
      %sub3A_1333 = arith.constant 1.500000e+00 : f32
      %sub3A_1334 = vector.broadcast %sub3A_1333 : f32 to vector<16xf32>
      %sub3A_1335 = arith.subf %sub3A_1334, %mul3A_1332 : vector<16xf32>
      %mul3A_1336 = arith.mulf %bitcast3A_1327, %sub3A_1335 : vector<16xf32>
      %mul3A_1337 = arith.constant 5.000000e-01 : f32
      %mul3A_1338 = vector.broadcast %mul3A_1337 : f32 to vector<16xf32>
      %mul3A_1339 = arith.mulf %mul3A_1338, %parallel_loop3A_1156#5 : vector<16xf32>
      %mul3A_1340 = arith.mulf %mul3A_1339, %mul3A_1336 : vector<16xf32>
      %mul3A_1341 = arith.mulf %mul3A_1340, %mul3A_1336 : vector<16xf32>
      %sub3A_1342 = arith.constant 1.500000e+00 : f32
      %sub3A_1343 = vector.broadcast %sub3A_1342 : f32 to vector<16xf32>
      %sub3A_1344 = arith.subf %sub3A_1343, %mul3A_1341 : vector<16xf32>
      %mul3A_1345 = arith.mulf %mul3A_1336, %sub3A_1344 : vector<16xf32>
      %jit3A_1346 = arith.constant 1.000000e+00 : f32
      %broadcast_in_dim3A_1347 = vector.broadcast %jit3A_1346 : f32 to vector<16xf32>
      %select_n3A_1348 = arith.select %gt3A_1319, %mul3A_1345, %broadcast_in_dim3A_1347 : vector<16xi1>, vector<16xf32>
      %gt3A_1349 = arith.constant 1.000000e+00 : f32
      %gt3A_1350 = vector.broadcast %gt3A_1349 : f32 to vector<16xf32>
      %gt3A_1351 = arith.cmpf ogt, %parallel_loop3A_1156#6, %gt3A_1350 : vector<16xf32>
      %bitcast3A_1352 = vector.bitcast %parallel_loop3A_1156#6 : vector<16xf32> to vector<16xi32>
      %shift_right_arithmetic3A_1353 = arith.constant 1 : i32
      %shift_right_arithmetic3A_1354 = vector.broadcast %shift_right_arithmetic3A_1353 : i32 to vector<16xi32>
      %shift_right_arithmetic3A_1355 = arith.shrsi %bitcast3A_1352, %shift_right_arithmetic3A_1354 : vector<16xi32>
      %sub3A_1356 = arith.constant 1597463007 : i32
      %sub3A_1357 = vector.broadcast %sub3A_1356 : i32 to vector<16xi32>
      %sub3A_1358 = arith.subi %sub3A_1357, %shift_right_arithmetic3A_1355 : vector<16xi32>
      %bitcast3A_1359 = vector.bitcast %sub3A_1358 : vector<16xi32> to vector<16xf32>
      %mul3A_1360 = arith.constant 5.000000e-01 : f32
      %mul3A_1361 = vector.broadcast %mul3A_1360 : f32 to vector<16xf32>
      %mul3A_1362 = arith.mulf %mul3A_1361, %parallel_loop3A_1156#6 : vector<16xf32>
      %mul3A_1363 = arith.mulf %mul3A_1362, %bitcast3A_1359 : vector<16xf32>
      %mul3A_1364 = arith.mulf %mul3A_1363, %bitcast3A_1359 : vector<16xf32>
      %sub3A_1365 = arith.constant 1.500000e+00 : f32
      %sub3A_1366 = vector.broadcast %sub3A_1365 : f32 to vector<16xf32>
      %sub3A_1367 = arith.subf %sub3A_1366, %mul3A_1364 : vector<16xf32>
      %mul3A_1368 = arith.mulf %bitcast3A_1359, %sub3A_1367 : vector<16xf32>
      %mul3A_1369 = arith.constant 5.000000e-01 : f32
      %mul3A_1370 = vector.broadcast %mul3A_1369 : f32 to vector<16xf32>
      %mul3A_1371 = arith.mulf %mul3A_1370, %parallel_loop3A_1156#6 : vector<16xf32>
      %mul3A_1372 = arith.mulf %mul3A_1371, %mul3A_1368 : vector<16xf32>
      %mul3A_1373 = arith.mulf %mul3A_1372, %mul3A_1368 : vector<16xf32>
      %sub3A_1374 = arith.constant 1.500000e+00 : f32
      %sub3A_1375 = vector.broadcast %sub3A_1374 : f32 to vector<16xf32>
      %sub3A_1376 = arith.subf %sub3A_1375, %mul3A_1373 : vector<16xf32>
      %mul3A_1377 = arith.mulf %mul3A_1368, %sub3A_1376 : vector<16xf32>
      %jit3A_1378 = arith.constant 1.000000e+00 : f32
      %broadcast_in_dim3A_1379 = vector.broadcast %jit3A_1378 : f32 to vector<16xf32>
      %select_n3A_1380 = arith.select %gt3A_1351, %mul3A_1377, %broadcast_in_dim3A_1379 : vector<16xi1>, vector<16xf32>
      %gt3A_1381 = arith.constant 1.000000e+00 : f32
      %gt3A_1382 = vector.broadcast %gt3A_1381 : f32 to vector<16xf32>
      %gt3A_1383 = arith.cmpf ogt, %parallel_loop3A_1156#7, %gt3A_1382 : vector<16xf32>
      %bitcast3A_1384 = vector.bitcast %parallel_loop3A_1156#7 : vector<16xf32> to vector<16xi32>
      %shift_right_arithmetic3A_1385 = arith.constant 1 : i32
      %shift_right_arithmetic3A_1386 = vector.broadcast %shift_right_arithmetic3A_1385 : i32 to vector<16xi32>
      %shift_right_arithmetic3A_1387 = arith.shrsi %bitcast3A_1384, %shift_right_arithmetic3A_1386 : vector<16xi32>
      %sub3A_1388 = arith.constant 1597463007 : i32
      %sub3A_1389 = vector.broadcast %sub3A_1388 : i32 to vector<16xi32>
      %sub3A_1390 = arith.subi %sub3A_1389, %shift_right_arithmetic3A_1387 : vector<16xi32>
      %bitcast3A_1391 = vector.bitcast %sub3A_1390 : vector<16xi32> to vector<16xf32>
      %mul3A_1392 = arith.constant 5.000000e-01 : f32
      %mul3A_1393 = vector.broadcast %mul3A_1392 : f32 to vector<16xf32>
      %mul3A_1394 = arith.mulf %mul3A_1393, %parallel_loop3A_1156#7 : vector<16xf32>
      %mul3A_1395 = arith.mulf %mul3A_1394, %bitcast3A_1391 : vector<16xf32>
      %mul3A_1396 = arith.mulf %mul3A_1395, %bitcast3A_1391 : vector<16xf32>
      %sub3A_1397 = arith.constant 1.500000e+00 : f32
      %sub3A_1398 = vector.broadcast %sub3A_1397 : f32 to vector<16xf32>
      %sub3A_1399 = arith.subf %sub3A_1398, %mul3A_1396 : vector<16xf32>
      %mul3A_1400 = arith.mulf %bitcast3A_1391, %sub3A_1399 : vector<16xf32>
      %mul3A_1401 = arith.constant 5.000000e-01 : f32
      %mul3A_1402 = vector.broadcast %mul3A_1401 : f32 to vector<16xf32>
      %mul3A_1403 = arith.mulf %mul3A_1402, %parallel_loop3A_1156#7 : vector<16xf32>
      %mul3A_1404 = arith.mulf %mul3A_1403, %mul3A_1400 : vector<16xf32>
      %mul3A_1405 = arith.mulf %mul3A_1404, %mul3A_1400 : vector<16xf32>
      %sub3A_1406 = arith.constant 1.500000e+00 : f32
      %sub3A_1407 = vector.broadcast %sub3A_1406 : f32 to vector<16xf32>
      %sub3A_1408 = arith.subf %sub3A_1407, %mul3A_1405 : vector<16xf32>
      %mul3A_1409 = arith.mulf %mul3A_1400, %sub3A_1408 : vector<16xf32>
      %jit3A_1410 = arith.constant 1.000000e+00 : f32
      %broadcast_in_dim3A_1411 = vector.broadcast %jit3A_1410 : f32 to vector<16xf32>
      %select_n3A_1412 = arith.select %gt3A_1383, %mul3A_1409, %broadcast_in_dim3A_1411 : vector<16xi1>, vector<16xf32>
      %parallel_loop3A_1413 = arith.constant 0 : i32
      %parallel_loop3A_1414 = arith.constant 64 : i32
      %parallel_loop3A_1415 = arith.constant 1 : i32
      scf.for %parallel_loop3A_1483 = %parallel_loop3A_1413 to %parallel_loop3A_1414 step %parallel_loop3A_1415  : i32 {
        %parallel_loop3A_1484 = vector.broadcast %parallel_loop3A_1483 : i32 to vector<16xi32>
        %parallel_loop3A_1485 = arith.addi %parallel_loop3A_1484, %iota3A : vector<16xi32>
        %parallel_loop3A_1486 = arith.constant 63 : i32
        %parallel_loop3A_1487 = vector.broadcast %parallel_loop3A_1486 : i32 to vector<16xi32>
        %parallel_loop3A_1488 = arith.andi %parallel_loop3A_1485, %parallel_loop3A_1487 : vector<16xi32>
        %parallel_loop3A_1489 = arith.constant 3 : i32
        %parallel_loop3A_1490 = vector.broadcast %parallel_loop3A_1489 : i32 to vector<16xi32>
        %parallel_loop3A_1491 = arith.shrsi %parallel_loop3A_1488, %parallel_loop3A_1490 : vector<16xi32>
        %parallel_loop3A_1492 = arith.constant 7 : i32
        %parallel_loop3A_1493 = vector.broadcast %parallel_loop3A_1492 : i32 to vector<16xi32>
        %parallel_loop3A_1494 = arith.andi %parallel_loop3A_1488, %parallel_loop3A_1493 : vector<16xi32>
        %parallel_loop3A_1495 = tpu.vector_load_idx %arg9[%add3A_3, %parallel_loop3A_1488] : memref<128x64xf32, #tpu.memory_space<vmem>>[vector<16xi32>, vector<16xi32>], vector<16xf32>,
        %parallel_loop3A_1496 = arith.mulf %parallel_loop3A_1495, %select_n3A_1188 : vector<16xf32>
        tpu.vector_store_idx %arg13[%parallel_loop3A_1491, %parallel_loop3A_1494, %add3A_3], %parallel_loop3A_1496 : memref<8x8x128xf32, #tpu.memory_space<vmem>>[vector<16xi32>, vector<16xi32>, vector<16xi32>], vector<16xf32>,
        %parallel_loop3A_1497 = tpu.vector_load_idx %arg9[%add3A_6, %parallel_loop3A_1488] : memref<128x64xf32, #tpu.memory_space<vmem>>[vector<16xi32>, vector<16xi32>], vector<16xf32>,
        %parallel_loop3A_1498 = arith.mulf %parallel_loop3A_1497, %select_n3A_1220 : vector<16xf32>
        tpu.vector_store_idx %arg13[%parallel_loop3A_1491, %parallel_loop3A_1494, %add3A_6], %parallel_loop3A_1498 : memref<8x8x128xf32, #tpu.memory_space<vmem>>[vector<16xi32>, vector<16xi32>, vector<16xi32>], vector<16xf32>,
        %parallel_loop3A_1499 = tpu.vector_load_idx %arg9[%add3A_9, %parallel_loop3A_1488] : memref<128x64xf32, #tpu.memory_space<vmem>>[vector<16xi32>, vector<16xi32>], vector<16xf32>,
        %parallel_loop3A_1500 = arith.mulf %parallel_loop3A_1499, %select_n3A_1252 : vector<16xf32>
        tpu.vector_store_idx %arg13[%parallel_loop3A_1491, %parallel_loop3A_1494, %add3A_9], %parallel_loop3A_1500 : memref<8x8x128xf32, #tpu.memory_space<vmem>>[vector<16xi32>, vector<16xi32>, vector<16xi32>], vector<16xf32>,
        %parallel_loop3A_1501 = tpu.vector_load_idx %arg9[%add3A_12, %parallel_loop3A_1488] : memref<128x64xf32, #tpu.memory_space<vmem>>[vector<16xi32>, vector<16xi32>], vector<16xf32>,
        %parallel_loop3A_1502 = arith.mulf %parallel_loop3A_1501, %select_n3A_1284 : vector<16xf32>
        tpu.vector_store_idx %arg13[%parallel_loop3A_1491, %parallel_loop3A_1494, %add3A_12], %parallel_loop3A_1502 : memref<8x8x128xf32, #tpu.memory_space<vmem>>[vector<16xi32>, vector<16xi32>, vector<16xi32>], vector<16xf32>,
        %parallel_loop3A_1503 = tpu.vector_load_idx %arg9[%add3A_15, %parallel_loop3A_1488] : memref<128x64xf32, #tpu.memory_space<vmem>>[vector<16xi32>, vector<16xi32>], vector<16xf32>,
        %parallel_loop3A_1504 = arith.mulf %parallel_loop3A_1503, %select_n3A_1316 : vector<16xf32>
        tpu.vector_store_idx %arg13[%parallel_loop3A_1491, %parallel_loop3A_1494, %add3A_15], %parallel_loop3A_1504 : memref<8x8x128xf32, #tpu.memory_space<vmem>>[vector<16xi32>, vector<16xi32>, vector<16xi32>], vector<16xf32>,
        %parallel_loop3A_1505 = tpu.vector_load_idx %arg9[%add3A_18, %parallel_loop3A_1488] : memref<128x64xf32, #tpu.memory_space<vmem>>[vector<16xi32>, vector<16xi32>], vector<16xf32>,
        %parallel_loop3A_1506 = arith.mulf %parallel_loop3A_1505, %select_n3A_1348 : vector<16xf32>
        tpu.vector_store_idx %arg13[%parallel_loop3A_1491, %parallel_loop3A_1494, %add3A_18], %parallel_loop3A_1506 : memref<8x8x128xf32, #tpu.memory_space<vmem>>[vector<16xi32>, vector<16xi32>, vector<16xi32>], vector<16xf32>,
        %parallel_loop3A_1507 = tpu.vector_load_idx %arg9[%add3A_21, %parallel_loop3A_1488] : memref<128x64xf32, #tpu.memory_space<vmem>>[vector<16xi32>, vector<16xi32>], vector<16xf32>,
        %parallel_loop3A_1508 = arith.mulf %parallel_loop3A_1507, %select_n3A_1380 : vector<16xf32>
        tpu.vector_store_idx %arg13[%parallel_loop3A_1491, %parallel_loop3A_1494, %add3A_21], %parallel_loop3A_1508 : memref<8x8x128xf32, #tpu.memory_space<vmem>>[vector<16xi32>, vector<16xi32>, vector<16xi32>], vector<16xf32>,
        %parallel_loop3A_1509 = tpu.vector_load_idx %arg9[%add3A_24, %parallel_loop3A_1488] : memref<128x64xf32, #tpu.memory_space<vmem>>[vector<16xi32>, vector<16xi32>], vector<16xf32>,
        %parallel_loop3A_1510 = arith.mulf %parallel_loop3A_1509, %select_n3A_1412 : vector<16xf32>
        tpu.vector_store_idx %arg13[%parallel_loop3A_1491, %parallel_loop3A_1494, %add3A_24], %parallel_loop3A_1510 : memref<8x8x128xf32, #tpu.memory_space<vmem>>[vector<16xi32>, vector<16xi32>, vector<16xi32>], vector<16xf32>,
      } {sc.loop_unroll_factor = 4 : i64, sc.parallel_access}
      %ge3A_1416 = arith.constant 1 : i32
      %ge3A_1417 = arith.cmpi sge, %add3A_1129, %ge3A_1416 : i32
      %convert_element_type3A_1418 = arith.extui %ge3A_1417 : i1 to i32
      %cond3A_1419 = arith.constant 0 : i32
      %cond3A_1420 = arith.cmpi ne, %convert_element_type3A_1418, %cond3A_1419 : i32
      scf.if %cond3A_1420 {
        %dma_wait3A_1483 = arith.constant 0 : i32
        %dma_wait3A_1484 = arith.constant 0 : i32
        %dma_wait3A_1485 = arith.constant 0 : i32
        %dma_wait3A_1486 = arith.constant 0 : i32
        %dma_wait3A_1487 = arith.constant 0 : i32
        %dma_wait3A_1488 = tpu.memref_slice %arg4[%dma_wait3A_1483, %dma_wait3A_1485, %dma_wait3A_1484, %dma_wait3A_1486, %dma_wait3A_1487] : memref<26x8x128x8x128xf32, #tpu.memory_space<hbm>> -> memref<1x8x1x8x128xf32, #tpu.memory_space<hbm>>
        %dma_wait3A_1489 = tpu.memref_squeeze %dma_wait3A_1488 : memref<1x8x1x8x128xf32, #tpu.memory_space<hbm>> -> memref<8x8x128xf32, #tpu.memory_space<hbm>>
        %dma_wait3A_1490 = arith.constant 0 : i32
        %dma_wait3A_1491 = arith.constant 0 : i32
        %dma_wait3A_1492 = arith.constant 0 : i32
        %dma_wait3A_1493 = tpu.memref_slice %arg4[%dma_wait3A_1483, %dma_wait3A_1490, %dma_wait3A_1484, %dma_wait3A_1491, %dma_wait3A_1492] : memref<26x8x128x8x128xf32, #tpu.memory_space<hbm>> -> memref<1x8x1x8x128xf32, #tpu.memory_space<hbm>>
        %dma_wait3A_1494 = tpu.memref_squeeze %dma_wait3A_1493 : memref<1x8x1x8x128xf32, #tpu.memory_space<hbm>> -> memref<8x8x128xf32, #tpu.memory_space<hbm>>
        tpu.wait_dma2 semaphore(%arg20 : memref<!tpu.dma_semaphore, #tpu.memory_space<semaphore_mem>>) src(%arg12 : memref<8x8x128xf32, #tpu.memory_space<vmem>>) dst(%dma_wait3A_1494 : memref<8x8x128xf32, #tpu.memory_space<hbm>>)
      } else {
      }
      %mul3A_1421 = arith.constant 104 : i32
      %mul3A_1422 = arith.muli %add3A, %mul3A_1421 : i32
      %add3A_1423 = arith.addi %mul3A_1422, %add3A_1129 : i32
      %jit3A_1424 = arith.constant 128 : i32
      %div3A_1425 = arith.divsi %add3A_1423, %jit3A_1424 : i32
      %sign3A_1426 = arith.constant 0 : i32
      %sign3A_1427 = arith.cmpi sgt, %add3A_1423, %sign3A_1426 : i32
      %sign3A_1428 = arith.extui %sign3A_1427 : i1 to i32
      %sign3A_1429 = arith.constant 0 : i32
      %sign3A_1430 = arith.cmpi slt, %add3A_1423, %sign3A_1429 : i32
      %sign3A_1431 = arith.extui %sign3A_1430 : i1 to i32
      %sign3A_1432 = arith.subi %sign3A_1428, %sign3A_1431 : i32
      %sign3A_1433 = arith.constant 0 : i32
      %sign3A_1434 = arith.cmpi sgt, %jit3A_1424, %sign3A_1433 : i32
      %sign3A_1435 = arith.extui %sign3A_1434 : i1 to i32
      %sign3A_1436 = arith.constant 0 : i32
      %sign3A_1437 = arith.cmpi slt, %jit3A_1424, %sign3A_1436 : i32
      %sign3A_1438 = arith.extui %sign3A_1437 : i1 to i32
      %sign3A_1439 = arith.subi %sign3A_1435, %sign3A_1438 : i32
      %ne3A_1440 = arith.cmpi ne, %sign3A_1432, %sign3A_1439 : i32
      %rem3A_1441 = arith.remsi %add3A_1423, %jit3A_1424 : i32
      %ne3A_1442 = arith.constant 0 : i32
      %ne3A_1443 = arith.cmpi ne, %rem3A_1441, %ne3A_1442 : i32
      %and3A_1444 = arith.andi %ne3A_1440, %ne3A_1443 : i1
      %sub3A_1445 = arith.constant 1 : i32
      %sub3A_1446 = arith.subi %div3A_1425, %sub3A_1445 : i32
      %select_n3A_1447 = arith.select %and3A_1444, %sub3A_1446, %div3A_1425 : i32
      %jit3A_1448 = arith.constant 128 : i32
      %eq3A_1449 = arith.constant 0 : i32
      %eq3A_1450 = arith.cmpi eq, %jit3A_1448, %eq3A_1449 : i32
      %jit3A_1451 = arith.constant 1 : i32
      %select_n3A_1452 = arith.select %eq3A_1450, %jit3A_1451, %jit3A_1448 : i32
      %rem3A_1453 = arith.remsi %add3A_1423, %select_n3A_1452 : i32
      %ne3A_1454 = arith.constant 0 : i32
      %ne3A_1455 = arith.cmpi ne, %rem3A_1453, %ne3A_1454 : i32
      %lt3A_1456 = arith.constant 0 : i32
      %lt3A_1457 = arith.cmpi slt, %rem3A_1453, %lt3A_1456 : i32
      %lt3A_1458 = arith.constant 0 : i32
      %lt3A_1459 = arith.cmpi slt, %select_n3A_1452, %lt3A_1458 : i32
      %ne3A_1460 = arith.xori %lt3A_1457, %lt3A_1459 : i1
      %and3A_1461 = arith.andi %ne3A_1460, %ne3A_1455 : i1
      %add3A_1462 = arith.addi %rem3A_1453, %select_n3A_1452 : i32
      %select_n3A_1463 = arith.select %and3A_1461, %add3A_1462, %rem3A_1453 : i32
      %dma_start3A_1464 = arith.constant 0 : i32
      %dma_start3A_1465 = arith.constant 0 : i32
      %dma_start3A_1466 = arith.constant 0 : i32
      %dma_start3A_1467 = tpu.memref_slice %arg4[%select_n3A_1447, %dma_start3A_1464, %select_n3A_1463, %dma_start3A_1465, %dma_start3A_1466] : memref<26x8x128x8x128xf32, #tpu.memory_space<hbm>> -> memref<1x8x1x8x128xf32, #tpu.memory_space<hbm>>
      %dma_start3A_1468 = tpu.memref_squeeze %dma_start3A_1467 : memref<1x8x1x8x128xf32, #tpu.memory_space<hbm>> -> memref<8x8x128xf32, #tpu.memory_space<hbm>>
      %dma_start3A_1469 = arith.constant 0 : i32
      %dma_start3A_1470 = arith.constant 0 : i32
      %dma_start3A_1471 = arith.constant 0 : i32
      %dma_start3A_1472 = tpu.memref_slice %arg4[%select_n3A_1447, %dma_start3A_1469, %select_n3A_1463, %dma_start3A_1470, %dma_start3A_1471] : memref<26x8x128x8x128xf32, #tpu.memory_space<hbm>> -> memref<1x8x1x8x128xf32, #tpu.memory_space<hbm>>
      %dma_start3A_1473 = tpu.memref_squeeze %dma_start3A_1472 : memref<1x8x1x8x128xf32, #tpu.memory_space<hbm>> -> memref<8x8x128xf32, #tpu.memory_space<hbm>>
      tpu.enqueue_dma source(%arg13 : memref<8x8x128xf32, #tpu.memory_space<vmem>>) target(%dma_start3A_1473 : memref<8x8x128xf32, #tpu.memory_space<hbm>>) target_semaphore(%arg21 : memref<!tpu.dma_semaphore, #tpu.memory_space<semaphore_mem>>)
      %add3A_1474 = arith.constant 4 : i32
      %add3A_1475 = arith.addi %add3A_1129, %add3A_1474 : i32
      %sub3A_1476 = arith.constant 1 : i32
      %sub3A_1477 = arith.subi %add3A_1475, %sub3A_1476 : i32
      %lt3A_1478 = arith.constant 104 : i32
      %lt3A_1479 = arith.cmpi slt, %sub3A_1477, %lt3A_1478 : i32
      %convert_element_type3A_1480 = arith.extui %lt3A_1479 : i1 to i32
      %cond3A_1481 = arith.constant 0 : i32
      %cond3A_1482 = arith.cmpi ne, %convert_element_type3A_1480, %cond3A_1481 : i32
      scf.if %cond3A_1482 {
        %add3A_1483 = arith.constant 4 : i32
        %add3A_1484 = arith.addi %add3A_1129, %add3A_1483 : i32
        %sub3A_1485 = arith.constant 1 : i32
        %sub3A_1486 = arith.subi %add3A_1484, %sub3A_1485 : i32
        %dma_start3A_1487 = arith.constant 0 : i32
        %dma_start3A_1488 = tpu.memref_slice %arg5[%sub3A_1486, %dma_start3A_1487] : memref<104x128xi32, #tpu.memory_space<vmem>> -> memref<1x128xi32, #tpu.memory_space<vmem>>
        %dma_start3A_1489 = tpu.memref_squeeze %dma_start3A_1488 : memref<1x128xi32, #tpu.memory_space<vmem>> -> memref<128xi32, #tpu.memory_space<vmem>>
        %dma_start3A_1490 = arith.constant 0 : i32
        %dma_start3A_1491 = arith.constant 0 : i32
        %dma_start3A_1492 = tpu.memref_slice %arg3[%dma_start3A_1490, %dma_start3A_1491] : memref<1000000x64xf32, #tpu.memory_space<hbm>> -> memref<1000000x64xf32, #tpu.memory_space<hbm>>
        tpu.enqueue_indirect_dma source(%dma_start3A_1492 : memref<1000000x64xf32, #tpu.memory_space<hbm>>) target(%arg8 : memref<128x64xf32, #tpu.memory_space<vmem>>) offsets(%dma_start3A_1489 : memref<128xi32, #tpu.memory_space<vmem>>) semaphore(%arg16 : memref<!tpu.dma_semaphore, #tpu.memory_space<semaphore_mem>>)
      } else {
      }
    }
    %scan3A_60 = arith.constant 26 : i32
    %dma_wait3A = arith.constant 0 : i32
    %dma_wait3A_61 = arith.constant 0 : i32
    %dma_wait3A_62 = arith.constant 0 : i32
    %dma_wait3A_63 = arith.constant 0 : i32
    %dma_wait3A_64 = arith.constant 0 : i32
    %dma_wait3A_65 = tpu.memref_slice %arg4[%dma_wait3A, %dma_wait3A_62, %dma_wait3A_61, %dma_wait3A_63, %dma_wait3A_64] : memref<26x8x128x8x128xf32, #tpu.memory_space<hbm>> -> memref<1x8x1x8x128xf32, #tpu.memory_space<hbm>>
    %dma_wait3A_66 = tpu.memref_squeeze %dma_wait3A_65 : memref<1x8x1x8x128xf32, #tpu.memory_space<hbm>> -> memref<8x8x128xf32, #tpu.memory_space<hbm>>
    %dma_wait3A_67 = arith.constant 0 : i32
    %dma_wait3A_68 = arith.constant 0 : i32
    %dma_wait3A_69 = arith.constant 0 : i32
    %dma_wait3A_70 = tpu.memref_slice %arg4[%dma_wait3A, %dma_wait3A_67, %dma_wait3A_61, %dma_wait3A_68, %dma_wait3A_69] : memref<26x8x128x8x128xf32, #tpu.memory_space<hbm>> -> memref<1x8x1x8x128xf32, #tpu.memory_space<hbm>>
    %dma_wait3A_71 = tpu.memref_squeeze %dma_wait3A_70 : memref<1x8x1x8x128xf32, #tpu.memory_space<hbm>> -> memref<8x8x128xf32, #tpu.memory_space<hbm>>
    tpu.wait_dma2 semaphore(%arg21 : memref<!tpu.dma_semaphore, #tpu.memory_space<semaphore_mem>>) src(%arg13 : memref<8x8x128xf32, #tpu.memory_space<vmem>>) dst(%dma_wait3A_71 : memref<8x8x128xf32, #tpu.memory_space<hbm>>)
    return
  }
}

</mosaic_0001>

<sc_bundles>
// kernel: kernel.3.cloned.1.call-start
scs
__scs_entry_jumppad:
0x0: {  	(pc) =	sbr.rel $0x88, $3  }
0x1: {  	(tag) =	ssettag $0x0;
	lr =	simm.s32 $0x1  }
0x2: {  	[smem:$0x3F9F] =	sst lr;
	_ =	strace $0xD0000000  }
0x3: {  	_ = 	snop  }
0x4: {  	_ = 	snop  }
0x5: {  	_ = 	snop  }
0x6: {  	_ = 	snop  }
0x7: {  	_ = 	snop  }
__scs_overlays_trampoline_lowered:
0x8: {  	[smem:$0x3FAE] =	sst s0  }
0x9: {  	[smem:$0x3FAF] =	sst s1  }
0xa: {  	[smem:$0x3FB0] =	sst s2  }
0xb: {  	[smem:$0x3FB1] =	sst s3  }
0xc: {  	[smem:$0x3FB2] =	sst s4  }
0xd: {  	[smem:$0x3FB3] =	sst s5  }
0xe: {  	[smem:$0x3FB4] =	sst s6  }
0xf: {  	[smem:$0x3FB5] =	sst s7  }
0x10: {  	[smem:$0x3FB6] =	sst s8  }
0x11: {  	[smem:$0x3FB7] =	sst s9;
	s0 =	simm.s32 @!p0 $0x0  }
0x12: {  	s1 =	sld [smem:$0x3F9D];
	s0 =	simm.s32 @p0 $0x1  }
0x13: {  	[smem:$0x3FB8] =	sst s0;
	s0 =	simm.s32 @!p1 $0x0  }
0x14: {  	s2 =	sld [smem:$0x3F9C];
	s0 =	simm.s32 @p1 $0x1  }
0x15: {  	[smem:$0x3FB9] =	sst s0;
	s0 =	simm.s32 @!p2 $0x0  }
0x16: {  	s3 =	sld [smem:$0x3FDB];
	s0 =	simm.s32 @p2 $0x1  }
0x17: {  	s4 =	simm.s32 $0x1BF5;
	[smem:$0x3FBB] =	sst s0  }
0x18: {  	s0 =	sld [smem:$0x3F9E];
	_ =	swait.ge [sflag:s4], $0x0  }
0x19: {  	s7 =	sld [smem:$0x3F9F]  }
0x1a: {  	s8 =	sadd.s32 $0xFFFFE003, lr  }
0x1b: {  	s9 =	sadd.s32 $0xFFFFFEF7, lr;
	s5 =	simm.s32 $0xFFFFFFFF;
	p2 =	slt.u32 s8, $0xFFFFF086  }
0x1c: {  	p1 =	slt.u32 s9, $0xF7A;
	s5 =	simm.s32 @!p2 $0x0  }
0x1d: {  	s5 =	simm.s32 @p1 $0x1;
	p0 =	seq.s32 s7, s2  }
0x1e: {  	s7 =	smul.u32 @!p0 $0xF7A, s2;
	p2 =	seq.s32 @!p0 s5, $0x0  }
0x1f: {  	s9 =	smul.u32 $0xF7A, s1;
	s8 =	simm.s32 @!p0 $0x1BF5;
	p2 =	por !p2, p0  }
0x20: {  	[sflag:s8] =	ssyncset.s32 @!p0 $0xFFFFF086;
	s6 =	sadd.s32 @!p0 s3, s7;
	s7 =	simm.s32 @!p0 $0x108  }
0x21: {  	s3 =	sadd.s32 s3, s9;
	s6 =	sadd.s32 @!p0 $0x88, s6;
	s7 =	simm.s32 @p2 $0x1082  }
0x22: {  	[simem:s7], [sflag:s8] =	dma.local @!p0 [hbm:s6], $0xF7A  }
0x23: {  	s9 =	sor.u32 $0xD0000000, s2;
	s6 =	simm.s32 $0x108;
	_ =	swait.ge @!p0 [sflag:s8], $0x0  }
0x24: {  	s3 =	sadd.s32 $0x88, s3;
	s6 =	simm.s32 @!p1 $0x1082;
	[sflag:s4] =	ssyncset.s32 $0xFFFFF086  }
0x25: {  	[simem:s6], [sflag:s4] =	dma.local [hbm:s3], $0xF7A  }
0x26: {  	[smem:$0x3F9F] =	sst s1;
	(tag) =	ssettag s2;
	_ =	strace s9  }
0x27: {  	s1 =	sld [smem:$0x3FAF]  }
0x28: {  	s2 =	sld [smem:$0x3FB0]  }
0x29: {  	s4 =	sld [smem:$0x3FB2]  }
0x2a: {  	p0 =	seq.s32 s5, $0x0;
	s5 =	sld [smem:$0x3FB3]  }
0x2b: {  	s6 =	sld [smem:$0x3FB4]  }
0x2c: {  	s7 =	sld [smem:$0x3FB5]  }
0x2d: {  	s3 =	simm.s32 $0x108;
	s8 =	sld [smem:$0x3FB6]  }
0x2e: {  	s3 =	simm.s32 @!p0 $0x1082;
	s9 =	sld [smem:$0x3FB7]  }
0x2f: {  	lr =	sadd.s32 s0, s3;
	s0 =	sld [smem:$0x3FAE]  }
0x30: {  	s3 =	sld [smem:$0x3FB1]  }
0x31: {  	[smem:$0x3FBA] =	sst s10  }
0x32: {  	s10 =	sld [smem:$0x3FB8];
	_ =	sdelay $0x3  }
0x33: {  	p0 =	seq.s32 s10, $0x1;
	s10 =	sld [smem:$0x3FBA];
	_ =	sdelay $0x3  }
0x34: {  	[smem:$0x3FBA] =	sst s10  }
0x35: {  	s10 =	sld [smem:$0x3FB9];
	_ =	sdelay $0x3  }
0x36: {  	p1 =	seq.s32 s10, $0x1;
	s10 =	sld [smem:$0x3FBA];
	_ =	sdelay $0x3  }
0x37: {  	[smem:$0x3FBA] =	sst s10  }
0x38: {  	s10 =	sld [smem:$0x3FBB]  }
0x39: {  	_ = 	snop;
	(pc) =	sbr.ind lr, $3  }
0x3a: {  	_ = 	snop  }
0x3b: {  	_ = 	snop  }
0x3c: {  	p2 =	seq.s32 s10, $0x1;
	s10 =	sld [smem:$0x3FBA]  }
0x3d: {  	_ =	shalt  }
0x3e: {  	_ =	shalt  }
0x3f: {  	_ =	shalt  }
0x40: {  	_ =	shalt  }
0x41: {  	_ =	shalt  }
0x42: {  	_ =	shalt  }
0x43: {  	_ =	shalt  }
0x44: {  	_ =	shalt  }
0x45: {  	_ =	shalt  }
0x46: {  	_ =	shalt  }
0x47: {  	_ =	shalt  }
0x48: {  	_ =	shalt  }
0x49: {  	_ =	shalt  }
0x4a: {  	_ =	shalt  }
0x4b: {  	_ =	shalt  }
0x4c: {  	_ =	shalt  }
0x4d: {  	_ =	shalt  }
0x4e: {  	_ =	shalt  }
0x4f: {  	_ =	shalt  }
0x50: {  	_ =	shalt  }
0x51: {  	_ =	shalt  }
0x52: {  	_ =	shalt  }
0x53: {  	_ =	shalt  }
0x54: {  	_ =	shalt  }
0x55: {  	_ =	shalt  }
0x56: {  	_ =	shalt  }
0x57: {  	_ =	shalt  }
0x58: {  	_ =	shalt  }
0x59: {  	_ =	shalt  }
0x5a: {  	_ =	shalt  }
0x5b: {  	_ =	shalt  }
0x5c: {  	_ =	shalt  }
0x5d: {  	_ =	shalt  }
0x5e: {  	_ =	shalt  }
0x5f: {  	_ =	shalt  }
0x60: {  	_ =	shalt  }
0x61: {  	_ =	shalt  }
0x62: {  	_ =	shalt  }
0x63: {  	_ =	shalt  }
0x64: {  	_ =	shalt  }
0x65: {  	_ =	shalt  }
0x66: {  	_ =	shalt  }
0x67: {  	_ =	shalt  }
0x68: {  	_ =	shalt  }
0x69: {  	_ =	shalt  }
0x6a: {  	_ =	shalt  }
0x6b: {  	_ =	shalt  }
0x6c: {  	_ =	shalt  }
0x6d: {  	_ =	shalt  }
0x6e: {  	_ =	shalt  }
0x6f: {  	_ =	shalt  }
0x70: {  	_ =	shalt  }
0x71: {  	_ =	shalt  }
0x72: {  	_ =	shalt  }
0x73: {  	_ =	shalt  }
0x74: {  	_ =	shalt  }
0x75: {  	_ =	shalt  }
0x76: {  	_ =	shalt  }
0x77: {  	_ =	shalt  }
0x78: {  	_ =	shalt  }
0x79: {  	_ =	shalt  }
0x7a: {  	_ =	shalt  }
0x7b: {  	_ =	shalt  }
0x7c: {  	_ =	shalt  }
0x7d: {  	_ =	shalt  }
0x7e: {  	_ =	shalt  }
0x7f: {  	_ =	shalt  }
0x80: {  	_ =	shalt  }
0x81: {  	_ =	shalt  }
0x82: {  	_ =	shalt  }
0x83: {  	_ =	shalt  }
0x84: {  	_ =	shalt  }
0x85: {  	_ =	shalt  }
0x86: {  	_ =	shalt  }
0x87: {  	_ =	shalt  }
.Lfunc_end0:
.L_simem_size_0:
called_computation_lowered:
.L_overlay_start_0:
0x88: {  	s2 =	sld [smem:$0x3FD9]  }
0x89: {  	s3 =	sld [smem:$0x3FFE];
	_ =	sdelay $0x1  }
0x8a: {  	s1 =	srdreg.scid  }
0x8b: {  	s0 =	sand.u32 $0x1, s1  }
0x8c: {  	s17 =	sshll.u32 s0, $0xA;
	s2 =	sadd.s32 s3, s2  }
0x8d: {  	s2 =	sadd.s32 s2, s17  }
0x8e: {  	[smem:$0x3FC6] =	sst s2  }
0x8f: {  	_ = 	snop  }
0x90: {  	s2 =	sld [smem:$0x3FD0];
	(tm) =	ssettm $0x1  }
0x91: {  	s18 =	sld [smem:$0x3FFB];
	_ =	sdelay $0x3  }
0x92: {  	_ =	strace s18  }
0x93: {  	s3 =	sld [smem:$0x3FFC];
	_ =	sdelay $0x3  }
0x94: {  	_ =	strace s3  }
0x95: {  	s3 =	sld [smem:$0x3FFD];
	_ =	sdelay $0x3  }
0x96: {  	_ =	strace s3  }
0x97: {  	_ =	strace $0x8FFFFFFF  }
0x98: {  	s19 =	sld [smem:$0x3FDB];
	_ =	sdelay $0x1  }
0x99: {  	s4 =	simm.s32 $_scs_section_size  }
0x9a: {  	s5 =	simm.s32 $_size__tile_overlayer_lowered;
	s6 =	simm.s32 $_tile_overlayer_lowered  }
0x9b: {  	s22 =	simm.s32 $0x1BFF;
	s21 =	sshll.u32 s6, $0x1;
	s3 =	sadd.s32 s4, s19  }
0x9c: {  	s7 =	simm.s32 $0x0;
	s20 =	sshll.u32 s5, $0x1;
	s5 =	sadd.s32 s21, s3  }
0x9d: {  	[timem:s7], [sflag:s22] =	dma.local [hbm:s5], s20  }
0x9e: {  	_ =	swait.ge [sflag:s22], s20  }
0x9f: {  	s4 =	ssub.s32 $0x0, s20;
	[sflag:s22] =	ssyncset.done $0x0  }
0xa0: {  	[sflag:s22] =	ssyncadd.s32 s4;
	_ =	sdelay $0x1  }
0xa1: {  	s23 =	simm.s32 $0x1B8B  }
0xa2: {  	_ =	swait.ge [sflag:s23], $0x1  }
0xa3: {  	[sflag:s23] =	ssyncset.done $0x0  }
0xa4: {  	s25 =	simm.s32 $0x1B8E;
	s24 =	sld [smem:$0x3FFE];
	[sflag:s23] =	ssyncadd.s32 $0xFFFFFFFF  }
0xa5: {  	s26 =	simm.s32 $execute0_lowered;
	[smem:$0x3FD2] =	sst s25  }
0xa6: {  	s5 =	sshll.u32 s26, $0x1;
	_ =	strace $0x80000046;
	[dreg:$0x1] =	wrdreg $0xFFFFFFFF  }
0xa7: {  	s28 =	simm.s32 $_size_execute0_lowered;
	s3 =	sadd.s32 s3, s5;
	[dreg:$0x0] =	wrdreg $0x0  }
0xa8: {  	s5 =	sshll.u32 s28, $0x1;
	[dreg:$0x2] =	wrdreg s3  }
0xa9: {  	[dreg:$0x3] =	wrdreg s5  }
0xaa: {  	[dreg:$0x4] =	wrdreg $0xC0  }
0xab: {  	_ =	task [dreg:s7], $0x5FFFF  }
0xac: {  	[dreg:$0x1] =	wrdreg $0xFFFFFFFF  }
0xad: {  	[dreg:$0x0] =	wrdreg $0x60  }
0xae: {  	[dreg:$0x2] =	wrdreg s24  }
0xaf: {  	[dreg:$0x3] =	wrdreg s2  }
0xb0: {  	[dreg:$0x4] =	wrdreg $0x9  }
0xb1: {  	_ =	task.clear_ibuf [dreg:s7], $0x5FFFF;
	_ =	strace $0x90000046  }
0xb2: {  	s29 =	simm.s32 $0x9;
	_ =	strace $0x80000048  }
0xb3: {  	_ =	swait.ge [sflag:s29], $0x1  }
0xb4: {  	[sflag:s29] =	ssyncadd.s32 $0xFFFFFFFF  }
0xb5: {  	_ =	strace $0x90000048  }
0xb6: {  	_ =	sfence  }
0xb7: {  	s30 =	sld [smem:$0x0];
	_ =	sdelay $0x2  }
0xb8: {  	s31 =	sshll.u32 s1, $0xD;
	s1 =	sshrl.u32 s1, $0x2  }
0xb9: {  	s3 =	sand.u32 $0x4000, s31;
	s1 =	sadd.s32 s1, s30  }
0xba: {  	s0 =	sor.u32 s3, s0;
	s1 =	sshll.u32 s1, $0x11  }
0xbb: {  	s0 =	sor.u32 s1, s0  }
0xbc: {  	s0 =	sadd.s32 $0x8F2B, s0  }
0xbd: {  	[sflag:s0] =	ssyncadd.remote.s32 $0x1  }
0xbe: {  	_ =	sfence.sel $0xFFFF  }
0xbf: {  	[dreg:$0x0] =	wrdreg $0xFFFFFFFF;
	(pc) =	sbr.abs _section_cstart, $3  }
0xc0: {  	[dreg:$0x1] =	wrdreg $0xFFFFFFFF  }
0xc1: {  	_ =	task.clear_ibuf [dreg:s7], $0x2FFFF;
	_ =	strace $0x9FFFFFFF  }
0xc2: {  	(tm) =	ssettm $0x7FFFFFFF  }
0xc3: {  	_ =	shalt  }
tec
execute0_lowered:
.L_overlay_start_1:
0x0: {  	(tag) =	ssettag $0x1  }
0x1: {  	s0 =	srdreg.scid  }
0x2: {  	s2 =	stileid.u32;
	s1 =	rddreg [dreg:$0x0]  }
0x3: {  	s5 =	simm.s32 $0x0;
	s9 =	simm.s32 $0x80;
	s10 =	simm.s32 $0x3400  }
0x4: {  	s11 =	simm.s32 $0x5400;
	s13 =	simm.s32 $0x7400;
	s14 =	simm.s32 $0x1  }
0x5: {  	v58 =	vlaneseq.u32;
	s15 =	simm.s32 $0xB400;
	s16 =	simm.s32 $0x400;
	s17 =	simm.s32 $0x20000  }
0x6: {  	s18 =	simm.s32 $0x9400;
	s19 =	simm.s32 $0x2;
	s20 =	simm.s32 $0xD400;
	v61 =	vmul.u32 $0x40, v58  }
0x7: {  	s21 =	simm.s32 $0x5;
	s0 =	sand.u32 $0x1, s0;
	[smem:$0x7FF] =	sst s5  }
0x8: {  	s3 =	sshll.u32 s2, $0x1;
	s2 =	rddreg [dreg:$0x1];
	_ =	strace $0x80000047;
	v57 =	vor.u32 $0x1C00, v61;
	[tilespmem:$0x1FF80] =	vst v61  }
0x9: {  	s22 =	simm.s32 $0x3;
	s23 =	simm.s32 $0xF400;
	s3 =	sor.u32 s0, s3;
	v5 =	vor.u32 $0x1000, v61;
	[tilespmem:$0x1FF90] =	vst v57  }
0xa: {  	s24 =	simm.s32 $0x6;
	s0 =	ssub.s32 $0x2, s0;
	s4 =	smul.u32 $0x680, s3;
	v60 =	vor.u32 $0x1800, v61;
	[tilespmem:$0x1FFA0] =	vst v5  }
.Ltmp0:
0xb: {  	s25 =	simm.s32 $0x4;
	s6 =	sshrl.u32 s0, $0x1;
	v4 =	vor.u32 $0xC00, v61;
	[tilespmem:$0x1FFB0] =	vst v60;
	(pc) =	sbr.rel .LBB2_1-.Ltmp0, $4  }
0xc: {  	s28 =	simm.s32 $0x7;
	s29 =	simm.s32 $0x8;
	v7 =	vor.u32 $0x1400, v61;
	s0 =	ssub.s32 s0, s6;
	[tilespmem:$0x1FFC0] =	vst v4  }
0xd: {  	s30 =	simm.s32 $0x0;
	v2 =	vor.u32 $0x400, v61;
	[tilespmem:$0x1FFD0] =	vst v7;
	s26 =	sadd.s32 s4, s1;
	s0 =	smax.u32 s0, $0x1  }
0xe: {  	v3 =	vor.u32 $0x800, v61;
	s6 =	smul.u32 $0x68, s3;
	[tilespmem:$0x1FFE0] =	vst v2;
	s31 =	sadd.s32 $0x600, s26;
	[dreg:$0x4] =	wrdreg s0  }
0xf: {  	[tilespmem:$0x1FFF0] =	vst v3;
	s4 =	sadd.s32 $0xF42A00, s1;
	s26 =	simm.s32 $0x11400;
	[dreg:$0x3] =	wrdreg s31  }
.LBB2_20:
0x10: {  	_ =	swait.ge [sflag:s29], $0x2000  }
0x11: {  	s30 =	sadd.s32 $0x1, s30;
	s0 =	rddreg [dreg:$0x4]  }
0x12: {  	p0 =	sne.s32 s30, s0  }
.Ltmp1:
0x13: {  	_ = 	snop;
	(pc) =	sbr.rel @!p0 .LBB2_21-.Ltmp1, $3  }
0x14: {  	_ =	sdelay $0x1  }
0x15: {  	[sflag:s29] =	ssyncset.done $0x0  }
0x16: {  	v2 =	vmov v35;
	[sflag:s29] =	ssyncadd.s32 $0xFFFFE000  }
.LBB2_1:
0x17: {  	s0 =	simm.s32 $0x0;
	s1 =	rddreg [dreg:$0x3];
	s8 =	simm.s32 $0x9  }
0x18: {  	[tilespmem:s0], [sflag:$0x9] =	stream.linear.gather [hbm4b:s1+s0], $0x3400, $0x38;
	[tilespmem:$0x13400] =	vst v63  }
0x19: {  	_ =	swait.ge [sflag:s8], $0x3400  }
0x1a: {  	[sflag:s8] =	ssyncset.done $0x0  }
0x1b: {  	[sflag:s8] =	ssyncadd.s32 $0xFFFFCC00  }
0x1c: {  	[tilespmem:s10], [sflag:$0x1] =	stream.indirect.gather [hbm4b:s4+s9], $0x40, s0, s9, $0xb8;
	[tilespmem:$0x13400] =	vst v63  }
0x1d: {  	_ = 	snop  }
0x1e: {  	[tilespmem:s11], [sflag:$0x2] =	stream.indirect.gather [hbm4b:s4+s9], $0x40, s9, s9, $0xb8;
	[tilespmem:$0x13400] =	vst v63  }
0x1f: {  	s12 =	simm.s32 $0x100;
	s31 =	simm.s32 $0x0  }
0x20: {  	[tilespmem:s13], [sflag:$0x3] =	stream.indirect.gather [hbm4b:s4+s9], $0x40, s12, s9, $0xb8;
	[tilespmem:$0x13400] =	vst v63  }
.LBB2_2:
0x21: {  	s0 =	simm.s32 $0x1  }
0x22: {  	v0 =	vadd.s32 s0, v58  }
0x23: {  	v0 =	vand.u32 $0x3F, v0  }
0x24: {  	s7 =	simm.s32 $0x2;
	v1 =	vor.u32 v61, v0  }
0x25: {  	v9 =	vadd.s32 s7, v58;
	v10 =	vor.u32 v2, v0  }
0x26: {  	_ =	swait.ge [sflag:s14], $0x2000;
	v16 =	vand.u32 $0x3F, v9;
	v9 =	vor.u32 v57, v0  }
0x27: {  	[sflag:s14] =	ssyncset.done $0x0;
	v11 =	vor.u32 v3, v16  }
0x28: {  	s8 =	simm.s32 $0x3;
	s12 =	simm.s32 $0x0;
	[sflag:s14] =	ssyncadd.s32 $0xFFFFE000;
	v12 =	vor.u32 v61, v16  }
0x29: {  	v13 =	vadd.s32 s8, v58;
	v15 =	vadd.s32 s12, v58;
	v14 =	vor.u32 v3, v0;
	v1 =	vld.idx.msk [tilespmem:v1+s10+$0x0], $0xffff  }
0x2a: {  	v18 =	vand.u32 $0x3F, v13;
	v26 =	vand.u32 $0x3F, v15;
	v13 =	vor.u32 v7, v0;
	v17 =	vld.idx.msk [tilespmem:v10+s10+$0x0], $0xffff  }
0x2b: {  	v21 =	vor.u32 v61, v26;
	v19 =	vld.idx.msk [tilespmem:v9+s10+$0x0], $0xffff  }
0x2c: {  	v22 =	vor.u32 v2, v26;
	v20 =	vld.idx.msk [tilespmem:v11+s10+$0x0], $0xffff  }
0x2d: {  	v10 =	vor.u32 v2, v16;
	v23 =	vld.idx.msk [tilespmem:v12+s10+$0x0], $0xffff  }
0x2e: {  	v9 =	vor.u32 v3, v18;
	v24 =	vld.idx.msk [tilespmem:v14+s10+$0x0], $0xffff  }
0x2f: {  	v11 =	vor.u32 v61, v18;
	v13 =	vld.idx.msk [tilespmem:v13+s10+$0x0], $0xffff  }
0x30: {  	v12 =	vor.u32 v7, v16;
	v39 =	vld.idx.msk [tilespmem:v21+s10+$0x0], $0xffff  }
0x31: {  	v14 =	vor.u32 v7, v18;
	v41 =	vld.idx.msk [tilespmem:v22+s10+$0x0], $0xffff  }
0x32: {  	v28 =	vor.u32 v4, v26;
	v25 =	vld.idx.msk [tilespmem:v10+s10+$0x0], $0xffff  }
0x33: {  	v31 =	vor.u32 v3, v26;
	v9 =	vld.idx.msk [tilespmem:v9+s10+$0x0], $0xffff  }
0x34: {  	v15 =	vimm.f32 $0.0e+00;
	v30 =	vor.u32 v4, v0;
	v37 =	vor.u32 v5, v26;
	v27 =	vld.idx.msk [tilespmem:v11+s10+$0x0], $0xffff  }
0x35: {  	v33 =	vor.u32 v60, v0;
	v34 =	vor.u32 v57, v16;
	v10 =	vor.u32 v5, v0;
	v29 =	vld.idx.msk [tilespmem:v12+s10+$0x0], $0xffff  }
0x36: {  	v36 =	vor.u32 v5, v16;
	v38 =	vor.u32 v7, v26;
	v42 =	vor.u32 v60, v16;
	v32 =	vld.idx.msk [tilespmem:v14+s10+$0x0], $0xffff  }
0x37: {  	v40 =	vor.u32 v2, v18;
	v43 =	vld.idx.msk [tilespmem:v28+s10+$0x0], $0xffff;
	v11 =	vmul.f32 v13, v13;
	v14 =	vmul.f32 v20, v20  }
0x38: {  	v0 =	vor.u32 v60, v26;
	v20 =	vld.idx.msk [tilespmem:v31+s10+$0x0], $0xffff;
	v31 =	vmul.f32 v24, v24;
	v24 =	vmul.f32 v41, v41  }
0x39: {  	v44 =	vor.u32 v5, v18;
	v45 =	vld.idx.msk [tilespmem:v37+s10+$0x0], $0xffff;
	v23 =	vmul.f32 v23, v23;
	v1 =	vmul.f32 v1, v1  }
0x3a: {  	v21 =	vor.u32 v4, v16;
	v35 =	vld.idx.msk [tilespmem:v10+s10+$0x0], $0xffff;
	v10 =	vmul.f32 v9, v9;
	v12 =	vmul.f32 v27, v27  }
0x3b: {  	v62 =	vld.idx.msk [tilespmem:v42+s10+$0x0], $0xffff;
	v24 =	vadd.f32 v24, v15;
	v13 =	vmul.f32 v29, v29;
	v9 =	vmul.f32 v32, v32  }
0x3c: {  	v28 =	vmul.f32 v25, v25;
	v25 =	vor.u32 v4, v18;
	v27 =	vld.idx.msk [tilespmem:v38+s10+$0x0], $0xffff;
	v29 =	vmul.f32 v39, v39  }
0x3d: {  	v16 =	vld.idx.msk [tilespmem:v0+s10+$0x0], $0xffff;
	v0 =	vor.u32 v60, v18;
	v39 =	vor.u32 v57, v26;
	v26 =	vmul.f32 v17, v17  }
0x3e: {  	v37 =	vld.idx.msk [tilespmem:v34+s10+$0x0], $0xffff;
	v20 =	vmul.f32 v20, v20;
	v17 =	vmul.f32 v19, v19;
	v29 =	vadd.f32 v29, v15  }
0x3f: {  	v38 =	vld.idx.msk [tilespmem:v33+s10+$0x0], $0xffff;
	v32 =	vor.u32 v57, v18;
	v33 =	vmul.f32 v43, v43;
	v24 =	vadd.f32 v26, v24  }
0x40: {  	v63 =	vadd.f32 v1, v29;
	v29 =	vld.idx.msk [tilespmem:v30+s10+$0x0], $0xffff;
	v1 =	vadd.f32 v20, v15;
	v20 =	vmul.f32 v45, v45  }
0x41: {  	v26 =	vimm.f32 $0.0e+00;
	v22 =	vmul.f32 v35, v35;
	v19 =	vmul.f32 v27, v27;
	v27 =	vld.idx.msk [tilespmem:v40+s10+$0x0], $0xffff  }
0x42: {  	v30 =	vimm.f32 $0.0e+00;
	v34 =	vmul.f32 v16, v16;
	v35 =	vld.idx.msk [tilespmem:v36+s10+$0x0], $0xffff;
	v16 =	vmul.f32 v62, v62  }
0x43: {  	s0 =	simm.s32 $0x4;
	v36 =	vld.idx.msk [tilespmem:v44+s10+$0x0], $0xffff;
	v18 =	vadd.f32 v23, v63;
	v23 =	vadd.f32 v19, v15;
	v19 =	vimm.f32 $0.0e+00  }
.LBB2_3:
0x44: {  	s1 =	sadd.s32 $0x1, s0;
	s3 =	sadd.s32 $0x2, s0;
	s5 =	sadd.s32 $0x3, s0;
	v39 =	vld.idx.msk [tilespmem:v39+s10+$0x0], $0xffff;
	v1 =	vadd.f32 v31, v1;
	v28 =	vadd.f32 v28, v24;
	v31 =	vmul.f32 v37, v37  }
0x45: {  	p0 =	slt.u32 s0, $0x3C;
	v38 =	vmul.f32 v38, v38;
	v24 =	vadd.s32 s1, v58;
	v37 =	vadd.s32 s3, v58;
	v21 =	vld.idx.msk [tilespmem:v21+s10+$0x0], $0xffff;
	s1 =	smov.u32 s0;
	s0 =	sadd.s32 $0x4, s0  }
0x46: {  	v15 =	vadd.f32 v20, v15;
	v40 =	vand.u32 $0x3F, v24;
	v37 =	vand.u32 $0x3F, v37;
	v25 =	vld.idx.msk [tilespmem:v25+s10+$0x0], $0xffff  }
0x47: {  	v24 =	vadd.s32 s5, v58;
	v41 =	vor.u32 v61, v40;
	v20 =	vor.u32 v4, v40;
	v0 =	vld.idx.msk [tilespmem:v0+s10+$0x0], $0xffff  }
0x48: {  	v42 =	vor.u32 v2, v40;
	v43 =	vor.u32 v60, v40;
	v24 =	vand.u32 $0x3F, v24;
	v32 =	vld.idx.msk [tilespmem:v32+s10+$0x0], $0xffff  }
0x49: {  	v30 =	vadd.f32 v34, v30;
	v44 =	vor.u32 v57, v40;
	v45 =	vor.u32 v57, v37  }
0x4a: {  	v29 =	vmul.f32 v29, v29;
	v34 =	vor.u32 v3, v37;
	v15 =	vadd.f32 v22, v15  }
0x4b: {  	v26 =	vadd.f32 v33, v26;
	v22 =	vor.u32 v61, v37;
	v33 =	vmul.f32 v35, v35  }
0x4c: {  	v36 =	vmul.f32 v36, v36;
	v39 =	vmul.f32 v39, v39;
	v35 =	vld.idx.msk [tilespmem:v41+s10+$0x0], $0xffff;
	v41 =	vor.u32 v3, v40  }
0x4d: {  	v27 =	vmul.f32 v27, v27;
	v46 =	vor.u32 v2, v37;
	v47 =	vmul.f32 v25, v25;
	v42 =	vld.idx.msk [tilespmem:v42+s10+$0x0], $0xffff  }
0x4e: {  	v15 =	vadd.f32 v33, v15;
	v21 =	vmul.f32 v21, v21;
	v25 =	vor.u32 v3, v24;
	v44 =	vld.idx.msk [tilespmem:v44+s10+$0x0], $0xffff  }
0x4f: {  	v26 =	vadd.f32 v29, v26;
	v27 =	vadd.f32 v27, v28;
	v33 =	vor.u32 v7, v40;
	v34 =	vld.idx.msk [tilespmem:v34+s10+$0x0], $0xffff  }
0x50: {  	v19 =	vadd.f32 v39, v19;
	v15 =	vadd.f32 v36, v15;
	v29 =	vld.idx.msk [tilespmem:v22+s10+$0x0], $0xffff;
	v22 =	vor.u32 v61, v24  }
0x51: {  	v28 =	vor.u32 v7, v37;
	v39 =	vor.u32 v7, v24;
	v32 =	vmul.f32 v32, v32;
	v36 =	vld.idx.msk [tilespmem:v41+s10+$0x0], $0xffff  }
0x52: {  	v40 =	vor.u32 v5, v40;
	v48 =	vmul.f32 v0, v0;
	v41 =	vadd.s32 s1, v58;
	v46 =	vld.idx.msk [tilespmem:v46+s10+$0x0], $0xffff  }
0x53: {  	v1 =	vadd.f32 v14, v1;
	v49 =	vor.u32 v5, v37;
	v41 =	vand.u32 $0x3F, v41;
	v0 =	vld.idx.msk [tilespmem:v25+s10+$0x0], $0xffff  }
0x54: {  	v11 =	vadd.f32 v11, v23;
	v14 =	vor.u32 v61, v41;
	v50 =	vor.u32 v2, v41;
	v33 =	vld.idx.msk [tilespmem:v33+s10+$0x0], $0xffff  }
0x55: {  	v1 =	vadd.f32 v10, v1;
	v23 =	vor.u32 v3, v41;
	v51 =	vor.u32 v4, v41;
	v22 =	vld.idx.msk [tilespmem:v22+s10+$0x0], $0xffff  }
0x56: {  	v13 =	vadd.f32 v13, v11;
	v52 =	vor.u32 v5, v41;
	v53 =	vor.u32 v7, v41;
	v28 =	vld.idx.msk [tilespmem:v28+s10+$0x0], $0xffff  }
0x57: {  	v54 =	vor.u32 v2, v24;
	v55 =	vor.u32 v5, v24;
	v26 =	vadd.f32 v21, v26;
	v39 =	vld.idx.msk [tilespmem:v39+s10+$0x0], $0xffff  }
0x58: {  	v21 =	vor.u32 v4, v37;
	v10 =	vadd.f32 v17, v19;
	v56 =	vor.u32 v60, v41;
	v40 =	vld.idx.msk [tilespmem:v40+s10+$0x0], $0xffff  }
0x59: {  	v18 =	vadd.f32 v12, v18;
	v19 =	vadd.f32 v38, v30;
	v25 =	vor.u32 v4, v24;
	v17 =	vld.idx.msk [tilespmem:v14+s10+$0x0], $0xffff  }
0x5a: {  	v30 =	vadd.f32 v31, v10;
	v11 =	vmul.f32 v33, v33;
	v33 =	vor.u32 v60, v37;
	v38 =	vld.idx.msk [tilespmem:v50+s10+$0x0], $0xffff  }
0x5b: {  	v10 =	vmul.f32 v0, v0;
	v0 =	vor.u32 v60, v24;
	v50 =	vld.idx.msk [tilespmem:v51+s10+$0x0], $0xffff;
	v51 =	vadd.f32 v9, v13  }
0x5c: {  	v26 =	vadd.f32 v47, v26;
	v14 =	vmul.f32 v34, v34;
	v12 =	vmul.f32 v22, v22;
	v23 =	vld.idx.msk [tilespmem:v23+s10+$0x0], $0xffff  }
0x5d: {  	v16 =	vadd.f32 v16, v19;
	v13 =	vmul.f32 v28, v28;
	v9 =	vmul.f32 v39, v39;
	v34 =	vld.idx.msk [tilespmem:v56+s10+$0x0], $0xffff  }
0x5e: {  	v19 =	vadd.f32 v32, v30;
	v28 =	vmul.f32 v46, v46;
	v22 =	vmul.f32 v40, v40;
	v47 =	vld.idx.msk [tilespmem:v53+s10+$0x0], $0xffff  }
0x5f: {  	v30 =	vadd.f32 v48, v16;
	v31 =	vmul.f32 v36, v36;
	v17 =	vmul.f32 v17, v17;
	v40 =	vld.idx.msk [tilespmem:v52+s10+$0x0], $0xffff  }
0x60: {  	v36 =	vmul.f32 v29, v29;
	v16 =	vmul.f32 v38, v38;
	v46 =	vld.idx.msk [tilespmem:v33+s10+$0x0], $0xffff  }
0x61: {  	v39 =	vor.u32 v57, v41;
	v17 =	vadd.f32 v17, v18;
	v18 =	vmul.f32 v35, v35;
	v37 =	vld.idx.msk [tilespmem:v45+s10+$0x0], $0xffff  }
.Ltmp2:
0x62: {  	v35 =	vmul.f32 v42, v42;
	v16 =	vadd.f32 v16, v27;
	v23 =	vmul.f32 v23, v23;
	v38 =	vld.idx.msk [tilespmem:v43+s10+$0x0], $0xffff;
	(pc) =	sbr.rel @p0 .LBB2_3-.Ltmp2, $4  }
0x63: {  	v32 =	vor.u32 v57, v24;
	v18 =	vadd.f32 v18, v17;
	v17 =	vmul.f32 v44, v44;
	v29 =	vld.idx.msk [tilespmem:v20+s10+$0x0], $0xffff  }
0x64: {  	v34 =	vmul.f32 v34, v34;
	v1 =	vadd.f32 v23, v1;
	v23 =	vmul.f32 v47, v47;
	v27 =	vld.idx.msk [tilespmem:v54+s10+$0x0], $0xffff  }
0x65: {  	v33 =	vmul.f32 v50, v50;
	v24 =	vadd.f32 v35, v16;
	v18 =	vadd.f32 v36, v18;
	v35 =	vld.idx.msk [tilespmem:v49+s10+$0x0], $0xffff  }
0x66: {  	v20 =	vmul.f32 v40, v40;
	v23 =	vadd.f32 v23, v51;
	v16 =	vmul.f32 v46, v46;
	v36 =	vld.idx.msk [tilespmem:v55+s10+$0x0], $0xffff  }
0x67: {  	_ =	sdelay $0x2  }
0x68: {  	v1 =	vadd.f32 v31, v1;
	v24 =	vadd.f32 v28, v24  }
0x69: {  	v21 =	vld.idx.msk [tilespmem:v21+s10+$0x0], $0xffff;
	v28 =	vmul.f32 v38, v38;
	v30 =	vadd.f32 v34, v30;
	v26 =	vadd.f32 v33, v26  }
0x6a: {  	v39 =	vld.idx.msk [tilespmem:v39+s10+$0x0], $0xffff;
	v18 =	vadd.f32 v12, v18;
	v15 =	vadd.f32 v20, v15;
	v20 =	vmul.f32 v37, v37  }
0x6b: {  	v25 =	vld.idx.msk [tilespmem:v25+s10+$0x0], $0xffff;
	v29 =	vmul.f32 v29, v29;
	v11 =	vadd.f32 v11, v23;
	v27 =	vmul.f32 v27, v27  }
0x6c: {  	v31 =	vld.idx.msk [tilespmem:v32+s10+$0x0], $0xffff;
	v1 =	vadd.f32 v14, v1;
	v15 =	vadd.f32 v22, v15;
	v22 =	vmul.f32 v35, v35  }
0x6d: {  	v0 =	vld.idx.msk [tilespmem:v0+s10+$0x0], $0xffff;
	vm0 =	vgt.f32 v18, $1.000000000e+00;
	v11 =	vadd.f32 v13, v11;
	v55 =	vmul.f32 v36, v36  }
0x6e: {  	v12 =	vmul.f32 v21, v21;
	v15 =	vadd.f32 v22, v15;
	v21 =	vadd.f32 v29, v26  }
0x6f: {  	v22 =	vadd.f32 v27, v24;
	v24 =	vshra.s32 v18, $0x1;
	v26 =	vmul.f32 $5.000000000e-01, v18  }
0x70: {  	v54 =	vmul.f32 v39, v39;
	v25 =	vmul.f32 v25, v25;
	v24 =	vsub.s32 $0x5F3759DF, v24  }
0x71: {  	v1 =	vadd.f32 v10, v1;
	v27 =	vmul.f32 v31, v31;
	v14 =	vmul.f32 v24, v26  }
0x72: {  	v0 =	vmul.f32 v0, v0;
	v23 =	vshra.s32 v22, $0x1;
	v29 =	vmul.f32 $5.000000000e-01, v22  }
0x73: {  	v19 =	vadd.f32 v54, v19;
	v23 =	vsub.s32 $0x5F3759DF, v23;
	v10 =	vmul.f32 v24, v14  }
0x74: {  	v12 =	vadd.f32 v12, v21;
	v21 =	vadd.f32 v28, v30;
	v13 =	vmul.f32 v23, v29  }
0x75: {  	v14 =	vadd.f32 v17, v19;
	v17 =	vshra.s32 v1, $0x1;
	v10 =	vsub.f32 $1.500000000e+00, v10  }
0x76: {  	v19 =	vmul.f32 $5.000000000e-01, v1;
	v17 =	vsub.s32 $0x5F3759DF, v17;
	v13 =	vmul.f32 v23, v13  }
0x77: {  	v20 =	vadd.f32 v20, v14;
	v14 =	vadd.f32 v9, v11;
	v10 =	vmul.f32 v24, v10  }
0x78: {  	v9 =	vadd.f32 v25, v12;
	v13 =	vsub.f32 $1.500000000e+00, v13;
	v24 =	vmul.f32 v17, v19  }
0x79: {  	vm11 =	vgt.f32 v1, $1.000000000e+00;
	v12 =	vadd.f32 v16, v21;
	v11 =	vmul.f32 v10, v26  }
0x7a: {  	v21 =	vshra.s32 v9, $0x1;
	v13 =	vmul.f32 v23, v13;
	v16 =	vmul.f32 v17, v24  }
0x7b: {  	v15 =	vadd.f32 v55, v15;
	v21 =	vsub.s32 $0x5F3759DF, v21;
	v23 =	vmul.f32 $5.000000000e-01, v9  }
0x7c: {  	v11 =	vmul.f32 v11, v10;
	v24 =	vmul.f32 v13, v29;
	v16 =	vsub.f32 $1.500000000e+00, v16  }
0x7d: {  	v41 =	vadd.f32 v27, v20;
	v12 =	vadd.f32 v0, v12;
	v0 =	vmul.f32 v21, v23  }
0x7e: {  	v11 =	vsub.f32 $1.500000000e+00, v11;
	v20 =	vmul.f32 v24, v13;
	v16 =	vmul.f32 v17, v16  }
0x7f: {  	v0 =	vmul.f32 v21, v0;
	v17 =	vshra.s32 v15, $0x1;
	v24 =	vmul.f32 $5.000000000e-01, v15  }
0x80: {  	vm10 =	vgt.f32 v22, $1.000000000e+00;
	v17 =	vsub.s32 $0x5F3759DF, v17;
	v19 =	vmul.f32 v16, v19  }
0x81: {  	v10 =	vmul.f32 v11, v10;
	v0 =	vsub.f32 $1.500000000e+00, v0;
	v11 =	vmul.f32 v17, v24  }
0x82: {  	v22 =	vshra.s32 v41, $0x1;
	v20 =	vsub.f32 $1.500000000e+00, v20;
	v18 =	vmul.f32 v19, v16  }
0x83: {  	v62 =	vnsel vm0, $0x3F800000, v10;
	v0 =	vmul.f32 v21, v0;
	v10 =	vmul.f32 v17, v11  }
0x84: {  	v13 =	vmul.f32 v20, v13;
	v19 =	vmul.f32 $5.000000000e-01, v14;
	v11 =	vsub.f32 $1.500000000e+00, v18  }
0x85: {  	v18 =	vshra.s32 v14, $0x1;
	v20 =	vmul.f32 v0, v23;
	v10 =	vsub.f32 $1.500000000e+00, v10  }
0x86: {  	v23 =	vmul.f32 $5.000000000e-01, v41;
	v18 =	vsub.s32 $0x5F3759DF, v18;
	v11 =	vmul.f32 v11, v16  }
0x87: {  	v27 =	vsub.s32 $0x5F3759DF, v22;
	v16 =	vmul.f32 v18, v19;
	v10 =	vmul.f32 v17, v10  }
0x88: {  	v26 =	vnsel vm10, $0x3F800000, v13;
	v13 =	vmul.f32 v20, v0;
	v20 =	vmul.f32 $5.000000000e-01, v12  }
0x89: {  	v17 =	vshra.s32 v12, $0x1;
	v16 =	vmul.f32 v18, v16;
	v1 =	vmul.f32 v10, v24  }
0x8a: {  	v17 =	vsub.s32 $0x5F3759DF, v17;
	v24 =	vmul.f32 v27, v23;
	v13 =	vsub.f32 $1.500000000e+00, v13  }
0x8b: {  	v25 =	vmul.f32 v17, v20;
	v16 =	vsub.f32 $1.500000000e+00, v16;
	v1 =	vmul.f32 v1, v10  }
0x8c: {  	v43 =	vnsel vm11, $0x3F800000, v11;
	v11 =	vmul.f32 v27, v24;
	v0 =	vmul.f32 v13, v0  }
0x8d: {  	v16 =	vmul.f32 v18, v16;
	v18 =	vmul.f32 v17, v25  }
0x8e: {  	vm13 =	vgt.f32 v15, $1.000000000e+00;
	vm12 =	vgt.f32 v9, $1.000000000e+00;
	v9 =	vsub.f32 $1.500000000e+00, v11  }
0x8f: {  	s3 =	simm.s32 $0x2;
	v1 =	vsub.f32 $1.500000000e+00, v1;
	v59 =	vnsel vm12, $0x3F800000, v0;
	v18 =	vsub.f32 $1.500000000e+00, v18  }
0x90: {  	v25 =	vadd.s32 s3, v58;
	v13 =	vmul.f32 v16, v19;
	v9 =	vmul.f32 v27, v9  }
0x91: {  	s0 =	simm.s32 $0x1;
	v28 =	vand.u32 $0x3F, v25;
	v1 =	vmul.f32 v1, v10;
	v11 =	vmul.f32 v17, v18  }
0x92: {  	s1 =	simm.s32 $0x0;
	v0 =	vmul.f32 v13, v16;
	v13 =	vadd.s32 s0, v58;
	v15 =	vmul.f32 v9, v23  }
0x93: {  	v17 =	vadd.s32 s1, v58;
	v53 =	vand.u32 $0x3F, v13;
	v10 =	vmul.f32 v11, v20  }
0x94: {  	v6 =	vor.u32 v57, v28;
	v46 =	vand.u32 $0x3F, v17;
	v18 =	vor.u32 v61, v53  }
0x95: {  	s1 =	simm.s32 $0x3;
	v15 =	vmul.f32 v15, v9;
	v23 =	vor.u32 v61, v46;
	v10 =	vmul.f32 v10, v11  }
0x96: {  	v50 =	vnsel vm13, $0x3F800000, v1;
	v19 =	vadd.s32 s1, v58;
	v0 =	vsub.f32 $1.500000000e+00, v0  }
0x97: {  	v15 =	vsub.f32 $1.500000000e+00, v15;
	v24 =	vsub.f32 $1.500000000e+00, v10;
	v10 =	vand.u32 $0x3F, v19  }
0x98: {  	v1 =	vmul.f32 v0, v16;
	v0 =	vor.u32 v61, v28;
	v27 =	vor.u32 v61, v10  }
0x99: {  	v9 =	vmul.f32 v15, v9;
	v15 =	vld.idx.msk [tilespmem:v18+s10+$0x0], $0xffff;
	v36 =	vmul.f32 v24, v11;
	v11 =	vshll.u32 v13, $0x7  }
0x9a: {  	v17 =	vshll.u32 v17, $0x7;
	v16 =	vshll.u32 v25, $0x7;
	v18 =	vld.idx.msk [tilespmem:v23+s10+$0x0], $0xffff;
	v13 =	vand.u32 $0x1F80, v11  }
0x9b: {  	v55 =	vand.u32 $0x1F80, v17;
	v11 =	vand.u32 $0x1F80, v16;
	v16 =	vor.u32 v58, v13  }
0x9c: {  	v17 =	vshll.u32 v19, $0x7;
	v19 =	vor.u32 v2, v53;
	v24 =	vor.u32 v58, v55  }
0x9d: {  	v23 =	vld.idx.msk [tilespmem:v27+s10+$0x0], $0xffff;
	[tilespmem:$0x1FE00] =	vst v6  }
0x9e: {  	v15 =	vmul.f32 v15, v62;
	v25 =	vld.idx.msk [tilespmem:v0+s10+$0x0], $0xffff;
	v0 =	vand.u32 $0x1F80, v17;
	v17 =	vor.u32 v2, v46  }
0x9f: {  	v18 =	vmul.f32 v18, v62;
	v27 =	vor.u32 v58, v0  }
0xa0: {  	v29 =	vor.u32 v58, v11;
	[tilespmem:v16+s15+$0x0] =	vst.idx.msk $0xffff, v15  }
0xa1: {  	v30 =	vor.u32 v2, v10;
	[tilespmem:v24+s15+$0x0] =	vst.idx.msk $0xffff, v18;
	v18 =	vld.idx.msk [tilespmem:v19+s10+$0x0], $0xffff  }
0xa2: {  	v34 =	vor.u32 $0x10, v58;
	v31 =	vor.u32 v2, v28;
	v16 =	vmul.f32 v23, v62  }
0xa3: {  	v20 =	vor.u32 $0x70, v58;
	v23 =	vor.u32 v34, v13;
	v19 =	vmul.f32 v25, v62;
	v17 =	vld.idx.msk [tilespmem:v17+s10+$0x0], $0xffff  }
0xa4: {  	v6 =	vor.u32 v20, v0;
	[tilespmem:v27+s15+$0x0] =	vst.idx.msk $0xffff, v16  }
0xa5: {  	v16 =	vor.u32 v3, v53;
	[tilespmem:v29+s15+$0x0] =	vst.idx.msk $0xffff, v19;
	v19 =	vor.u32 v34, v55  }
0xa6: {  	v56 =	vor.u32 v3, v46;
	v25 =	vld.idx.msk [tilespmem:v30+s10+$0x0], $0xffff;
	[tilespmem:$0x1FE10] =	vst v6;
	v18 =	vmul.f32 v18, v26  }
0xa7: {  	v44 =	vor.u32 v34, v0;
	v27 =	vld.idx.msk [tilespmem:v31+s10+$0x0], $0xffff  }
0xa8: {  	v17 =	vmul.f32 v17, v26;
	[tilespmem:v23+s15+$0x0] =	vst.idx.msk $0xffff, v18;
	v18 =	vor.u32 v20, v55  }
0xa9: {  	v40 =	vor.u32 v34, v11;
	[tilespmem:$0x1FE20] =	vst v18  }
0xaa: {  	v63 =	vor.u32 $0x20, v58;
	v30 =	vor.u32 v3, v10;
	v6 =	vor.u32 $0x60, v58;
	v16 =	vld.idx.msk [tilespmem:v16+s10+$0x0], $0xffff;
	[tilespmem:v19+s15+$0x0] =	vst.idx.msk $0xffff, v17  }
0xab: {  	v45 =	vor.u32 v3, v28;
	v21 =	vor.u32 v6, v0;
	v18 =	vmul.f32 v25, v26;
	v33 =	vld.idx.msk [tilespmem:v56+s10+$0x0], $0xffff  }
0xac: {  	vm14 =	vgt.f32 v14, $1.000000000e+00;
	v14 =	vor.u32 v63, v13;
	[tilespmem:$0x1FE30] =	vst v21;
	v19 =	vmul.f32 v27, v26  }
0xad: {  	v15 =	vor.u32 v63, v55;
	[tilespmem:v44+s15+$0x0] =	vst.idx.msk $0xffff, v18;
	v18 =	vor.u32 v4, v53  }
0xae: {  	[tilespmem:v40+s15+$0x0] =	vst.idx.msk $0xffff, v19;
	v19 =	vor.u32 v4, v46  }
0xaf: {  	v23 =	vor.u32 v7, v10;
	v30 =	vld.idx.msk [tilespmem:v30+s10+$0x0], $0xffff;
	v16 =	vmul.f32 v16, v43  }
0xb0: {  	vm15 =	vgt.f32 v12, $1.000000000e+00;
	v37 =	vld.idx.msk [tilespmem:v45+s10+$0x0], $0xffff;
	[tilespmem:$0x1FF20] =	vst v23;
	v33 =	vmul.f32 v33, v43  }
0xb1: {  	vm1 =	vgt.f32 v41, $1.000000000e+00;
	v8 =	vor.u32 v60, v28;
	v21 =	vor.u32 $0x40, v58;
	[tilespmem:v14+s15+$0x0] =	vst.idx.msk $0xffff, v16  }
0xb2: {  	v47 =	vor.u32 v63, v0;
	v27 =	vor.u32 v21, v11;
	[tilespmem:v15+s15+$0x0] =	vst.idx.msk $0xffff, v33;
	v18 =	vld.idx.msk [tilespmem:v18+s10+$0x0], $0xffff  }
0xb3: {  	v22 =	vor.u32 $0x30, v58;
	v42 =	vor.u32 v7, v28;
	v54 =	vor.u32 v4, v10;
	v19 =	vld.idx.msk [tilespmem:v19+s10+$0x0], $0xffff;
	[tilespmem:$0x1FE40] =	vst v27  }
0xb4: {  	v12 =	vmovc v61;
	v39 =	vor.u32 v22, v55;
	v23 =	vor.u32 $0x50, v58;
	v27 =	vor.u32 v20, v11;
	[tilespmem:$0x1FE60] =	vst v43  }
0xb5: {  	v61 =	vor.u32 v5, v28;
	v16 =	vmul.f32 v30, v43;
	[tilespmem:$0x1FE50] =	vst v27;
	v27 =	vor.u32 v23, v13  }
0xb6: {  	s5 =	simm.s32 $0x5;
	v32 =	vor.u32 v63, v11;
	v35 =	vor.u32 v22, v13;
	v29 =	vnsel vm14, $0x3F800000, v1;
	[tilespmem:$0x1FF10] =	vst v27  }
0xb7: {  	s8 =	simm.s32 $0x4;
	v1 =	vor.u32 v4, v28;
	v17 =	vor.u32 v22, v0;
	v30 =	vadd.s32 s5, v58;
	[tilespmem:v47+s15+$0x0] =	vst.idx.msk $0xffff, v16  }
0xb8: {  	s7 =	simm.s32 $0x6;
	v44 =	vadd.s32 s8, v58;
	v15 =	vor.u32 v5, v53;
	v33 =	vand.u32 $0x3F, v30;
	v40 =	vld.idx.msk [tilespmem:v54+s10+$0x0], $0xffff  }
0xb9: {  	v28 =	vmul.f32 v37, v43;
	v37 =	vadd.s32 s7, v58;
	v16 =	vor.u32 v5, v46  }
0xba: {  	v45 =	vor.u32 v12, v33;
	v43 =	vand.u32 $0x3F, v44;
	v18 =	vmul.f32 v18, v59  }
0xbb: {  	s12 =	simm.s32 $0x7;
	v38 =	vand.u32 $0x3F, v37;
	v47 =	vshll.u32 v30, $0x7;
	[tilespmem:v32+s15+$0x0] =	vst.idx.msk $0xffff, v28;
	v19 =	vmul.f32 v19, v59  }
0xbc: {  	v30 =	vshll.u32 v37, $0x7;
	v37 =	vadd.s32 s12, v58;
	v54 =	vor.u32 v12, v38;
	v1 =	vld.idx.msk [tilespmem:v1+s10+$0x0], $0xffff;
	[tilespmem:v35+s15+$0x0] =	vst.idx.msk $0xffff, v18  }
0xbd: {  	v41 =	vand.u32 $0x3F, v37;
	[tilespmem:v39+s15+$0x0] =	vst.idx.msk $0xffff, v19;
	v18 =	vmul.f32 v40, v59;
	v40 =	vand.u32 $0x1F80, v47  }
0xbe: {  	v19 =	vor.u32 v12, v43;
	v39 =	vor.u32 v12, v41;
	v16 =	vld.idx.msk [tilespmem:v16+s10+$0x0], $0xffff;
	v12 =	vor.u32 v20, v40  }
0xbf: {  	v51 =	vor.u32 v5, v10;
	v49 =	vor.u32 v22, v11;
	v35 =	vld.idx.msk [tilespmem:v45+s10+$0x0], $0xffff;
	[tilespmem:$0x1FE70] =	vst v12  }
0xc0: {  	v24 =	vor.u32 v20, v13;
	v14 =	vor.u32 v21, v55;
	v15 =	vld.idx.msk [tilespmem:v15+s10+$0x0], $0xffff;
	[tilespmem:v17+s15+$0x0] =	vst.idx.msk $0xffff, v18  }
0xc1: {  	v1 =	vmul.f32 v1, v59;
	v18 =	vshll.u32 v37, $0x7;
	v37 =	vld.idx.msk [tilespmem:v54+s10+$0x0], $0xffff;
	[tilespmem:$0x1FE90] =	vst v59;
	v59 =	vor.u32 v58, v40  }
0xc2: {  	v31 =	vor.u32 v6, v13;
	v25 =	vor.u32 v21, v0;
	v13 =	vor.u32 v21, v13;
	[tilespmem:$0x1FE80] =	vst v21  }
0xc3: {  	v56 =	vshll.u32 v44, $0x7;
	v4 =	vmovc v60;
	v54 =	vor.u32 v7, v46;
	v16 =	vmul.f32 v16, v50;
	v19 =	vld.idx.msk [tilespmem:v19+s10+$0x0], $0xffff  }
0xc4: {  	v44 =	vand.u32 $0x1F80, v56;
	[tilespmem:v49+s15+$0x0] =	vst.idx.msk $0xffff, v1;
	v49 =	vor.u32 v23, v0;
	v0 =	vmul.f32 v35, v62  }
0xc5: {  	v60 =	vld.idx.msk [tilespmem:v39+s10+$0x0], $0xffff;
	[tilespmem:v14+s15+$0x0] =	vst.idx.msk $0xffff, v16;
	v14 =	vor.u32 v58, v44;
	v15 =	vmul.f32 v15, v50  }
0xc6: {  	v48 =	vor.u32 v7, v53;
	v39 =	vand.u32 $0x1F80, v18;
	[tilespmem:v59+s15+$0x0] =	vst.idx.msk $0xffff, v0  }
0xc7: {  	v16 =	vor.u32 v58, v39;
	v1 =	vor.u32 v20, v39;
	[tilespmem:v13+s15+$0x0] =	vst.idx.msk $0xffff, v15;
	v13 =	vld.idx.msk [tilespmem:v51+s10+$0x0], $0xffff  }
0xc8: {  	v30 =	vand.u32 $0x1F80, v30;
	v0 =	vmul.f32 v19, v62;
	v19 =	vld.idx.msk [tilespmem:v54+s10+$0x0], $0xffff;
	[tilespmem:$0x1FEA0] =	vst v1  }
0xc9: {  	v17 =	vor.u32 v58, v30;
	v35 =	vld.idx.msk [tilespmem:v61+s10+$0x0], $0xffff;
	[tilespmem:$0x1FEB0] =	vst v62  }
0xca: {  	v15 =	vmul.f32 v37, v62;
	v37 =	vmul.f32 v60, v62;
	v1 =	vnsel vm15, $0x3F800000, v36;
	[tilespmem:v14+s15+$0x0] =	vst.idx.msk $0xffff, v0  }
0xcb: {  	v14 =	vld.idx.msk [tilespmem:v48+s10+$0x0], $0xffff;
	[tilespmem:$0x1FEC0] =	vst v1  }
0xcc: {  	v56 =	vor.u32 v2, v33;
	[tilespmem:v16+s15+$0x0] =	vst.idx.msk $0xffff, v37  }
0xcd: {  	v1 =	vnsel vm1, $0x3F800000, v9;
	[tilespmem:$0x1FED0] =	vst v23  }
0xce: {  	v18 =	vor.u32 v23, v55;
	v9 =	vmul.f32 v13, v50;
	[tilespmem:$0x1FEE0] =	vst v1  }
0xcf: {  	[tilespmem:v17+s15+$0x0] =	vst.idx.msk $0xffff, v15  }
0xd0: {  	v54 =	vor.u32 v23, v11;
	[tilespmem:v25+s15+$0x0] =	vst.idx.msk $0xffff, v9  }
0xd1: {  	v48 =	vor.u32 v6, v11;
	v11 =	vmul.f32 v19, v29;
	v1 =	vld.idx.msk [tilespmem:v56+s10+$0x0], $0xffff;
	[tilespmem:$0x1FEF0] =	vst v63  }
0xd2: {  	[tilespmem:$0x1FF00] =	vst v50  }
0xd3: {  	[tilespmem:v18+s15+$0x0] =	vst.idx.msk $0xffff, v11  }
0xd4: {  	v27 =	vor.u32 v2, v38;
	v32 =	vor.u32 v2, v41;
	v0 =	vor.u32 v2, v43;
	v2 =	vld [tilespmem:$0x1FF10];
	_ =	sdelay $0x5  }
0xd5: {  	v17 =	vld.idx.msk [tilespmem:v0+s10+$0x0], $0xffff;
	v0 =	vmul.f32 v14, v29;
	_ =	sdelay $0x1  }
0xd6: {  	[tilespmem:v2+s15+$0x0] =	vst.idx.msk $0xffff, v0  }
0xd7: {  	v0 =	vld [tilespmem:$0x1FF20];
	_ =	sdelay $0x3  }
0xd8: {  	v28 =	vor.u32 v57, v38;
	v45 =	vor.u32 v63, v30;
	v47 =	vor.u32 v63, v44  }
0xd9: {  	v52 =	vor.u32 v63, v40;
	v12 =	vor.u32 v4, v46;
	v21 =	vmovc v57;
	v57 =	vor.u32 v3, v41  }
0xda: {  	v51 =	vor.u32 v4, v10;
	v60 =	vor.u32 v34, v30;
	v61 =	vor.u32 v34, v40;
	v18 =	vld.idx.msk [tilespmem:v27+s10+$0x0], $0xffff  }
0xdb: {  	v62 =	vor.u32 v3, v33;
	v13 =	vor.u32 v63, v39;
	v16 =	vor.u32 v3, v43;
	v19 =	vld.idx.msk [tilespmem:v32+s10+$0x0], $0xffff  }
0xdc: {  	v15 =	vor.u32 v3, v38;
	v59 =	vmul.f32 v35, v50;
	v58 =	vld.idx.msk [tilespmem:v0+s10+$0x0], $0xffff;
	[tilespmem:$0x1FF30] =	vst v6  }
0xdd: {  	v9 =	vor.u32 v21, v53;
	v56 =	vor.u32 v4, v53;
	v53 =	vor.u32 v6, v40;
	[tilespmem:$0x1FF40] =	vst v26  }
0xde: {  	v50 =	vor.u32 v21, v10;
	v63 =	vor.u32 v34, v44;
	v10 =	vld.idx.msk [tilespmem:v12+s10+$0x0], $0xffff;
	[tilespmem:$0x1FF50] =	vst v34  }
0xdf: {  	v11 =	vor.u32 v21, v46;
	v46 =	vor.u32 v20, v44;
	v0 =	vor.u32 v6, v55;
	[tilespmem:$0x1FF60] =	vst v20  }
0xe0: {  	s0 =	simm.s32 $0x8;
	v6 =	vmov v29;
	v55 =	vmul.f32 v1, v26;
	v1 =	vor.u32 v34, v39;
	[tilespmem:$0x1FF70] =	vst v22  }
.LBB2_5:
0xe1: {  	v32 =	vld [tilespmem:$0x1FF40]  }
0xe2: {  	v2 =	vld [tilespmem:$0x1FE40];
	_ =	sdelay $0x1  }
0xe3: {  	v12 =	vld.idx.msk [tilespmem:v56+s10+$0x0], $0xffff  }
0xe4: {  	v4 =	vld [tilespmem:$0x1FFD0]  }
0xe5: {  	v26 =	vld [tilespmem:$0x1FEC0];
	v19 =	vmul.f32 v19, v32  }
0xe6: {  	v27 =	vld [tilespmem:$0x1FFB0];
	[tilespmem:v61+s15+$0x0] =	vst.idx.msk $0xffff, v55;
	v17 =	vmul.f32 v17, v32  }
0xe7: {  	v5 =	vld [tilespmem:$0x1FE60];
	[tilespmem:v1+s15+$0x0] =	vst.idx.msk $0xffff, v19  }
0xe8: {  	v35 =	vld.idx.msk [tilespmem:v62+s10+$0x0], $0xffff;
	[tilespmem:v63+s15+$0x0] =	vst.idx.msk $0xffff, v17  }
0xe9: {  	v18 =	vmul.f32 v18, v32;
	v3 =	vor.u32 v4, v38;
	[tilespmem:v2+s15+$0x0] =	vst.idx.msk $0xffff, v59;
	v17 =	vld.idx.msk [tilespmem:v57+s10+$0x0], $0xffff  }
0xea: {  	v12 =	vmul.f32 v12, v26;
	[tilespmem:$0x1FDF0] =	vst v3;
	v42 =	vld.idx.msk [tilespmem:v42+s10+$0x0], $0xffff  }
0xeb: {  	v19 =	vmul.f32 v10, v26;
	v16 =	vld.idx.msk [tilespmem:v16+s10+$0x0], $0xffff;
	[tilespmem:v60+s15+$0x0] =	vst.idx.msk $0xffff, v18  }
0xec: {  	v1 =	vmul.f32 v58, v6;
	[tilespmem:v31+s15+$0x0] =	vst.idx.msk $0xffff, v12;
	v15 =	vld.idx.msk [tilespmem:v15+s10+$0x0], $0xffff  }
0xed: {  	v3 =	vld [tilespmem:$0x1FFA0];
	v12 =	vmul.f32 v35, v5;
	[tilespmem:v0+s15+$0x0] =	vst.idx.msk $0xffff, v19  }
0xee: {  	v2 =	vld [tilespmem:$0x1FFC0];
	[tilespmem:v49+s15+$0x0] =	vst.idx.msk $0xffff, v1;
	v1 =	vmul.f32 v17, v5  }
0xef: {  	v29 =	vld.idx.msk [tilespmem:v9+s10+$0x0], $0xffff;
	[tilespmem:v52+s15+$0x0] =	vst.idx.msk $0xffff, v12;
	v0 =	vmul.f32 v42, v6  }
0xf0: {  	v17 =	vld.idx.msk [tilespmem:v51+s10+$0x0], $0xffff;
	[tilespmem:v13+s15+$0x0] =	vst.idx.msk $0xffff, v1  }
0xf1: {  	v12 =	vmul.f32 v16, v5;
	v1 =	vmul.f32 v15, v5;
	v5 =	vld [tilespmem:$0x1FE00];
	[tilespmem:v54+s15+$0x0] =	vst.idx.msk $0xffff, v0  }
0xf2: {  	v0 =	vld.idx.msk [tilespmem:v8+s10+$0x0], $0xffff  }
0xf3: {  	v34 =	vld [tilespmem:$0x1FF30];
	v56 =	vmov v41;
	v36 =	vor.u32 v2, v33  }
0xf4: {  	v55 =	vmovc v43;
	v10 =	vmov v44;
	v18 =	vor.u32 v22, v44;
	v44 =	vld.idx.msk [tilespmem:v11+s10+$0x0], $0xffff;
	v19 =	vor.u32 v2, v56  }
0xf5: {  	v21 =	vor.u32 v2, v38;
	v37 =	vor.u32 v2, v55;
	v2 =	vld [tilespmem:$0x1FE80]  }
0xf6: {  	v49 =	vor.u32 v3, v33;
	v57 =	vor.u32 v3, v55;
	v42 =	vld [tilespmem:$0x1FEE0]  }
0xf7: {  	v51 =	vor.u32 v3, v56;
	v54 =	vor.u32 v3, v38;
	v3 =	vld [tilespmem:$0x1FF80];
	v35 =	vmul.f32 v0, v26  }
0xf8: {  	[tilespmem:v45+s15+$0x0] =	vst.idx.msk $0xffff, v1;
	v16 =	vld.idx.msk [tilespmem:v36+s10+$0x0], $0xffff  }
0xf9: {  	v13 =	vld.idx.msk [tilespmem:v19+s10+$0x0], $0xffff;
	[tilespmem:v48+s15+$0x0] =	vst.idx.msk $0xffff, v35  }
0xfa: {  	v48 =	vld.idx.msk [tilespmem:v5+s10+$0x0], $0xffff  }
0xfb: {  	v14 =	vor.u32 v22, v39;
	v5 =	vld [tilespmem:$0x1FE30]  }
0xfc: {  	s1 =	smov.u32 s0;
	v62 =	vor.u32 v22, v40;
	[tilespmem:v47+s15+$0x0] =	vst.idx.msk $0xffff, v12;
	v47 =	vmul.f32 v29, v42;
	v29 =	vld [tilespmem:$0x1FE90]  }
0xfd: {  	s5 =	sadd.s32 $0x2, s1;
	v20 =	vor.u32 v27, v38;
	v23 =	vor.u32 v34, v39;
	v31 =	vlaneseq.u32;
	v19 =	vld.idx.msk [tilespmem:v37+s10+$0x0], $0xffff  }
0xfe: {  	s3 =	sadd.s32 $0x1, s1;
	v63 =	vadd.s32 s5, v31;
	v60 =	vor.u32 v22, v30;
	v15 =	vadd.s32 s1, v31;
	s1 =	sadd.s32 $0x3, s1;
	v21 =	vld.idx.msk [tilespmem:v21+s10+$0x0], $0xffff  }
0xff: {  	v41 =	vshll.u32 v63, $0x7;
	v38 =	vand.u32 $0x3F, v63;
	v63 =	vadd.s32 s1, v31  }
0x100: {  	v43 =	vand.u32 $0x3F, v15;
	v8 =	vmovc v53;
	v7 =	vor.u32 v2, v30;
	v36 =	vmovc v20;
	v20 =	vadd.s32 s3, v31  }
0x101: {  	v25 =	vld [tilespmem:$0x1FED0];
	v1 =	vmul.f32 v17, v26;
	[tilespmem:$0x1FE40] =	vst v7;
	v52 =	vor.u32 v3, v38;
	v16 =	vmul.f32 v16, v29  }
0x102: {  	v7 =	vld [tilespmem:$0x1FF60];
	v53 =	vand.u32 $0x3F, v20;
	[tilespmem:v24+s15+$0x0] =	vst.idx.msk $0xffff, v47;
	v13 =	vmul.f32 v13, v29;
	v19 =	vmul.f32 v19, v29  }
0x103: {  	v22 =	vmovc v23;
	v21 =	vmul.f32 v21, v29;
	v29 =	vld [tilespmem:$0x1FE50];
	[tilespmem:v5+s15+$0x0] =	vst.idx.msk $0xffff, v1;
	v1 =	vand.u32 $0x1F80, v41;
	v41 =	vand.u32 $0x3F, v63  }
0x104: {  	v17 =	vor.u32 v3, v53;
	[tilespmem:$0x1FE30] =	vst v22;
	v22 =	vor.u32 v3, v43;
	v24 =	vor.u32 v3, v41;
	v3 =	vld [tilespmem:$0x1FE20]  }
0x105: {  	v59 =	vor.u32 v4, v33;
	v11 =	vor.u32 v4, v56;
	v37 =	vld [tilespmem:$0x1FEF0]  }
0x106: {  	v15 =	vshll.u32 v15, $0x7;
	v58 =	vor.u32 v2, v39;
	v23 =	vmul.f32 v44, v42;
	v26 =	vld [tilespmem:$0x1FF90]  }
0x107: {  	v44 =	vand.u32 $0x1F80, v15;
	v61 =	vor.u32 v7, v30;
	[tilespmem:v62+s15+$0x0] =	vst.idx.msk $0xffff, v16;
	v15 =	vld.idx.msk [tilespmem:v52+s10+$0x0], $0xffff  }
0x108: {  	v50 =	vld.idx.msk [tilespmem:v50+s10+$0x0], $0xffff;
	[tilespmem:v14+s15+$0x0] =	vst.idx.msk $0xffff, v13;
	v13 =	vshll.u32 v63, $0x7;
	v63 =	vmul.f32 v48, v42  }
0x109: {  	v48 =	vld.idx.msk [tilespmem:v49+s10+$0x0], $0xffff;
	v49 =	vor.u32 v25, v39;
	v39 =	vand.u32 $0x1F80, v13;
	v13 =	vor.u32 v4, v55;
	v4 =	vmovc v61  }
0x10a: {  	v20 =	vshll.u32 v20, $0x7;
	v16 =	vld.idx.msk [tilespmem:v17+s10+$0x0], $0xffff;
	[tilespmem:$0x1FE50] =	vst v4  }
0x10b: {  	v17 =	vand.u32 $0x1F80, v20;
	[tilespmem:v29+s15+$0x0] =	vst.idx.msk $0xffff, v63;
	v29 =	vld [tilespmem:$0x1FEB0]  }
0x10c: {  	v14 =	vor.u32 v31, v1;
	v61 =	vor.u32 v31, v17;
	[tilespmem:v3+s15+$0x0] =	vst.idx.msk $0xffff, v23;
	v3 =	vld [tilespmem:$0x1FE70]  }
0x10d: {  	v4 =	vor.u32 v31, v39;
	[tilespmem:v60+s15+$0x0] =	vst.idx.msk $0xffff, v21;
	v21 =	vor.u32 v31, v44;
	v31 =	vld [tilespmem:$0x1FF00]  }
0x10e: {  	v5 =	vmov v28;
	v62 =	vld.idx.msk [tilespmem:v54+s10+$0x0], $0xffff  }
0x10f: {  	[tilespmem:$0x1FE00] =	vst v5;
	v5 =	vor.u32 v7, v17;
	v54 =	vld [tilespmem:$0x1FEA0]  }
0x110: {  	[tilespmem:$0x1FE70] =	vst v5;
	v5 =	vld [tilespmem:$0x1FFF0]  }
0x111: {  	v9 =	vor.u32 v2, v10;
	v28 =	vmovc v3;
	v3 =	vmov v46;
	v46 =	vor.u32 v2, v40;
	v2 =	vld [tilespmem:$0x1FE10]  }
0x112: {  	v23 =	vmul.f32 v50, v42;
	v42 =	vld [tilespmem:$0x1FF50];
	[tilespmem:v18+s15+$0x0] =	vst.idx.msk $0xffff, v19  }
0x113: {  	v20 =	vld.idx.msk [tilespmem:v57+s10+$0x0], $0xffff  }
0x114: {  	v63 =	vmul.f32 v15, v29;
	v22 =	vld.idx.msk [tilespmem:v22+s10+$0x0], $0xffff  }
0x115: {  	v12 =	vor.u32 v25, v40;
	v47 =	vor.u32 v37, v44  }
0x116: {  	v35 =	vor.u32 v26, v38;
	v52 =	vor.u32 v37, v17;
	[tilespmem:v14+s15+$0x0] =	vst.idx.msk $0xffff, v63  }
0x117: {  	v45 =	vor.u32 v37, v1;
	v15 =	vor.u32 v7, v39;
	v16 =	vmul.f32 v16, v29;
	[tilespmem:$0x1FE20] =	vst v3;
	v3 =	vld [tilespmem:$0x1FFE0]  }
0x118: {  	v57 =	vor.u32 v5, v41;
	v40 =	vmovc v17;
	v60 =	vor.u32 v42, v1;
	v20 =	vmul.f32 v20, v31  }
0x119: {  	v17 =	vmul.f32 v22, v29;
	v22 =	vmul.f32 v48, v31;
	v48 =	vmov v54;
	[tilespmem:v2+s15+$0x0] =	vst.idx.msk $0xffff, v23  }
0x11a: {  	v0 =	vmov v34;
	v63 =	vor.u32 v42, v44;
	v54 =	vor.u32 v25, v30;
	[tilespmem:$0x1FE10] =	vst v48;
	v23 =	vld.idx.msk [tilespmem:v24+s10+$0x0], $0xffff  }
0x11b: {  	v48 =	vor.u32 v0, v30;
	v30 =	vmov v1;
	v1 =	vor.u32 v42, v39;
	[tilespmem:v9+s15+$0x0] =	vst.idx.msk $0xffff, v20  }
0x11c: {  	v0 =	vor.u32 v0, v10;
	[tilespmem:v46+s15+$0x0] =	vst.idx.msk $0xffff, v22;
	v18 =	vor.u32 v3, v53  }
0x11d: {  	v20 =	vor.u32 v27, v55;
	v19 =	vor.u32 v3, v38;
	[tilespmem:v61+s15+$0x0] =	vst.idx.msk $0xffff, v16;
	v50 =	vld.idx.msk [tilespmem:v51+s10+$0x0], $0xffff  }
0x11e: {  	v9 =	vmov v15;
	v22 =	vld.idx.msk [tilespmem:v59+s10+$0x0], $0xffff;
	v24 =	vor.u32 v3, v41;
	v3 =	vor.u32 v3, v43  }
0x11f: {  	v15 =	vor.u32 v5, v38;
	[tilespmem:$0x1FEA0] =	vst v9;
	v9 =	vmul.f32 v23, v29;
	v23 =	vld.idx.msk [tilespmem:v13+s10+$0x0], $0xffff  }
0x120: {  	v46 =	vor.u32 v7, v44;
	v61 =	vor.u32 v42, v40;
	v16 =	vor.u32 v5, v43;
	v42 =	vld [tilespmem:$0x1FDF0]  }
0x121: {  	v59 =	vmul.f32 v62, v31;
	v2 =	vor.u32 v25, v10;
	[tilespmem:v21+s15+$0x0] =	vst.idx.msk $0xffff, v17;
	v21 =	vld.idx.msk [tilespmem:v18+s10+$0x0], $0xffff  }
0x122: {  	p0 =	slt.u32 s0, $0x3C;
	v62 =	vor.u32 v5, v53;
	v18 =	vld.idx.msk [tilespmem:v19+s10+$0x0], $0xffff;
	[tilespmem:v4+s15+$0x0] =	vst.idx.msk $0xffff, v9;
	v4 =	vmul.f32 v50, v31  }
.Ltmp3:
0x123: {  	v51 =	vor.u32 v27, v56;
	v13 =	vor.u32 v37, v39;
	v17 =	vld.idx.msk [tilespmem:v3+s10+$0x0], $0xffff;
	v9 =	vor.u32 v26, v33;
	(pc) =	sbr.rel @p0 .LBB2_5-.Ltmp3, $4  }
0x124: {  	v31 =	vmov v8;
	[tilespmem:v58+s15+$0x0] =	vst.idx.msk $0xffff, v4;
	v4 =	vmul.f32 v22, v6;
	v22 =	vld [tilespmem:$0x1FF70];
	v3 =	vmul.f32 v23, v6  }
0x125: {  	v8 =	vmovc v36;
	v50 =	vor.u32 v26, v56;
	v56 =	vor.u32 v27, v33;
	v33 =	vmov v53;
	v19 =	vld.idx.msk [tilespmem:v24+s10+$0x0], $0xffff  }
0x126: {  	v53 =	vor.u32 v34, v40;
	v24 =	vmov v28;
	v28 =	vmov v35;
	v58 =	vld.idx.msk [tilespmem:v11+s10+$0x0], $0xffff;
	[tilespmem:v2+s15+$0x0] =	vst.idx.msk $0xffff, v3  }
0x127: {  	s0 =	sadd.s32 $0x4, s0;
	v11 =	vor.u32 v26, v55;
	v55 =	vmul.f32 v21, v32;
	[tilespmem:v12+s15+$0x0] =	vst.idx.msk $0xffff, v4;
	v10 =	vld.idx.msk [tilespmem:v20+s10+$0x0], $0xffff  }
0x128: {  	v4 =	vld [tilespmem:$0x1FF40];
	_ =	sdelay $0x4  }
0x129: {  	v2 =	vmul.f32 v17, v4  }
0x12a: {  	[tilespmem:v61+s15+$0x0] =	vst.idx.msk $0xffff, v55;
	v3 =	vmul.f32 v19, v4  }
0x12b: {  	[tilespmem:v63+s15+$0x0] =	vst.idx.msk $0xffff, v2;
	v2 =	vmul.f32 v18, v4  }
0x12c: {  	[tilespmem:v1+s15+$0x0] =	vst.idx.msk $0xffff, v3  }
0x12d: {  	v4 =	vld.idx.msk [tilespmem:v62+s10+$0x0], $0xffff;
	[tilespmem:v60+s15+$0x0] =	vst.idx.msk $0xffff, v2  }
0x12e: {  	v55 =	vld [tilespmem:$0x1FFC0]  }
0x12f: {  	v5 =	vld [tilespmem:$0x1FE60]  }
0x130: {  	v1 =	vld.idx.msk [tilespmem:v16+s10+$0x0], $0xffff  }
0x131: {  	v2 =	vld.idx.msk [tilespmem:v57+s10+$0x0], $0xffff  }
0x132: {  	v12 =	vld.idx.msk [tilespmem:v15+s10+$0x0], $0xffff;
	_ =	sdelay $0x1  }
0x133: {  	v3 =	vor.u32 v55, v33;
	v4 =	vmul.f32 v4, v5  }
0x134: {  	v1 =	vmul.f32 v1, v5  }
0x135: {  	v14 =	vor.u32 v55, v43;
	v2 =	vmul.f32 v2, v5;
	[tilespmem:v52+s15+$0x0] =	vst.idx.msk $0xffff, v4  }
0x136: {  	v15 =	vor.u32 v55, v41;
	[tilespmem:v47+s15+$0x0] =	vst.idx.msk $0xffff, v1;
	v1 =	vmul.f32 v12, v5  }
0x137: {  	v16 =	vor.u32 v55, v38;
	[tilespmem:v13+s15+$0x0] =	vst.idx.msk $0xffff, v2  }
0x138: {  	[tilespmem:v45+s15+$0x0] =	vst.idx.msk $0xffff, v1;
	v3 =	vld.idx.msk [tilespmem:v3+s10+$0x0], $0xffff  }
0x139: {  	v7 =	vmov v6;
	v6 =	vld [tilespmem:$0x1FE90]  }
0x13a: {  	v2 =	vld.idx.msk [tilespmem:v14+s10+$0x0], $0xffff  }
0x13b: {  	v4 =	vor.u32 v22, v40;
	v12 =	vld.idx.msk [tilespmem:v15+s10+$0x0], $0xffff  }
0x13c: {  	v1 =	vor.u32 v22, v44;
	v14 =	vld.idx.msk [tilespmem:v16+s10+$0x0], $0xffff  }
0x13d: {  	v15 =	vor.u32 v22, v39  }
0x13e: {  	v17 =	vor.u32 v22, v30;
	v3 =	vmul.f32 v3, v6  }
0x13f: {  	v2 =	vmul.f32 v2, v6  }
0x140: {  	v5 =	vld [tilespmem:$0x1FFA0];
	[tilespmem:v4+s15+$0x0] =	vst.idx.msk $0xffff, v3;
	v3 =	vmul.f32 v12, v6  }
0x141: {  	[tilespmem:v1+s15+$0x0] =	vst.idx.msk $0xffff, v2;
	v1 =	vmul.f32 v14, v6  }
0x142: {  	[tilespmem:v15+s15+$0x0] =	vst.idx.msk $0xffff, v3  }
0x143: {  	v61 =	vld [tilespmem:$0x1FE80];
	[tilespmem:v17+s15+$0x0] =	vst.idx.msk $0xffff, v1  }
0x144: {  	v1 =	vld [tilespmem:$0x1FE40];
	_ =	sdelay $0x2  }
0x145: {  	v13 =	vor.u32 v5, v33;
	_ =	sdelay $0x2  }
0x146: {  	v16 =	vor.u32 v5, v43  }
0x147: {  	v18 =	vor.u32 v5, v41  }
0x148: {  	v2 =	vld.idx.msk [tilespmem:v13+s10+$0x0], $0xffff;
	[tilespmem:v1+s15+$0x0] =	vst.idx.msk $0xffff, v59  }
0x149: {  	v20 =	vld [tilespmem:$0x1FEC0]  }
0x14a: {  	v6 =	vld [tilespmem:$0x1FF00]  }
0x14b: {  	v3 =	vld.idx.msk [tilespmem:v16+s10+$0x0], $0xffff  }
0x14c: {  	v12 =	vld.idx.msk [tilespmem:v18+s10+$0x0], $0xffff;
	v4 =	vor.u32 v61, v40  }
0x14d: {  	v19 =	vor.u32 v5, v38;
	v13 =	vor.u32 v61, v44;
	v57 =	vld [tilespmem:$0x1FFD0]  }
0x14e: {  	v15 =	vor.u32 v61, v39;
	v10 =	vmul.f32 v10, v20  }
0x14f: {  	v2 =	vmul.f32 v2, v6  }
0x150: {  	v3 =	vmul.f32 v3, v6;
	[tilespmem:v0+s15+$0x0] =	vst.idx.msk $0xffff, v10  }
0x151: {  	[tilespmem:v4+s15+$0x0] =	vst.idx.msk $0xffff, v2;
	v2 =	vmul.f32 v12, v6  }
0x152: {  	v14 =	vld.idx.msk [tilespmem:v19+s10+$0x0], $0xffff;
	v1 =	vor.u32 v57, v33;
	[tilespmem:v13+s15+$0x0] =	vst.idx.msk $0xffff, v3  }
0x153: {  	v16 =	vor.u32 v57, v43;
	[tilespmem:v15+s15+$0x0] =	vst.idx.msk $0xffff, v2  }
0x154: {  	v18 =	vor.u32 v61, v30;
	v17 =	vor.u32 v57, v41;
	v63 =	vld [tilespmem:$0x1FED0]  }
0x155: {  	v0 =	vld.idx.msk [tilespmem:v42+s10+$0x0], $0xffff;
	v10 =	vor.u32 v57, v38  }
0x156: {  	v15 =	vld.idx.msk [tilespmem:v56+s10+$0x0], $0xffff  }
0x157: {  	v3 =	vmul.f32 v14, v6;
	v1 =	vld.idx.msk [tilespmem:v1+s10+$0x0], $0xffff  }
0x158: {  	v4 =	vld.idx.msk [tilespmem:v16+s10+$0x0], $0xffff  }
0x159: {  	v2 =	vmul.f32 v58, v7;
	v13 =	vld.idx.msk [tilespmem:v17+s10+$0x0], $0xffff;
	[tilespmem:v18+s15+$0x0] =	vst.idx.msk $0xffff, v3;
	v12 =	vor.u32 v63, v40  }
0x15a: {  	v10 =	vld.idx.msk [tilespmem:v10+s10+$0x0], $0xffff;
	v3 =	vor.u32 v63, v44  }
0x15b: {  	v60 =	vld [tilespmem:$0x1FFB0];
	[tilespmem:v49+s15+$0x0] =	vst.idx.msk $0xffff, v2;
	v0 =	vmul.f32 v0, v7;
	v2 =	vor.u32 v63, v39  }
0x15c: {  	v19 =	vor.u32 v63, v30;
	v1 =	vmul.f32 v1, v7  }
0x15d: {  	[tilespmem:v54+s15+$0x0] =	vst.idx.msk $0xffff, v0;
	v4 =	vmul.f32 v4, v7  }
0x15e: {  	[tilespmem:v12+s15+$0x0] =	vst.idx.msk $0xffff, v1;
	v12 =	vmul.f32 v13, v7  }
0x15f: {  	[tilespmem:v3+s15+$0x0] =	vst.idx.msk $0xffff, v4;
	v3 =	vmul.f32 v10, v7  }
0x160: {  	v14 =	vor.u32 v60, v33;
	[tilespmem:v2+s15+$0x0] =	vst.idx.msk $0xffff, v12;
	v2 =	vmul.f32 v15, v20  }
0x161: {  	v16 =	vor.u32 v60, v43;
	v6 =	vld [tilespmem:$0x1FF30];
	[tilespmem:v19+s15+$0x0] =	vst.idx.msk $0xffff, v3  }
0x162: {  	v1 =	vld.idx.msk [tilespmem:v8+s10+$0x0], $0xffff;
	[tilespmem:v31+s15+$0x0] =	vst.idx.msk $0xffff, v2  }
0x163: {  	v7 =	vld [tilespmem:$0x1FE30]  }
0x164: {  	v17 =	vld.idx.msk [tilespmem:v51+s10+$0x0], $0xffff;
	v18 =	vor.u32 v60, v41  }
0x165: {  	v4 =	vld.idx.msk [tilespmem:v14+s10+$0x0], $0xffff  }
0x166: {  	v0 =	vor.u32 v60, v38;
	v10 =	vld.idx.msk [tilespmem:v16+s10+$0x0], $0xffff;
	_ =	sdelay $0x1  }
0x167: {  	v1 =	vmul.f32 v1, v20;
	v14 =	vor.u32 v6, v44  }
0x168: {  	v13 =	vmul.f32 v17, v20;
	v3 =	vld.idx.msk [tilespmem:v18+s10+$0x0], $0xffff  }
0x169: {  	v59 =	vld [tilespmem:$0x1FF90];
	v4 =	vmul.f32 v4, v20;
	[tilespmem:v48+s15+$0x0] =	vst.idx.msk $0xffff, v1  }
0x16a: {  	v0 =	vld.idx.msk [tilespmem:v0+s10+$0x0], $0xffff;
	v10 =	vmul.f32 v10, v20;
	[tilespmem:v7+s15+$0x0] =	vst.idx.msk $0xffff, v13  }
0x16b: {  	v12 =	vor.u32 v6, v39;
	v15 =	vor.u32 v6, v30;
	v6 =	vld [tilespmem:$0x1FE00];
	[tilespmem:v53+s15+$0x0] =	vst.idx.msk $0xffff, v4  }
0x16c: {  	v9 =	vld.idx.msk [tilespmem:v9+s10+$0x0], $0xffff;
	[tilespmem:v14+s15+$0x0] =	vst.idx.msk $0xffff, v10  }
0x16d: {  	v7 =	vld [tilespmem:$0x1FEE0];
	_ =	sdelay $0x2  }
0x16e: {  	v3 =	vmul.f32 v3, v20  }
0x16f: {  	v0 =	vmul.f32 v0, v20  }
0x170: {  	[tilespmem:v12+s15+$0x0] =	vst.idx.msk $0xffff, v3;
	v4 =	vmul.f32 v9, v7  }
0x171: {  	[tilespmem:v15+s15+$0x0] =	vst.idx.msk $0xffff, v0  }
0x172: {  	v17 =	vld.idx.msk [tilespmem:v6+s10+$0x0], $0xffff;
	[tilespmem:v24+s15+$0x0] =	vst.idx.msk $0xffff, v4  }
0x173: {  	v6 =	vld [tilespmem:$0x1FE20]  }
0x174: {  	v11 =	vld.idx.msk [tilespmem:v11+s10+$0x0], $0xffff;
	_ =	sdelay $0x4  }
0x175: {  	v3 =	vmul.f32 v11, v7;
	_ =	sdelay $0x1  }
0x176: {  	v2 =	vor.u32 v59, v33;
	[tilespmem:v6+s15+$0x0] =	vst.idx.msk $0xffff, v3  }
0x177: {  	v6 =	vld [tilespmem:$0x1FE10]  }
0x178: {  	v1 =	vld.idx.msk [tilespmem:v50+s10+$0x0], $0xffff;
	_ =	sdelay $0x2  }
0x179: {  	v2 =	vld.idx.msk [tilespmem:v2+s10+$0x0], $0xffff;
	_ =	sdelay $0x1  }
0x17a: {  	v1 =	vmul.f32 v1, v7;
	_ =	sdelay $0x1  }
0x17b: {  	v62 =	vld [tilespmem:$0x1FF60];
	[tilespmem:v6+s15+$0x0] =	vst.idx.msk $0xffff, v1  }
0x17c: {  	v1 =	vmul.f32 v2, v7;
	v2 =	vld [tilespmem:$0x1FE50];
	_ =	sdelay $0x2  }
0x17d: {  	v13 =	vor.u32 v59, v43;
	_ =	sdelay $0x2  }
0x17e: {  	v3 =	vmul.f32 v17, v7;
	_ =	sdelay $0x1  }
0x17f: {  	v9 =	vld.idx.msk [tilespmem:v13+s10+$0x0], $0xffff;
	[tilespmem:v2+s15+$0x0] =	vst.idx.msk $0xffff, v3  }
0x180: {  	v3 =	vld [tilespmem:$0x1FE70];
	_ =	sdelay $0x4  }
0x181: {  	v16 =	vor.u32 v59, v41;
	v2 =	vmul.f32 v9, v7;
	_ =	sdelay $0x1  }
0x182: {  	[tilespmem:v46+s15+$0x0] =	vst.idx.msk $0xffff, v2  }
0x183: {  	v4 =	vld.idx.msk [tilespmem:v28+s10+$0x0], $0xffff;
	[tilespmem:v3+s15+$0x0] =	vst.idx.msk $0xffff, v1  }
0x184: {  	v2 =	vld [tilespmem:$0x1FEA0]  }
0x185: {  	v0 =	vld.idx.msk [tilespmem:v16+s10+$0x0], $0xffff  }
0x186: {  	v10 =	vor.u32 v62, v30;
	_ =	sdelay $0x2  }
0x187: {  	v1 =	vmul.f32 v4, v7  }
0x188: {  	s0 =	sshll.u32 s31, $0x2;
	v0 =	vmul.f32 v0, v7  }
0x189: {  	p0 =	seq.s32 s31, $0x0;
	s1 =	sadd.s32 s6, s0;
	[tilespmem:v10+s15+$0x0] =	vst.idx.msk $0xffff, v1  }
0x18a: {  	s3 =	simm.s32 @!p0 $0x8;
	s5 =	sshll.u32 s1, $0x7;
	[tilespmem:v2+s15+$0x0] =	vst.idx.msk $0xffff, v0  }
0x18b: {  	s1 =	sshll.u32 s1, $0xA;
	s5 =	sand.u32 $0x3E00, s5;
	_ =	swait.ge @!p0 [sflag:s3], $0x2000  }
0x18c: {  	s1 =	sand.u32 $0xFFE0000, s1;
	s5 =	sadd.s32 s2, s5;
	[sflag:s3] =	ssyncset.done @!p0 $0x0  }
0x18d: {  	s12 =	simm.s32 $0x1;
	s1 =	sadd.s32 s1, s5;
	[sflag:s3] =	ssyncadd.s32 @!p0 $0xFFFFE000  }
0x18e: {  	v18 =	vlaneseq.u32;
	[hbm4b:s1+s16] =	stream.strided.scatter [tilespmem:s15], [sflag:$0x5], $0x2000, s17, s16, $0x38;
	[tilespmem:$0x13400] =	vst v63  }
0x18f: {  	v0 =	vadd.s32 s12, v18;
	s1 =	sor.u32 $0x3, s0  }
0x190: {  	s8 =	simm.s32 $0x3;
	v0 =	vand.u32 $0x3F, v0;
	s5 =	sshll.u32 s1, $0x7  }
0x191: {  	s7 =	simm.s32 $0x2;
	v11 =	vadd.s32 s8, v18;
	s12 =	simm.s32 $0x0;
	v4 =	vor.u32 v59, v0;
	s3 =	sand.u32 $0x3FFFFF80, s5  }
0x192: {  	v11 =	vand.u32 $0x3F, v11;
	v6 =	vld [tilespmem:$0x1FF80];
	v15 =	vor.u32 v57, v0;
	[tilespmem:s18], [sflag:$0x4] =	stream.indirect.gather [hbm4b:s4+s9], $0x40, s3, s9, $0xb8  }
0x193: {  	v17 =	vor.u32 v57, v11;
	v2 =	vadd.s32 s7, v18;
	v18 =	vadd.s32 s12, v18;
	v7 =	vld [tilespmem:$0x1FFE0];
	_ =	swait.ge [sflag:s19], $0x2000  }
0x194: {  	v19 =	vor.u32 v5, v0;
	v23 =	vand.u32 $0x3F, v18;
	[sflag:s19] =	ssyncset.done $0x0  }
0x195: {  	v21 =	vor.u32 v55, v23;
	v8 =	vld [tilespmem:$0x1FFF0];
	[sflag:s19] =	ssyncadd.s32 $0xFFFFE000  }
0x196: {  	v2 =	vand.u32 $0x3F, v2;
	v32 =	vor.u32 v5, v23;
	v4 =	vld.idx.msk [tilespmem:v4+s11+$0x0], $0xffff  }
0x197: {  	v29 =	vor.u32 v59, v2;
	v15 =	vld.idx.msk [tilespmem:v15+s11+$0x0], $0xffff  }
0x198: {  	v1 =	vor.u32 v6, v0;
	v27 =	vld.idx.msk [tilespmem:v17+s11+$0x0], $0xffff  }
0x199: {  	v3 =	vor.u32 v7, v0;
	v30 =	vld.idx.msk [tilespmem:v19+s11+$0x0], $0xffff  }
0x19a: {  	v10 =	vor.u32 v6, v2;
	v52 =	vld.idx.msk [tilespmem:v21+s11+$0x0], $0xffff  }
0x19b: {  	v56 =	vld.idx.msk [tilespmem:v32+s11+$0x0], $0xffff;
	v12 =	vor.u32 v8, v0  }
0x19c: {  	v13 =	vor.u32 v7, v2;
	v37 =	vld.idx.msk [tilespmem:v29+s11+$0x0], $0xffff  }
0x19d: {  	v18 =	vor.u32 v6, v23;
	v1 =	vld.idx.msk [tilespmem:v1+s11+$0x0], $0xffff  }
0x19e: {  	v3 =	vld.idx.msk [tilespmem:v3+s11+$0x0], $0xffff;
	v9 =	vor.u32 v8, v2  }
0x19f: {  	v20 =	vor.u32 v7, v23;
	v10 =	vld.idx.msk [tilespmem:v10+s11+$0x0], $0xffff  }
0x1a0: {  	v22 =	vld.idx.msk [tilespmem:v12+s11+$0x0], $0xffff;
	v12 =	vor.u32 v57, v2  }
0x1a1: {  	v13 =	vld.idx.msk [tilespmem:v13+s11+$0x0], $0xffff;
	v14 =	vor.u32 v8, v11  }
0x1a2: {  	v51 =	vld.idx.msk [tilespmem:v18+s11+$0x0], $0xffff;
	v25 =	vor.u32 v8, v23  }
0x1a3: {  	v19 =	vmul.f32 v15, v15;
	v15 =	vor.u32 v60, v2;
	v16 =	vld.idx.msk [tilespmem:v9+s11+$0x0], $0xffff  }
0x1a4: {  	v53 =	vor.u32 v5, v11;
	v26 =	vor.u32 v55, v0;
	v34 =	vld.idx.msk [tilespmem:v20+s11+$0x0], $0xffff;
	v9 =	vor.u32 v6, v11  }
0x1a5: {  	v35 =	vor.u32 v5, v2;
	v28 =	vor.u32 v60, v23;
	v31 =	vor.u32 v57, v23;
	v12 =	vld.idx.msk [tilespmem:v12+s11+$0x0], $0xffff  }
0x1a6: {  	v39 =	vor.u32 v59, v23;
	v36 =	vor.u32 v7, v11;
	v33 =	vmul.f32 v52, v52;
	v14 =	vld.idx.msk [tilespmem:v14+s11+$0x0], $0xffff  }
0x1a7: {  	v29 =	vimm.f32 $0.0e+00;
	v10 =	vmul.f32 v10, v10;
	v1 =	vmul.f32 v1, v1;
	v54 =	vld.idx.msk [tilespmem:v25+s11+$0x0], $0xffff  }
0x1a8: {  	v0 =	vor.u32 v60, v0;
	v3 =	vmul.f32 v3, v3;
	v58 =	vld.idx.msk [tilespmem:v15+s11+$0x0], $0xffff;
	v21 =	vmul.f32 v16, v16  }
0x1a9: {  	v25 =	vor.u32 v60, v11;
	v24 =	vld.idx.msk [tilespmem:v9+s11+$0x0], $0xffff;
	v16 =	vmul.f32 v27, v27;
	v27 =	vmul.f32 v51, v51  }
0x1aa: {  	v9 =	vimm.f32 $0.0e+00;
	v20 =	vmul.f32 v12, v12;
	v12 =	vor.u32 v55, v2;
	v2 =	vld.idx.msk [tilespmem:v28+s11+$0x0], $0xffff  }
0x1ab: {  	v17 =	vmul.f32 v14, v14;
	v15 =	vadd.f32 v27, v9;
	v28 =	vmul.f32 v13, v13;
	v13 =	vld.idx.msk [tilespmem:v31+s11+$0x0], $0xffff  }
0x1ac: {  	v14 =	vmul.f32 v30, v30;
	v30 =	vld.idx.msk [tilespmem:v26+s11+$0x0], $0xffff;
	v26 =	vimm.f32 $0.0e+00;
	v27 =	vmul.f32 v54, v54  }
0x1ad: {  	v1 =	vadd.f32 v1, v15;
	v31 =	vmul.f32 v22, v22;
	v22 =	vmul.f32 v34, v34  }
0x1ae: {  	v18 =	vmul.f32 v24, v24;
	v24 =	vor.u32 v55, v11;
	v34 =	vor.u32 v59, v11  }
0x1af: {  	v38 =	vld.idx.msk [tilespmem:v0+s11+$0x0], $0xffff;
	v11 =	vadd.f32 v10, v1;
	v1 =	vmul.f32 v56, v56;
	v23 =	vadd.f32 v22, v9  }
0x1b0: {  	v35 =	vld.idx.msk [tilespmem:v35+s11+$0x0], $0xffff;
	v0 =	vadd.f32 v27, v9;
	v22 =	vmul.f32 v4, v4;
	v4 =	vmul.f32 v13, v13  }
0x1b1: {  	v27 =	vld.idx.msk [tilespmem:v36+s11+$0x0], $0xffff;
	v10 =	vmul.f32 v58, v58;
	v58 =	vlaneseq.u32;
	v15 =	vadd.f32 v3, v23  }
0x1b2: {  	s3 =	simm.s32 $0x4;
	v36 =	vld.idx.msk [tilespmem:v53+s11+$0x0], $0xffff;
	v56 =	vmovc v5;
	v32 =	vmul.f32 v2, v2;
	v13 =	vimm.f32 $0.0e+00;
	v23 =	vadd.f32 v4, v9  }
.LBB2_7:
0x1b3: {  	s5 =	sadd.s32 $0x1, s3;
	s12 =	sadd.s32 $0x2, s3;
	s7 =	sadd.s32 $0x3, s3;
	v2 =	vld.idx.msk [tilespmem:v39+s11+$0x0], $0xffff;
	v3 =	vadd.f32 v31, v0;
	v4 =	vadd.f32 v28, v15;
	v28 =	vmul.f32 v37, v37  }
0x1b4: {  	p0 =	slt.u32 s3, $0x3C;
	v31 =	vmul.f32 v38, v38;
	v0 =	vadd.s32 s5, v58;
	v15 =	vadd.s32 s12, v58;
	v12 =	vld.idx.msk [tilespmem:v12+s11+$0x0], $0xffff;
	s5 =	smov.u32 s3;
	s3 =	sadd.s32 $0x4, s3  }
0x1b5: {  	v1 =	vadd.f32 v1, v9;
	v37 =	vand.u32 $0x3F, v0;
	v38 =	vand.u32 $0x3F, v15;
	v9 =	vld.idx.msk [tilespmem:v24+s11+$0x0], $0xffff  }
0x1b6: {  	v15 =	vadd.s32 s7, v58;
	v24 =	vor.u32 v6, v37;
	v0 =	vor.u32 v55, v37;
	v25 =	vld.idx.msk [tilespmem:v25+s11+$0x0], $0xffff  }
0x1b7: {  	v39 =	vor.u32 v7, v37;
	v40 =	vor.u32 v60, v37;
	v15 =	vand.u32 $0x3F, v15;
	v34 =	vld.idx.msk [tilespmem:v34+s11+$0x0], $0xffff  }
0x1b8: {  	v29 =	vadd.f32 v32, v29;
	v41 =	vor.u32 v59, v37;
	v42 =	vor.u32 v59, v38  }
0x1b9: {  	v30 =	vmul.f32 v30, v30;
	v32 =	vor.u32 v8, v38;
	v1 =	vadd.f32 v14, v1  }
0x1ba: {  	v26 =	vadd.f32 v33, v26;
	v14 =	vor.u32 v6, v38;
	v33 =	vmul.f32 v35, v35  }
0x1bb: {  	v36 =	vmul.f32 v36, v36;
	v2 =	vmul.f32 v2, v2;
	v35 =	vld.idx.msk [tilespmem:v24+s11+$0x0], $0xffff;
	v24 =	vor.u32 v8, v37  }
0x1bc: {  	v27 =	vmul.f32 v27, v27;
	v44 =	vmul.f32 v9, v9;
	v43 =	vld.idx.msk [tilespmem:v39+s11+$0x0], $0xffff;
	v39 =	vor.u32 v7, v38  }
0x1bd: {  	v45 =	vor.u32 v8, v15;
	v1 =	vadd.f32 v33, v1;
	v12 =	vmul.f32 v12, v12;
	v41 =	vld.idx.msk [tilespmem:v41+s11+$0x0], $0xffff  }
0x1be: {  	v26 =	vadd.f32 v30, v26;
	v4 =	vadd.f32 v27, v4;
	v33 =	vor.u32 v57, v37;
	v32 =	vld.idx.msk [tilespmem:v32+s11+$0x0], $0xffff  }
0x1bf: {  	v2 =	vadd.f32 v2, v13;
	v9 =	vadd.f32 v36, v1;
	v27 =	vld.idx.msk [tilespmem:v14+s11+$0x0], $0xffff;
	v14 =	vor.u32 v6, v15  }
0x1c0: {  	v13 =	vor.u32 v57, v38;
	v30 =	vmul.f32 v34, v34;
	v1 =	vld.idx.msk [tilespmem:v24+s11+$0x0], $0xffff;
	v24 =	vor.u32 v57, v15  }
0x1c1: {  	v36 =	vor.u32 v56, v37;
	v34 =	vadd.s32 s5, v58;
	v37 =	vld.idx.msk [tilespmem:v39+s11+$0x0], $0xffff;
	v39 =	vmul.f32 v25, v25  }
0x1c2: {  	v3 =	vadd.f32 v21, v3;
	v46 =	vor.u32 v56, v38;
	v34 =	vand.u32 $0x3F, v34;
	v25 =	vld.idx.msk [tilespmem:v45+s11+$0x0], $0xffff  }
0x1c3: {  	v19 =	vadd.f32 v19, v23;
	v21 =	vor.u32 v6, v34;
	v45 =	vor.u32 v7, v34;
	v33 =	vld.idx.msk [tilespmem:v33+s11+$0x0], $0xffff  }
0x1c4: {  	v3 =	vadd.f32 v17, v3;
	v23 =	vor.u32 v8, v34;
	v47 =	vor.u32 v55, v34;
	v14 =	vld.idx.msk [tilespmem:v14+s11+$0x0], $0xffff  }
0x1c5: {  	v20 =	vadd.f32 v20, v19;
	v48 =	vor.u32 v56, v34;
	v49 =	vor.u32 v57, v34;
	v13 =	vld.idx.msk [tilespmem:v13+s11+$0x0], $0xffff  }
0x1c6: {  	v50 =	vor.u32 v7, v15;
	v51 =	vor.u32 v56, v15;
	v26 =	vadd.f32 v12, v26;
	v52 =	vld.idx.msk [tilespmem:v24+s11+$0x0], $0xffff  }
0x1c7: {  	v12 =	vor.u32 v55, v38;
	v2 =	vadd.f32 v22, v2;
	v53 =	vor.u32 v60, v34;
	v36 =	vld.idx.msk [tilespmem:v36+s11+$0x0], $0xffff  }
0x1c8: {  	v11 =	vadd.f32 v18, v11;
	v29 =	vadd.f32 v31, v29;
	v24 =	vor.u32 v55, v15;
	v22 =	vld.idx.msk [tilespmem:v21+s11+$0x0], $0xffff  }
0x1c9: {  	v2 =	vadd.f32 v28, v2;
	v19 =	vmul.f32 v33, v33;
	v33 =	vor.u32 v60, v38;
	v45 =	vld.idx.msk [tilespmem:v45+s11+$0x0], $0xffff  }
0x1ca: {  	v54 =	vadd.f32 v16, v20;
	v17 =	vmul.f32 v25, v25;
	v25 =	vor.u32 v60, v15;
	v47 =	vld.idx.msk [tilespmem:v47+s11+$0x0], $0xffff  }
0x1cb: {  	v26 =	vadd.f32 v44, v26;
	v21 =	vmul.f32 v32, v32;
	v18 =	vmul.f32 v14, v14;
	v23 =	vld.idx.msk [tilespmem:v23+s11+$0x0], $0xffff  }
0x1cc: {  	v10 =	vadd.f32 v10, v29;
	v20 =	vmul.f32 v13, v13;
	v16 =	vmul.f32 v52, v52;
	v32 =	vld.idx.msk [tilespmem:v53+s11+$0x0], $0xffff  }
0x1cd: {  	v28 =	vmul.f32 v37, v37;
	v13 =	vadd.f32 v30, v2;
	v14 =	vmul.f32 v36, v36;
	v44 =	vld.idx.msk [tilespmem:v49+s11+$0x0], $0xffff  }
0x1ce: {  	v29 =	vadd.f32 v39, v10;
	v31 =	vmul.f32 v1, v1;
	v2 =	vmul.f32 v22, v22;
	v36 =	vld.idx.msk [tilespmem:v48+s11+$0x0], $0xffff  }
0x1cf: {  	v10 =	vmul.f32 v27, v27;
	v1 =	vmul.f32 v45, v45;
	v45 =	vld.idx.msk [tilespmem:v33+s11+$0x0], $0xffff  }
0x1d0: {  	v39 =	vor.u32 v59, v34;
	v2 =	vadd.f32 v2, v11;
	v11 =	vmul.f32 v35, v35;
	v37 =	vld.idx.msk [tilespmem:v42+s11+$0x0], $0xffff  }
.Ltmp4:
0x1d1: {  	v1 =	vadd.f32 v1, v4;
	v4 =	vmul.f32 v23, v23;
	v23 =	vmul.f32 v43, v43;
	v38 =	vld.idx.msk [tilespmem:v40+s11+$0x0], $0xffff;
	(pc) =	sbr.rel @p0 .LBB2_7-.Ltmp4, $4  }
0x1d2: {  	v34 =	vor.u32 v59, v15;
	v22 =	vmul.f32 v41, v41;
	v2 =	vadd.f32 v11, v2;
	v30 =	vld.idx.msk [tilespmem:v0+s11+$0x0], $0xffff  }
0x1d3: {  	v32 =	vmul.f32 v32, v32;
	v0 =	vadd.f32 v4, v3;
	v3 =	vmul.f32 v44, v44;
	v27 =	vld.idx.msk [tilespmem:v50+s11+$0x0], $0xffff  }
0x1d4: {  	v33 =	vmul.f32 v47, v47;
	v15 =	vadd.f32 v23, v1;
	v11 =	vadd.f32 v10, v2;
	v35 =	vld.idx.msk [tilespmem:v46+s11+$0x0], $0xffff  }
0x1d5: {  	v1 =	vmul.f32 v36, v36;
	v23 =	vadd.f32 v3, v54;
	v10 =	vmul.f32 v45, v45;
	v36 =	vld.idx.msk [tilespmem:v51+s11+$0x0], $0xffff  }
0x1d6: {  	_ =	sdelay $0x2  }
0x1d7: {  	v0 =	vadd.f32 v31, v0  }
0x1d8: {  	v2 =	vld.idx.msk [tilespmem:v39+s11+$0x0], $0xffff;
	v4 =	vadd.f32 v28, v15;
	v15 =	vmul.f32 v38, v38;
	v29 =	vadd.f32 v32, v29  }
0x1d9: {  	v3 =	vld.idx.msk [tilespmem:v24+s11+$0x0], $0xffff;
	v11 =	vadd.f32 v18, v11;
	v1 =	vadd.f32 v1, v9;
	v9 =	vmul.f32 v37, v37  }
0x1da: {  	v12 =	vld.idx.msk [tilespmem:v12+s11+$0x0], $0xffff;
	v28 =	vmul.f32 v30, v30;
	v19 =	vadd.f32 v19, v23;
	v27 =	vmul.f32 v27, v27  }
0x1db: {  	v24 =	vld.idx.msk [tilespmem:v34+s11+$0x0], $0xffff;
	v18 =	vshra.s32 v11, $0x1;
	v0 =	vadd.f32 v21, v0;
	v15 =	vadd.f32 v15, v29  }
0x1dc: {  	v1 =	vadd.f32 v14, v1;
	v14 =	vld.idx.msk [tilespmem:v25+s11+$0x0], $0xffff;
	v25 =	vadd.f32 v33, v26;
	v26 =	vmul.f32 v35, v35  }
0x1dd: {  	v18 =	vsub.s32 $0x5F3759DF, v18;
	v30 =	vmul.f32 v36, v36;
	v4 =	vadd.f32 v27, v4  }
0x1de: {  	v0 =	vadd.f32 v17, v0;
	v17 =	vadd.f32 v20, v19;
	v2 =	vmul.f32 v2, v2  }
0x1df: {  	v3 =	vmul.f32 v3, v3;
	v25 =	vadd.f32 v28, v25;
	v12 =	vmul.f32 v12, v12  }
0x1e0: {  	v2 =	vadd.f32 v2, v13;
	v13 =	vmul.f32 v24, v24;
	v24 =	vmul.f32 $5.000000000e-01, v11  }
0x1e1: {  	v1 =	vadd.f32 v26, v1;
	v23 =	vshra.s32 v4, $0x1;
	v26 =	vmul.f32 $5.000000000e-01, v4  }
0x1e2: {  	v19 =	vsub.s32 $0x5F3759DF, v23;
	v12 =	vadd.f32 v12, v25;
	v21 =	vmul.f32 v18, v24  }
0x1e3: {  	v23 =	vmul.f32 $5.000000000e-01, v0;
	v2 =	vadd.f32 v22, v2;
	v22 =	vshra.s32 v0, $0x1  }
0x1e4: {  	v22 =	vsub.s32 $0x5F3759DF, v22;
	v20 =	vmul.f32 v18, v21;
	v21 =	vmul.f32 v19, v26  }
0x1e5: {  	v10 =	vadd.f32 v10, v15;
	v3 =	vadd.f32 v3, v12;
	v12 =	vmul.f32 v22, v23  }
0x1e6: {  	v16 =	vadd.f32 v16, v17;
	v20 =	vsub.f32 $1.500000000e+00, v20;
	v21 =	vmul.f32 v19, v21  }
0x1e7: {  	v1 =	vadd.f32 v30, v1;
	v14 =	vmul.f32 v14, v14;
	v12 =	vmul.f32 v22, v12  }
0x1e8: {  	v2 =	vadd.f32 v9, v2;
	v9 =	vmul.f32 v18, v20;
	v18 =	vsub.f32 $1.500000000e+00, v21  }
0x1e9: {  	v20 =	vshra.s32 v3, $0x1;
	v21 =	vmul.f32 $5.000000000e-01, v3;
	v12 =	vsub.f32 $1.500000000e+00, v12  }
0x1ea: {  	v24 =	vmul.f32 v9, v24;
	v18 =	vmul.f32 v19, v18;
	v19 =	vsub.s32 $0x5F3759DF, v20  }
0x1eb: {  	v35 =	vadd.f32 v13, v2;
	v2 =	vmul.f32 v22, v12;
	v17 =	vmul.f32 v19, v21  }
0x1ec: {  	v10 =	vadd.f32 v14, v10;
	v15 =	vmul.f32 v24, v9;
	v20 =	vmul.f32 v18, v26  }
0x1ed: {  	v22 =	vmul.f32 v2, v23;
	v12 =	vmul.f32 v19, v17;
	v17 =	vshra.s32 v1, $0x1  }
0x1ee: {  	v13 =	vmul.f32 v20, v18;
	v20 =	vmul.f32 $5.000000000e-01, v1;
	v17 =	vsub.s32 $0x5F3759DF, v17  }
0x1ef: {  	v14 =	vsub.f32 $1.500000000e+00, v15;
	v22 =	vmul.f32 v22, v2;
	v12 =	vsub.f32 $1.500000000e+00, v12  }
0x1f0: {  	vm0 =	vgt.f32 v11, $1.000000000e+00;
	v15 =	vmul.f32 v17, v20;
	v13 =	vsub.f32 $1.500000000e+00, v13  }
0x1f1: {  	v9 =	vmul.f32 v14, v9;
	v14 =	vsub.f32 $1.500000000e+00, v22;
	v12 =	vmul.f32 v19, v12  }
0x1f2: {  	vm9 =	vgt.f32 v4, $1.000000000e+00;
	v11 =	vmul.f32 v17, v15;
	v13 =	vmul.f32 v13, v18  }
0x1f3: {  	v43 =	vnsel vm0, $0x3F800000, v9;
	v2 =	vmul.f32 v14, v2;
	v15 =	vmul.f32 v12, v21  }
0x1f4: {  	v14 =	vshra.s32 v10, $0x1;
	v54 =	vsub.f32 $1.500000000e+00, v11;
	v29 =	vnsel vm9, $0x3F800000, v13  }
0x1f5: {  	v11 =	vshra.s32 v16, $0x1;
	v13 =	vmul.f32 $5.000000000e-01, v16;
	v9 =	vmul.f32 v15, v12  }
0x1f6: {  	v14 =	vsub.s32 $0x5F3759DF, v14;
	v11 =	vsub.s32 $0x5F3759DF, v11;
	v15 =	vmul.f32 $5.000000000e-01, v10  }
0x1f7: {  	v4 =	vmul.f32 v17, v54;
	v17 =	vmul.f32 v11, v13;
	v9 =	vsub.f32 $1.500000000e+00, v9  }
0x1f8: {  	vm10 =	vgt.f32 v0, $1.000000000e+00;
	v18 =	vmul.f32 v14, v15  }
0x1f9: {  	v34 =	vnsel vm10, $0x3F800000, v2;
	v2 =	vmul.f32 v9, v12;
	v9 =	vmul.f32 v11, v17  }
0x1fa: {  	vm11 =	vgt.f32 v3, $1.000000000e+00;
	v3 =	vmul.f32 v14, v18  }
0x1fb: {  	v12 =	vshra.s32 v35, $0x1;
	v17 =	vmul.f32 $5.000000000e-01, v35;
	v9 =	vsub.f32 $1.500000000e+00, v9  }
0x1fc: {  	s3 =	simm.s32 $0x1;
	v12 =	vsub.s32 $0x5F3759DF, v12;
	v3 =	vsub.f32 $1.500000000e+00, v3  }
0x1fd: {  	s5 =	simm.s32 $0x2;
	v19 =	vadd.s32 s3, v58;
	v18 =	vmul.f32 v12, v17;
	v11 =	vmul.f32 v11, v9  }
0x1fe: {  	v3 =	vmul.f32 v14, v3;
	v14 =	vadd.s32 s5, v58;
	v9 =	vand.u32 $0x3F, v19  }
0x1ff: {  	v0 =	vmul.f32 v4, v20;
	v45 =	vand.u32 $0x3F, v14;
	v20 =	vor.u32 v6, v9  }
0x200: {  	v18 =	vmul.f32 v12, v18;
	v21 =	vor.u32 v6, v45  }
0x201: {  	v0 =	vmul.f32 v0, v4;
	v13 =	vmul.f32 v11, v13  }
0x202: {  	s12 =	simm.s32 $0x3;
	vm12 =	vgt.f32 v1, $1.000000000e+00;
	v40 =	vnsel vm11, $0x3F800000, v2;
	v2 =	vsub.f32 $1.500000000e+00, v18  }
0x203: {  	v0 =	vsub.f32 $1.500000000e+00, v0;
	v18 =	vadd.s32 s12, v58;
	v1 =	vmul.f32 v13, v11  }
0x204: {  	v2 =	vmul.f32 v12, v2;
	v13 =	vshll.u32 v19, $0x7;
	v12 =	vand.u32 $0x3F, v18;
	v19 =	vld.idx.msk [tilespmem:v20+s11+$0x0], $0xffff  }
0x205: {  	v14 =	vshll.u32 v14, $0x7;
	v13 =	vand.u32 $0x1F80, v13;
	v20 =	vor.u32 v6, v12;
	v21 =	vld.idx.msk [tilespmem:v21+s11+$0x0], $0xffff  }
0x206: {  	v0 =	vmul.f32 v0, v4;
	v5 =	vand.u32 $0x1F80, v14;
	v22 =	vor.u32 v58, v13  }
0x207: {  	v15 =	vmul.f32 v3, v15;
	v27 =	vor.u32 v58, v5  }
0x208: {  	s8 =	simm.s32 $0x0;
	v26 =	vnsel vm12, $0x3F800000, v0;
	v0 =	vsub.f32 $1.500000000e+00, v1  }
0x209: {  	v32 =	vmul.f32 v15, v3;
	v15 =	vadd.s32 s8, v58;
	v19 =	vmul.f32 v19, v43  }
0x20a: {  	v11 =	vmul.f32 v0, v11;
	v0 =	vshll.u32 v18, $0x7;
	v18 =	vld.idx.msk [tilespmem:v20+s11+$0x0], $0xffff;
	v20 =	vmul.f32 v21, v43  }
0x20b: {  	v23 =	vor.u32 v7, v9;
	v28 =	vand.u32 $0x3F, v15;
	[tilespmem:v22+s20+$0x0] =	vst.idx.msk $0xffff, v19  }
0x20c: {  	v14 =	vor.u32 v6, v28;
	v17 =	vmul.f32 v2, v17;
	[tilespmem:v27+s20+$0x0] =	vst.idx.msk $0xffff, v20  }
0x20d: {  	v1 =	vor.u32 v7, v45;
	v24 =	vld [tilespmem:$0x1FF50]  }
0x20e: {  	v17 =	vmul.f32 v17, v2;
	v25 =	vld [tilespmem:$0x1FF30]  }
0x20f: {  	vm13 =	vgt.f32 v16, $1.000000000e+00;
	v15 =	vshll.u32 v15, $0x7;
	v36 =	vand.u32 $0x1F80, v0  }
0x210: {  	v50 =	vand.u32 $0x1F80, v15;
	v33 =	vsub.f32 $1.500000000e+00, v17;
	v16 =	vor.u32 v58, v36;
	v17 =	vld.idx.msk [tilespmem:v23+s11+$0x0], $0xffff  }
0x211: {  	v41 =	vor.u32 v62, v50;
	v14 =	vld.idx.msk [tilespmem:v14+s11+$0x0], $0xffff  }
0x212: {  	v20 =	vor.u32 v59, v45;
	v1 =	vld.idx.msk [tilespmem:v1+s11+$0x0], $0xffff;
	[tilespmem:$0x1FCD0] =	vst v41;
	v44 =	vor.u32 v24, v13  }
0x213: {  	[tilespmem:$0x1FCF0] =	vst v20;
	v15 =	vmul.f32 v18, v43;
	v42 =	vor.u32 v25, v13  }
0x214: {  	[tilespmem:$0x1FCE0] =	vst v42  }
0x215: {  	[tilespmem:v16+s20+$0x0] =	vst.idx.msk $0xffff, v15;
	v15 =	vmul.f32 v17, v29;
	v16 =	vor.u32 v62, v36  }
0x216: {  	[tilespmem:$0x1FD00] =	vst v16  }
0x217: {  	[tilespmem:v44+s20+$0x0] =	vst.idx.msk $0xffff, v15  }
0x218: {  	v37 =	vld [tilespmem:$0x1FF70]  }
0x219: {  	v0 =	vmul.f32 v33, v2;
	v2 =	vor.u32 v7, v12  }
0x21a: {  	v19 =	vor.u32 v24, v5  }
0x21b: {  	v21 =	vor.u32 v8, v45;
	v20 =	vor.u32 v58, v50  }
0x21c: {  	v18 =	vor.u32 v8, v9  }
0x21d: {  	v4 =	vsub.f32 $1.500000000e+00, v32;
	v1 =	vmul.f32 v1, v29;
	v46 =	vor.u32 v37, v5  }
0x21e: {  	v41 =	vnsel vm13, $0x3F800000, v11;
	v11 =	vor.u32 v7, v28;
	v14 =	vmul.f32 v14, v43;
	v2 =	vld.idx.msk [tilespmem:v2+s11+$0x0], $0xffff;
	[tilespmem:$0x1FD10] =	vst v46  }
0x21f: {  	vm14 =	vgt.f32 v10, $1.000000000e+00;
	v3 =	vmul.f32 v4, v3;
	v23 =	vld [tilespmem:$0x1FEF0];
	[tilespmem:v19+s20+$0x0] =	vst.idx.msk $0xffff, v1  }
0x220: {  	v49 =	vor.u32 v56, v12;
	v10 =	vor.u32 v24, v36;
	[tilespmem:v20+s20+$0x0] =	vst.idx.msk $0xffff, v14;
	v14 =	vld.idx.msk [tilespmem:v21+s11+$0x0], $0xffff  }
0x221: {  	s7 =	simm.s32 $0x6;
	v4 =	vor.u32 v61, v13;
	v3 =	vnsel vm14, $0x3F800000, v3;
	v15 =	vld.idx.msk [tilespmem:v18+s11+$0x0], $0xffff;
	v18 =	vor.u32 v56, v45  }
0x222: {  	v22 =	vor.u32 v57, v12;
	v27 =	vadd.s32 s7, v58;
	v16 =	vor.u32 v8, v12;
	[tilespmem:$0x1FD20] =	vst v18  }
0x223: {  	v52 =	vor.u32 v61, v36;
	v39 =	vand.u32 $0x3F, v27;
	v2 =	vmul.f32 v2, v29;
	v11 =	vld.idx.msk [tilespmem:v11+s11+$0x0], $0xffff;
	[tilespmem:$0x1FD30] =	vst v22  }
0x224: {  	s12 =	simm.s32 $0x7;
	v48 =	vor.u32 v59, v39;
	v20 =	vor.u32 v55, v9;
	v18 =	vor.u32 v23, v13;
	[tilespmem:$0x1FD40] =	vst v3  }
0x225: {  	v42 =	vadd.s32 s12, v58;
	[tilespmem:v10+s20+$0x0] =	vst.idx.msk $0xffff, v2;
	v10 =	vmul.f32 v14, v34;
	v14 =	vor.u32 v61, v5  }
0x226: {  	v17 =	vor.u32 v56, v9;
	v44 =	vor.u32 v62, v13;
	v19 =	vor.u32 v24, v50;
	[tilespmem:$0x1FD50] =	vst v14  }
0x227: {  	v47 =	vor.u32 v23, v36;
	v22 =	vor.u32 v23, v5;
	v15 =	vmul.f32 v15, v34;
	v14 =	vld.idx.msk [tilespmem:v16+s11+$0x0], $0xffff  }
0x228: {  	v38 =	vor.u32 v37, v13;
	v1 =	vor.u32 v55, v12;
	v21 =	vor.u32 v8, v28;
	[tilespmem:$0x1FD60] =	vst v29  }
0x229: {  	v32 =	vand.u32 $0x3F, v42;
	v13 =	vor.u32 v63, v13;
	v11 =	vmul.f32 v11, v29;
	[tilespmem:v18+s20+$0x0] =	vst.idx.msk $0xffff, v15  }
0x22a: {  	s5 =	simm.s32 $0x5;
	s8 =	simm.s32 $0x4;
	v3 =	vor.u32 v55, v28;
	v2 =	vor.u32 v55, v45;
	v16 =	vor.u32 v23, v50;
	v20 =	vld.idx.msk [tilespmem:v20+s11+$0x0], $0xffff  }
0x22b: {  	v29 =	vadd.s32 s8, v58;
	v18 =	vor.u32 v37, v36;
	v15 =	vadd.s32 s5, v58;
	[tilespmem:v19+s20+$0x0] =	vst.idx.msk $0xffff, v11  }
0x22c: {  	v19 =	vor.u32 v6, v39;
	[tilespmem:v22+s20+$0x0] =	vst.idx.msk $0xffff, v10;
	v10 =	vshll.u32 v15, $0x7;
	v14 =	vmul.f32 v14, v34  }
0x22d: {  	v31 =	vand.u32 $0x3F, v15;
	v15 =	vshll.u32 v27, $0x7;
	v27 =	vand.u32 $0x1F80, v10  }
0x22e: {  	v30 =	vand.u32 $0x3F, v29;
	v21 =	vld.idx.msk [tilespmem:v21+s11+$0x0], $0xffff;
	v10 =	vshll.u32 v29, $0x7;
	v55 =	vor.u32 v25, v27;
	[tilespmem:v47+s20+$0x0] =	vst.idx.msk $0xffff, v14  }
0x22f: {  	v22 =	vor.u32 v6, v32;
	v33 =	vand.u32 $0x1F80, v10;
	v10 =	vmul.f32 v20, v40;
	v1 =	vld.idx.msk [tilespmem:v1+s11+$0x0], $0xffff;
	[tilespmem:$0x1FD70] =	vst v55  }
0x230: {  	v11 =	vor.u32 v6, v31;
	v29 =	vand.u32 $0x1F80, v15;
	v15 =	vshll.u32 v42, $0x7;
	[tilespmem:$0x1FD80] =	vst v34  }
0x231: {  	v54 =	vor.u32 v58, v27;
	v42 =	vand.u32 $0x1F80, v15;
	v15 =	vor.u32 v7, v32;
	[tilespmem:v38+s20+$0x0] =	vst.idx.msk $0xffff, v10  }
0x232: {  	v46 =	vor.u32 v62, v33;
	v51 =	vor.u32 v58, v42;
	v14 =	vor.u32 v6, v30;
	v17 =	vld.idx.msk [tilespmem:v17+s11+$0x0], $0xffff  }
0x233: {  	v53 =	vor.u32 v62, v42;
	v20 =	vmul.f32 v21, v34;
	v21 =	vor.u32 v37, v50;
	[tilespmem:$0x1FD90] =	vst v44  }
0x234: {  	v37 =	vmov v60;
	v60 =	vor.u32 v7, v39;
	v6 =	vor.u32 v7, v31;
	v19 =	vld.idx.msk [tilespmem:v19+s11+$0x0], $0xffff  }
0x235: {  	v34 =	vmov v59;
	v44 =	vor.u32 v57, v9;
	v22 =	vld.idx.msk [tilespmem:v22+s11+$0x0], $0xffff;
	v1 =	vmul.f32 v1, v40  }
0x236: {  	v59 =	vor.u32 v56, v28;
	v55 =	vor.u32 v58, v29;
	v11 =	vld.idx.msk [tilespmem:v11+s11+$0x0], $0xffff;
	[tilespmem:v16+s20+$0x0] =	vst.idx.msk $0xffff, v20  }
0x237: {  	v56 =	vor.u32 v62, v5;
	v14 =	vld.idx.msk [tilespmem:v14+s11+$0x0], $0xffff;
	[tilespmem:v18+s20+$0x0] =	vst.idx.msk $0xffff, v1;
	v1 =	vmul.f32 v17, v26  }
0x238: {  	v62 =	vor.u32 v57, v28;
	v10 =	vor.u32 v58, v33;
	v47 =	vor.u32 v34, v12;
	v3 =	vld.idx.msk [tilespmem:v3+s11+$0x0], $0xffff  }
0x239: {  	vm15 =	vgt.f32 v35, $1.000000000e+00;
	v35 =	vor.u32 v34, v28;
	v57 =	vor.u32 v34, v9;
	[tilespmem:v4+s20+$0x0] =	vst.idx.msk $0xffff, v1  }
0x23a: {  	v0 =	vnsel vm15, $0x3F800000, v0;
	v20 =	vor.u32 v7, v30;
	v1 =	vmul.f32 v22, v43;
	v4 =	vld.idx.msk [tilespmem:v44+s11+$0x0], $0xffff;
	[tilespmem:$0x1FDA0] =	vst v43  }
0x23b: {  	v18 =	vor.u32 v37, v9;
	v17 =	vmul.f32 v19, v43;
	v19 =	vmul.f32 v11, v43;
	[tilespmem:$0x1FDB0] =	vst v0  }
0x23c: {  	v11 =	vor.u32 v61, v50;
	v16 =	vmul.f32 v14, v43;
	[tilespmem:v51+s20+$0x0] =	vst.idx.msk $0xffff, v1  }
0x23d: {  	v14 =	vor.u32 v24, v42;
	v3 =	vmul.f32 v3, v40;
	[tilespmem:v55+s20+$0x0] =	vst.idx.msk $0xffff, v17  }
0x23e: {  	v22 =	vor.u32 v24, v29;
	v0 =	vor.u32 v8, v32;
	v1 =	vld.idx.msk [tilespmem:v49+s11+$0x0], $0xffff;
	[tilespmem:v54+s20+$0x0] =	vst.idx.msk $0xffff, v19  }
0x23f: {  	v51 =	vor.u32 v37, v45;
	v49 =	vor.u32 v37, v12;
	v2 =	vld.idx.msk [tilespmem:v2+s11+$0x0], $0xffff;
	[tilespmem:$0x1FDC0] =	vst v41  }
0x240: {  	v37 =	vmovc v45;
	v55 =	vor.u32 v63, v36;
	v45 =	vmov v63;
	v63 =	vld.idx.msk [tilespmem:v6+s11+$0x0], $0xffff;
	v4 =	vmul.f32 v4, v41  }
0x241: {  	v12 =	vor.u32 v24, v27;
	v19 =	vor.u32 v8, v31;
	[tilespmem:v21+s20+$0x0] =	vst.idx.msk $0xffff, v3;
	v21 =	vld.idx.msk [tilespmem:v60+s11+$0x0], $0xffff  }
0x242: {  	v54 =	vor.u32 v25, v50;
	v9 =	vor.u32 v45, v50;
	v17 =	vld.idx.msk [tilespmem:v59+s11+$0x0], $0xffff;
	[tilespmem:v13+s20+$0x0] =	vst.idx.msk $0xffff, v4  }
0x243: {  	v59 =	vor.u32 v45, v5;
	v60 =	vmul.f32 v1, v26;
	v1 =	vor.u32 v8, v39;
	[tilespmem:$0x1FDD0] =	vst v26  }
0x244: {  	s12 =	simm.s32 $0x8;
	v13 =	vmul.f32 v2, v40;
	v26 =	vor.u32 v25, v5;
	v18 =	vld.idx.msk [tilespmem:v18+s11+$0x0], $0xffff;
	[tilespmem:$0x1FDE0] =	vst v40  }
.LBB2_9:
0x245: {  	v6 =	vld [tilespmem:$0x1FD60]  }
0x246: {  	v8 =	vmov v47;
	v47 =	vld [tilespmem:$0x1FF70]  }
0x247: {  	v4 =	vld [tilespmem:$0x1FCD0]  }
0x248: {  	v45 =	vld [tilespmem:$0x1FD00]  }
0x249: {  	v50 =	vld [tilespmem:$0x1FD10]  }
0x24a: {  	[tilespmem:v52+s20+$0x0] =	vst.idx.msk $0xffff, v60;
	v52 =	vld [tilespmem:$0x1FD20]  }
0x24b: {  	v41 =	vld [tilespmem:$0x1FFD0]  }
0x24c: {  	v61 =	vld [tilespmem:$0x1FCE0]  }
0x24d: {  	v40 =	vld [tilespmem:$0x1FFB0]  }
0x24e: {  	v5 =	vmov v53;
	[tilespmem:v10+s20+$0x0] =	vst.idx.msk $0xffff, v16;
	v15 =	vld.idx.msk [tilespmem:v15+s11+$0x0], $0xffff  }
0x24f: {  	[tilespmem:$0x1FD00] =	vst v5;
	v5 =	vld [tilespmem:$0x1FFC0]  }
0x250: {  	v44 =	vmov v48;
	v16 =	vld.idx.msk [tilespmem:v20+s11+$0x0], $0xffff  }
0x251: {  	[tilespmem:$0x1FC90] =	vst v44;
	v44 =	vld [tilespmem:$0x1FFF0]  }
0x252: {  	v2 =	vmul.f32 v63, v6;
	v38 =	vmov v4;
	v63 =	vmov v26;
	v26 =	vld [tilespmem:$0x1FDD0]  }
0x253: {  	v7 =	vmov v45;
	v45 =	vld [tilespmem:$0x1FDC0];
	[tilespmem:$0x1FCA0] =	vst v38  }
0x254: {  	v38 =	vld [tilespmem:$0x1FFA0];
	[tilespmem:v12+s20+$0x0] =	vst.idx.msk $0xffff, v2  }
0x255: {  	v19 =	vld.idx.msk [tilespmem:v19+s11+$0x0], $0xffff  }
0x256: {  	v48 =	vmul.f32 v21, v6;
	[tilespmem:v50+s20+$0x0] =	vst.idx.msk $0xffff, v13;
	v50 =	vmov v35;
	v35 =	vld [tilespmem:$0x1FD40]  }
0x257: {  	v34 =	vmov v46;
	v13 =	vld.idx.msk [tilespmem:v52+s11+$0x0], $0xffff  }
0x258: {  	v46 =	vmov v56;
	[tilespmem:v22+s20+$0x0] =	vst.idx.msk $0xffff, v48;
	v48 =	vor.u32 v41, v37;
	v37 =	vld [tilespmem:$0x1FD80];
	v10 =	vmul.f32 v17, v26  }
0x259: {  	[tilespmem:$0x1FCB0] =	vst v46;
	v3 =	vor.u32 v47, v29;
	v4 =	vor.u32 v23, v27;
	v20 =	vor.u32 v5, v31;
	v52 =	vld [tilespmem:$0x1FE80]  }
0x25a: {  	v60 =	vmov v3;
	v3 =	vor.u32 v23, v29;
	v1 =	vld.idx.msk [tilespmem:v1+s11+$0x0], $0xffff;
	[tilespmem:v11+s20+$0x0] =	vst.idx.msk $0xffff, v10  }
0x25b: {  	v22 =	vor.u32 v44, v30;
	v17 =	vor.u32 v24, v33;
	v10 =	vmul.f32 v15, v6;
	v11 =	vld.idx.msk [tilespmem:v62+s11+$0x0], $0xffff  }
0x25c: {  	[tilespmem:$0x1FD10] =	vst v60;
	v56 =	vor.u32 v38, v39;
	v18 =	vmul.f32 v18, v35;
	v62 =	vld [tilespmem:$0x1FD70];
	v46 =	vmul.f32 v13, v26  }
0x25d: {  	v60 =	vmov v39;
	v13 =	vmul.f32 v19, v37;
	v19 =	vor.u32 v5, v39;
	[tilespmem:v14+s20+$0x0] =	vst.idx.msk $0xffff, v10;
	v39 =	vld [tilespmem:$0x1FD50]  }
0x25e: {  	v10 =	vmul.f32 v16, v6;
	[tilespmem:v61+s20+$0x0] =	vst.idx.msk $0xffff, v18;
	v0 =	vld.idx.msk [tilespmem:v0+s11+$0x0], $0xffff  }
0x25f: {  	v1 =	vmul.f32 v1, v37;
	v18 =	vld.idx.msk [tilespmem:v57+s11+$0x0], $0xffff;
	[tilespmem:v4+s20+$0x0] =	vst.idx.msk $0xffff, v13  }
0x260: {  	v61 =	vld [tilespmem:$0x1FDB0];
	[tilespmem:v17+s20+$0x0] =	vst.idx.msk $0xffff, v10  }
0x261: {  	v16 =	vld.idx.msk [tilespmem:v20+s11+$0x0], $0xffff;
	[tilespmem:v3+s20+$0x0] =	vst.idx.msk $0xffff, v1;
	v1 =	vmul.f32 v11, v45  }
0x262: {  	s3 =	smov.u32 s12;
	v22 =	vld.idx.msk [tilespmem:v22+s11+$0x0], $0xffff  }
0x263: {  	v53 =	vor.u32 v25, v36;
	s5 =	sadd.s32 $0x1, s3;
	[tilespmem:v9+s20+$0x0] =	vst.idx.msk $0xffff, v1;
	v1 =	vld [tilespmem:$0x1FD30]  }
0x264: {  	[tilespmem:$0x1FCD0] =	vst v34;
	v43 =	vadd.s32 s3, v58;
	v21 =	vor.u32 v23, v42;
	v34 =	vmovc v62;
	v11 =	vadd.s32 s5, v58;
	v62 =	vld [tilespmem:$0x1FD90]  }
0x265: {  	[tilespmem:$0x1FC80] =	vst v53;
	v14 =	vor.u32 v23, v33;
	v13 =	vld.idx.msk [tilespmem:v19+s11+$0x0], $0xffff;
	v23 =	vand.u32 $0x3F, v11;
	v11 =	vshll.u32 v11, $0x7  }
0x266: {  	[tilespmem:$0x1FD20] =	vst v56;
	v19 =	vand.u32 $0x3F, v43;
	v9 =	vand.u32 $0x1F80, v11;
	v11 =	vshll.u32 v43, $0x7;
	v43 =	vld [tilespmem:$0x1FDE0]  }
0x267: {  	v2 =	vor.u32 v5, v32;
	v53 =	vor.u32 v38, v31;
	v15 =	vor.u32 v47, v27;
	[tilespmem:$0x1FCE0] =	vst v34;
	v34 =	vld [tilespmem:$0x1FF80]  }
0x268: {  	v56 =	vor.u32 v52, v29;
	v57 =	vor.u32 v5, v30;
	[tilespmem:v39+s20+$0x0] =	vst.idx.msk $0xffff, v46  }
0x269: {  	s7 =	sadd.s32 $0x2, s3;
	[tilespmem:$0x1FCC0] =	vst v7;
	v3 =	vor.u32 v40, v28;
	v0 =	vmul.f32 v0, v37;
	v10 =	vld.idx.msk [tilespmem:v48+s11+$0x0], $0xffff;
	v48 =	vmov v56  }
0x26a: {  	s3 =	sadd.s32 $0x3, s3;
	v28 =	vadd.s32 s7, v58;
	v18 =	vmul.f32 v18, v61;
	v7 =	vand.u32 $0x1F80, v11;
	[tilespmem:$0x1FD50] =	vst v48  }
0x26b: {  	v39 =	vand.u32 $0x3F, v28;
	v56 =	vadd.s32 s3, v58;
	v11 =	vmul.f32 v16, v43;
	v1 =	vld.idx.msk [tilespmem:v1+s11+$0x0], $0xffff;
	[tilespmem:v21+s20+$0x0] =	vst.idx.msk $0xffff, v0  }
0x26c: {  	v48 =	vor.u32 v34, v39;
	v24 =	vand.u32 $0x3F, v56;
	[tilespmem:v62+s20+$0x0] =	vst.idx.msk $0xffff, v18;
	v2 =	vld.idx.msk [tilespmem:v2+s11+$0x0], $0xffff  }
0x26d: {  	v18 =	vshll.u32 v28, $0x7;
	v28 =	vmovc v30;
	v30 =	vmov v19;
	v19 =	vor.u32 v34, v24;
	[tilespmem:v15+s20+$0x0] =	vst.idx.msk $0xffff, v11  }
0x26e: {  	v20 =	vor.u32 v47, v42;
	v11 =	vld.idx.msk [tilespmem:v53+s11+$0x0], $0xffff  }
0x26f: {  	v17 =	vor.u32 v34, v23;
	v16 =	vmul.f32 v10, v45  }
0x270: {  	v6 =	vmovc v8;
	v5 =	vor.u32 v52, v27;
	v3 =	vld.idx.msk [tilespmem:v3+s11+$0x0], $0xffff;
	v8 =	vand.u32 $0x1F80, v18;
	v1 =	vmul.f32 v1, v45  }
0x271: {  	v18 =	vld.idx.msk [tilespmem:v48+s11+$0x0], $0xffff;
	[tilespmem:v59+s20+$0x0] =	vst.idx.msk $0xffff, v16;
	v16 =	vor.u32 v41, v31;
	v2 =	vmul.f32 v2, v43  }
0x272: {  	v19 =	vld.idx.msk [tilespmem:v19+s11+$0x0], $0xffff;
	[tilespmem:v55+s20+$0x0] =	vst.idx.msk $0xffff, v1  }
0x273: {  	v49 =	vld.idx.msk [tilespmem:v49+s11+$0x0], $0xffff;
	[tilespmem:v20+s20+$0x0] =	vst.idx.msk $0xffff, v2;
	v2 =	vmul.f32 v11, v26  }
0x274: {  	v0 =	vor.u32 v34, v30;
	v17 =	vld.idx.msk [tilespmem:v17+s11+$0x0], $0xffff  }
0x275: {  	v21 =	vmul.f32 v22, v37;
	v22 =	vor.u32 v47, v33;
	v47 =	vld.idx.msk [tilespmem:v51+s11+$0x0], $0xffff;
	[tilespmem:v5+s20+$0x0] =	vst.idx.msk $0xffff, v2  }
0x276: {  	v3 =	vmul.f32 v3, v35;
	v5 =	vld.idx.msk [tilespmem:v16+s11+$0x0], $0xffff  }
0x277: {  	v16 =	vld [tilespmem:$0x1FCF0]  }
0x278: {  	[tilespmem:v54+s20+$0x0] =	vst.idx.msk $0xffff, v3  }
0x279: {  	v0 =	vld.idx.msk [tilespmem:v0+s11+$0x0], $0xffff  }
0x27a: {  	[tilespmem:v14+s20+$0x0] =	vst.idx.msk $0xffff, v21;
	v21 =	vld [tilespmem:$0x1FDA0];
	_ =	sdelay $0x1  }
0x27b: {  	v11 =	vmul.f32 v47, v35;
	_ =	sdelay $0x1  }
0x27c: {  	v20 =	vld.idx.msk [tilespmem:v57+s11+$0x0], $0xffff;
	[tilespmem:v63+s20+$0x0] =	vst.idx.msk $0xffff, v11  }
0x27d: {  	v57 =	vmul.f32 v19, v21;
	v19 =	vld.idx.msk [tilespmem:v16+s11+$0x0], $0xffff  }
0x27e: {  	v36 =	vor.u32 v41, v32;
	v16 =	vmul.f32 v0, v21;
	v0 =	vld [tilespmem:$0x1FC80];
	_ =	sdelay $0x1  }
0x27f: {  	v15 =	vshll.u32 v56, $0x7;
	v37 =	vld [tilespmem:$0x1FF90]  }
0x280: {  	v12 =	vor.u32 v52, v42;
	v4 =	vor.u32 v38, v32;
	v46 =	vmovc v36;
	v36 =	vmovc v42;
	v42 =	vand.u32 $0x1F80, v15  }
0x281: {  	v62 =	vld [tilespmem:$0x1FF60];
	v51 =	vor.u32 v58, v42  }
0x282: {  	v59 =	vor.u32 v38, v28;
	v38 =	vld [tilespmem:$0x1FFE0]  }
0x283: {  	v14 =	vmul.f32 v49, v35  }
0x284: {  	v10 =	vor.u32 v25, v9;
	v25 =	vor.u32 v58, v9;
	v48 =	vor.u32 v37, v39  }
0x285: {  	v47 =	vor.u32 v37, v32;
	v2 =	vld.idx.msk [tilespmem:v4+s11+$0x0], $0xffff;
	v35 =	vor.u32 v37, v28;
	[tilespmem:v0+s20+$0x0] =	vst.idx.msk $0xffff, v14  }
0x286: {  	[tilespmem:v51+s20+$0x0] =	vst.idx.msk $0xffff, v57;
	v57 =	vor.u32 v37, v31;
	v37 =	vmov v60;
	v51 =	vor.u32 v40, v60;
	v60 =	vld [tilespmem:$0x1FCA0]  }
0x287: {  	[tilespmem:$0x1FD30] =	vst v46;
	v46 =	vor.u32 v62, v7;
	v3 =	vld.idx.msk [tilespmem:v50+s11+$0x0], $0xffff;
	v1 =	vor.u32 v38, v23  }
0x288: {  	[tilespmem:$0x1FD70] =	vst v10;
	v10 =	vor.u32 v62, v27;
	v53 =	vor.u32 v62, v42;
	v56 =	vor.u32 v62, v29  }
0x289: {  	v62 =	vor.u32 v41, v28;
	v41 =	vld [tilespmem:$0x1FED0];
	[tilespmem:$0x1FD90] =	vst v10;
	v10 =	vor.u32 v58, v7;
	v17 =	vmul.f32 v17, v21  }
0x28a: {  	v55 =	vor.u32 v58, v8;
	v58 =	vor.u32 v40, v31;
	v11 =	vor.u32 v52, v33;
	v52 =	vmovc v12;
	v12 =	vld [tilespmem:$0x1FC90]  }
0x28b: {  	[tilespmem:v25+s20+$0x0] =	vst.idx.msk $0xffff, v17;
	v25 =	vld [tilespmem:$0x1FF30];
	v49 =	vor.u32 v40, v32;
	v40 =	vmul.f32 v20, v43  }
0x28c: {  	v3 =	vmul.f32 v3, v61;
	v63 =	vld.idx.msk [tilespmem:v1+s11+$0x0], $0xffff  }
0x28d: {  	v0 =	vld [tilespmem:$0x1FF50];
	[tilespmem:v22+s20+$0x0] =	vst.idx.msk $0xffff, v40  }
0x28e: {  	v50 =	vor.u32 v41, v27;
	[tilespmem:v60+s20+$0x0] =	vst.idx.msk $0xffff, v3;
	v3 =	vld [tilespmem:$0x1FCB0]  }
0x28f: {  	v1 =	vld [tilespmem:$0x1FF50]  }
0x290: {  	v34 =	vor.u32 v38, v39;
	v15 =	vor.u32 v38, v24;
	v60 =	vmul.f32 v2, v26;
	v2 =	vld [tilespmem:$0x1FCC0]  }
0x291: {  	v27 =	vmovc v9;
	v18 =	vmul.f32 v18, v21;
	v9 =	vmov v12;
	v5 =	vmul.f32 v5, v45;
	v4 =	vld.idx.msk [tilespmem:v6+s11+$0x0], $0xffff  }
0x292: {  	v32 =	vmov v24;
	[tilespmem:$0x1FCF0] =	vst v9;
	v14 =	vor.u32 v0, v42;
	v0 =	vor.u32 v44, v24;
	v24 =	vld [tilespmem:$0x1FF50]  }
0x293: {  	p0 =	slt.u32 s12, $0x3C;
	v13 =	vmul.f32 v13, v43;
	v9 =	vor.u32 v41, v33;
	[tilespmem:v50+s20+$0x0] =	vst.idx.msk $0xffff, v5  }
.Ltmp5:
0x294: {  	v12 =	vor.u32 v1, v27;
	[tilespmem:v55+s20+$0x0] =	vst.idx.msk $0xffff, v18;
	v18 =	vld.idx.msk [tilespmem:v58+s11+$0x0], $0xffff;
	v1 =	vmul.f32 v19, v61;
	(pc) =	sbr.rel @p0 .LBB2_9-.Ltmp5, $4  }
0x295: {  	v54 =	vor.u32 v25, v33;
	v33 =	vmov v7;
	v55 =	vor.u32 v41, v36;
	v21 =	vld.idx.msk [tilespmem:v34+s11+$0x0], $0xffff  }
0x296: {  	v31 =	vmov v23;
	v20 =	vor.u32 v38, v30;
	[tilespmem:v3+s20+$0x0] =	vst.idx.msk $0xffff, v1;
	v1 =	vmul.f32 v4, v61  }
0x297: {  	v19 =	vor.u32 v44, v31;
	v26 =	vor.u32 v25, v29;
	v17 =	vld.idx.msk [tilespmem:v59+s11+$0x0], $0xffff;
	v22 =	vor.u32 v24, v8  }
0x298: {  	s12 =	sadd.s32 $0x4, s12;
	v58 =	vlaneseq.u32;
	v23 =	vld [tilespmem:$0x1FEF0];
	v59 =	vor.u32 v41, v29;
	v29 =	vmovc v8;
	[tilespmem:v2+s20+$0x0] =	vst.idx.msk $0xffff, v1;
	v1 =	vor.u32 v44, v39  }
0x299: {  	_ =	sdelay $0x3  }
0x29a: {  	[tilespmem:v10+s20+$0x0] =	vst.idx.msk $0xffff, v16  }
0x29b: {  	v8 =	vld [tilespmem:$0x1FD60]  }
0x29c: {  	v2 =	vld.idx.msk [tilespmem:v20+s11+$0x0], $0xffff;
	_ =	sdelay $0x1  }
0x29d: {  	v3 =	vld.idx.msk [tilespmem:v15+s11+$0x0], $0xffff;
	v4 =	vor.u32 v24, v33;
	_ =	sdelay $0x1  }
0x29e: {  	v5 =	vmul.f32 v63, v8  }
0x29f: {  	v63 =	vld [tilespmem:$0x1FFF0];
	v2 =	vmul.f32 v2, v8;
	[tilespmem:v52+s20+$0x0] =	vst.idx.msk $0xffff, v60  }
0x2a0: {  	v7 =	vmul.f32 v21, v8;
	[tilespmem:v12+s20+$0x0] =	vst.idx.msk $0xffff, v5  }
0x2a1: {  	[tilespmem:v4+s20+$0x0] =	vst.idx.msk $0xffff, v2;
	v2 =	vmul.f32 v3, v8  }
0x2a2: {  	[tilespmem:v22+s20+$0x0] =	vst.idx.msk $0xffff, v7  }
0x2a3: {  	[tilespmem:v14+s20+$0x0] =	vst.idx.msk $0xffff, v2  }
0x2a4: {  	v8 =	vld [tilespmem:$0x1FD10];
	_ =	sdelay $0x5  }
0x2a5: {  	v6 =	vor.u32 v63, v30  }
0x2a6: {  	v5 =	vld.idx.msk [tilespmem:v19+s11+$0x0], $0xffff  }
0x2a7: {  	v40 =	vld [tilespmem:$0x1FFC0];
	[tilespmem:v8+s20+$0x0] =	vst.idx.msk $0xffff, v13  }
0x2a8: {  	v13 =	vld [tilespmem:$0x1FD80]  }
0x2a9: {  	v1 =	vld.idx.msk [tilespmem:v1+s11+$0x0], $0xffff  }
0x2aa: {  	v3 =	vor.u32 v23, v27;
	v4 =	vld.idx.msk [tilespmem:v6+s11+$0x0], $0xffff  }
0x2ab: {  	v2 =	vor.u32 v23, v29  }
0x2ac: {  	v50 =	vor.u32 v23, v33  }
0x2ad: {  	v5 =	vmul.f32 v5, v13  }
0x2ae: {  	v1 =	vmul.f32 v1, v13  }
0x2af: {  	v4 =	vmul.f32 v4, v13;
	[tilespmem:v3+s20+$0x0] =	vst.idx.msk $0xffff, v5  }
0x2b0: {  	v0 =	vld.idx.msk [tilespmem:v0+s11+$0x0], $0xffff;
	v45 =	vor.u32 v40, v31;
	[tilespmem:v2+s20+$0x0] =	vst.idx.msk $0xffff, v1  }
0x2b1: {  	v1 =	vld [tilespmem:$0x1FD20];
	[tilespmem:v50+s20+$0x0] =	vst.idx.msk $0xffff, v4  }
0x2b2: {  	v10 =	vor.u32 v23, v42;
	v15 =	vld [tilespmem:$0x1FDD0];
	_ =	sdelay $0x2  }
0x2b3: {  	v0 =	vmul.f32 v0, v13;
	v2 =	vld.idx.msk [tilespmem:v45+s11+$0x0], $0xffff  }
0x2b4: {  	v14 =	vld [tilespmem:$0x1FF70]  }
0x2b5: {  	v60 =	vmul.f32 v17, v15;
	v17 =	vld [tilespmem:$0x1FD40];
	[tilespmem:v10+s20+$0x0] =	vst.idx.msk $0xffff, v0  }
0x2b6: {  	v45 =	vld [tilespmem:$0x1FFD0]  }
0x2b7: {  	v41 =	vld [tilespmem:$0x1FFA0];
	[tilespmem:v11+s20+$0x0] =	vst.idx.msk $0xffff, v60  }
0x2b8: {  	v11 =	vld [tilespmem:$0x1FCE0];
	_ =	sdelay $0x2  }
0x2b9: {  	v8 =	vor.u32 v40, v30;
	_ =	sdelay $0x2  }
0x2ba: {  	v61 =	vmul.f32 v18, v17  }
0x2bb: {  	v12 =	vor.u32 v40, v39  }
0x2bc: {  	v7 =	vld.idx.msk [tilespmem:v8+s11+$0x0], $0xffff;
	[tilespmem:v11+s20+$0x0] =	vst.idx.msk $0xffff, v61  }
0x2bd: {  	v16 =	vld [tilespmem:$0x1FDE0]  }
0x2be: {  	v3 =	vor.u32 v40, v32;
	v18 =	vld [tilespmem:$0x1FD50]  }
0x2bf: {  	v0 =	vor.u32 v14, v27;
	v1 =	vld.idx.msk [tilespmem:v1+s11+$0x0], $0xffff  }
0x2c0: {  	v10 =	vld.idx.msk [tilespmem:v12+s11+$0x0], $0xffff;
	v34 =	vor.u32 v14, v33;
	_ =	sdelay $0x1  }
0x2c1: {  	v52 =	vor.u32 v14, v29;
	v2 =	vmul.f32 v2, v16  }
0x2c2: {  	v3 =	vld.idx.msk [tilespmem:v3+s11+$0x0], $0xffff;
	v7 =	vmul.f32 v7, v16  }
0x2c3: {  	v12 =	vor.u32 v41, v31;
	v1 =	vmul.f32 v1, v15;
	[tilespmem:v0+s20+$0x0] =	vst.idx.msk $0xffff, v2  }
0x2c4: {  	v2 =	vmul.f32 v10, v16;
	[tilespmem:v34+s20+$0x0] =	vst.idx.msk $0xffff, v7  }
0x2c5: {  	v13 =	vld.idx.msk [tilespmem:v62+s11+$0x0], $0xffff;
	[tilespmem:v18+s20+$0x0] =	vst.idx.msk $0xffff, v1  }
0x2c6: {  	v8 =	vor.u32 v45, v37;
	v60 =	vld [tilespmem:$0x1FFB0];
	[tilespmem:v52+s20+$0x0] =	vst.idx.msk $0xffff, v2  }
0x2c7: {  	v3 =	vmul.f32 v3, v16;
	v16 =	vld [tilespmem:$0x1FDC0]  }
0x2c8: {  	v14 =	vor.u32 v14, v42;
	v37 =	vor.u32 v41, v30;
	v38 =	vld.idx.msk [tilespmem:v12+s11+$0x0], $0xffff  }
0x2c9: {  	v11 =	vor.u32 v41, v39;
	v12 =	vld [tilespmem:$0x1FE80];
	_ =	sdelay $0x1  }
0x2ca: {  	v0 =	vld.idx.msk [tilespmem:v8+s11+$0x0], $0xffff  }
0x2cb: {  	v2 =	vmul.f32 v13, v16  }
0x2cc: {  	v6 =	vld.idx.msk [tilespmem:v37+s11+$0x0], $0xffff;
	[tilespmem:v14+s20+$0x0] =	vst.idx.msk $0xffff, v3  }
0x2cd: {  	v1 =	vor.u32 v41, v32;
	v3 =	vld.idx.msk [tilespmem:v11+s11+$0x0], $0xffff;
	v44 =	vor.u32 v12, v27;
	[tilespmem:v9+s20+$0x0] =	vst.idx.msk $0xffff, v2  }
0x2ce: {  	v8 =	vor.u32 v12, v29;
	v11 =	vor.u32 v12, v33;
	v9 =	vor.u32 v12, v42;
	v12 =	vld [tilespmem:$0x1FD30]  }
0x2cf: {  	v0 =	vmul.f32 v0, v16  }
0x2d0: {  	v5 =	vmul.f32 v38, v15  }
0x2d1: {  	v6 =	vmul.f32 v6, v15;
	[tilespmem:v59+s20+$0x0] =	vst.idx.msk $0xffff, v0  }
0x2d2: {  	v43 =	vor.u32 v60, v28;
	v3 =	vmul.f32 v3, v15;
	[tilespmem:v44+s20+$0x0] =	vst.idx.msk $0xffff, v5  }
0x2d3: {  	v1 =	vld.idx.msk [tilespmem:v1+s11+$0x0], $0xffff;
	[tilespmem:v11+s20+$0x0] =	vst.idx.msk $0xffff, v6  }
0x2d4: {  	v10 =	vor.u32 v45, v31;
	[tilespmem:v8+s20+$0x0] =	vst.idx.msk $0xffff, v3  }
0x2d5: {  	v2 =	vor.u32 v45, v30;
	v11 =	vld [tilespmem:$0x1FED0]  }
0x2d6: {  	v0 =	vor.u32 v45, v32;
	v12 =	vld.idx.msk [tilespmem:v12+s11+$0x0], $0xffff  }
0x2d7: {  	v13 =	vor.u32 v45, v39;
	v7 =	vld.idx.msk [tilespmem:v43+s11+$0x0], $0xffff  }
0x2d8: {  	v1 =	vmul.f32 v1, v15  }
0x2d9: {  	v4 =	vld.idx.msk [tilespmem:v10+s11+$0x0], $0xffff  }
0x2da: {  	v2 =	vld.idx.msk [tilespmem:v2+s11+$0x0], $0xffff;
	[tilespmem:v9+s20+$0x0] =	vst.idx.msk $0xffff, v1  }
0x2db: {  	v0 =	vld.idx.msk [tilespmem:v0+s11+$0x0], $0xffff;
	v50 =	vor.u32 v11, v27;
	v3 =	vmul.f32 v12, v16  }
0x2dc: {  	v1 =	vld.idx.msk [tilespmem:v13+s11+$0x0], $0xffff;
	v52 =	vmul.f32 v7, v17;
	v8 =	vor.u32 v11, v33  }
0x2dd: {  	v61 =	vld.idx.msk [tilespmem:v51+s11+$0x0], $0xffff;
	[tilespmem:v55+s20+$0x0] =	vst.idx.msk $0xffff, v3;
	v3 =	vor.u32 v11, v29;
	v11 =	vor.u32 v11, v42  }
0x2de: {  	v59 =	vor.u32 v60, v31;
	v4 =	vmul.f32 v4, v16;
	v62 =	vld.idx.msk [tilespmem:v49+s11+$0x0], $0xffff  }
0x2df: {  	[tilespmem:v54+s20+$0x0] =	vst.idx.msk $0xffff, v52;
	v2 =	vmul.f32 v2, v16  }
0x2e0: {  	v34 =	vor.u32 v25, v36;
	v0 =	vmul.f32 v0, v16;
	[tilespmem:v50+s20+$0x0] =	vst.idx.msk $0xffff, v4  }
0x2e1: {  	v1 =	vmul.f32 v1, v16;
	[tilespmem:v8+s20+$0x0] =	vst.idx.msk $0xffff, v2  }
0x2e2: {  	[tilespmem:v11+s20+$0x0] =	vst.idx.msk $0xffff, v0;
	v0 =	vmul.f32 v61, v17  }
0x2e3: {  	v9 =	vor.u32 v60, v30;
	v2 =	vld.idx.msk [tilespmem:v59+s11+$0x0], $0xffff;
	[tilespmem:v3+s20+$0x0] =	vst.idx.msk $0xffff, v1;
	v4 =	vmul.f32 v62, v17  }
0x2e4: {  	v10 =	vor.u32 v60, v39;
	v59 =	vld [tilespmem:$0x1FF90];
	[tilespmem:v26+s20+$0x0] =	vst.idx.msk $0xffff, v0  }
0x2e5: {  	v12 =	vor.u32 v60, v32;
	v14 =	vld [tilespmem:$0x1FCF0];
	[tilespmem:v34+s20+$0x0] =	vst.idx.msk $0xffff, v4  }
0x2e6: {  	v39 =	vld [tilespmem:$0x1FD70];
	_ =	sdelay $0x1  }
0x2e7: {  	v36 =	vld.idx.msk [tilespmem:v9+s11+$0x0], $0xffff  }
0x2e8: {  	v1 =	vld.idx.msk [tilespmem:v10+s11+$0x0], $0xffff  }
0x2e9: {  	v37 =	vor.u32 v25, v33;
	v8 =	vld.idx.msk [tilespmem:v12+s11+$0x0], $0xffff;
	v3 =	vor.u32 v59, v31  }
0x2ea: {  	v11 =	vor.u32 v25, v29  }
0x2eb: {  	v2 =	vmul.f32 v2, v17;
	v0 =	vor.u32 v25, v42  }
0x2ec: {  	v38 =	vmul.f32 v36, v17  }
0x2ed: {  	v1 =	vmul.f32 v1, v17;
	[tilespmem:v39+s20+$0x0] =	vst.idx.msk $0xffff, v2  }
0x2ee: {  	[tilespmem:v37+s20+$0x0] =	vst.idx.msk $0xffff, v38;
	v2 =	vld.idx.msk [tilespmem:v3+s11+$0x0], $0xffff;
	v3 =	vmul.f32 v8, v17  }
0x2ef: {  	v15 =	vld [tilespmem:$0x1FDB0];
	[tilespmem:v11+s20+$0x0] =	vst.idx.msk $0xffff, v1  }
0x2f0: {  	v62 =	vld [tilespmem:$0x1FF60];
	[tilespmem:v0+s20+$0x0] =	vst.idx.msk $0xffff, v3  }
0x2f1: {  	v0 =	vld [tilespmem:$0x1FD90]  }
0x2f2: {  	v9 =	vld.idx.msk [tilespmem:v57+s11+$0x0], $0xffff;
	_ =	sdelay $0x4  }
0x2f3: {  	v42 =	vmul.f32 v9, v15;
	_ =	sdelay $0x1  }
0x2f4: {  	v14 =	vld.idx.msk [tilespmem:v14+s11+$0x0], $0xffff;
	[tilespmem:v0+s20+$0x0] =	vst.idx.msk $0xffff, v42  }
0x2f5: {  	v9 =	vld [tilespmem:$0x1FCD0]  }
0x2f6: {  	v12 =	vld.idx.msk [tilespmem:v35+s11+$0x0], $0xffff;
	_ =	sdelay $0x3  }
0x2f7: {  	v0 =	vmul.f32 v14, v15  }
0x2f8: {  	v13 =	vor.u32 v59, v32;
	v43 =	vmul.f32 v12, v15  }
0x2f9: {  	v10 =	vor.u32 v59, v30;
	[tilespmem:v56+s20+$0x0] =	vst.idx.msk $0xffff, v0  }
0x2fa: {  	v8 =	vld.idx.msk [tilespmem:v48+s11+$0x0], $0xffff;
	[tilespmem:v9+s20+$0x0] =	vst.idx.msk $0xffff, v43  }
0x2fb: {  	v1 =	vor.u32 v62, v27;
	v0 =	vmul.f32 v2, v15;
	v2 =	vld [tilespmem:$0x1FD00]  }
0x2fc: {  	v5 =	vld.idx.msk [tilespmem:v47+s11+$0x0], $0xffff  }
0x2fd: {  	v3 =	vld.idx.msk [tilespmem:v13+s11+$0x0], $0xffff;
	v44 =	vor.u32 v62, v29  }
0x2fe: {  	v6 =	vld.idx.msk [tilespmem:v10+s11+$0x0], $0xffff;
	_ =	sdelay $0x1  }
0x2ff: {  	[tilespmem:v1+s20+$0x0] =	vst.idx.msk $0xffff, v0;
	v0 =	vmul.f32 v8, v15  }
0x300: {  	v5 =	vmul.f32 v5, v15  }
0x301: {  	v1 =	vmul.f32 v3, v15;
	[tilespmem:v44+s20+$0x0] =	vst.idx.msk $0xffff, v0  }
0x302: {  	s0 =	sadd.s32 s0, s6;
	[tilespmem:v2+s20+$0x0] =	vst.idx.msk $0xffff, v5;
	v2 =	vmul.f32 v6, v15  }
0x303: {  	s3 =	sadd.s32 $0x1, s0;
	[tilespmem:v53+s20+$0x0] =	vst.idx.msk $0xffff, v1  }
0x304: {  	p0 =	seq.s32 s31, $0x19;
	s5 =	sshll.u32 s3, $0x7;
	[tilespmem:v46+s20+$0x0] =	vst.idx.msk $0xffff, v2  }
0x305: {  	s3 =	sshll.u32 s3, $0xA;
	s5 =	sand.u32 $0x3E80, s5;
	_ =	swait.ge [sflag:s21], $0x2000  }
0x306: {  	s3 =	sand.u32 $0xFFE0000, s3;
	s5 =	sadd.s32 s2, s5;
	[sflag:s21] =	ssyncset.done $0x0  }
0x307: {  	s8 =	simm.s32 $0x1;
	s3 =	sadd.s32 s3, s5;
	[sflag:s21] =	ssyncadd.s32 $0xFFFFE000  }
0x308: {  	[hbm4b:s3+s16] =	stream.strided.scatter [tilespmem:s20], [sflag:$0x6], $0x2000, s17, s16, $0x38;
	[tilespmem:$0x13400] =	vst v63  }
0x309: {  	v0 =	vadd.s32 s8, v58;
	s8 =	simm.s32 $0x2;
	s3 =	sshll.u32 @!p0 s31, $0x9  }
0x30a: {  	v0 =	vand.u32 $0x3F, v0;
	v2 =	vadd.s32 s8, v58;
	s12 =	sand.u32 @!p0 $0x3FFFFE00, s3  }
0x30b: {  	s7 =	simm.s32 @!p0 $0x3400;
	s5 =	simm.s32 @!p0 $0x80;
	v47 =	vor.u32 v59, v0;
	v2 =	vand.u32 $0x3F, v2;
	s3 =	sadd.s32 @!p0 $0x200, s12  }
0x30c: {  	v61 =	vld [tilespmem:$0x1FF80];
	v48 =	vor.u32 v63, v2;
	[tilespmem:s7], [sflag:$0x1] =	stream.indirect.gather @!p0 [hbm4b:s4+s5], $0x40, s3, s5, $0xb8  }
0x30d: {  	v8 =	vor.u32 v63, v0;
	v55 =	vld [tilespmem:$0x1FFE0];
	_ =	swait.ge [sflag:s22], $0x2000  }
0x30e: {  	v11 =	vor.u32 v45, v0;
	s8 =	simm.s32 $0x0;
	[sflag:s22] =	ssyncset.done $0x0  }
0x30f: {  	v15 =	vadd.s32 s8, v58;
	v13 =	vor.u32 v45, v2;
	[sflag:s22] =	ssyncadd.s32 $0xFFFFE000  }
0x310: {  	v16 =	vor.u32 v41, v0;
	v15 =	vand.u32 $0x3F, v15;
	v4 =	vld.idx.msk [tilespmem:v47+s13+$0x0], $0xffff  }
0x311: {  	v20 =	vor.u32 v40, v15;
	v5 =	vld.idx.msk [tilespmem:v48+s13+$0x0], $0xffff  }
0x312: {  	v22 =	vor.u32 v63, v15;
	v8 =	vld.idx.msk [tilespmem:v8+s13+$0x0], $0xffff  }
0x313: {  	v26 =	vor.u32 v59, v2;
	v11 =	vld.idx.msk [tilespmem:v11+s13+$0x0], $0xffff  }
0x314: {  	v29 =	vor.u32 v41, v2;
	v13 =	vld.idx.msk [tilespmem:v13+s13+$0x0], $0xffff  }
0x315: {  	v1 =	vor.u32 v61, v0;
	v25 =	vld.idx.msk [tilespmem:v16+s13+$0x0], $0xffff  }
0x316: {  	v3 =	vor.u32 v55, v0;
	v53 =	vld.idx.msk [tilespmem:v20+s13+$0x0], $0xffff  }
0x317: {  	v49 =	vor.u32 v61, v2;
	v22 =	vld.idx.msk [tilespmem:v22+s13+$0x0], $0xffff  }
0x318: {  	v9 =	vor.u32 v55, v2;
	v37 =	vld.idx.msk [tilespmem:v26+s13+$0x0], $0xffff  }
0x319: {  	s7 =	simm.s32 $0x3;
	v18 =	vor.u32 v61, v15;
	v35 =	vld.idx.msk [tilespmem:v29+s13+$0x0], $0xffff  }
0x31a: {  	v19 =	vor.u32 v55, v15;
	v50 =	vadd.s32 s7, v58;
	v1 =	vld.idx.msk [tilespmem:v1+s13+$0x0], $0xffff  }
0x31b: {  	v23 =	vor.u32 v40, v0;
	v0 =	vor.u32 v60, v0;
	v7 =	vand.u32 $0x3F, v50;
	v3 =	vld.idx.msk [tilespmem:v3+s13+$0x0], $0xffff  }
0x31c: {  	v12 =	vor.u32 v61, v7;
	v6 =	vld.idx.msk [tilespmem:v49+s13+$0x0], $0xffff  }
0x31d: {  	v10 =	vor.u32 v63, v7;
	v9 =	vld.idx.msk [tilespmem:v9+s13+$0x0], $0xffff  }
0x31e: {  	v24 =	vor.u32 v60, v15;
	v30 =	vor.u32 v45, v15;
	v31 =	vld.idx.msk [tilespmem:v18+s13+$0x0], $0xffff  }
0x31f: {  	v27 =	vor.u32 v41, v15;
	v39 =	vor.u32 v59, v15;
	v14 =	vor.u32 v45, v7;
	v52 =	vld.idx.msk [tilespmem:v19+s13+$0x0], $0xffff  }
0x320: {  	v51 =	vor.u32 v55, v7;
	v54 =	vor.u32 v41, v7;
	v38 =	vld.idx.msk [tilespmem:v0+s13+$0x0], $0xffff;
	v19 =	vmul.f32 v11, v11  }
0x321: {  	v34 =	vor.u32 v59, v7;
	v12 =	vld.idx.msk [tilespmem:v12+s13+$0x0], $0xffff;
	v21 =	vmul.f32 v5, v5;
	v20 =	vmul.f32 v13, v13  }
0x322: {  	v17 =	vld.idx.msk [tilespmem:v10+s13+$0x0], $0xffff;
	v11 =	vor.u32 v60, v2;
	v15 =	vmul.f32 v22, v22;
	v22 =	vmul.f32 v4, v4  }
0x323: {  	v29 =	vimm.f32 $0.0e+00;
	v33 =	vmul.f32 v53, v53;
	v28 =	vmul.f32 v9, v9;
	v9 =	vld.idx.msk [tilespmem:v30+s13+$0x0], $0xffff  }
0x324: {  	v26 =	vimm.f32 $0.0e+00;
	v14 =	vld.idx.msk [tilespmem:v14+s13+$0x0], $0xffff;
	v13 =	vmul.f32 v31, v31;
	v31 =	vmul.f32 v8, v8  }
0x325: {  	v10 =	vimm.f32 $0.0e+00;
	v8 =	vld.idx.msk [tilespmem:v27+s13+$0x0], $0xffff;
	v27 =	vmul.f32 v52, v52;
	v6 =	vmul.f32 v6, v6  }
0x326: {  	v1 =	vmul.f32 v1, v1;
	v18 =	vmul.f32 v12, v12;
	v12 =	vor.u32 v40, v2;
	v2 =	vld.idx.msk [tilespmem:v24+s13+$0x0], $0xffff  }
0x327: {  	v3 =	vmul.f32 v3, v3;
	v0 =	vadd.f32 v15, v10;
	v56 =	vld.idx.msk [tilespmem:v11+s13+$0x0], $0xffff;
	v11 =	vadd.f32 v13, v10  }
0x328: {  	v17 =	vmul.f32 v17, v17;
	v13 =	vadd.f32 v27, v10;
	v57 =	vmul.f32 v9, v9  }
0x329: {  	v36 =	vld.idx.msk [tilespmem:v54+s13+$0x0], $0xffff;
	v16 =	vmul.f32 v14, v14;
	v14 =	vmul.f32 v25, v25;
	v1 =	vadd.f32 v1, v11  }
0x32a: {  	v53 =	vmovc v40;
	v24 =	vor.u32 v40, v7;
	v25 =	vor.u32 v60, v7;
	v15 =	vadd.f32 v3, v13  }
0x32b: {  	v30 =	vld.idx.msk [tilespmem:v23+s13+$0x0], $0xffff;
	v23 =	vadd.f32 v57, v10;
	v32 =	vmul.f32 v2, v2;
	v11 =	vadd.f32 v6, v1  }
0x32c: {  	s3 =	simm.s32 $0x4;
	v27 =	vld.idx.msk [tilespmem:v51+s13+$0x0], $0xffff;
	v13 =	vimm.f32 $0.0e+00;
	v1 =	vmul.f32 v8, v8;
	v9 =	vmul.f32 v56, v56;
	v56 =	vmovc v41;
	v57 =	vmovc v45  }
.LBB2_11:
0x32d: {  	s5 =	sadd.s32 $0x1, s3;
	s7 =	sadd.s32 $0x2, s3;
	s8 =	sadd.s32 $0x3, s3;
	v2 =	vld.idx.msk [tilespmem:v39+s13+$0x0], $0xffff;
	v3 =	vadd.f32 v31, v0;
	v4 =	vadd.f32 v28, v15;
	v5 =	vmul.f32 v37, v37  }
0x32e: {  	p1 =	slt.u32 s3, $0x3C;
	v7 =	vmul.f32 v38, v38;
	v0 =	vadd.s32 s5, v58;
	v6 =	vadd.s32 s7, v58;
	v8 =	vld.idx.msk [tilespmem:v12+s13+$0x0], $0xffff;
	s5 =	smov.u32 s3;
	s3 =	sadd.s32 $0x4, s3  }
0x32f: {  	v1 =	vadd.f32 v1, v10;
	v12 =	vand.u32 $0x3F, v0;
	v6 =	vand.u32 $0x3F, v6;
	v10 =	vld.idx.msk [tilespmem:v24+s13+$0x0], $0xffff  }
0x330: {  	v15 =	vadd.s32 s8, v58;
	v24 =	vor.u32 v61, v12;
	v0 =	vor.u32 v53, v12;
	v25 =	vld.idx.msk [tilespmem:v25+s13+$0x0], $0xffff  }
0x331: {  	v15 =	vand.u32 $0x3F, v15;
	v28 =	vor.u32 v55, v12;
	v38 =	vor.u32 v60, v12;
	v31 =	vld.idx.msk [tilespmem:v34+s13+$0x0], $0xffff  }
0x332: {  	v29 =	vadd.f32 v32, v29;
	v37 =	vor.u32 v59, v6;
	v34 =	vor.u32 v59, v12  }
0x333: {  	v30 =	vmul.f32 v30, v30;
	v32 =	vor.u32 v63, v6;
	v1 =	vadd.f32 v14, v1  }
0x334: {  	v26 =	vadd.f32 v33, v26;
	v14 =	vor.u32 v61, v6;
	v33 =	vmul.f32 v35, v35  }
0x335: {  	v36 =	vmul.f32 v36, v36;
	v2 =	vmul.f32 v2, v2;
	v35 =	vld.idx.msk [tilespmem:v24+s13+$0x0], $0xffff;
	v24 =	vor.u32 v63, v12  }
0x336: {  	v27 =	vmul.f32 v27, v27;
	v39 =	vmul.f32 v10, v10;
	v40 =	vld.idx.msk [tilespmem:v28+s13+$0x0], $0xffff;
	v28 =	vor.u32 v55, v6  }
0x337: {  	v41 =	vor.u32 v63, v15;
	v1 =	vadd.f32 v33, v1;
	v8 =	vmul.f32 v8, v8;
	v34 =	vld.idx.msk [tilespmem:v34+s13+$0x0], $0xffff  }
0x338: {  	v26 =	vadd.f32 v30, v26;
	v4 =	vadd.f32 v27, v4;
	v33 =	vor.u32 v57, v12;
	v32 =	vld.idx.msk [tilespmem:v32+s13+$0x0], $0xffff  }
0x339: {  	v2 =	vadd.f32 v2, v13;
	v10 =	vadd.f32 v36, v1;
	v27 =	vld.idx.msk [tilespmem:v14+s13+$0x0], $0xffff;
	v14 =	vor.u32 v61, v15  }
0x33a: {  	v13 =	vor.u32 v57, v6;
	v30 =	vmul.f32 v31, v31;
	v1 =	vld.idx.msk [tilespmem:v24+s13+$0x0], $0xffff;
	v24 =	vor.u32 v57, v15  }
0x33b: {  	v12 =	vor.u32 v56, v12;
	v36 =	vmul.f32 v25, v25;
	v31 =	vadd.s32 s5, v58;
	v28 =	vld.idx.msk [tilespmem:v28+s13+$0x0], $0xffff  }
0x33c: {  	v3 =	vadd.f32 v21, v3;
	v43 =	vor.u32 v56, v6;
	v42 =	vand.u32 $0x3F, v31;
	v25 =	vld.idx.msk [tilespmem:v41+s13+$0x0], $0xffff  }
0x33d: {  	v19 =	vadd.f32 v19, v23;
	v21 =	vor.u32 v61, v42;
	v31 =	vor.u32 v55, v42;
	v33 =	vld.idx.msk [tilespmem:v33+s13+$0x0], $0xffff  }
0x33e: {  	v3 =	vadd.f32 v17, v3;
	v23 =	vor.u32 v63, v42;
	v41 =	vor.u32 v53, v42;
	v14 =	vld.idx.msk [tilespmem:v14+s13+$0x0], $0xffff  }
0x33f: {  	v20 =	vadd.f32 v20, v19;
	v44 =	vor.u32 v56, v42;
	v45 =	vor.u32 v57, v42;
	v13 =	vld.idx.msk [tilespmem:v13+s13+$0x0], $0xffff  }
0x340: {  	v46 =	vor.u32 v55, v15;
	v47 =	vor.u32 v56, v15;
	v8 =	vadd.f32 v8, v26;
	v48 =	vld.idx.msk [tilespmem:v24+s13+$0x0], $0xffff  }
0x341: {  	v2 =	vadd.f32 v22, v2;
	v49 =	vor.u32 v60, v42;
	v50 =	vld.idx.msk [tilespmem:v12+s13+$0x0], $0xffff;
	v12 =	vor.u32 v53, v6  }
0x342: {  	v11 =	vadd.f32 v18, v11;
	v7 =	vadd.f32 v7, v29;
	v24 =	vor.u32 v53, v15;
	v22 =	vld.idx.msk [tilespmem:v21+s13+$0x0], $0xffff  }
0x343: {  	v2 =	vadd.f32 v5, v2;
	v6 =	vor.u32 v60, v6;
	v19 =	vmul.f32 v33, v33;
	v51 =	vld.idx.msk [tilespmem:v31+s13+$0x0], $0xffff  }
0x344: {  	v17 =	vmul.f32 v25, v25;
	v25 =	vor.u32 v60, v15;
	v5 =	vld.idx.msk [tilespmem:v41+s13+$0x0], $0xffff;
	v41 =	vadd.f32 v16, v20  }
0x345: {  	v26 =	vadd.f32 v39, v8;
	v21 =	vmul.f32 v32, v32;
	v18 =	vmul.f32 v14, v14;
	v23 =	vld.idx.msk [tilespmem:v23+s13+$0x0], $0xffff  }
0x346: {  	v7 =	vadd.f32 v9, v7;
	v20 =	vmul.f32 v13, v13;
	v16 =	vmul.f32 v48, v48;
	v8 =	vld.idx.msk [tilespmem:v49+s13+$0x0], $0xffff  }
0x347: {  	v28 =	vmul.f32 v28, v28;
	v13 =	vadd.f32 v30, v2;
	v14 =	vmul.f32 v50, v50;
	v9 =	vld.idx.msk [tilespmem:v45+s13+$0x0], $0xffff  }
0x348: {  	v29 =	vadd.f32 v36, v7;
	v31 =	vmul.f32 v1, v1;
	v2 =	vmul.f32 v22, v22;
	v44 =	vld.idx.msk [tilespmem:v44+s13+$0x0], $0xffff  }
0x349: {  	v7 =	vmul.f32 v27, v27;
	v1 =	vmul.f32 v51, v51;
	v6 =	vld.idx.msk [tilespmem:v6+s13+$0x0], $0xffff  }
0x34a: {  	v39 =	vor.u32 v59, v42;
	v2 =	vadd.f32 v2, v11;
	v11 =	vmul.f32 v35, v35;
	v37 =	vld.idx.msk [tilespmem:v37+s13+$0x0], $0xffff  }
.Ltmp6:
0x34b: {  	v1 =	vadd.f32 v1, v4;
	v4 =	vmul.f32 v23, v23;
	v23 =	vmul.f32 v40, v40;
	v38 =	vld.idx.msk [tilespmem:v38+s13+$0x0], $0xffff;
	(pc) =	sbr.rel @p1 .LBB2_11-.Ltmp6, $4  }
0x34c: {  	v22 =	vmul.f32 v34, v34;
	v34 =	vor.u32 v59, v15;
	v2 =	vadd.f32 v11, v2;
	v30 =	vld.idx.msk [tilespmem:v0+s13+$0x0], $0xffff  }
0x34d: {  	v32 =	vmul.f32 v8, v8;
	v0 =	vadd.f32 v4, v3;
	v3 =	vmul.f32 v9, v9;
	v27 =	vld.idx.msk [tilespmem:v46+s13+$0x0], $0xffff  }
0x34e: {  	v33 =	vmul.f32 v5, v5;
	v15 =	vadd.f32 v23, v1;
	v11 =	vadd.f32 v7, v2;
	v35 =	vld.idx.msk [tilespmem:v43+s13+$0x0], $0xffff  }
0x34f: {  	v1 =	vmul.f32 v44, v44;
	v23 =	vadd.f32 v3, v41;
	v9 =	vmul.f32 v6, v6;
	v36 =	vld.idx.msk [tilespmem:v47+s13+$0x0], $0xffff  }
0x350: {  	_ =	sdelay $0x3  }
0x351: {  	v2 =	vld.idx.msk [tilespmem:v39+s13+$0x0], $0xffff;
	v0 =	vadd.f32 v31, v0  }
0x352: {  	v3 =	vld.idx.msk [tilespmem:v24+s13+$0x0], $0xffff;
	v4 =	vadd.f32 v28, v15;
	v7 =	vmul.f32 v38, v38;
	v24 =	vadd.f32 v32, v29  }
0x353: {  	v5 =	vmul.f32 v37, v37;
	v6 =	vld.idx.msk [tilespmem:v12+s13+$0x0], $0xffff;
	v11 =	vadd.f32 v18, v11;
	v1 =	vadd.f32 v1, v10  }
0x354: {  	v8 =	vld.idx.msk [tilespmem:v34+s13+$0x0], $0xffff;
	v10 =	vmul.f32 v30, v30;
	v0 =	vadd.f32 v21, v0;
	v7 =	vadd.f32 v7, v24  }
0x355: {  	vm0 =	vgt.f32 v11, $1.000000000e+00;
	v1 =	vadd.f32 v14, v1;
	v15 =	vmul.f32 v35, v35  }
0x356: {  	v12 =	vld.idx.msk [tilespmem:v25+s13+$0x0], $0xffff;
	v14 =	vadd.f32 v33, v26;
	v26 =	vmul.f32 v27, v27;
	v25 =	vmul.f32 v36, v36  }
0x357: {  	v0 =	vadd.f32 v17, v0;
	v2 =	vmul.f32 v2, v2;
	v3 =	vmul.f32 v3, v3  }
0x358: {  	v1 =	vadd.f32 v15, v1;
	v10 =	vadd.f32 v10, v14;
	v6 =	vmul.f32 v6, v6  }
0x359: {  	v4 =	vadd.f32 v26, v4;
	v8 =	vmul.f32 v8, v8;
	v14 =	vmul.f32 $5.000000000e-01, v11  }
0x35a: {  	v15 =	vadd.f32 v19, v23;
	v2 =	vadd.f32 v2, v13;
	v13 =	vshra.s32 v11, $0x1  }
0x35b: {  	v19 =	vshra.s32 v4, $0x1;
	v21 =	vmul.f32 $5.000000000e-01, v4;
	v13 =	vsub.s32 $0x5F3759DF, v13  }
0x35c: {  	v15 =	vadd.f32 v20, v15;
	v6 =	vadd.f32 v6, v10;
	v18 =	vmul.f32 v13, v14  }
0x35d: {  	v20 =	vmul.f32 $5.000000000e-01, v0;
	v17 =	vsub.s32 $0x5F3759DF, v19;
	v19 =	vshra.s32 v0, $0x1  }
0x35e: {  	v19 =	vsub.s32 $0x5F3759DF, v19;
	v10 =	vmul.f32 v13, v18;
	v18 =	vmul.f32 v17, v21  }
0x35f: {  	v7 =	vadd.f32 v9, v7;
	v12 =	vmul.f32 v12, v12;
	v35 =	vmul.f32 v19, v20  }
0x360: {  	v2 =	vadd.f32 v22, v2;
	v10 =	vsub.f32 $1.500000000e+00, v10;
	v18 =	vmul.f32 v17, v18  }
0x361: {  	v3 =	vadd.f32 v3, v6;
	v15 =	vadd.f32 v16, v15;
	v6 =	vmul.f32 v19, v35  }
0x362: {  	v2 =	vadd.f32 v5, v2;
	v36 =	vmul.f32 v13, v10;
	v10 =	vsub.f32 $1.500000000e+00, v18  }
0x363: {  	v6 =	vsub.f32 $1.500000000e+00, v6;
	v13 =	vshra.s32 v3, $0x1;
	v18 =	vmul.f32 $5.000000000e-01, v3  }
0x364: {  	v13 =	vsub.s32 $0x5F3759DF, v13;
	v14 =	vmul.f32 v36, v14;
	v10 =	vmul.f32 v17, v10  }
0x365: {  	v35 =	vadd.f32 v8, v2;
	v2 =	vmul.f32 v19, v6;
	v16 =	vmul.f32 v13, v18  }
0x366: {  	v1 =	vadd.f32 v25, v1;
	v9 =	vmul.f32 v14, v36;
	v14 =	vmul.f32 v10, v21  }
0x367: {  	v7 =	vadd.f32 v12, v7;
	v17 =	vmul.f32 v2, v20;
	v37 =	vmul.f32 v13, v16  }
0x368: {  	v16 =	vmul.f32 $5.000000000e-01, v1;
	v8 =	vmul.f32 v14, v10;
	v14 =	vshra.s32 v1, $0x1  }
0x369: {  	v6 =	vsub.f32 $1.500000000e+00, v37;
	v9 =	vsub.f32 $1.500000000e+00, v9;
	v14 =	vsub.s32 $0x5F3759DF, v14  }
0x36a: {  	v17 =	vmul.f32 v17, v2;
	v12 =	vmul.f32 v14, v16;
	v8 =	vsub.f32 $1.500000000e+00, v8  }
0x36b: {  	vm10 =	vgt.f32 v0, $1.000000000e+00;
	v6 =	vmul.f32 v13, v6;
	v5 =	vmul.f32 v9, v36  }
0x36c: {  	v9 =	vmul.f32 v14, v12;
	v8 =	vmul.f32 v8, v10;
	v10 =	vsub.f32 $1.500000000e+00, v17  }
0x36d: {  	vm9 =	vgt.f32 v4, $1.000000000e+00;
	vm11 =	vgt.f32 v3, $1.000000000e+00;
	v11 =	vmul.f32 v6, v18  }
0x36e: {  	v38 =	vsub.f32 $1.500000000e+00, v9;
	v21 =	vnsel vm9, $0x3F800000, v8;
	v2 =	vmul.f32 v10, v2  }
0x36f: {  	v39 =	vmul.f32 v11, v6;
	v9 =	vshra.s32 v7, $0x1;
	v11 =	vmul.f32 $5.000000000e-01, v7  }
0x370: {  	v8 =	vshra.s32 v15, $0x1;
	v10 =	vmul.f32 $5.000000000e-01, v15;
	v9 =	vsub.s32 $0x5F3759DF, v9  }
0x371: {  	v41 =	vshra.s32 v35, $0x1;
	v8 =	vsub.s32 $0x5F3759DF, v8;
	v13 =	vmul.f32 v9, v11  }
0x372: {  	v43 =	vnsel vm0, $0x3F800000, v5;
	v4 =	vmul.f32 v14, v38;
	v12 =	vmul.f32 v8, v10  }
0x373: {  	v5 =	vsub.f32 $1.500000000e+00, v39;
	v14 =	vmul.f32 $5.000000000e-01, v35;
	v3 =	vmul.f32 v9, v13  }
0x374: {  	v25 =	vnsel vm10, $0x3F800000, v2;
	v0 =	vmul.f32 v4, v16;
	v40 =	vmul.f32 v8, v12  }
0x375: {  	s3 =	simm.s32 $0x1;
	s5 =	simm.s32 $0x2;
	v2 =	vmul.f32 v5, v6;
	v6 =	vsub.s32 $0x5F3759DF, v41;
	v3 =	vsub.f32 $1.500000000e+00, v3  }
0x376: {  	v12 =	vadd.s32 s3, v58;
	v13 =	vadd.s32 s5, v58;
	v5 =	vsub.f32 $1.500000000e+00, v40  }
0x377: {  	v37 =	vand.u32 $0x3F, v13;
	v3 =	vmul.f32 v9, v3;
	v9 =	vand.u32 $0x3F, v12  }
0x378: {  	v5 =	vmul.f32 v8, v5;
	v8 =	vmul.f32 v6, v14;
	v16 =	vor.u32 v61, v9  }
0x379: {  	v0 =	vmul.f32 v0, v4;
	v17 =	vor.u32 v61, v37  }
0x37a: {  	vm12 =	vgt.f32 v1, $1.000000000e+00;
	v8 =	vmul.f32 v6, v8;
	v10 =	vmul.f32 v5, v10  }
0x37b: {  	s8 =	simm.s32 $0x3;
	v40 =	vnsel vm11, $0x3F800000, v2;
	v0 =	vsub.f32 $1.500000000e+00, v0;
	v11 =	vmul.f32 v3, v11  }
0x37c: {  	v2 =	vsub.f32 $1.500000000e+00, v8;
	v1 =	vmul.f32 v10, v5;
	v8 =	vadd.s32 s8, v58  }
0x37d: {  	v42 =	vmul.f32 v11, v3;
	v10 =	vshll.u32 v12, $0x7;
	v12 =	vand.u32 $0x3F, v8;
	v11 =	vld.idx.msk [tilespmem:v16+s13+$0x0], $0xffff  }
0x37e: {  	v17 =	vld.idx.msk [tilespmem:v17+s13+$0x0], $0xffff;
	v16 =	vshll.u32 v13, $0x7;
	v13 =	vand.u32 $0x1F80, v10;
	v10 =	vor.u32 v61, v12  }
0x37f: {  	v0 =	vmul.f32 v0, v4;
	v23 =	vand.u32 $0x1F80, v16;
	v18 =	vor.u32 v58, v13  }
0x380: {  	v20 =	vor.u32 v58, v23  }
0x381: {  	v26 =	vnsel vm12, $0x3F800000, v0;
	v0 =	vsub.f32 $1.500000000e+00, v1  }
0x382: {  	v11 =	vmul.f32 v11, v43  }
0x383: {  	v5 =	vmul.f32 v0, v5;
	v0 =	vshll.u32 v8, $0x7;
	v8 =	vld.idx.msk [tilespmem:v10+s13+$0x0], $0xffff;
	v10 =	vmul.f32 v17, v43  }
0x384: {  	s7 =	simm.s32 $0x0;
	v19 =	vor.u32 v55, v9;
	[tilespmem:v18+s23+$0x0] =	vst.idx.msk $0xffff, v11  }
0x385: {  	v44 =	vadd.s32 s7, v58;
	[tilespmem:v20+s23+$0x0] =	vst.idx.msk $0xffff, v10  }
0x386: {  	v28 =	vand.u32 $0x3F, v44;
	v2 =	vmul.f32 v6, v2;
	v52 =	vld [tilespmem:$0x1FF50]  }
0x387: {  	v16 =	vor.u32 v61, v28  }
0x388: {  	v1 =	vor.u32 v55, v37;
	v14 =	vmul.f32 v2, v14;
	v34 =	vld [tilespmem:$0x1FF30]  }
0x389: {  	v48 =	vand.u32 $0x1F80, v0;
	v10 =	vld.idx.msk [tilespmem:v19+s13+$0x0], $0xffff  }
0x38a: {  	v6 =	vshll.u32 v44, $0x7;
	v14 =	vmul.f32 v14, v2;
	v11 =	vor.u32 v58, v48  }
0x38b: {  	v50 =	vand.u32 $0x1F80, v6;
	v49 =	vor.u32 v52, v13  }
0x38c: {  	v46 =	vor.u32 v62, v50;
	v45 =	vsub.f32 $1.500000000e+00, v14;
	v14 =	vld.idx.msk [tilespmem:v16+s13+$0x0], $0xffff  }
0x38d: {  	v1 =	vld.idx.msk [tilespmem:v1+s13+$0x0], $0xffff;
	[tilespmem:$0x1FB50] =	vst v46;
	v51 =	vmul.f32 v8, v43;
	v47 =	vor.u32 v34, v13  }
0x38e: {  	v32 =	vmul.f32 v10, v21;
	[tilespmem:$0x1FB60] =	vst v47  }
0x38f: {  	[tilespmem:v11+s23+$0x0] =	vst.idx.msk $0xffff, v51  }
0x390: {  	[tilespmem:v49+s23+$0x0] =	vst.idx.msk $0xffff, v32  }
0x391: {  	v0 =	vmul.f32 v45, v2;
	v2 =	vor.u32 v55, v12;
	v38 =	vld [tilespmem:$0x1FF70];
	_ =	sdelay $0x1  }
0x392: {  	vm13 =	vgt.f32 v15, $1.000000000e+00;
	v15 =	vor.u32 v52, v23  }
0x393: {  	v16 =	vor.u32 v58, v50;
	v8 =	vor.u32 v63, v9  }
0x394: {  	v54 =	vor.u32 v55, v28;
	v17 =	vor.u32 v63, v37  }
0x395: {  	v4 =	vsub.f32 $1.500000000e+00, v42;
	v1 =	vmul.f32 v1, v21;
	v2 =	vld.idx.msk [tilespmem:v2+s13+$0x0], $0xffff;
	v42 =	vor.u32 v38, v23  }
0x396: {  	v10 =	vmul.f32 v14, v43;
	[tilespmem:$0x1FB70] =	vst v42  }
0x397: {  	v33 =	vor.u32 v52, v48;
	v24 =	vld [tilespmem:$0x1FEF0];
	[tilespmem:v15+s23+$0x0] =	vst.idx.msk $0xffff, v1  }
0x398: {  	v3 =	vmul.f32 v4, v3;
	v14 =	vor.u32 v56, v37;
	v6 =	vld.idx.msk [tilespmem:v8+s13+$0x0], $0xffff;
	[tilespmem:v16+s23+$0x0] =	vst.idx.msk $0xffff, v10  }
0x399: {  	vm14 =	vgt.f32 v7, $1.000000000e+00;
	v18 =	vor.u32 v57, v12;
	v10 =	vld.idx.msk [tilespmem:v17+s13+$0x0], $0xffff;
	[tilespmem:$0x1FB80] =	vst v14  }
0x39a: {  	v41 =	vnsel vm13, $0x3F800000, v5;
	v3 =	vnsel vm14, $0x3F800000, v3;
	v2 =	vmul.f32 v2, v21;
	v5 =	vld.idx.msk [tilespmem:v54+s13+$0x0], $0xffff;
	[tilespmem:$0x1FB90] =	vst v18  }
0x39b: {  	[tilespmem:$0x1FBA0] =	vst v3  }
0x39c: {  	[tilespmem:v33+s23+$0x0] =	vst.idx.msk $0xffff, v2  }
0x39d: {  	v36 =	vld [tilespmem:$0x1FE80];
	_ =	sdelay $0x1  }
0x39e: {  	v11 =	vor.u32 v63, v12;
	_ =	sdelay $0x2  }
0x39f: {  	v14 =	vor.u32 v24, v13;
	v47 =	vmul.f32 v10, v25;
	v10 =	vor.u32 v36, v23  }
0x3a0: {  	v16 =	vor.u32 v53, v9;
	[tilespmem:$0x1FBB0] =	vst v10  }
0x3a1: {  	v15 =	vor.u32 v52, v50;
	v10 =	vld.idx.msk [tilespmem:v11+s13+$0x0], $0xffff  }
0x3a2: {  	v18 =	vor.u32 v24, v23;
	v6 =	vmul.f32 v6, v25;
	v11 =	vor.u32 v36, v48;
	[tilespmem:$0x1FBD0] =	vst v21  }
0x3a3: {  	s7 =	simm.s32 $0x6;
	v46 =	vor.u32 v24, v48;
	v17 =	vor.u32 v63, v28;
	[tilespmem:$0x1FBC0] =	vst v11  }
0x3a4: {  	v22 =	vadd.s32 s7, v58;
	s8 =	simm.s32 $0x4;
	v1 =	vor.u32 v53, v12;
	v5 =	vmul.f32 v5, v21;
	[tilespmem:v14+s23+$0x0] =	vst.idx.msk $0xffff, v6  }
0x3a5: {  	v19 =	vor.u32 v38, v13;
	v3 =	vor.u32 v53, v28;
	v21 =	vadd.s32 s8, v58;
	v16 =	vld.idx.msk [tilespmem:v16+s13+$0x0], $0xffff  }
0x3a6: {  	s5 =	simm.s32 $0x5;
	v2 =	vor.u32 v53, v37;
	v53 =	vshll.u32 v21, $0x7;
	[tilespmem:v15+s23+$0x0] =	vst.idx.msk $0xffff, v5;
	v10 =	vmul.f32 v10, v25  }
0x3a7: {  	v8 =	vor.u32 v56, v9;
	v14 =	vadd.s32 s5, v58;
	[tilespmem:v18+s23+$0x0] =	vst.idx.msk $0xffff, v47;
	v33 =	vand.u32 $0x1F80, v53  }
0x3a8: {  	v39 =	vand.u32 $0x3F, v22;
	s8 =	simm.s32 $0x7;
	v17 =	vld.idx.msk [tilespmem:v17+s13+$0x0], $0xffff;
	v51 =	vshll.u32 v14, $0x7;
	[tilespmem:v46+s23+$0x0] =	vst.idx.msk $0xffff, v10;
	v10 =	vor.u32 v62, v33  }
0x3a9: {  	v42 =	vadd.s32 s8, v58;
	v15 =	vor.u32 v61, v39;
	v27 =	vand.u32 $0x1F80, v51;
	v1 =	vld.idx.msk [tilespmem:v1+s13+$0x0], $0xffff;
	[tilespmem:$0x1FBE0] =	vst v10  }
0x3aa: {  	v32 =	vand.u32 $0x3F, v42;
	v54 =	vmul.f32 v16, v40;
	v10 =	vor.u32 v34, v27;
	[tilespmem:$0x1FC00] =	vst v25  }
0x3ab: {  	v31 =	vand.u32 $0x3F, v14;
	v18 =	vor.u32 v61, v32;
	[tilespmem:$0x1FBF0] =	vst v10  }
0x3ac: {  	v30 =	vand.u32 $0x3F, v21;
	v49 =	vor.u32 v61, v31;
	[tilespmem:v19+s23+$0x0] =	vst.idx.msk $0xffff, v54  }
0x3ad: {  	v16 =	vor.u32 v61, v30;
	v7 =	vld.idx.msk [tilespmem:v8+s13+$0x0], $0xffff;
	v8 =	vor.u32 v62, v13  }
0x3ae: {  	v44 =	vor.u32 v62, v48;
	v11 =	vor.u32 v38, v48;
	v14 =	vshll.u32 v22, $0x7;
	[tilespmem:$0x1FC10] =	vst v8  }
0x3af: {  	v6 =	vor.u32 v24, v50;
	v29 =	vand.u32 $0x1F80, v14;
	v14 =	vmul.f32 v17, v25;
	v17 =	vld.idx.msk [tilespmem:v15+s13+$0x0], $0xffff  }
0x3b0: {  	v20 =	vor.u32 v56, v12;
	v45 =	vor.u32 v59, v37;
	v4 =	vor.u32 v36, v13;
	v18 =	vld.idx.msk [tilespmem:v18+s13+$0x0], $0xffff  }
0x3b1: {  	v21 =	vor.u32 v57, v9;
	v22 =	vor.u32 v56, v28;
	v1 =	vmul.f32 v1, v40;
	v5 =	vld.idx.msk [tilespmem:v49+s13+$0x0], $0xffff  }
0x3b2: {  	vm15 =	vgt.f32 v35, $1.000000000e+00;
	v46 =	vor.u32 v59, v39;
	v25 =	vmovc v59;
	v59 =	vor.u32 v55, v39;
	v16 =	vld.idx.msk [tilespmem:v16+s13+$0x0], $0xffff  }
0x3b3: {  	v35 =	vmov v37;
	v19 =	vor.u32 v38, v50;
	[tilespmem:v11+s23+$0x0] =	vst.idx.msk $0xffff, v1;
	v1 =	vmul.f32 v7, v26  }
0x3b4: {  	v0 =	vnsel vm15, $0x3F800000, v0;
	v38 =	vmovc v60;
	v60 =	vor.u32 v55, v31;
	v8 =	vshll.u32 v42, $0x7;
	[tilespmem:v6+s23+$0x0] =	vst.idx.msk $0xffff, v14  }
0x3b5: {  	v37 =	vmov v55;
	v42 =	vand.u32 $0x1F80, v8;
	v15 =	vor.u32 v55, v32;
	v3 =	vld.idx.msk [tilespmem:v3+s13+$0x0], $0xffff;
	[tilespmem:v4+s23+$0x0] =	vst.idx.msk $0xffff, v1  }
0x3b6: {  	v49 =	vor.u32 v58, v42;
	v55 =	vmul.f32 v17, v43;
	v1 =	vmul.f32 v18, v43;
	v4 =	vld.idx.msk [tilespmem:v21+s13+$0x0], $0xffff  }
0x3b7: {  	v8 =	vor.u32 v58, v29;
	v5 =	vmul.f32 v5, v43;
	v16 =	vmul.f32 v16, v43;
	[tilespmem:$0x1FC30] =	vst v43;
	v43 =	vld [tilespmem:$0x1FED0]  }
0x3b8: {  	v56 =	vor.u32 v62, v23;
	v54 =	vor.u32 v58, v27;
	v14 =	vor.u32 v25, v28  }
0x3b9: {  	v10 =	vor.u32 v58, v33;
	v47 =	vor.u32 v25, v12;
	v51 =	vor.u32 v38, v35;
	[tilespmem:$0x1FC20] =	vst v14  }
0x3ba: {  	v6 =	vor.u32 v38, v9;
	v38 =	vor.u32 v38, v12;
	v12 =	vor.u32 v52, v27;
	[tilespmem:$0x1FC40] =	vst v0  }
0x3bb: {  	v53 =	vor.u32 v62, v42;
	v62 =	vor.u32 v57, v28;
	[tilespmem:v49+s23+$0x0] =	vst.idx.msk $0xffff, v1  }
0x3bc: {  	v57 =	vor.u32 v25, v9;
	[tilespmem:v8+s23+$0x0] =	vst.idx.msk $0xffff, v55;
	v13 =	vor.u32 v43, v13  }
0x3bd: {  	v11 =	vor.u32 v36, v50;
	v3 =	vmul.f32 v3, v40;
	v1 =	vld.idx.msk [tilespmem:v20+s13+$0x0], $0xffff;
	[tilespmem:v54+s23+$0x0] =	vst.idx.msk $0xffff, v5  }
0x3be: {  	v14 =	vor.u32 v52, v42;
	v0 =	vor.u32 v63, v32;
	v2 =	vld.idx.msk [tilespmem:v2+s13+$0x0], $0xffff;
	v54 =	vmov v63;
	[tilespmem:$0x1FC50] =	vst v41  }
0x3bf: {  	v49 =	vor.u32 v34, v50;
	v63 =	vld.idx.msk [tilespmem:v60+s13+$0x0], $0xffff;
	[tilespmem:v19+s23+$0x0] =	vst.idx.msk $0xffff, v3;
	v4 =	vmul.f32 v4, v41  }
0x3c0: {  	v20 =	vor.u32 v37, v30;
	v19 =	vor.u32 v54, v31;
	v17 =	vld.idx.msk [tilespmem:v22+s13+$0x0], $0xffff;
	v22 =	vor.u32 v52, v29  }
0x3c1: {  	v21 =	vld.idx.msk [tilespmem:v59+s13+$0x0], $0xffff;
	v55 =	vor.u32 v43, v48;
	v9 =	vor.u32 v43, v50;
	[tilespmem:v13+s23+$0x0] =	vst.idx.msk $0xffff, v4  }
0x3c2: {  	v59 =	vor.u32 v43, v23;
	v60 =	vmul.f32 v1, v26;
	v1 =	vor.u32 v54, v39;
	[tilespmem:$0x1FC60] =	vst v26  }
0x3c3: {  	s3 =	simm.s32 $0x8;
	v13 =	vmul.f32 v2, v40;
	v26 =	vor.u32 v34, v23;
	v18 =	vld.idx.msk [tilespmem:v6+s13+$0x0], $0xffff;
	[tilespmem:$0x1FC70] =	vst v40  }
.LBB2_13:
0x3c4: {  	v25 =	vld [tilespmem:$0x1FBD0]  }
0x3c5: {  	v4 =	vld [tilespmem:$0x1FBC0]  }
0x3c6: {  	v50 =	vld [tilespmem:$0x1FB50]  }
0x3c7: {  	v52 =	vld [tilespmem:$0x1FBE0]  }
0x3c8: {  	v43 =	vld [tilespmem:$0x1FB70]  }
0x3c9: {  	v23 =	vld [tilespmem:$0x1FFC0]  }
0x3ca: {  	v40 =	vld [tilespmem:$0x1FFA0]  }
0x3cb: {  	v54 =	vmov v53;
	v41 =	vld [tilespmem:$0x1FFD0]  }
0x3cc: {  	[tilespmem:$0x1FB40] =	vst v54;
	v6 =	vmov v44;
	v44 =	vld [tilespmem:$0x1FB80]  }
0x3cd: {  	v54 =	vld [tilespmem:$0x1FF50];
	[tilespmem:v4+s23+$0x0] =	vst.idx.msk $0xffff, v60;
	v60 =	vmov v56  }
0x3ce: {  	v2 =	vmul.f32 v63, v25;
	v63 =	vmov v49;
	v49 =	vld [tilespmem:$0x1FF70]  }
0x3cf: {  	[tilespmem:v10+s23+$0x0] =	vst.idx.msk $0xffff, v16;
	v8 =	vmov v52;
	v52 =	vld [tilespmem:$0x1FE80]  }
0x3d0: {  	[tilespmem:$0x1FB20] =	vst v60;
	v60 =	vmov v26;
	v26 =	vld [tilespmem:$0x1FC60]  }
0x3d1: {  	[tilespmem:v12+s23+$0x0] =	vst.idx.msk $0xffff, v2;
	v12 =	vld [tilespmem:$0x1FBA0]  }
0x3d2: {  	[tilespmem:v43+s23+$0x0] =	vst.idx.msk $0xffff, v13;
	v13 =	vld.idx.msk [tilespmem:v20+s13+$0x0], $0xffff  }
0x3d3: {  	v7 =	vmov v46;
	v36 =	vmul.f32 v21, v25;
	v37 =	vld.idx.msk [tilespmem:v15+s13+$0x0], $0xffff  }
0x3d4: {  	[tilespmem:$0x1FB00] =	vst v7;
	v7 =	vld.idx.msk [tilespmem:v44+s13+$0x0], $0xffff  }
0x3d5: {  	[tilespmem:v22+s23+$0x0] =	vst.idx.msk $0xffff, v36;
	v44 =	vld [tilespmem:$0x1FFF0];
	v21 =	vmul.f32 v17, v26  }
0x3d6: {  	[tilespmem:$0x1FB50] =	vst v8;
	v3 =	vor.u32 v49, v29;
	v1 =	vld.idx.msk [tilespmem:v1+s13+$0x0], $0xffff  }
0x3d7: {  	v10 =	vmov v3;
	[tilespmem:v11+s23+$0x0] =	vst.idx.msk $0xffff, v21;
	v11 =	vld [tilespmem:$0x1FB60]  }
0x3d8: {  	[tilespmem:$0x1FB70] =	vst v10;
	v10 =	vld.idx.msk [tilespmem:v62+s13+$0x0], $0xffff  }
0x3d9: {  	v8 =	vor.u32 v34, v48;
	v16 =	vor.u32 v54, v33;
	v37 =	vmul.f32 v37, v25;
	v62 =	vmovc v38;
	v38 =	vld [tilespmem:$0x1FC00]  }
0x3da: {  	[tilespmem:$0x1FAF0] =	vst v8;
	v8 =	vld.idx.msk [tilespmem:v19+s13+$0x0], $0xffff;
	v19 =	vor.u32 v44, v30  }
0x3db: {  	v2 =	vor.u32 v23, v32;
	v3 =	vor.u32 v24, v29;
	[tilespmem:v14+s23+$0x0] =	vst.idx.msk $0xffff, v37;
	v14 =	vld [tilespmem:$0x1FBF0]  }
0x3dc: {  	v4 =	vor.u32 v24, v27;
	v36 =	vor.u32 v23, v39;
	v56 =	vmul.f32 v13, v25;
	v37 =	vld [tilespmem:$0x1FFB0]  }
0x3dd: {  	v18 =	vmul.f32 v18, v12;
	v22 =	vor.u32 v23, v30;
	v21 =	vor.u32 v41, v35;
	v35 =	vmovc v45;
	v45 =	vld [tilespmem:$0x1FC50]  }
0x3de: {  	v17 =	vor.u32 v23, v31;
	v23 =	vld [tilespmem:$0x1FBB0];
	[tilespmem:v16+s23+$0x0] =	vst.idx.msk $0xffff, v56;
	v1 =	vmul.f32 v1, v38  }
0x3df: {  	v19 =	vld.idx.msk [tilespmem:v19+s13+$0x0], $0xffff;
	[tilespmem:v11+s23+$0x0] =	vst.idx.msk $0xffff, v18  }
0x3e0: {  	[tilespmem:v3+s23+$0x0] =	vst.idx.msk $0xffff, v1;
	v18 =	vld.idx.msk [tilespmem:v57+s13+$0x0], $0xffff  }
0x3e1: {  	v8 =	vmul.f32 v8, v38;
	v13 =	vld.idx.msk [tilespmem:v36+s13+$0x0], $0xffff  }
0x3e2: {  	[tilespmem:$0x1FB30] =	vst v6;
	v1 =	vmul.f32 v10, v45;
	v36 =	vld [tilespmem:$0x1FC40]  }
0x3e3: {  	v6 =	vor.u32 v24, v42;
	[tilespmem:v4+s23+$0x0] =	vst.idx.msk $0xffff, v8;
	v8 =	vor.u32 v24, v33;
	v24 =	vld [tilespmem:$0x1FC10]  }
0x3e4: {  	s5 =	smov.u32 s3;
	v5 =	vmov v50;
	v46 =	vor.u32 v40, v39;
	v20 =	vor.u32 v41, v32;
	[tilespmem:v9+s23+$0x0] =	vst.idx.msk $0xffff, v1;
	v1 =	vld [tilespmem:$0x1FB90]  }
0x3e5: {  	s8 =	sadd.s32 $0x2, s5;
	[tilespmem:$0x1FB10] =	vst v5;
	v43 =	vadd.s32 s5, v58;
	v7 =	vmul.f32 v7, v26;
	v0 =	vld.idx.msk [tilespmem:v0+s13+$0x0], $0xffff;
	v3 =	vor.u32 v37, v28  }
0x3e6: {  	[tilespmem:$0x1FB80] =	vst v46;
	v48 =	vmovc v14;
	v28 =	vadd.s32 s8, v58;
	v57 =	vand.u32 $0x3F, v43;
	v43 =	vshll.u32 v43, $0x7;
	v14 =	vld.idx.msk [tilespmem:v17+s13+$0x0], $0xffff  }
0x3e7: {  	v50 =	vmovc v39;
	v15 =	vor.u32 v40, v31;
	[tilespmem:v23+s23+$0x0] =	vst.idx.msk $0xffff, v7;
	v39 =	vand.u32 $0x3F, v28;
	v7 =	vand.u32 $0x1F80, v43;
	v43 =	vld [tilespmem:$0x1FC70]  }
0x3e8: {  	s7 =	sadd.s32 $0x1, s5;
	v46 =	vor.u32 v52, v29;
	v53 =	vor.u32 v52, v42;
	v5 =	vld.idx.msk [tilespmem:v21+s13+$0x0], $0xffff;
	v21 =	vor.u32 v61, v39  }
0x3e9: {  	s5 =	sadd.s32 $0x3, s5;
	[tilespmem:$0x1FBC0] =	vst v53;
	v16 =	vmovc v46;
	v11 =	vor.u32 v49, v27;
	v10 =	vadd.s32 s7, v58;
	v18 =	vmul.f32 v18, v36  }
0x3ea: {  	v53 =	vadd.s32 s5, v58;
	[tilespmem:$0x1FBB0] =	vst v16;
	v0 =	vmul.f32 v0, v38;
	v23 =	vand.u32 $0x3F, v10;
	v3 =	vld.idx.msk [tilespmem:v3+s13+$0x0], $0xffff  }
0x3eb: {  	v10 =	vshll.u32 v10, $0x7;
	v16 =	vor.u32 v61, v23;
	v9 =	vmovc v20;
	[tilespmem:v24+s23+$0x0] =	vst.idx.msk $0xffff, v18;
	v24 =	vmov v47;
	v47 =	vld [tilespmem:$0x1FF60]  }
0x3ec: {  	v20 =	vand.u32 $0x3F, v53;
	[tilespmem:$0x1FB90] =	vst v9;
	v9 =	vand.u32 $0x1F80, v10;
	v10 =	vmul.f32 v14, v43;
	v1 =	vld.idx.msk [tilespmem:v1+s13+$0x0], $0xffff  }
0x3ed: {  	v56 =	vor.u32 v61, v20;
	v5 =	vmul.f32 v5, v45;
	[tilespmem:v6+s23+$0x0] =	vst.idx.msk $0xffff, v0;
	v6 =	vld.idx.msk [tilespmem:v21+s13+$0x0], $0xffff  }
0x3ee: {  	v18 =	vshll.u32 v28, $0x7;
	v28 =	vmov v30;
	v30 =	vmov v57;
	[tilespmem:v11+s23+$0x0] =	vst.idx.msk $0xffff, v10;
	v2 =	vld.idx.msk [tilespmem:v2+s13+$0x0], $0xffff  }
0x3ef: {  	v0 =	vor.u32 v61, v30;
	[tilespmem:v59+s23+$0x0] =	vst.idx.msk $0xffff, v5;
	v3 =	vmul.f32 v3, v12;
	v11 =	vld.idx.msk [tilespmem:v15+s13+$0x0], $0xffff  }
0x3f0: {  	v21 =	vld.idx.msk [tilespmem:v51+s13+$0x0], $0xffff  }
0x3f1: {  	[tilespmem:v63+s23+$0x0] =	vst.idx.msk $0xffff, v3;
	v3 =	vld [tilespmem:$0x1FC20]  }
0x3f2: {  	v17 =	vor.u32 v49, v42;
	v14 =	vmul.f32 v19, v38;
	v51 =	vld.idx.msk [tilespmem:v56+s13+$0x0], $0xffff  }
0x3f3: {  	v16 =	vld.idx.msk [tilespmem:v16+s13+$0x0], $0xffff  }
0x3f4: {  	v57 =	vor.u32 v52, v27;
	v1 =	vmul.f32 v1, v45;
	v0 =	vld.idx.msk [tilespmem:v0+s13+$0x0], $0xffff;
	[tilespmem:v8+s23+$0x0] =	vst.idx.msk $0xffff, v14  }
0x3f5: {  	v2 =	vmul.f32 v2, v43;
	v8 =	vld.idx.msk [tilespmem:v22+s13+$0x0], $0xffff  }
0x3f6: {  	v19 =	vor.u32 v41, v31;
	v25 =	vand.u32 $0x1F80, v18;
	v22 =	vld [tilespmem:$0x1FC30];
	[tilespmem:v55+s23+$0x0] =	vst.idx.msk $0xffff, v1  }
0x3f7: {  	v18 =	vor.u32 v49, v33;
	v49 =	vld.idx.msk [tilespmem:v62+s13+$0x0], $0xffff;
	[tilespmem:v17+s23+$0x0] =	vst.idx.msk $0xffff, v2;
	v2 =	vmul.f32 v11, v26  }
0x3f8: {  	v4 =	vor.u32 v40, v32;
	v5 =	vor.u32 v40, v28;
	v40 =	vld [tilespmem:$0x1FFE0];
	v11 =	vmul.f32 v21, v12  }
0x3f9: {  	v3 =	vld.idx.msk [tilespmem:v3+s13+$0x0], $0xffff;
	[tilespmem:v57+s23+$0x0] =	vst.idx.msk $0xffff, v2  }
0x3fa: {  	[tilespmem:v60+s23+$0x0] =	vst.idx.msk $0xffff, v11;
	v60 =	vld [tilespmem:$0x1FB10]  }
0x3fb: {  	v61 =	vor.u32 v34, v9;
	v59 =	vor.u32 v58, v9;
	v55 =	vor.u32 v58, v25;
	v17 =	vld.idx.msk [tilespmem:v19+s13+$0x0], $0xffff  }
0x3fc: {  	[tilespmem:$0x1FB60] =	vst v48;
	v15 =	vshll.u32 v53, $0x7;
	v19 =	vmul.f32 v16, v22;
	v16 =	vmul.f32 v0, v22;
	v0 =	vld [tilespmem:$0x1FAF0]  }
0x3fd: {  	v48 =	vmovc v42;
	[tilespmem:$0x1FBF0] =	vst v61;
	v42 =	vand.u32 $0x1F80, v15;
	v10 =	vor.u32 v47, v27;
	v62 =	vor.u32 v41, v28;
	v41 =	vld [tilespmem:$0x1FED0]  }
0x3fe: {  	v15 =	vlaneseq.u32;
	[tilespmem:$0x1FC10] =	vst v10;
	v10 =	vor.u32 v58, v7;
	v2 =	vld.idx.msk [tilespmem:v4+s13+$0x0], $0xffff;
	v6 =	vmul.f32 v6, v22  }
0x3ff: {  	v1 =	vor.u32 v40, v23;
	v58 =	vor.u32 v15, v42;
	v63 =	vmul.f32 v51, v22;
	v21 =	vld.idx.msk [tilespmem:v35+s13+$0x0], $0xffff  }
0x400: {  	v35 =	vmov v50;
	v51 =	vor.u32 v37, v50;
	v50 =	vmul.f32 v8, v43;
	[tilespmem:v55+s23+$0x0] =	vst.idx.msk $0xffff, v6  }
0x401: {  	v38 =	vld [tilespmem:$0x1FF90];
	v34 =	vor.u32 v40, v39;
	[tilespmem:v59+s23+$0x0] =	vst.idx.msk $0xffff, v19;
	v3 =	vmul.f32 v3, v36  }
0x402: {  	v14 =	vmul.f32 v49, v12;
	v22 =	vor.u32 v41, v27;
	v27 =	vmov v9;
	v9 =	vld [tilespmem:$0x1FB00];
	[tilespmem:v18+s23+$0x0] =	vst.idx.msk $0xffff, v50  }
0x403: {  	v13 =	vmul.f32 v13, v43;
	v61 =	vor.u32 v37, v31;
	[tilespmem:v60+s23+$0x0] =	vst.idx.msk $0xffff, v3;
	v3 =	vld [tilespmem:$0x1FB20]  }
0x404: {  	v46 =	vor.u32 v47, v7;
	v60 =	vmul.f32 v2, v26;
	v2 =	vld [tilespmem:$0x1FB30];
	[tilespmem:v0+s23+$0x0] =	vst.idx.msk $0xffff, v14  }
0x405: {  	v53 =	vor.u32 v47, v42;
	v56 =	vor.u32 v47, v29;
	[tilespmem:v58+s23+$0x0] =	vst.idx.msk $0xffff, v63;
	v63 =	vld.idx.msk [tilespmem:v1+s13+$0x0], $0xffff  }
0x406: {  	v47 =	vor.u32 v38, v32;
	[tilespmem:$0x1FBE0] =	vst v46;
	v1 =	vmul.f32 v21, v36;
	v21 =	vld.idx.msk [tilespmem:v34+s13+$0x0], $0xffff  }
0x407: {  	v46 =	vor.u32 v38, v39;
	v15 =	vor.u32 v40, v20;
	v11 =	vor.u32 v52, v33;
	v4 =	vld.idx.msk [tilespmem:v24+s13+$0x0], $0xffff  }
0x408: {  	v57 =	vor.u32 v38, v31;
	v31 =	vmovc v23;
	v12 =	vor.u32 v38, v28;
	v38 =	vor.u32 v37, v32;
	v34 =	vld [tilespmem:$0x1FF30]  }
0x409: {  	p1 =	slt.u32 s3, $0x3C;
	v55 =	vor.u32 v41, v48;
	v19 =	vor.u32 v44, v31;
	v8 =	vmul.f32 v17, v45  }
.Ltmp7:
0x40a: {  	v32 =	vmov v20;
	v59 =	vor.u32 v41, v29;
	[tilespmem:$0x1FC20] =	vst v12;
	v12 =	vor.u32 v54, v27;
	v17 =	vld.idx.msk [tilespmem:v5+s13+$0x0], $0xffff;
	(pc) =	sbr.rel @p1 .LBB2_13-.Ltmp7, $4  }
0x40b: {  	v45 =	vmov v9;
	v9 =	vor.u32 v41, v33;
	v14 =	vor.u32 v54, v42;
	[tilespmem:v22+s23+$0x0] =	vst.idx.msk $0xffff, v8;
	v24 =	vld [tilespmem:$0x1FEF0]  }
0x40c: {  	v0 =	vor.u32 v44, v20;
	v18 =	vld.idx.msk [tilespmem:v61+s13+$0x0], $0xffff;
	[tilespmem:v3+s23+$0x0] =	vst.idx.msk $0xffff, v1;
	v1 =	vmul.f32 v4, v36  }
0x40d: {  	v20 =	vor.u32 v40, v30;
	v22 =	vor.u32 v54, v25;
	v61 =	vld [tilespmem:$0x1FF80];
	v49 =	vor.u32 v34, v33;
	v33 =	vmovc v7  }
0x40e: {  	s3 =	sadd.s32 $0x4, s3;
	v58 =	vlaneseq.u32;
	v26 =	vor.u32 v34, v29;
	v29 =	vmovc v25;
	[tilespmem:v2+s23+$0x0] =	vst.idx.msk $0xffff, v1;
	v1 =	vor.u32 v44, v39;
	v44 =	vld [tilespmem:$0x1FB40]  }
0x40f: {  	_ =	sdelay $0x3  }
0x410: {  	[tilespmem:v10+s23+$0x0] =	vst.idx.msk $0xffff, v16  }
0x411: {  	v4 =	vld [tilespmem:$0x1FF50];
	_ =	sdelay $0x1  }
0x412: {  	v8 =	vld [tilespmem:$0x1FBD0]  }
0x413: {  	v2 =	vld.idx.msk [tilespmem:v20+s13+$0x0], $0xffff;
	_ =	sdelay $0x1  }
0x414: {  	v3 =	vld.idx.msk [tilespmem:v15+s13+$0x0], $0xffff;
	v4 =	vor.u32 v4, v33;
	_ =	sdelay $0x1  }
0x415: {  	v5 =	vmul.f32 v63, v8  }
0x416: {  	v2 =	vmul.f32 v2, v8  }
0x417: {  	v63 =	vld [tilespmem:$0x1FFF0];
	v7 =	vmul.f32 v21, v8;
	[tilespmem:v12+s23+$0x0] =	vst.idx.msk $0xffff, v5  }
0x418: {  	[tilespmem:v4+s23+$0x0] =	vst.idx.msk $0xffff, v2;
	v2 =	vmul.f32 v3, v8  }
0x419: {  	[tilespmem:v22+s23+$0x0] =	vst.idx.msk $0xffff, v7  }
0x41a: {  	[tilespmem:v14+s23+$0x0] =	vst.idx.msk $0xffff, v2  }
0x41b: {  	v40 =	vld [tilespmem:$0x1FBC0];
	_ =	sdelay $0x7  }
0x41c: {  	[tilespmem:v40+s23+$0x0] =	vst.idx.msk $0xffff, v60  }
0x41d: {  	v8 =	vld [tilespmem:$0x1FB70];
	_ =	sdelay $0x5  }
0x41e: {  	v6 =	vor.u32 v63, v30  }
0x41f: {  	v5 =	vld.idx.msk [tilespmem:v19+s13+$0x0], $0xffff  }
0x420: {  	v52 =	vld [tilespmem:$0x1FFC0];
	[tilespmem:v8+s23+$0x0] =	vst.idx.msk $0xffff, v13  }
0x421: {  	v13 =	vld [tilespmem:$0x1FC00]  }
0x422: {  	v1 =	vld.idx.msk [tilespmem:v1+s13+$0x0], $0xffff  }
0x423: {  	v3 =	vor.u32 v24, v27;
	v4 =	vld.idx.msk [tilespmem:v6+s13+$0x0], $0xffff  }
0x424: {  	v2 =	vor.u32 v24, v29  }
0x425: {  	v43 =	vor.u32 v24, v33  }
0x426: {  	v5 =	vmul.f32 v5, v13  }
0x427: {  	v1 =	vmul.f32 v1, v13  }
0x428: {  	v4 =	vmul.f32 v4, v13;
	[tilespmem:v3+s23+$0x0] =	vst.idx.msk $0xffff, v5  }
0x429: {  	v0 =	vld.idx.msk [tilespmem:v0+s13+$0x0], $0xffff;
	v41 =	vor.u32 v52, v31;
	[tilespmem:v2+s23+$0x0] =	vst.idx.msk $0xffff, v1  }
0x42a: {  	v1 =	vld [tilespmem:$0x1FB80];
	[tilespmem:v43+s23+$0x0] =	vst.idx.msk $0xffff, v4  }
0x42b: {  	v10 =	vor.u32 v24, v42;
	v15 =	vld [tilespmem:$0x1FC60];
	_ =	sdelay $0x2  }
0x42c: {  	v0 =	vmul.f32 v0, v13;
	v2 =	vld.idx.msk [tilespmem:v41+s13+$0x0], $0xffff  }
0x42d: {  	v14 =	vld [tilespmem:$0x1FF70]  }
0x42e: {  	v50 =	vmul.f32 v17, v15;
	v17 =	vld [tilespmem:$0x1FBA0];
	[tilespmem:v10+s23+$0x0] =	vst.idx.msk $0xffff, v0  }
0x42f: {  	v40 =	vld [tilespmem:$0x1FFD0]  }
0x430: {  	v41 =	vld [tilespmem:$0x1FFA0];
	[tilespmem:v11+s23+$0x0] =	vst.idx.msk $0xffff, v50  }
0x431: {  	v11 =	vld [tilespmem:$0x1FB60];
	_ =	sdelay $0x2  }
0x432: {  	v8 =	vor.u32 v52, v30;
	_ =	sdelay $0x2  }
0x433: {  	v54 =	vmul.f32 v18, v17  }
0x434: {  	v12 =	vor.u32 v52, v39  }
0x435: {  	v7 =	vld.idx.msk [tilespmem:v8+s13+$0x0], $0xffff;
	[tilespmem:v11+s23+$0x0] =	vst.idx.msk $0xffff, v54  }
0x436: {  	v16 =	vld [tilespmem:$0x1FC70]  }
0x437: {  	v3 =	vor.u32 v52, v32;
	v18 =	vld [tilespmem:$0x1FBB0]  }
0x438: {  	v0 =	vor.u32 v14, v27;
	v1 =	vld.idx.msk [tilespmem:v1+s13+$0x0], $0xffff  }
0x439: {  	v10 =	vld.idx.msk [tilespmem:v12+s13+$0x0], $0xffff;
	v60 =	vor.u32 v14, v33;
	_ =	sdelay $0x1  }
0x43a: {  	v4 =	vor.u32 v14, v29;
	v2 =	vmul.f32 v2, v16  }
0x43b: {  	v3 =	vld.idx.msk [tilespmem:v3+s13+$0x0], $0xffff;
	v7 =	vmul.f32 v7, v16  }
0x43c: {  	v12 =	vor.u32 v41, v31;
	v1 =	vmul.f32 v1, v15;
	[tilespmem:v0+s23+$0x0] =	vst.idx.msk $0xffff, v2  }
0x43d: {  	v2 =	vmul.f32 v10, v16;
	[tilespmem:v60+s23+$0x0] =	vst.idx.msk $0xffff, v7  }
0x43e: {  	v13 =	vld.idx.msk [tilespmem:v62+s13+$0x0], $0xffff;
	[tilespmem:v18+s23+$0x0] =	vst.idx.msk $0xffff, v1  }
0x43f: {  	v8 =	vor.u32 v40, v35;
	v60 =	vld [tilespmem:$0x1FFB0];
	[tilespmem:v4+s23+$0x0] =	vst.idx.msk $0xffff, v2  }
0x440: {  	v3 =	vmul.f32 v3, v16;
	v16 =	vld [tilespmem:$0x1FC50]  }
0x441: {  	v14 =	vor.u32 v14, v42;
	v35 =	vor.u32 v41, v30;
	v36 =	vld.idx.msk [tilespmem:v12+s13+$0x0], $0xffff  }
0x442: {  	v11 =	vor.u32 v41, v39;
	v12 =	vld [tilespmem:$0x1FE80];
	_ =	sdelay $0x1  }
0x443: {  	v0 =	vld.idx.msk [tilespmem:v8+s13+$0x0], $0xffff  }
0x444: {  	v2 =	vmul.f32 v13, v16  }
0x445: {  	v6 =	vld.idx.msk [tilespmem:v35+s13+$0x0], $0xffff;
	[tilespmem:v14+s23+$0x0] =	vst.idx.msk $0xffff, v3  }
0x446: {  	v3 =	vld.idx.msk [tilespmem:v11+s13+$0x0], $0xffff;
	v43 =	vor.u32 v12, v27;
	[tilespmem:v9+s23+$0x0] =	vst.idx.msk $0xffff, v2  }
0x447: {  	v8 =	vor.u32 v12, v29;
	v11 =	vor.u32 v12, v33;
	v9 =	vor.u32 v12, v42;
	v12 =	vld [tilespmem:$0x1FB90]  }
0x448: {  	v1 =	vor.u32 v41, v32;
	v0 =	vmul.f32 v0, v16  }
0x449: {  	v5 =	vmul.f32 v36, v15  }
0x44a: {  	v6 =	vmul.f32 v6, v15;
	[tilespmem:v59+s23+$0x0] =	vst.idx.msk $0xffff, v0  }
0x44b: {  	v3 =	vmul.f32 v3, v15;
	[tilespmem:v43+s23+$0x0] =	vst.idx.msk $0xffff, v5  }
0x44c: {  	v37 =	vor.u32 v60, v28;
	[tilespmem:v11+s23+$0x0] =	vst.idx.msk $0xffff, v6  }
0x44d: {  	v10 =	vor.u32 v40, v31;
	v1 =	vld.idx.msk [tilespmem:v1+s13+$0x0], $0xffff;
	[tilespmem:v8+s23+$0x0] =	vst.idx.msk $0xffff, v3  }
0x44e: {  	v2 =	vor.u32 v40, v30;
	v11 =	vld [tilespmem:$0x1FED0]  }
0x44f: {  	v13 =	vor.u32 v40, v39;
	v12 =	vld.idx.msk [tilespmem:v12+s13+$0x0], $0xffff  }
0x450: {  	v0 =	vor.u32 v40, v32  }
0x451: {  	v7 =	vld.idx.msk [tilespmem:v37+s13+$0x0], $0xffff  }
0x452: {  	v1 =	vmul.f32 v1, v15;
	v4 =	vld.idx.msk [tilespmem:v10+s13+$0x0], $0xffff  }
0x453: {  	v2 =	vld.idx.msk [tilespmem:v2+s13+$0x0], $0xffff  }
0x454: {  	[tilespmem:v9+s23+$0x0] =	vst.idx.msk $0xffff, v1;
	v1 =	vld.idx.msk [tilespmem:v13+s13+$0x0], $0xffff;
	v50 =	vor.u32 v11, v27;
	v3 =	vmul.f32 v12, v16  }
0x455: {  	v0 =	vld.idx.msk [tilespmem:v0+s13+$0x0], $0xffff;
	v8 =	vor.u32 v11, v33  }
0x456: {  	v54 =	vmul.f32 v7, v17;
	[tilespmem:v55+s23+$0x0] =	vst.idx.msk $0xffff, v3;
	v3 =	vor.u32 v11, v29  }
0x457: {  	v59 =	vor.u32 v60, v31;
	v4 =	vmul.f32 v4, v16;
	v11 =	vor.u32 v11, v42  }
0x458: {  	v62 =	vld.idx.msk [tilespmem:v51+s13+$0x0], $0xffff;
	[tilespmem:v49+s23+$0x0] =	vst.idx.msk $0xffff, v54;
	v2 =	vmul.f32 v2, v16  }
0x459: {  	v1 =	vmul.f32 v1, v16;
	v12 =	vor.u32 v60, v32;
	[tilespmem:v50+s23+$0x0] =	vst.idx.msk $0xffff, v4;
	v35 =	vld.idx.msk [tilespmem:v38+s13+$0x0], $0xffff  }
0x45a: {  	v0 =	vmul.f32 v0, v16;
	[tilespmem:v8+s23+$0x0] =	vst.idx.msk $0xffff, v2  }
0x45b: {  	v36 =	vor.u32 v34, v48;
	[tilespmem:v3+s23+$0x0] =	vst.idx.msk $0xffff, v1  }
0x45c: {  	v2 =	vld.idx.msk [tilespmem:v59+s13+$0x0], $0xffff;
	[tilespmem:v11+s23+$0x0] =	vst.idx.msk $0xffff, v0  }
0x45d: {  	v0 =	vmul.f32 v62, v17;
	v59 =	vld [tilespmem:$0x1FF90]  }
0x45e: {  	v9 =	vor.u32 v60, v30;
	v8 =	vld.idx.msk [tilespmem:v12+s13+$0x0], $0xffff;
	v4 =	vmul.f32 v35, v17  }
0x45f: {  	v10 =	vor.u32 v60, v39;
	v12 =	vld [tilespmem:$0x1FC20];
	[tilespmem:v26+s23+$0x0] =	vst.idx.msk $0xffff, v0  }
0x460: {  	[tilespmem:v36+s23+$0x0] =	vst.idx.msk $0xffff, v4  }
0x461: {  	v0 =	vor.u32 v34, v42;
	v42 =	vld [tilespmem:$0x1FBF0];
	_ =	sdelay $0x1  }
0x462: {  	v37 =	vld.idx.msk [tilespmem:v9+s13+$0x0], $0xffff  }
0x463: {  	v1 =	vld.idx.msk [tilespmem:v10+s13+$0x0], $0xffff  }
0x464: {  	v38 =	vor.u32 v34, v33;
	v3 =	vor.u32 v59, v31  }
0x465: {  	v11 =	vor.u32 v34, v29  }
0x466: {  	v2 =	vmul.f32 v2, v17  }
0x467: {  	v39 =	vmul.f32 v37, v17  }
0x468: {  	v1 =	vmul.f32 v1, v17;
	[tilespmem:v42+s23+$0x0] =	vst.idx.msk $0xffff, v2  }
0x469: {  	[tilespmem:v38+s23+$0x0] =	vst.idx.msk $0xffff, v39;
	v2 =	vld.idx.msk [tilespmem:v3+s13+$0x0], $0xffff;
	v3 =	vmul.f32 v8, v17  }
0x46a: {  	v15 =	vld [tilespmem:$0x1FC40];
	[tilespmem:v11+s23+$0x0] =	vst.idx.msk $0xffff, v1  }
0x46b: {  	v62 =	vld [tilespmem:$0x1FF60];
	[tilespmem:v0+s23+$0x0] =	vst.idx.msk $0xffff, v3  }
0x46c: {  	v0 =	vld [tilespmem:$0x1FC10]  }
0x46d: {  	v9 =	vld.idx.msk [tilespmem:v57+s13+$0x0], $0xffff;
	_ =	sdelay $0x4  }
0x46e: {  	v43 =	vmul.f32 v9, v15  }
0x46f: {  	v14 =	vld.idx.msk [tilespmem:v45+s13+$0x0], $0xffff  }
0x470: {  	v5 =	vld.idx.msk [tilespmem:v47+s13+$0x0], $0xffff;
	[tilespmem:v0+s23+$0x0] =	vst.idx.msk $0xffff, v43  }
0x471: {  	v9 =	vld [tilespmem:$0x1FB50]  }
0x472: {  	v12 =	vld.idx.msk [tilespmem:v12+s13+$0x0], $0xffff  }
0x473: {  	v1 =	vor.u32 v62, v27  }
0x474: {  	v0 =	vmul.f32 v14, v15  }
0x475: {  	v5 =	vmul.f32 v5, v15  }
0x476: {  	v10 =	vor.u32 v59, v30;
	[tilespmem:v56+s23+$0x0] =	vst.idx.msk $0xffff, v0;
	v0 =	vmul.f32 v2, v15  }
0x477: {  	v45 =	vmul.f32 v12, v15;
	[tilespmem:v44+s23+$0x0] =	vst.idx.msk $0xffff, v5  }
0x478: {  	v13 =	vor.u32 v59, v32;
	[tilespmem:v1+s23+$0x0] =	vst.idx.msk $0xffff, v0  }
0x479: {  	[tilespmem:v9+s23+$0x0] =	vst.idx.msk $0xffff, v45  }
0x47a: {  	v1 =	vld [tilespmem:$0x1FBE0]  }
0x47b: {  	v6 =	vld.idx.msk [tilespmem:v10+s13+$0x0], $0xffff  }
0x47c: {  	v8 =	vld.idx.msk [tilespmem:v46+s13+$0x0], $0xffff  }
0x47d: {  	v3 =	vld.idx.msk [tilespmem:v13+s13+$0x0], $0xffff  }
0x47e: {  	v46 =	vor.u32 v62, v29;
	_ =	sdelay $0x1  }
0x47f: {  	v2 =	vmul.f32 v6, v15  }
0x480: {  	v0 =	vmul.f32 v8, v15  }
0x481: {  	[tilespmem:v1+s23+$0x0] =	vst.idx.msk $0xffff, v2;
	v1 =	vmul.f32 v3, v15  }
0x482: {  	s0 =	sadd.s32 $0x2, s0;
	[tilespmem:v46+s23+$0x0] =	vst.idx.msk $0xffff, v0  }
0x483: {  	s7 =	simm.s32 $0x1;
	s3 =	sshll.u32 s0, $0x7;
	[tilespmem:v53+s23+$0x0] =	vst.idx.msk $0xffff, v1  }
0x484: {  	s0 =	sshll.u32 s0, $0xA;
	s3 =	sand.u32 $0x3F00, s3;
	_ =	swait.ge [sflag:s24], $0x2000  }
0x485: {  	s0 =	sand.u32 $0xFFE0000, s0;
	s3 =	sadd.s32 s2, s3;
	[sflag:s24] =	ssyncset.done $0x0  }
0x486: {  	s0 =	sadd.s32 s0, s3;
	v0 =	vadd.s32 s7, v58;
	s7 =	simm.s32 $0x2;
	[sflag:s24] =	ssyncadd.s32 $0xFFFFE000  }
0x487: {  	v0 =	vand.u32 $0x3F, v0;
	[hbm4b:s0+s16] =	stream.strided.scatter [tilespmem:s23], [sflag:$0x7], $0x2000, s17, s16, $0x38;
	[tilespmem:$0x13400] =	vst v63  }
0x488: {  	s5 =	simm.s32 @!p0 $0x5400;
	s3 =	simm.s32 @!p0 $0x80;
	v2 =	vadd.s32 s7, v58;
	v1 =	vor.u32 v61, v0;
	s0 =	sadd.s32 @!p0 $0x280, s12  }
0x489: {  	v47 =	vor.u32 v59, v0;
	v2 =	vand.u32 $0x3F, v2;
	[tilespmem:s5], [sflag:$0x2] =	stream.indirect.gather @!p0 [hbm4b:s4+s3], $0x40, s0, s3, $0xb8;
	[tilespmem:$0x13400] =	vst v63  }
0x48a: {  	s8 =	simm.s32 $0x3;
	v48 =	vor.u32 v63, v2;
	v55 =	vld [tilespmem:$0x1FFE0];
	_ =	swait.ge [sflag:s25], $0x2000  }
0x48b: {  	v50 =	vadd.s32 s8, v58;
	v49 =	vor.u32 v61, v2;
	[sflag:s25] =	ssyncset.done $0x0  }
0x48c: {  	v7 =	vand.u32 $0x3F, v50;
	v8 =	vor.u32 v63, v0;
	[sflag:s25] =	ssyncadd.s32 $0xFFFFE000  }
0x48d: {  	v10 =	vor.u32 v63, v7;
	v1 =	vld.idx.msk [tilespmem:v1+s18+$0x0], $0xffff  }
0x48e: {  	v11 =	vor.u32 v40, v0;
	v4 =	vld.idx.msk [tilespmem:v47+s18+$0x0], $0xffff  }
0x48f: {  	v12 =	vor.u32 v61, v7;
	v5 =	vld.idx.msk [tilespmem:v48+s18+$0x0], $0xffff  }
0x490: {  	v13 =	vor.u32 v40, v2;
	v6 =	vld.idx.msk [tilespmem:v49+s18+$0x0], $0xffff  }
0x491: {  	v14 =	vor.u32 v40, v7;
	v8 =	vld.idx.msk [tilespmem:v8+s18+$0x0], $0xffff  }
0x492: {  	v16 =	vor.u32 v41, v0;
	v17 =	vld.idx.msk [tilespmem:v10+s18+$0x0], $0xffff  }
0x493: {  	v29 =	vor.u32 v41, v2;
	s12 =	simm.s32 $0x0;
	v11 =	vld.idx.msk [tilespmem:v11+s18+$0x0], $0xffff  }
0x494: {  	v15 =	vadd.s32 s12, v58;
	v3 =	vor.u32 v55, v0;
	v12 =	vld.idx.msk [tilespmem:v12+s18+$0x0], $0xffff  }
0x495: {  	v15 =	vand.u32 $0x3F, v15;
	v9 =	vor.u32 v55, v2;
	v13 =	vld.idx.msk [tilespmem:v13+s18+$0x0], $0xffff  }
0x496: {  	v18 =	vor.u32 v61, v15;
	v14 =	vld.idx.msk [tilespmem:v14+s18+$0x0], $0xffff  }
0x497: {  	v19 =	vor.u32 v55, v15;
	v25 =	vld.idx.msk [tilespmem:v16+s18+$0x0], $0xffff  }
0x498: {  	v20 =	vor.u32 v52, v15;
	v35 =	vld.idx.msk [tilespmem:v29+s18+$0x0], $0xffff  }
0x499: {  	v34 =	vor.u32 v59, v7;
	v22 =	vor.u32 v63, v15;
	v3 =	vld.idx.msk [tilespmem:v3+s18+$0x0], $0xffff  }
0x49a: {  	v56 =	vor.u32 v41, v7;
	v23 =	vor.u32 v52, v0;
	v30 =	vor.u32 v40, v15;
	v9 =	vld.idx.msk [tilespmem:v9+s18+$0x0], $0xffff  }
0x49b: {  	v26 =	vor.u32 v59, v2;
	v0 =	vor.u32 v60, v0;
	v24 =	vor.u32 v60, v15;
	v31 =	vld.idx.msk [tilespmem:v18+s18+$0x0], $0xffff  }
0x49c: {  	v27 =	vor.u32 v41, v15;
	v51 =	vor.u32 v55, v7;
	v39 =	vor.u32 v59, v15;
	v53 =	vld.idx.msk [tilespmem:v19+s18+$0x0], $0xffff  }
0x49d: {  	v10 =	vimm.f32 $0.0e+00;
	v54 =	vld.idx.msk [tilespmem:v20+s18+$0x0], $0xffff;
	v19 =	vmul.f32 v11, v11;
	v17 =	vmul.f32 v17, v17  }
0x49e: {  	v22 =	vld.idx.msk [tilespmem:v22+s18+$0x0], $0xffff;
	v11 =	vor.u32 v60, v2;
	v21 =	vmul.f32 v5, v5;
	v18 =	vmul.f32 v12, v12  }
0x49f: {  	v29 =	vimm.f32 $0.0e+00;
	v20 =	vmul.f32 v13, v13;
	v28 =	vmul.f32 v9, v9;
	v9 =	vld.idx.msk [tilespmem:v30+s18+$0x0], $0xffff  }
0x4a0: {  	v37 =	vld.idx.msk [tilespmem:v26+s18+$0x0], $0xffff;
	v26 =	vimm.f32 $0.0e+00;
	v16 =	vmul.f32 v14, v14;
	v14 =	vmul.f32 v25, v25  }
0x4a1: {  	v12 =	vor.u32 v52, v2;
	v2 =	vld.idx.msk [tilespmem:v24+s18+$0x0], $0xffff;
	v6 =	vmul.f32 v6, v6;
	v13 =	vmul.f32 v31, v31  }
0x4a2: {  	v24 =	vor.u32 v52, v7;
	v1 =	vmul.f32 v1, v1;
	v31 =	vmul.f32 v8, v8;
	v8 =	vld.idx.msk [tilespmem:v27+s18+$0x0], $0xffff  }
0x4a3: {  	v27 =	vmul.f32 v53, v53;
	v15 =	vmul.f32 v22, v22;
	v36 =	vld.idx.msk [tilespmem:v11+s18+$0x0], $0xffff;
	v11 =	vadd.f32 v13, v10  }
0x4a4: {  	v38 =	vld.idx.msk [tilespmem:v0+s18+$0x0], $0xffff;
	v25 =	vor.u32 v60, v7;
	v3 =	vmul.f32 v3, v3;
	v57 =	vmul.f32 v9, v9  }
0x4a5: {  	v22 =	vmul.f32 v4, v4;
	v30 =	vld.idx.msk [tilespmem:v23+s18+$0x0], $0xffff;
	v13 =	vadd.f32 v27, v10;
	v1 =	vadd.f32 v1, v11  }
0x4a6: {  	v33 =	vmul.f32 v54, v54;
	v53 =	vmovc v52;
	v0 =	vadd.f32 v15, v10;
	v32 =	vmul.f32 v2, v2  }
0x4a7: {  	v27 =	vld.idx.msk [tilespmem:v51+s18+$0x0], $0xffff;
	v15 =	vadd.f32 v3, v13;
	v11 =	vadd.f32 v6, v1;
	v1 =	vmul.f32 v8, v8  }
0x4a8: {  	s0 =	simm.s32 $0x4;
	v13 =	vimm.f32 $0.0e+00;
	v23 =	vadd.f32 v57, v10;
	v9 =	vmul.f32 v36, v36;
	v36 =	vld.idx.msk [tilespmem:v56+s18+$0x0], $0xffff;
	v56 =	vmovc v41;
	v57 =	vmovc v40  }
.LBB2_15:
0x4a9: {  	s3 =	sadd.s32 $0x1, s0;
	s5 =	sadd.s32 $0x2, s0;
	s7 =	sadd.s32 $0x3, s0;
	v2 =	vld.idx.msk [tilespmem:v39+s18+$0x0], $0xffff;
	v3 =	vadd.f32 v31, v0;
	v4 =	vadd.f32 v28, v15;
	v5 =	vmul.f32 v37, v37  }
0x4aa: {  	p1 =	slt.u32 s0, $0x3C;
	v7 =	vmul.f32 v38, v38;
	v0 =	vadd.s32 s3, v58;
	v6 =	vadd.s32 s5, v58;
	v8 =	vld.idx.msk [tilespmem:v12+s18+$0x0], $0xffff;
	s3 =	smov.u32 s0;
	s0 =	sadd.s32 $0x4, s0  }
0x4ab: {  	v1 =	vadd.f32 v1, v10;
	v12 =	vand.u32 $0x3F, v0;
	v6 =	vand.u32 $0x3F, v6;
	v10 =	vld.idx.msk [tilespmem:v24+s18+$0x0], $0xffff  }
0x4ac: {  	v15 =	vadd.s32 s7, v58;
	v24 =	vor.u32 v61, v12;
	v0 =	vor.u32 v53, v12;
	v25 =	vld.idx.msk [tilespmem:v25+s18+$0x0], $0xffff  }
0x4ad: {  	v15 =	vand.u32 $0x3F, v15;
	v28 =	vor.u32 v55, v12;
	v38 =	vor.u32 v60, v12;
	v31 =	vld.idx.msk [tilespmem:v34+s18+$0x0], $0xffff  }
0x4ae: {  	v29 =	vadd.f32 v32, v29;
	v37 =	vor.u32 v59, v6;
	v34 =	vor.u32 v59, v12  }
0x4af: {  	v30 =	vmul.f32 v30, v30;
	v32 =	vor.u32 v63, v6;
	v1 =	vadd.f32 v14, v1  }
0x4b0: {  	v26 =	vadd.f32 v33, v26;
	v14 =	vor.u32 v61, v6;
	v33 =	vmul.f32 v35, v35  }
0x4b1: {  	v36 =	vmul.f32 v36, v36;
	v2 =	vmul.f32 v2, v2;
	v35 =	vld.idx.msk [tilespmem:v24+s18+$0x0], $0xffff;
	v24 =	vor.u32 v63, v12  }
0x4b2: {  	v27 =	vmul.f32 v27, v27;
	v39 =	vmul.f32 v10, v10;
	v40 =	vld.idx.msk [tilespmem:v28+s18+$0x0], $0xffff;
	v28 =	vor.u32 v55, v6  }
0x4b3: {  	v41 =	vor.u32 v63, v15;
	v1 =	vadd.f32 v33, v1;
	v8 =	vmul.f32 v8, v8;
	v34 =	vld.idx.msk [tilespmem:v34+s18+$0x0], $0xffff  }
0x4b4: {  	v26 =	vadd.f32 v30, v26;
	v4 =	vadd.f32 v27, v4;
	v33 =	vor.u32 v57, v12;
	v32 =	vld.idx.msk [tilespmem:v32+s18+$0x0], $0xffff  }
0x4b5: {  	v2 =	vadd.f32 v2, v13;
	v10 =	vadd.f32 v36, v1;
	v27 =	vld.idx.msk [tilespmem:v14+s18+$0x0], $0xffff;
	v14 =	vor.u32 v61, v15  }
0x4b6: {  	v13 =	vor.u32 v57, v6;
	v30 =	vmul.f32 v31, v31;
	v1 =	vld.idx.msk [tilespmem:v24+s18+$0x0], $0xffff;
	v24 =	vor.u32 v57, v15  }
0x4b7: {  	v12 =	vor.u32 v56, v12;
	v36 =	vmul.f32 v25, v25;
	v31 =	vadd.s32 s3, v58;
	v28 =	vld.idx.msk [tilespmem:v28+s18+$0x0], $0xffff  }
0x4b8: {  	v3 =	vadd.f32 v21, v3;
	v43 =	vor.u32 v56, v6;
	v42 =	vand.u32 $0x3F, v31;
	v25 =	vld.idx.msk [tilespmem:v41+s18+$0x0], $0xffff  }
0x4b9: {  	v19 =	vadd.f32 v19, v23;
	v21 =	vor.u32 v61, v42;
	v31 =	vor.u32 v55, v42;
	v33 =	vld.idx.msk [tilespmem:v33+s18+$0x0], $0xffff  }
0x4ba: {  	v3 =	vadd.f32 v17, v3;
	v23 =	vor.u32 v63, v42;
	v41 =	vor.u32 v53, v42;
	v14 =	vld.idx.msk [tilespmem:v14+s18+$0x0], $0xffff  }
0x4bb: {  	v20 =	vadd.f32 v20, v19;
	v44 =	vor.u32 v56, v42;
	v45 =	vor.u32 v57, v42;
	v13 =	vld.idx.msk [tilespmem:v13+s18+$0x0], $0xffff  }
0x4bc: {  	v46 =	vor.u32 v55, v15;
	v47 =	vor.u32 v56, v15;
	v8 =	vadd.f32 v8, v26;
	v48 =	vld.idx.msk [tilespmem:v24+s18+$0x0], $0xffff  }
0x4bd: {  	v2 =	vadd.f32 v22, v2;
	v49 =	vor.u32 v60, v42;
	v50 =	vld.idx.msk [tilespmem:v12+s18+$0x0], $0xffff;
	v12 =	vor.u32 v53, v6  }
0x4be: {  	v11 =	vadd.f32 v18, v11;
	v7 =	vadd.f32 v7, v29;
	v24 =	vor.u32 v53, v15;
	v22 =	vld.idx.msk [tilespmem:v21+s18+$0x0], $0xffff  }
0x4bf: {  	v2 =	vadd.f32 v5, v2;
	v6 =	vor.u32 v60, v6;
	v19 =	vmul.f32 v33, v33;
	v51 =	vld.idx.msk [tilespmem:v31+s18+$0x0], $0xffff  }
0x4c0: {  	v17 =	vmul.f32 v25, v25;
	v25 =	vor.u32 v60, v15;
	v5 =	vld.idx.msk [tilespmem:v41+s18+$0x0], $0xffff;
	v41 =	vadd.f32 v16, v20  }
0x4c1: {  	v26 =	vadd.f32 v39, v8;
	v21 =	vmul.f32 v32, v32;
	v18 =	vmul.f32 v14, v14;
	v23 =	vld.idx.msk [tilespmem:v23+s18+$0x0], $0xffff  }
0x4c2: {  	v7 =	vadd.f32 v9, v7;
	v20 =	vmul.f32 v13, v13;
	v16 =	vmul.f32 v48, v48;
	v8 =	vld.idx.msk [tilespmem:v49+s18+$0x0], $0xffff  }
0x4c3: {  	v28 =	vmul.f32 v28, v28;
	v13 =	vadd.f32 v30, v2;
	v14 =	vmul.f32 v50, v50;
	v9 =	vld.idx.msk [tilespmem:v45+s18+$0x0], $0xffff  }
0x4c4: {  	v29 =	vadd.f32 v36, v7;
	v31 =	vmul.f32 v1, v1;
	v2 =	vmul.f32 v22, v22;
	v44 =	vld.idx.msk [tilespmem:v44+s18+$0x0], $0xffff  }
0x4c5: {  	v7 =	vmul.f32 v27, v27;
	v1 =	vmul.f32 v51, v51;
	v6 =	vld.idx.msk [tilespmem:v6+s18+$0x0], $0xffff  }
0x4c6: {  	v39 =	vor.u32 v59, v42;
	v2 =	vadd.f32 v2, v11;
	v11 =	vmul.f32 v35, v35;
	v37 =	vld.idx.msk [tilespmem:v37+s18+$0x0], $0xffff  }
.Ltmp8:
0x4c7: {  	v1 =	vadd.f32 v1, v4;
	v4 =	vmul.f32 v23, v23;
	v23 =	vmul.f32 v40, v40;
	v38 =	vld.idx.msk [tilespmem:v38+s18+$0x0], $0xffff;
	(pc) =	sbr.rel @p1 .LBB2_15-.Ltmp8, $4  }
0x4c8: {  	v22 =	vmul.f32 v34, v34;
	v34 =	vor.u32 v59, v15;
	v2 =	vadd.f32 v11, v2;
	v30 =	vld.idx.msk [tilespmem:v0+s18+$0x0], $0xffff  }
0x4c9: {  	v32 =	vmul.f32 v8, v8;
	v0 =	vadd.f32 v4, v3;
	v3 =	vmul.f32 v9, v9;
	v27 =	vld.idx.msk [tilespmem:v46+s18+$0x0], $0xffff  }
0x4ca: {  	v33 =	vmul.f32 v5, v5;
	v15 =	vadd.f32 v23, v1;
	v11 =	vadd.f32 v7, v2;
	v35 =	vld.idx.msk [tilespmem:v43+s18+$0x0], $0xffff  }
0x4cb: {  	v1 =	vmul.f32 v44, v44;
	v23 =	vadd.f32 v3, v41;
	v9 =	vmul.f32 v6, v6;
	v36 =	vld.idx.msk [tilespmem:v47+s18+$0x0], $0xffff  }
0x4cc: {  	_ =	sdelay $0x3  }
0x4cd: {  	v2 =	vld.idx.msk [tilespmem:v39+s18+$0x0], $0xffff;
	v0 =	vadd.f32 v31, v0  }
0x4ce: {  	v3 =	vld.idx.msk [tilespmem:v24+s18+$0x0], $0xffff;
	v4 =	vadd.f32 v28, v15;
	v7 =	vmul.f32 v38, v38;
	v24 =	vadd.f32 v32, v29  }
0x4cf: {  	v5 =	vmul.f32 v37, v37;
	v6 =	vld.idx.msk [tilespmem:v12+s18+$0x0], $0xffff;
	v11 =	vadd.f32 v18, v11;
	v1 =	vadd.f32 v1, v10  }
0x4d0: {  	v8 =	vld.idx.msk [tilespmem:v34+s18+$0x0], $0xffff;
	v10 =	vmul.f32 v30, v30;
	v0 =	vadd.f32 v21, v0;
	v7 =	vadd.f32 v7, v24  }
0x4d1: {  	vm0 =	vgt.f32 v11, $1.000000000e+00;
	v1 =	vadd.f32 v14, v1;
	v15 =	vmul.f32 v35, v35  }
0x4d2: {  	v12 =	vld.idx.msk [tilespmem:v25+s18+$0x0], $0xffff;
	v14 =	vadd.f32 v33, v26;
	v26 =	vmul.f32 v27, v27;
	v25 =	vmul.f32 v36, v36  }
0x4d3: {  	v0 =	vadd.f32 v17, v0;
	v2 =	vmul.f32 v2, v2;
	v3 =	vmul.f32 v3, v3  }
0x4d4: {  	v1 =	vadd.f32 v15, v1;
	v10 =	vadd.f32 v10, v14;
	v6 =	vmul.f32 v6, v6  }
0x4d5: {  	v4 =	vadd.f32 v26, v4;
	v8 =	vmul.f32 v8, v8;
	v14 =	vmul.f32 $5.000000000e-01, v11  }
0x4d6: {  	v15 =	vadd.f32 v19, v23;
	v2 =	vadd.f32 v2, v13;
	v13 =	vshra.s32 v11, $0x1  }
0x4d7: {  	v19 =	vshra.s32 v4, $0x1;
	v21 =	vmul.f32 $5.000000000e-01, v4;
	v13 =	vsub.s32 $0x5F3759DF, v13  }
0x4d8: {  	v15 =	vadd.f32 v20, v15;
	v6 =	vadd.f32 v6, v10;
	v18 =	vmul.f32 v13, v14  }
0x4d9: {  	v20 =	vmul.f32 $5.000000000e-01, v0;
	v17 =	vsub.s32 $0x5F3759DF, v19;
	v19 =	vshra.s32 v0, $0x1  }
0x4da: {  	v19 =	vsub.s32 $0x5F3759DF, v19;
	v10 =	vmul.f32 v13, v18;
	v18 =	vmul.f32 v17, v21  }
0x4db: {  	v7 =	vadd.f32 v9, v7;
	v12 =	vmul.f32 v12, v12;
	v43 =	vmul.f32 v19, v20  }
0x4dc: {  	v2 =	vadd.f32 v22, v2;
	v10 =	vsub.f32 $1.500000000e+00, v10;
	v18 =	vmul.f32 v17, v18  }
0x4dd: {  	v3 =	vadd.f32 v3, v6;
	v15 =	vadd.f32 v16, v15;
	v6 =	vmul.f32 v19, v43  }
0x4de: {  	v2 =	vadd.f32 v5, v2;
	v44 =	vmul.f32 v13, v10;
	v10 =	vsub.f32 $1.500000000e+00, v18  }
0x4df: {  	v6 =	vsub.f32 $1.500000000e+00, v6;
	v13 =	vshra.s32 v3, $0x1;
	v18 =	vmul.f32 $5.000000000e-01, v3  }
0x4e0: {  	v13 =	vsub.s32 $0x5F3759DF, v13;
	v14 =	vmul.f32 v44, v14;
	v10 =	vmul.f32 v17, v10  }
0x4e1: {  	v35 =	vadd.f32 v8, v2;
	v2 =	vmul.f32 v19, v6;
	v16 =	vmul.f32 v13, v18  }
0x4e2: {  	v1 =	vadd.f32 v25, v1;
	v9 =	vmul.f32 v14, v44;
	v14 =	vmul.f32 v10, v21  }
0x4e3: {  	v7 =	vadd.f32 v12, v7;
	v17 =	vmul.f32 v2, v20;
	v45 =	vmul.f32 v13, v16  }
0x4e4: {  	v16 =	vmul.f32 $5.000000000e-01, v1;
	v8 =	vmul.f32 v14, v10;
	v14 =	vshra.s32 v1, $0x1  }
0x4e5: {  	v6 =	vsub.f32 $1.500000000e+00, v45;
	v9 =	vsub.f32 $1.500000000e+00, v9;
	v14 =	vsub.s32 $0x5F3759DF, v14  }
0x4e6: {  	v17 =	vmul.f32 v17, v2;
	v12 =	vmul.f32 v14, v16;
	v8 =	vsub.f32 $1.500000000e+00, v8  }
0x4e7: {  	vm10 =	vgt.f32 v0, $1.000000000e+00;
	v6 =	vmul.f32 v13, v6;
	v5 =	vmul.f32 v9, v44  }
0x4e8: {  	v9 =	vmul.f32 v14, v12;
	v8 =	vmul.f32 v8, v10;
	v10 =	vsub.f32 $1.500000000e+00, v17  }
0x4e9: {  	vm9 =	vgt.f32 v4, $1.000000000e+00;
	vm11 =	vgt.f32 v3, $1.000000000e+00;
	v11 =	vmul.f32 v6, v18  }
0x4ea: {  	v46 =	vsub.f32 $1.500000000e+00, v9;
	v21 =	vnsel vm9, $0x3F800000, v8;
	v2 =	vmul.f32 v10, v2  }
0x4eb: {  	v47 =	vmul.f32 v11, v6;
	v9 =	vshra.s32 v7, $0x1;
	v11 =	vmul.f32 $5.000000000e-01, v7  }
0x4ec: {  	v8 =	vshra.s32 v15, $0x1;
	v10 =	vmul.f32 $5.000000000e-01, v15;
	v9 =	vsub.s32 $0x5F3759DF, v9  }
0x4ed: {  	v49 =	vshra.s32 v35, $0x1;
	v8 =	vsub.s32 $0x5F3759DF, v8;
	v13 =	vmul.f32 v9, v11  }
0x4ee: {  	v51 =	vnsel vm0, $0x3F800000, v5;
	v4 =	vmul.f32 v14, v46;
	v12 =	vmul.f32 v8, v10  }
0x4ef: {  	v5 =	vsub.f32 $1.500000000e+00, v47;
	v14 =	vmul.f32 $5.000000000e-01, v35;
	v3 =	vmul.f32 v9, v13  }
0x4f0: {  	v37 =	vnsel vm10, $0x3F800000, v2;
	v0 =	vmul.f32 v4, v16;
	v48 =	vmul.f32 v8, v12  }
0x4f1: {  	s0 =	simm.s32 $0x1;
	s3 =	simm.s32 $0x2;
	v2 =	vmul.f32 v5, v6;
	v6 =	vsub.s32 $0x5F3759DF, v49;
	v3 =	vsub.f32 $1.500000000e+00, v3  }
0x4f2: {  	v12 =	vadd.s32 s0, v58;
	v13 =	vadd.s32 s3, v58;
	v5 =	vsub.f32 $1.500000000e+00, v48  }
0x4f3: {  	v44 =	vand.u32 $0x3F, v13;
	v3 =	vmul.f32 v9, v3;
	v9 =	vand.u32 $0x3F, v12  }
0x4f4: {  	v5 =	vmul.f32 v8, v5;
	v8 =	vmul.f32 v6, v14;
	v16 =	vor.u32 v61, v9  }
0x4f5: {  	v0 =	vmul.f32 v0, v4;
	v17 =	vor.u32 v61, v44  }
0x4f6: {  	vm12 =	vgt.f32 v1, $1.000000000e+00;
	v8 =	vmul.f32 v6, v8;
	v10 =	vmul.f32 v5, v10  }
0x4f7: {  	s5 =	simm.s32 $0x3;
	v40 =	vnsel vm11, $0x3F800000, v2;
	v0 =	vsub.f32 $1.500000000e+00, v0;
	v11 =	vmul.f32 v3, v11  }
0x4f8: {  	v2 =	vsub.f32 $1.500000000e+00, v8;
	v1 =	vmul.f32 v10, v5;
	v8 =	vadd.s32 s5, v58  }
0x4f9: {  	v50 =	vmul.f32 v11, v3;
	v10 =	vshll.u32 v12, $0x7;
	v12 =	vand.u32 $0x3F, v8;
	v11 =	vld.idx.msk [tilespmem:v16+s18+$0x0], $0xffff  }
0x4fa: {  	v17 =	vld.idx.msk [tilespmem:v17+s18+$0x0], $0xffff;
	v16 =	vshll.u32 v13, $0x7;
	v13 =	vand.u32 $0x1F80, v10;
	v10 =	vor.u32 v61, v12  }
0x4fb: {  	v0 =	vmul.f32 v0, v4;
	v23 =	vand.u32 $0x1F80, v16;
	v18 =	vor.u32 v58, v13  }
0x4fc: {  	v20 =	vor.u32 v58, v23  }
0x4fd: {  	v41 =	vnsel vm12, $0x3F800000, v0;
	v0 =	vsub.f32 $1.500000000e+00, v1  }
0x4fe: {  	v11 =	vmul.f32 v11, v51  }
0x4ff: {  	v5 =	vmul.f32 v0, v5;
	v0 =	vshll.u32 v8, $0x7;
	v8 =	vld.idx.msk [tilespmem:v10+s18+$0x0], $0xffff;
	v10 =	vmul.f32 v17, v51  }
0x500: {  	s3 =	simm.s32 $0x0;
	v19 =	vor.u32 v55, v9;
	[tilespmem:v18+s26+$0x0] =	vst.idx.msk $0xffff, v11  }
0x501: {  	v52 =	vadd.s32 s3, v58;
	[tilespmem:v20+s26+$0x0] =	vst.idx.msk $0xffff, v10  }
0x502: {  	v28 =	vand.u32 $0x3F, v52;
	v2 =	vmul.f32 v6, v2;
	v47 =	vld [tilespmem:$0x1FF50]  }
0x503: {  	v16 =	vor.u32 v61, v28  }
0x504: {  	v1 =	vor.u32 v55, v44;
	v14 =	vmul.f32 v2, v14;
	v46 =	vand.u32 $0x1F80, v0  }
0x505: {  	v11 =	vor.u32 v58, v46;
	v10 =	vld.idx.msk [tilespmem:v19+s18+$0x0], $0xffff  }
0x506: {  	v14 =	vmul.f32 v14, v2  }
0x507: {  	v32 =	vor.u32 v47, v13  }
0x508: {  	v54 =	vsub.f32 $1.500000000e+00, v14;
	v14 =	vld.idx.msk [tilespmem:v16+s18+$0x0], $0xffff;
	v16 =	vor.u32 v59, v44;
	v33 =	vmul.f32 v8, v51  }
0x509: {  	v1 =	vld.idx.msk [tilespmem:v1+s18+$0x0], $0xffff;
	[tilespmem:$0x1F9C0] =	vst v16  }
0x50a: {  	v34 =	vld [tilespmem:$0x1FF30];
	[tilespmem:v11+s26+$0x0] =	vst.idx.msk $0xffff, v33;
	v39 =	vmul.f32 v10, v21;
	v10 =	vor.u32 v62, v46  }
0x50b: {  	[tilespmem:$0x1F9D0] =	vst v10  }
0x50c: {  	v0 =	vmul.f32 v54, v2;
	v2 =	vor.u32 v55, v12;
	[tilespmem:v32+s26+$0x0] =	vst.idx.msk $0xffff, v39  }
0x50d: {  	v26 =	vld [tilespmem:$0x1FF70]  }
0x50e: {  	vm13 =	vgt.f32 v15, $1.000000000e+00;
	v4 =	vsub.f32 $1.500000000e+00, v50;
	v6 =	vshll.u32 v52, $0x7  }
0x50f: {  	v50 =	vand.u32 $0x1F80, v6;
	v8 =	vor.u32 v63, v9;
	v15 =	vor.u32 v47, v23  }
0x510: {  	v17 =	vor.u32 v63, v44;
	v16 =	vor.u32 v58, v50  }
0x511: {  	v36 =	vor.u32 v55, v28;
	v2 =	vld.idx.msk [tilespmem:v2+s18+$0x0], $0xffff  }
0x512: {  	v1 =	vmul.f32 v1, v21;
	v43 =	vor.u32 v26, v23  }
0x513: {  	v42 =	vor.u32 v47, v46;
	v10 =	vmul.f32 v14, v51;
	v24 =	vld [tilespmem:$0x1FEF0];
	[tilespmem:$0x1F9E0] =	vst v43  }
0x514: {  	v3 =	vmul.f32 v4, v3;
	v6 =	vld.idx.msk [tilespmem:v8+s18+$0x0], $0xffff;
	[tilespmem:v15+s26+$0x0] =	vst.idx.msk $0xffff, v1  }
0x515: {  	vm14 =	vgt.f32 v7, $1.000000000e+00;
	v18 =	vor.u32 v57, v12;
	[tilespmem:v16+s26+$0x0] =	vst.idx.msk $0xffff, v10;
	v10 =	vld.idx.msk [tilespmem:v17+s18+$0x0], $0xffff  }
0x516: {  	v38 =	vnsel vm13, $0x3F800000, v5;
	v3 =	vnsel vm14, $0x3F800000, v3;
	v2 =	vmul.f32 v2, v21;
	v5 =	vld.idx.msk [tilespmem:v36+s18+$0x0], $0xffff;
	[tilespmem:$0x1F9F0] =	vst v18  }
0x517: {  	[tilespmem:$0x1FA00] =	vst v3  }
0x518: {  	[tilespmem:v42+s26+$0x0] =	vst.idx.msk $0xffff, v2  }
0x519: {  	v36 =	vld [tilespmem:$0x1FE80];
	_ =	sdelay $0x1  }
0x51a: {  	v11 =	vor.u32 v63, v12  }
0x51b: {  	s5 =	simm.s32 $0x6  }
0x51c: {  	v22 =	vadd.s32 s5, v58  }
0x51d: {  	v14 =	vor.u32 v24, v13;
	v48 =	vmul.f32 v10, v37;
	v10 =	vor.u32 v36, v23  }
0x51e: {  	v52 =	vor.u32 v56, v44;
	v25 =	vor.u32 v62, v50;
	v16 =	vor.u32 v53, v9;
	[tilespmem:$0x1FA10] =	vst v10  }
0x51f: {  	v20 =	vor.u32 v56, v12;
	v45 =	vor.u32 v34, v13;
	v15 =	vor.u32 v47, v50;
	v10 =	vld.idx.msk [tilespmem:v11+s18+$0x0], $0xffff  }
0x520: {  	v18 =	vor.u32 v24, v23;
	v6 =	vmul.f32 v6, v37;
	v11 =	vor.u32 v36, v46;
	[tilespmem:$0x1FA30] =	vst v21  }
0x521: {  	v4 =	vor.u32 v24, v46;
	v19 =	vor.u32 v26, v13;
	v17 =	vor.u32 v63, v28;
	[tilespmem:$0x1FA20] =	vst v11  }
0x522: {  	s8 =	simm.s32 $0x4;
	v39 =	vand.u32 $0x3F, v22;
	v1 =	vor.u32 v53, v12;
	v5 =	vmul.f32 v5, v21;
	[tilespmem:v14+s26+$0x0] =	vst.idx.msk $0xffff, v6  }
0x523: {  	v8 =	vor.u32 v56, v9;
	v3 =	vor.u32 v53, v28;
	v21 =	vadd.s32 s8, v58;
	v16 =	vld.idx.msk [tilespmem:v16+s18+$0x0], $0xffff  }
0x524: {  	s7 =	simm.s32 $0x5;
	s12 =	simm.s32 $0x7;
	v2 =	vor.u32 v53, v44;
	v53 =	vshll.u32 v21, $0x7;
	[tilespmem:v15+s26+$0x0] =	vst.idx.msk $0xffff, v5;
	v10 =	vmul.f32 v10, v37  }
0x525: {  	v42 =	vadd.s32 s12, v58;
	v14 =	vadd.s32 s7, v58;
	[tilespmem:v18+s26+$0x0] =	vst.idx.msk $0xffff, v48;
	v33 =	vand.u32 $0x1F80, v53  }
0x526: {  	v32 =	vand.u32 $0x3F, v42;
	v17 =	vld.idx.msk [tilespmem:v17+s18+$0x0], $0xffff;
	v49 =	vshll.u32 v14, $0x7;
	[tilespmem:v4+s26+$0x0] =	vst.idx.msk $0xffff, v10;
	v10 =	vor.u32 v62, v33  }
0x527: {  	v11 =	vor.u32 v26, v46;
	v30 =	vand.u32 $0x3F, v21;
	v27 =	vand.u32 $0x1F80, v49;
	v1 =	vld.idx.msk [tilespmem:v1+s18+$0x0], $0xffff;
	[tilespmem:$0x1FA40] =	vst v10  }
0x528: {  	v21 =	vor.u32 v56, v28;
	v54 =	vmul.f32 v16, v40;
	v10 =	vor.u32 v34, v27;
	[tilespmem:$0x1FA60] =	vst v37  }
0x529: {  	v56 =	vor.u32 v62, v23;
	v6 =	vor.u32 v24, v50;
	v15 =	vor.u32 v61, v39;
	[tilespmem:$0x1FA50] =	vst v10  }
0x52a: {  	v18 =	vor.u32 v61, v32;
	v48 =	vor.u32 v59, v39;
	v31 =	vand.u32 $0x3F, v14;
	[tilespmem:v19+s26+$0x0] =	vst.idx.msk $0xffff, v54  }
0x52b: {  	v43 =	vmovc v59;
	v59 =	vor.u32 v55, v39;
	v14 =	vshll.u32 v22, $0x7;
	v5 =	vor.u32 v61, v31;
	v7 =	vld.idx.msk [tilespmem:v8+s18+$0x0], $0xffff  }
0x52c: {  	v22 =	vor.u32 v57, v9;
	v16 =	vor.u32 v61, v30;
	v8 =	vor.u32 v62, v13  }
0x52d: {  	v29 =	vand.u32 $0x1F80, v14;
	v4 =	vor.u32 v36, v13;
	v14 =	vmul.f32 v17, v37;
	[tilespmem:$0x1FA70] =	vst v8  }
0x52e: {  	v10 =	vor.u32 v58, v33;
	v19 =	vor.u32 v26, v50;
	v17 =	vld.idx.msk [tilespmem:v15+s18+$0x0], $0xffff;
	v1 =	vmul.f32 v1, v40  }
0x52f: {  	v54 =	vor.u32 v58, v27;
	v26 =	vmov v60;
	v60 =	vor.u32 v55, v31;
	v18 =	vld.idx.msk [tilespmem:v18+s18+$0x0], $0xffff  }
0x530: {  	vm15 =	vgt.f32 v35, $1.000000000e+00;
	v8 =	vshll.u32 v42, $0x7;
	v5 =	vld.idx.msk [tilespmem:v5+s18+$0x0], $0xffff;
	[tilespmem:v11+s26+$0x0] =	vst.idx.msk $0xffff, v1;
	v1 =	vmul.f32 v7, v41  }
0x531: {  	v35 =	vmov v55;
	v37 =	vor.u32 v26, v12;
	v42 =	vand.u32 $0x1F80, v8;
	v16 =	vld.idx.msk [tilespmem:v16+s18+$0x0], $0xffff;
	[tilespmem:v6+s26+$0x0] =	vst.idx.msk $0xffff, v14  }
0x532: {  	v49 =	vor.u32 v58, v42;
	v3 =	vld.idx.msk [tilespmem:v3+s18+$0x0], $0xffff;
	[tilespmem:v4+s26+$0x0] =	vst.idx.msk $0xffff, v1;
	v1 =	vor.u32 v43, v12  }
0x533: {  	v8 =	vor.u32 v58, v29;
	v14 =	vor.u32 v43, v28;
	v11 =	vor.u32 v36, v50;
	[tilespmem:$0x1FA80] =	vst v1;
	v36 =	vld [tilespmem:$0x1FED0]  }
0x534: {  	v0 =	vnsel vm15, $0x3F800000, v0;
	v15 =	vor.u32 v55, v32;
	v6 =	vor.u32 v26, v9;
	v4 =	vld.idx.msk [tilespmem:v22+s18+$0x0], $0xffff;
	[tilespmem:$0x1FA90] =	vst v14  }
0x535: {  	v53 =	vor.u32 v62, v42;
	v62 =	vor.u32 v57, v28;
	v1 =	vmul.f32 v18, v51;
	[tilespmem:$0x1FAA0] =	vst v51  }
0x536: {  	v57 =	vor.u32 v43, v9;
	v55 =	vmul.f32 v17, v51;
	v5 =	vmul.f32 v5, v51;
	[tilespmem:$0x1FAB0] =	vst v0  }
0x537: {  	v16 =	vmul.f32 v16, v51;
	v12 =	vor.u32 v47, v27;
	[tilespmem:v49+s26+$0x0] =	vst.idx.msk $0xffff, v1  }
0x538: {  	v43 =	vor.u32 v34, v23;
	[tilespmem:v8+s26+$0x0] =	vst.idx.msk $0xffff, v55;
	v13 =	vor.u32 v36, v13  }
0x539: {  	v3 =	vmul.f32 v3, v40;
	v14 =	vor.u32 v47, v42;
	v1 =	vld.idx.msk [tilespmem:v20+s18+$0x0], $0xffff;
	[tilespmem:v54+s26+$0x0] =	vst.idx.msk $0xffff, v5  }
0x53a: {  	v51 =	vor.u32 v26, v44;
	v0 =	vor.u32 v63, v32;
	v2 =	vld.idx.msk [tilespmem:v2+s18+$0x0], $0xffff;
	[tilespmem:$0x1FAC0] =	vst v38  }
0x53b: {  	v54 =	vmov v63;
	v20 =	vor.u32 v35, v30;
	v63 =	vld.idx.msk [tilespmem:v60+s18+$0x0], $0xffff;
	v4 =	vmul.f32 v4, v38  }
0x53c: {  	[tilespmem:v19+s26+$0x0] =	vst.idx.msk $0xffff, v3;
	v19 =	vor.u32 v54, v31;
	v22 =	vld.idx.msk [tilespmem:v59+s18+$0x0], $0xffff;
	v55 =	vor.u32 v36, v46  }
0x53d: {  	v9 =	vor.u32 v36, v50;
	v17 =	vld.idx.msk [tilespmem:v21+s18+$0x0], $0xffff;
	v21 =	vor.u32 v47, v29;
	[tilespmem:v13+s26+$0x0] =	vst.idx.msk $0xffff, v4  }
0x53e: {  	v59 =	vor.u32 v36, v23;
	v38 =	vor.u32 v34, v50;
	v60 =	vmul.f32 v1, v41;
	[tilespmem:$0x1FAD0] =	vst v41  }
0x53f: {  	s0 =	simm.s32 $0x8;
	v1 =	vor.u32 v54, v39;
	v13 =	vmul.f32 v2, v40;
	v18 =	vld.idx.msk [tilespmem:v6+s18+$0x0], $0xffff;
	[tilespmem:$0x1FAE0] =	vst v40  }
.LBB2_17:
0x540: {  	v40 =	vld [tilespmem:$0x1F9E0]  }
0x541: {  	v23 =	vld [tilespmem:$0x1FA30]  }
0x542: {  	v49 =	vld [tilespmem:$0x1FF70]  }
0x543: {  	v4 =	vld [tilespmem:$0x1FA20]  }
0x544: {  	v47 =	vld [tilespmem:$0x1FA40]  }
0x545: {  	v54 =	vld [tilespmem:$0x1F9D0]  }
0x546: {  	v26 =	vld [tilespmem:$0x1FFA0]  }
0x547: {  	v50 =	vmov v48;
	v48 =	vld [tilespmem:$0x1FA60]  }
0x548: {  	[tilespmem:v40+s26+$0x0] =	vst.idx.msk $0xffff, v13;
	v40 =	vld [tilespmem:$0x1FAD0]  }
0x549: {  	v41 =	vmov v25;
	v25 =	vld [tilespmem:$0x1FFC0]  }
0x54a: {  	[tilespmem:v10+s26+$0x0] =	vst.idx.msk $0xffff, v16;
	v2 =	vmul.f32 v63, v23;
	v6 =	vmov v54;
	v63 =	vmul.f32 v22, v23;
	v54 =	vld [tilespmem:$0x1FF50]  }
0x54b: {  	v7 =	vmov v47;
	[tilespmem:v4+s26+$0x0] =	vst.idx.msk $0xffff, v60;
	v13 =	vld.idx.msk [tilespmem:v20+s18+$0x0], $0xffff  }
0x54c: {  	[tilespmem:$0x1F9B0] =	vst v7;
	v36 =	vld.idx.msk [tilespmem:v15+s18+$0x0], $0xffff  }
0x54d: {  	[tilespmem:v12+s26+$0x0] =	vst.idx.msk $0xffff, v2;
	v7 =	vld.idx.msk [tilespmem:v52+s18+$0x0], $0xffff;
	v12 =	vmul.f32 v17, v40  }
0x54e: {  	[tilespmem:v21+s26+$0x0] =	vst.idx.msk $0xffff, v63;
	v63 =	vmov v43;
	v43 =	vld [tilespmem:$0x1FA00]  }
0x54f: {  	[tilespmem:v11+s26+$0x0] =	vst.idx.msk $0xffff, v12;
	v12 =	vld [tilespmem:$0x1FE80]  }
0x550: {  	v8 =	vor.u32 v34, v46;
	[tilespmem:$0x1F960] =	vst v50;
	v47 =	vld [tilespmem:$0x1FFD0]  }
0x551: {  	v5 =	vmov v53;
	[tilespmem:$0x1F950] =	vst v8;
	v8 =	vld.idx.msk [tilespmem:v19+s18+$0x0], $0xffff  }
0x552: {  	[tilespmem:$0x1F9D0] =	vst v5;
	v3 =	vor.u32 v49, v29;
	v52 =	vld [tilespmem:$0x1FFF0]  }
0x553: {  	[tilespmem:$0x1F990] =	vst v6;
	v4 =	vor.u32 v24, v27;
	v1 =	vld.idx.msk [tilespmem:v1+s18+$0x0], $0xffff;
	v53 =	vmul.f32 v13, v23  }
0x554: {  	v10 =	vmovc v3;
	v18 =	vmul.f32 v18, v43;
	v5 =	vmul.f32 v36, v23;
	v23 =	vld [tilespmem:$0x1FA10];
	v50 =	vor.u32 v12, v42  }
0x555: {  	v3 =	vor.u32 v24, v29;
	[tilespmem:$0x1F9E0] =	vst v10;
	v10 =	vld.idx.msk [tilespmem:v62+s18+$0x0], $0xffff  }
0x556: {  	v36 =	vor.u32 v25, v39;
	[tilespmem:v45+s26+$0x0] =	vst.idx.msk $0xffff, v18;
	v62 =	vmov v37;
	v37 =	vld [tilespmem:$0x1FFB0]  }
0x557: {  	v16 =	vor.u32 v54, v33;
	v8 =	vmul.f32 v8, v48;
	[tilespmem:$0x1FA20] =	vst v50;
	v50 =	vmov v38;
	v38 =	vld [tilespmem:$0x1FAC0]  }
0x558: {  	v19 =	vor.u32 v52, v30;
	v1 =	vmul.f32 v1, v48;
	[tilespmem:v14+s26+$0x0] =	vst.idx.msk $0xffff, v5;
	v18 =	vld.idx.msk [tilespmem:v57+s18+$0x0], $0xffff  }
0x559: {  	v6 =	vor.u32 v24, v42;
	[tilespmem:v4+s26+$0x0] =	vst.idx.msk $0xffff, v8;
	v0 =	vld.idx.msk [tilespmem:v0+s18+$0x0], $0xffff  }
0x55a: {  	v17 =	vor.u32 v25, v31;
	v8 =	vor.u32 v24, v33;
	[tilespmem:v3+s26+$0x0] =	vst.idx.msk $0xffff, v1;
	v24 =	vld [tilespmem:$0x1FA70]  }
0x55b: {  	[tilespmem:$0x1F970] =	vst v41;
	v13 =	vld.idx.msk [tilespmem:v36+s18+$0x0], $0xffff  }
0x55c: {  	s3 =	smov.u32 s0;
	v41 =	vor.u32 v26, v39;
	[tilespmem:v16+s26+$0x0] =	vst.idx.msk $0xffff, v53;
	v36 =	vld [tilespmem:$0x1FAB0];
	v1 =	vmul.f32 v10, v38  }
0x55d: {  	[tilespmem:$0x1F9A0] =	vst v41;
	v60 =	vmov v56;
	v56 =	vadd.s32 s3, v58;
	v21 =	vor.u32 v47, v44;
	v19 =	vld.idx.msk [tilespmem:v19+s18+$0x0], $0xffff  }
0x55e: {  	s5 =	sadd.s32 $0x1, s3;
	s7 =	sadd.s32 $0x2, s3;
	v41 =	vshll.u32 v56, $0x7;
	v20 =	vor.u32 v47, v32;
	v7 =	vmul.f32 v7, v40;
	[tilespmem:v9+s26+$0x0] =	vst.idx.msk $0xffff, v1;
	v1 =	vld [tilespmem:$0x1F9F0]  }
0x55f: {  	[tilespmem:$0x1F980] =	vst v60;
	v14 =	vld.idx.msk [tilespmem:v17+s18+$0x0], $0xffff;
	v3 =	vor.u32 v37, v28;
	v28 =	vadd.s32 s7, v58;
	v10 =	vadd.s32 s5, v58  }
0x560: {  	[tilespmem:v23+s26+$0x0] =	vst.idx.msk $0xffff, v7;
	v7 =	vand.u32 $0x1F80, v41;
	v41 =	vld [tilespmem:$0x1FAE0];
	v23 =	vand.u32 $0x3F, v10;
	v10 =	vshll.u32 v10, $0x7;
	v9 =	vmovc v20  }
0x561: {  	v60 =	vmov v39;
	v39 =	vand.u32 $0x3F, v28;
	[tilespmem:$0x1F9F0] =	vst v9;
	v9 =	vand.u32 $0x1F80, v10;
	v10 =	vld [tilespmem:$0x1FA80]  }
0x562: {  	v2 =	vor.u32 v25, v32;
	v46 =	vor.u32 v12, v29;
	v5 =	vld.idx.msk [tilespmem:v21+s18+$0x0], $0xffff;
	v21 =	vor.u32 v61, v39  }
0x563: {  	s3 =	sadd.s32 $0x3, s3;
	v15 =	vor.u32 v26, v31;
	v11 =	vor.u32 v49, v27;
	v16 =	vmovc v46;
	v18 =	vmul.f32 v18, v36  }
0x564: {  	v22 =	vor.u32 v25, v30;
	v44 =	vld [tilespmem:$0x1FA50];
	v53 =	vadd.s32 s3, v58;
	[tilespmem:$0x1FA10] =	vst v16;
	v0 =	vmul.f32 v0, v48  }
0x565: {  	v57 =	vand.u32 $0x3F, v56;
	[tilespmem:v24+s26+$0x0] =	vst.idx.msk $0xffff, v18;
	v18 =	vshll.u32 v28, $0x7;
	v28 =	vmovc v30;
	v20 =	vand.u32 $0x3F, v53;
	v3 =	vld.idx.msk [tilespmem:v3+s18+$0x0], $0xffff  }
0x566: {  	v30 =	vmovc v57;
	v56 =	vor.u32 v61, v20;
	v24 =	vmov v10;
	v10 =	vmul.f32 v14, v41;
	v1 =	vld.idx.msk [tilespmem:v1+s18+$0x0], $0xffff  }
0x567: {  	v5 =	vmul.f32 v5, v38;
	v16 =	vor.u32 v61, v23;
	[tilespmem:v6+s26+$0x0] =	vst.idx.msk $0xffff, v0;
	v6 =	vld.idx.msk [tilespmem:v21+s18+$0x0], $0xffff  }
0x568: {  	v0 =	vor.u32 v61, v30;
	[tilespmem:v11+s26+$0x0] =	vst.idx.msk $0xffff, v10;
	v2 =	vld.idx.msk [tilespmem:v2+s18+$0x0], $0xffff  }
0x569: {  	[tilespmem:v59+s26+$0x0] =	vst.idx.msk $0xffff, v5;
	v11 =	vld.idx.msk [tilespmem:v15+s18+$0x0], $0xffff  }
0x56a: {  	v3 =	vmul.f32 v3, v43;
	v21 =	vld.idx.msk [tilespmem:v51+s18+$0x0], $0xffff  }
0x56b: {  	v17 =	vor.u32 v49, v42;
	v14 =	vmul.f32 v19, v48;
	v51 =	vld.idx.msk [tilespmem:v56+s18+$0x0], $0xffff  }
0x56c: {  	[tilespmem:v50+s26+$0x0] =	vst.idx.msk $0xffff, v3;
	v16 =	vld.idx.msk [tilespmem:v16+s18+$0x0], $0xffff  }
0x56d: {  	v57 =	vor.u32 v12, v27;
	v1 =	vmul.f32 v1, v38;
	v0 =	vld.idx.msk [tilespmem:v0+s18+$0x0], $0xffff;
	[tilespmem:v8+s26+$0x0] =	vst.idx.msk $0xffff, v14  }
0x56e: {  	v19 =	vor.u32 v47, v31;
	v2 =	vmul.f32 v2, v41;
	v8 =	vld.idx.msk [tilespmem:v22+s18+$0x0], $0xffff  }
0x56f: {  	v45 =	vmov v44;
	v25 =	vand.u32 $0x1F80, v18;
	v18 =	vor.u32 v49, v33;
	v22 =	vld [tilespmem:$0x1FAA0];
	[tilespmem:v55+s26+$0x0] =	vst.idx.msk $0xffff, v1  }
0x570: {  	v44 =	vor.u32 v34, v9;
	v49 =	vld.idx.msk [tilespmem:v62+s18+$0x0], $0xffff;
	[tilespmem:v17+s26+$0x0] =	vst.idx.msk $0xffff, v2;
	v2 =	vmul.f32 v11, v40  }
0x571: {  	[tilespmem:$0x1FA50] =	vst v44;
	v3 =	vld [tilespmem:$0x1FA90]  }
0x572: {  	v44 =	vld [tilespmem:$0x1FF90];
	[tilespmem:v57+s26+$0x0] =	vst.idx.msk $0xffff, v2  }
0x573: {  	v17 =	vld.idx.msk [tilespmem:v19+s18+$0x0], $0xffff  }
0x574: {  	v19 =	vmul.f32 v16, v22;
	v16 =	vld [tilespmem:$0x1F9C0];
	_ =	sdelay $0x2  }
0x575: {  	v11 =	vmul.f32 v21, v43  }
0x576: {  	v4 =	vor.u32 v26, v32;
	v61 =	vld [tilespmem:$0x1FF60];
	v48 =	vor.u32 v44, v39  }
0x577: {  	v5 =	vor.u32 v26, v28;
	v3 =	vld.idx.msk [tilespmem:v3+s18+$0x0], $0xffff;
	v57 =	vor.u32 v44, v32;
	[tilespmem:v63+s26+$0x0] =	vst.idx.msk $0xffff, v11  }
0x578: {  	v26 =	vld [tilespmem:$0x1FED0];
	v62 =	vor.u32 v47, v28;
	v11 =	vor.u32 v12, v33;
	v12 =	vor.u32 v44, v28;
	[tilespmem:$0x1FA80] =	vst v57  }
0x579: {  	v47 =	vmul.f32 v51, v22;
	v57 =	vor.u32 v44, v31;
	v44 =	vmovc v60;
	v51 =	vor.u32 v37, v60;
	v60 =	vld [tilespmem:$0x1F970]  }
0x57a: {  	v21 =	vld.idx.msk [tilespmem:v16+s18+$0x0], $0xffff  }
0x57b: {  	v34 =	vor.u32 v35, v39;
	v59 =	vor.u32 v58, v9;
	v16 =	vmul.f32 v0, v22;
	v0 =	vld [tilespmem:$0x1F950]  }
0x57c: {  	v46 =	vmovc v42;
	v15 =	vshll.u32 v53, $0x7;
	v42 =	vor.u32 v61, v7;
	v10 =	vor.u32 v61, v27  }
0x57d: {  	v56 =	vor.u32 v61, v29;
	[tilespmem:$0x1FA40] =	vst v42;
	v42 =	vand.u32 $0x1F80, v15;
	v55 =	vor.u32 v58, v25;
	v2 =	vld.idx.msk [tilespmem:v4+s18+$0x0], $0xffff  }
0x57e: {  	[tilespmem:$0x1FA70] =	vst v10;
	v15 =	vlaneseq.u32;
	v14 =	vmul.f32 v49, v43;
	v49 =	vmul.f32 v8, v41  }
0x57f: {  	v10 =	vor.u32 v58, v7;
	v58 =	vor.u32 v15, v42;
	[tilespmem:$0x1FA90] =	vst v12;
	v3 =	vmul.f32 v3, v36  }
0x580: {  	v50 =	vor.u32 v26, v27;
	v6 =	vmul.f32 v6, v22;
	v12 =	vld [tilespmem:$0x1F960];
	[tilespmem:v18+s26+$0x0] =	vst.idx.msk $0xffff, v49  }
0x581: {  	v1 =	vor.u32 v35, v23;
	v53 =	vor.u32 v61, v42;
	[tilespmem:v60+s26+$0x0] =	vst.idx.msk $0xffff, v3;
	v3 =	vld [tilespmem:$0x1F980]  }
0x582: {  	v61 =	vor.u32 v37, v31;
	[tilespmem:v55+s26+$0x0] =	vst.idx.msk $0xffff, v6;
	v60 =	vmul.f32 v2, v40;
	v2 =	vld [tilespmem:$0x1F990]  }
0x583: {  	v22 =	vld.idx.msk [tilespmem:v34+s18+$0x0], $0xffff;
	[tilespmem:v0+s26+$0x0] =	vst.idx.msk $0xffff, v14  }
0x584: {  	v8 =	vmul.f32 v17, v38;
	v34 =	vld [tilespmem:$0x1FF30];
	[tilespmem:v58+s26+$0x0] =	vst.idx.msk $0xffff, v47  }
0x585: {  	v13 =	vmul.f32 v13, v41;
	[tilespmem:v59+s26+$0x0] =	vst.idx.msk $0xffff, v19;
	v4 =	vld.idx.msk [tilespmem:v24+s18+$0x0], $0xffff  }
0x586: {  	v15 =	vor.u32 v35, v20;
	v31 =	vmov v23;
	v63 =	vld.idx.msk [tilespmem:v1+s18+$0x0], $0xffff;
	[tilespmem:v50+s26+$0x0] =	vst.idx.msk $0xffff, v8  }
0x587: {  	p1 =	slt.u32 s0, $0x3C;
	v27 =	vmovc v9;
	v37 =	vor.u32 v37, v32;
	v19 =	vor.u32 v52, v31;
	v9 =	vmov v12;
	v18 =	vld.idx.msk [tilespmem:v61+s18+$0x0], $0xffff  }
.Ltmp9:
0x588: {  	v59 =	vor.u32 v26, v29;
	v12 =	vor.u32 v54, v27;
	[tilespmem:$0x1F9C0] =	vst v9;
	v61 =	vld [tilespmem:$0x1FF80];
	v1 =	vmul.f32 v21, v36;
	(pc) =	sbr.rel @p1 .LBB2_17-.Ltmp9, $4  }
0x589: {  	v9 =	vor.u32 v26, v33;
	v55 =	vor.u32 v26, v46;
	v17 =	vld.idx.msk [tilespmem:v5+s18+$0x0], $0xffff;
	v21 =	vor.u32 v54, v25  }
0x58a: {  	v43 =	vor.u32 v34, v29;
	v29 =	vmov v25;
	v25 =	vld [tilespmem:$0x1F9B0];
	[tilespmem:v3+s26+$0x0] =	vst.idx.msk $0xffff, v1;
	v1 =	vmul.f32 v4, v36  }
0x58b: {  	v32 =	vmovc v20;
	v38 =	vor.u32 v34, v33;
	v14 =	vor.u32 v54, v42;
	v0 =	vor.u32 v52, v20;
	v24 =	vld [tilespmem:$0x1FEF0]  }
0x58c: {  	s0 =	sadd.s32 $0x4, s0;
	v33 =	vmovc v7;
	v20 =	vor.u32 v35, v30;
	v58 =	vlaneseq.u32;
	[tilespmem:v2+s26+$0x0] =	vst.idx.msk $0xffff, v1;
	v1 =	vor.u32 v52, v39;
	v52 =	vld [tilespmem:$0x1F9A0]  }
0x58d: {  	_ =	sdelay $0x3  }
0x58e: {  	[tilespmem:v10+s26+$0x0] =	vst.idx.msk $0xffff, v16  }
0x58f: {  	v4 =	vld [tilespmem:$0x1FF50]  }
0x590: {  	v8 =	vld [tilespmem:$0x1FA30]  }
0x591: {  	v23 =	vld [tilespmem:$0x1FFF0];
	_ =	sdelay $0x1  }
0x592: {  	v2 =	vld.idx.msk [tilespmem:v20+s18+$0x0], $0xffff  }
0x593: {  	v3 =	vld.idx.msk [tilespmem:v15+s18+$0x0], $0xffff  }
0x594: {  	v4 =	vor.u32 v4, v33  }
0x595: {  	v5 =	vmul.f32 v63, v8;
	v6 =	vor.u32 v23, v30  }
0x596: {  	v7 =	vmul.f32 v22, v8  }
0x597: {  	v2 =	vmul.f32 v2, v8;
	[tilespmem:v12+s26+$0x0] =	vst.idx.msk $0xffff, v5  }
0x598: {  	v3 =	vmul.f32 v3, v8;
	[tilespmem:v21+s26+$0x0] =	vst.idx.msk $0xffff, v7  }
0x599: {  	[tilespmem:v4+s26+$0x0] =	vst.idx.msk $0xffff, v2  }
0x59a: {  	[tilespmem:v14+s26+$0x0] =	vst.idx.msk $0xffff, v3;
	v3 =	vld.idx.msk [tilespmem:v6+s18+$0x0], $0xffff  }
0x59b: {  	v6 =	vld [tilespmem:$0x1FA20];
	_ =	sdelay $0x7  }
0x59c: {  	v5 =	vld.idx.msk [tilespmem:v19+s18+$0x0], $0xffff;
	[tilespmem:v6+s26+$0x0] =	vst.idx.msk $0xffff, v60  }
0x59d: {  	v14 =	vld [tilespmem:$0x1FA60]  }
0x59e: {  	v1 =	vld.idx.msk [tilespmem:v1+s18+$0x0], $0xffff  }
0x59f: {  	v0 =	vld.idx.msk [tilespmem:v0+s18+$0x0], $0xffff;
	v2 =	vor.u32 v24, v27  }
0x5a0: {  	v4 =	vor.u32 v24, v29;
	v12 =	vld [tilespmem:$0x1F9E0]  }
0x5a1: {  	v7 =	vor.u32 v24, v33  }
0x5a2: {  	v8 =	vor.u32 v24, v42;
	v5 =	vmul.f32 v5, v14  }
0x5a3: {  	v1 =	vmul.f32 v1, v14  }
0x5a4: {  	v19 =	vld [tilespmem:$0x1FFC0];
	v3 =	vmul.f32 v3, v14;
	[tilespmem:v2+s26+$0x0] =	vst.idx.msk $0xffff, v5  }
0x5a5: {  	v0 =	vmul.f32 v0, v14;
	[tilespmem:v4+s26+$0x0] =	vst.idx.msk $0xffff, v1  }
0x5a6: {  	[tilespmem:v7+s26+$0x0] =	vst.idx.msk $0xffff, v3  }
0x5a7: {  	[tilespmem:v8+s26+$0x0] =	vst.idx.msk $0xffff, v0  }
0x5a8: {  	[tilespmem:v12+s26+$0x0] =	vst.idx.msk $0xffff, v13  }
0x5a9: {  	v54 =	vld [tilespmem:$0x1FAD0];
	_ =	sdelay $0x4  }
0x5aa: {  	v6 =	vor.u32 v19, v31;
	v4 =	vmul.f32 v17, v54;
	v17 =	vld [tilespmem:$0x1FA00]  }
0x5ab: {  	v49 =	vor.u32 v19, v30  }
0x5ac: {  	v1 =	vld.idx.msk [tilespmem:v52+s18+$0x0], $0xffff  }
0x5ad: {  	v52 =	vld [tilespmem:$0x1FF70]  }
0x5ae: {  	v20 =	vld [tilespmem:$0x1FFD0]  }
0x5af: {  	v3 =	vld.idx.msk [tilespmem:v6+s18+$0x0], $0xffff;
	v6 =	vmul.f32 v18, v17  }
0x5b0: {  	v5 =	vld.idx.msk [tilespmem:v49+s18+$0x0], $0xffff;
	[tilespmem:v11+s26+$0x0] =	vst.idx.msk $0xffff, v4  }
0x5b1: {  	v18 =	vld [tilespmem:$0x1FFA0];
	[tilespmem:v45+s26+$0x0] =	vst.idx.msk $0xffff, v6  }
0x5b2: {  	v50 =	vor.u32 v19, v39;
	v16 =	vld [tilespmem:$0x1FAE0]  }
0x5b3: {  	v21 =	vld [tilespmem:$0x1FA10]  }
0x5b4: {  	v7 =	vor.u32 v52, v27  }
0x5b5: {  	v63 =	vor.u32 v52, v33;
	_ =	sdelay $0x1  }
0x5b6: {  	v60 =	vld.idx.msk [tilespmem:v50+s18+$0x0], $0xffff;
	v3 =	vmul.f32 v3, v16  }
0x5b7: {  	v5 =	vmul.f32 v5, v16  }
0x5b8: {  	v1 =	vmul.f32 v1, v54;
	[tilespmem:v7+s26+$0x0] =	vst.idx.msk $0xffff, v3  }
0x5b9: {  	v2 =	vor.u32 v19, v32;
	[tilespmem:v63+s26+$0x0] =	vst.idx.msk $0xffff, v5  }
0x5ba: {  	v0 =	vor.u32 v52, v29;
	[tilespmem:v21+s26+$0x0] =	vst.idx.msk $0xffff, v1  }
0x5bb: {  	v7 =	vmul.f32 v60, v16;
	v60 =	vld [tilespmem:$0x1FFB0];
	_ =	sdelay $0x2  }
0x5bc: {  	v2 =	vld.idx.msk [tilespmem:v2+s18+$0x0], $0xffff  }
0x5bd: {  	v26 =	vld.idx.msk [tilespmem:v62+s18+$0x0], $0xffff;
	v4 =	vor.u32 v18, v31;
	[tilespmem:v0+s26+$0x0] =	vst.idx.msk $0xffff, v7  }
0x5be: {  	v6 =	vor.u32 v18, v30;
	v5 =	vor.u32 v60, v28;
	v28 =	vld [tilespmem:$0x1FAC0]  }
0x5bf: {  	v14 =	vor.u32 v52, v42;
	v24 =	vor.u32 v18, v39;
	v36 =	vld [tilespmem:$0x1FE80]  }
0x5c0: {  	v8 =	vor.u32 v20, v44;
	_ =	sdelay $0x1  }
0x5c1: {  	v2 =	vmul.f32 v2, v16;
	v4 =	vld.idx.msk [tilespmem:v4+s18+$0x0], $0xffff  }
0x5c2: {  	v6 =	vld.idx.msk [tilespmem:v6+s18+$0x0], $0xffff;
	v0 =	vmul.f32 v26, v28  }
0x5c3: {  	[tilespmem:v14+s26+$0x0] =	vst.idx.msk $0xffff, v2;
	v2 =	vld.idx.msk [tilespmem:v24+s18+$0x0], $0xffff;
	v7 =	vor.u32 v36, v27  }
0x5c4: {  	v3 =	vld.idx.msk [tilespmem:v8+s18+$0x0], $0xffff;
	v41 =	vor.u32 v36, v33;
	[tilespmem:v9+s26+$0x0] =	vst.idx.msk $0xffff, v0  }
0x5c5: {  	v1 =	vor.u32 v18, v32;
	v8 =	vor.u32 v36, v29;
	v45 =	vld [tilespmem:$0x1F9F0]  }
0x5c6: {  	v4 =	vmul.f32 v4, v54  }
0x5c7: {  	v6 =	vmul.f32 v6, v54  }
0x5c8: {  	v2 =	vmul.f32 v2, v54;
	[tilespmem:v7+s26+$0x0] =	vst.idx.msk $0xffff, v4  }
0x5c9: {  	v0 =	vmul.f32 v3, v28;
	[tilespmem:v41+s26+$0x0] =	vst.idx.msk $0xffff, v6  }
0x5ca: {  	v1 =	vld.idx.msk [tilespmem:v1+s18+$0x0], $0xffff;
	[tilespmem:v8+s26+$0x0] =	vst.idx.msk $0xffff, v2  }
0x5cb: {  	v40 =	vor.u32 v20, v31;
	[tilespmem:v59+s26+$0x0] =	vst.idx.msk $0xffff, v0  }
0x5cc: {  	v47 =	vor.u32 v20, v39;
	v44 =	vor.u32 v36, v42;
	v11 =	vld [tilespmem:$0x1FED0]  }
0x5cd: {  	v3 =	vor.u32 v20, v30;
	v12 =	vld.idx.msk [tilespmem:v45+s18+$0x0], $0xffff;
	_ =	sdelay $0x1  }
0x5ce: {  	v1 =	vmul.f32 v1, v54;
	v5 =	vld.idx.msk [tilespmem:v5+s18+$0x0], $0xffff  }
0x5cf: {  	v0 =	vor.u32 v20, v32;
	v4 =	vld.idx.msk [tilespmem:v40+s18+$0x0], $0xffff  }
0x5d0: {  	[tilespmem:v44+s26+$0x0] =	vst.idx.msk $0xffff, v1;
	v1 =	vld.idx.msk [tilespmem:v47+s18+$0x0], $0xffff  }
0x5d1: {  	v2 =	vld.idx.msk [tilespmem:v3+s18+$0x0], $0xffff;
	v6 =	vor.u32 v11, v27;
	v3 =	vmul.f32 v12, v28;
	_ =	sdelay $0x1  }
0x5d2: {  	v5 =	vmul.f32 v5, v17;
	[tilespmem:v55+s26+$0x0] =	vst.idx.msk $0xffff, v3;
	v3 =	vor.u32 v11, v29  }
0x5d3: {  	v0 =	vld.idx.msk [tilespmem:v0+s18+$0x0], $0xffff;
	v4 =	vmul.f32 v4, v28  }
0x5d4: {  	v8 =	vor.u32 v11, v33;
	[tilespmem:v38+s26+$0x0] =	vst.idx.msk $0xffff, v5;
	v5 =	vld.idx.msk [tilespmem:v51+s18+$0x0], $0xffff  }
0x5d5: {  	v1 =	vmul.f32 v1, v28;
	[tilespmem:v6+s26+$0x0] =	vst.idx.msk $0xffff, v4;
	v11 =	vor.u32 v11, v42;
	v4 =	vld.idx.msk [tilespmem:v37+s18+$0x0], $0xffff;
	_ =	sdelay $0x1  }
0x5d6: {  	v2 =	vmul.f32 v2, v28;
	[tilespmem:v3+s26+$0x0] =	vst.idx.msk $0xffff, v1;
	v1 =	vor.u32 v34, v46  }
0x5d7: {  	v0 =	vmul.f32 v0, v28  }
0x5d8: {  	v7 =	vor.u32 v60, v31;
	[tilespmem:v8+s26+$0x0] =	vst.idx.msk $0xffff, v2;
	v5 =	vmul.f32 v5, v17  }
0x5d9: {  	v49 =	vor.u32 v60, v30;
	[tilespmem:v11+s26+$0x0] =	vst.idx.msk $0xffff, v0;
	v4 =	vmul.f32 v4, v17  }
0x5da: {  	v50 =	vor.u32 v60, v39;
	v52 =	vld [tilespmem:$0x1FF90];
	[tilespmem:v43+s26+$0x0] =	vst.idx.msk $0xffff, v5  }
0x5db: {  	v51 =	vor.u32 v60, v32;
	v59 =	vld [tilespmem:$0x1FA90];
	[tilespmem:v1+s26+$0x0] =	vst.idx.msk $0xffff, v4  }
0x5dc: {  	v14 =	vld [tilespmem:$0x1FA50]  }
0x5dd: {  	v2 =	vld.idx.msk [tilespmem:v7+s18+$0x0], $0xffff  }
0x5de: {  	v3 =	vld.idx.msk [tilespmem:v49+s18+$0x0], $0xffff  }
0x5df: {  	v0 =	vld.idx.msk [tilespmem:v50+s18+$0x0], $0xffff  }
0x5e0: {  	v7 =	vor.u32 v34, v33;
	v8 =	vld.idx.msk [tilespmem:v51+s18+$0x0], $0xffff  }
0x5e1: {  	v54 =	vld.idx.msk [tilespmem:v57+s18+$0x0], $0xffff;
	v57 =	vor.u32 v34, v29  }
0x5e2: {  	v2 =	vmul.f32 v2, v17;
	v5 =	vor.u32 v34, v42  }
0x5e3: {  	v3 =	vmul.f32 v3, v17;
	v4 =	vld [tilespmem:$0x1F9C0]  }
0x5e4: {  	v0 =	vmul.f32 v0, v17;
	[tilespmem:v14+s26+$0x0] =	vst.idx.msk $0xffff, v2  }
0x5e5: {  	v2 =	vld [tilespmem:$0x1FA80];
	[tilespmem:v7+s26+$0x0] =	vst.idx.msk $0xffff, v3;
	v3 =	vmul.f32 v8, v17  }
0x5e6: {  	[tilespmem:v57+s26+$0x0] =	vst.idx.msk $0xffff, v0  }
0x5e7: {  	v11 =	vld [tilespmem:$0x1FAB0];
	[tilespmem:v5+s26+$0x0] =	vst.idx.msk $0xffff, v3  }
0x5e8: {  	v63 =	vld [tilespmem:$0x1FA70];
	_ =	sdelay $0x1  }
0x5e9: {  	v12 =	vld.idx.msk [tilespmem:v59+s18+$0x0], $0xffff  }
0x5ea: {  	v4 =	vld.idx.msk [tilespmem:v4+s18+$0x0], $0xffff;
	_ =	sdelay $0x1  }
0x5eb: {  	v6 =	vor.u32 v52, v31  }
0x5ec: {  	v0 =	vmul.f32 v54, v11  }
0x5ed: {  	v5 =	vmul.f32 v12, v11  }
0x5ee: {  	v62 =	vld [tilespmem:$0x1FF60];
	[tilespmem:v63+s26+$0x0] =	vst.idx.msk $0xffff, v0;
	v0 =	vmul.f32 v4, v11  }
0x5ef: {  	[tilespmem:v25+s26+$0x0] =	vst.idx.msk $0xffff, v5  }
0x5f0: {  	v6 =	vld.idx.msk [tilespmem:v6+s18+$0x0], $0xffff;
	[tilespmem:v56+s26+$0x0] =	vst.idx.msk $0xffff, v0  }
0x5f1: {  	v5 =	vld [tilespmem:$0x1F9D0]  }
0x5f2: {  	v2 =	vld.idx.msk [tilespmem:v2+s18+$0x0], $0xffff  }
0x5f3: {  	v3 =	vor.u32 v62, v27  }
0x5f4: {  	v1 =	vor.u32 v52, v32;
	_ =	sdelay $0x1  }
0x5f5: {  	v55 =	vor.u32 v52, v30;
	v0 =	vmul.f32 v6, v11  }
0x5f6: {  	v2 =	vmul.f32 v2, v11  }
0x5f7: {  	v8 =	vld.idx.msk [tilespmem:v48+s18+$0x0], $0xffff;
	[tilespmem:v3+s26+$0x0] =	vst.idx.msk $0xffff, v0  }
0x5f8: {  	v1 =	vld.idx.msk [tilespmem:v1+s18+$0x0], $0xffff;
	[tilespmem:v5+s26+$0x0] =	vst.idx.msk $0xffff, v2  }
0x5f9: {  	v3 =	vld [tilespmem:$0x1FA40]  }
0x5fa: {  	v7 =	vld.idx.msk [tilespmem:v55+s18+$0x0], $0xffff;
	v4 =	vor.u32 v62, v29;
	_ =	sdelay $0x2  }
0x5fb: {  	v0 =	vmul.f32 v8, v11  }
0x5fc: {  	v1 =	vmul.f32 v1, v11  }
0x5fd: {  	v2 =	vmul.f32 v7, v11;
	[tilespmem:v4+s26+$0x0] =	vst.idx.msk $0xffff, v0  }
0x5fe: {  	s0 =	sadd.s32 s6, s1;
	[tilespmem:v53+s26+$0x0] =	vst.idx.msk $0xffff, v1  }
.Ltmp10:
0x5ff: {  	s1 =	sshll.u32 s0, $0x7;
	[tilespmem:v3+s26+$0x0] =	vst.idx.msk $0xffff, v2;
	(pc) =	sbr.rel @p0 .LBB2_20-.Ltmp10, $4  }
0x600: {  	s0 =	sshll.u32 s0, $0xA;
	s1 =	sand.u32 $0x3F80, s1;
	_ =	swait.ge [sflag:s28], $0x2000  }
0x601: {  	s0 =	sand.u32 $0xFFE0000, s0;
	s1 =	sadd.s32 s2, s1;
	[sflag:s28] =	ssyncset.done $0x0  }
0x602: {  	s0 =	sadd.s32 s0, s1;
	[sflag:s28] =	ssyncadd.s32 $0xFFFFE000  }
0x603: {  	v57 =	vmovc v52;
	v5 =	vmovc v18;
	v7 =	vmov v20;
	v4 =	vmov v19;
	v3 =	vmov v23;
	[hbm4b:s0+s16] =	stream.strided.scatter [tilespmem:s26], [sflag:$0x8], $0x2000, s17, s16, $0x38;
	[tilespmem:$0x13400] =	vst v63  }
.Ltmp11:
0x604: {  	(pc) =	sbr.rel .LBB2_2-.Ltmp11, $4  }
0x605: {  	s0 =	sshll.u32 s31, $0x9  }
0x606: {  	s0 =	sand.u32 $0x3FFFFE00, s0  }
0x607: {  	s31 =	sadd.s32 $0x1, s31;
	s0 =	sadd.s32 $0x300, s0  }
0x608: {  	v2 =	vmov v35;
	[tilespmem:s13], [sflag:$0x3] =	stream.indirect.gather [hbm4b:s4+s9], $0x40, s0, s9, $0xb8;
	[tilespmem:$0x13400] =	vst v63  }
.LBB2_21:
0x609: {  	_ =	sfence.sel $0x180000  }
0x60a: {  	[bflag:$0x0] =	sbarrier.arrive $0xFFFF  }
0x60b: {  	_ =	strace $0x90000047  }
0x60c: {  	s0 =	stileid.u32;
	[bflag:$0x2] =	sbarrier.arrive $0xFFFF  }
0x60d: {  	p0 =	sne.s32 s0, $0x0;
	s0 =	rddreg [dreg:$0x2]  }
0x60e: {  	s0 =	sadd.s32 @!p0 $0x100000, s0  }
0x60f: {  	[sflag:s0] =	ssyncadd.tile.s32 @!p0 $0x1;
	_ =	shalt  }
.Lfunc_end2:
_tile_overlayer_lowered:
.L_overlay_start_2:
0x610: {  	(tag) =	ssettag $0x2  }
0x611: {  	s0 =	rddreg [dreg:$0x0];
	s2 =	stileid.u32  }
0x612: {  	s1 =	rddreg [dreg:$0x1];
	p0 =	sne.s32 s2, $0x0  }
0x613: {  	s3 =	rddreg [dreg:$0x2];
	[bflag:$0x3] =	sbarrier.arrive $0xFFFF;
	s2 =	simm.s32 @!p0 $0x1C09  }
0x614: {  	[timem:s3], [sflag:s2] =	dma.local @!p0 [hbm:s0], s1  }
0x615: {  	s0 =	simm.s32 @!p0 $0x9  }
0x616: {  	_ =	swait.ge @!p0 [sflag:s0], s1  }
0x617: {  	s1 =	ssub.s32 @!p0 $0x0, s1;
	[sflag:s0] =	ssyncset.done @!p0 $0x0  }
0x618: {  	[sflag:s0] =	ssyncadd.s32 @!p0 s1  }
0x619: {  	[bflag:$0x3] =	sbarrier.arrive $0xFFFF  }
0x61a: {  	_ =	shalt  }

</sc_bundles>
